<compile_context>
chip_gen: v7x
topology: tpu7x:2x2x1
jax: 0.10.2.dev20260603
libtpu: 0.0.44.dev20260713+nightly
codegen_flags: <defaults>
</compile_context>

<pallas_src>
import functools

import jax
import jax.numpy as jnp
from jax import lax
from jax.experimental import pallas as pl
from jax.experimental.pallas import tpu as pltpu
from jax.experimental.pallas import tpu_sc as plsc

SENT = -1.0
PRE_NMS = 6000
POST_NMS = 1000
MIN_SIZE = 16.0
LANES = 128
DST_ROWS = 48
DST = DST_ROWS * LANES
N_TILES = 32


def _cumsum_flat(x, rows):
    c = x
    sh = 1
    while sh < LANES:
        z = jnp.zeros((rows, sh), jnp.int32)
        c = c + jnp.concatenate([z, c[:, : LANES - sh]], axis=1)
        sh *= 2
    rtb = jnp.broadcast_to(c[:, LANES - 1 : LANES], (rows, LANES))
    p = rtb
    sh = 1
    while sh < rows:
        z = jnp.zeros((sh, LANES), jnp.int32)
        p = p + jnp.concatenate([z, p[: rows - sh, :]], axis=0)
        sh *= 2
    return c + (p - rtb)


def _decode_body(info_ref, th_ref, fg_ref, bg_ref, dx_ref, dy_ref, dw_ref,
                 dh_ref, ax1_ref, ay1_ref, ax2_ref, ay2_ref,
                 px1_ref, py1_ref, px2_ref, py2_ref, s_ref, gp_ref, cnt_ref,
                 x1p_ref, x2p_ref, y2q_ref, tha_ref,
                 *, n_im, rows, n_valid):
    th = th_ref[0, 0]
    aw = ax2_ref[...] - ax1_ref[...] + 1.0
    ah = ay2_ref[...] - ay1_ref[...] + 1.0
    acx = ax1_ref[...] + 0.5 * aw
    acy = ay1_ref[...] + 0.5 * ah
    lane = jax.lax.broadcasted_iota(jnp.int32, (rows, LANES), 1)
    rowi = jax.lax.broadcasted_iota(jnp.int32, (rows, LANES), 0)
    flat = rowi * LANES + lane
    inb = flat < n_valid
    cnts = []
    for b in range(n_im):
        sl = pl.ds(b * rows, rows)
        hmax = info_ref[b, 0] - 1.0
        wmax = info_ref[b, 1] - 1.0
        ymin = MIN_SIZE * info_ref[b, 2]
        xmin = MIN_SIZE * info_ref[b, 3]
        pcx = dx_ref[sl, :] * aw + acx
        pcy = dy_ref[sl, :] * ah + acy
        pw = jnp.exp(dw_ref[sl, :]) * aw
        ph = jnp.exp(dh_ref[sl, :]) * ah
        x1 = jnp.clip(pcx - 0.5 * pw, 0.0, wmax)
        y1 = jnp.clip(pcy - 0.5 * ph, 0.0, hmax)
        x2 = jnp.clip(pcx + 0.5 * pw, 0.0, wmax)
        y2 = jnp.clip(pcy + 0.5 * ph, 0.0, hmax)
        px1_ref[sl, :] = x1
        py1_ref[sl, :] = y1
        px2_ref[sl, :] = x2
        py2_ref[sl, :] = y2
        fgv = fg_ref[sl, :]
        bgv = bg_ref[sl, :]
        m = jnp.maximum(fgv, bgv)
        efg = jnp.exp(fgv - m)
        ebg = jnp.exp(bgv - m)
        s = efg / (efg + ebg)
        okmin = (x2 - x1 + 1.0 >= xmin) & (y2 - y1 + 1.0 >= ymin) & inb
        sf = jnp.where(okmin, s, SENT)
        key = jax.lax.bitcast_convert_type(sf, jnp.int32)
        valid = key >= 0
        cnt_valid = jnp.sum(valid.astype(jnp.int32))
        t = jnp.int32(0)
        for k in range(29, -1, -1):
            tt = t | jnp.int32(1 << k)
            c = jnp.sum((key >= tt).astype(jnp.int32))
            t = jnp.where(c >= PRE_NMS, tt, t)
        c_gt = jnp.sum((key > t).astype(jnp.int32))
        quota = jnp.int32(PRE_NMS) - c_gt
        eq = key == t
        rank_excl = _cumsum_flat(eq.astype(jnp.int32), rows) - eq.astype(jnp.int32)
        tie_ok = eq & (rank_excl < quota)
        elig = valid & ((cnt_valid <= PRE_NMS) | (key > t) | tie_ok)
        s_ref[sl, :] = jnp.where(elig, sf, SENT)
        c1 = 1.0 + th
        x1p_ref[sl, :] = c1 * x1
        x2p_ref[sl, :] = c1 * (x2 + 1.0)
        y2q_ref[sl, :] = y2 + 1.0
        tha_ref[sl, :] = th * ((x2 - x1 + 1.0) * (y2 - y1 + 1.0))
        el_i = elig.astype(jnp.int32)
        pos = _cumsum_flat(el_i, rows) - el_i
        gp_ref[sl, :] = jnp.where(elig, pos + b * DST, b * DST + DST - 1)
        cnts.append(jnp.sum(el_i))
    rowi8 = jax.lax.broadcasted_iota(jnp.int32, (8, LANES), 0)
    c8 = jnp.zeros((8, LANES), jnp.int32)
    for b in range(n_im):
        c8 = jnp.where(rowi8 == b, cnts[b], c8)
    cnt_ref[...] = c8


def _compact_body(p0h, p1h, p2h, p3h, p4h, p5h, gph,
                  o0, o1, o2, o3, o4, o5,
                  ibuf, v0, v1, v2, v3, v4, v5,
                  d0, d1, d2, d3, d4, d5, *, n_im, src_per_im, chunk):
    wid = lax.axis_index("s") * 2 + lax.axis_index("c")
    vbufs = (v0, v1, v2, v3, v4, v5)
    dbufs = (d0, d1, d2, d3, d4, d5)
    srcs = (p0h, p1h, p2h, p3h, p4h, p5h)
    outs = (o0, o1, o2, o3, o4, o5)

    @pl.when(wid < n_im)
    def _():
        base = pl.multiple_of(wid * src_per_im, 8)
        dstoff = wid * DST
        for c in range(src_per_im // chunk):
            off = pl.multiple_of(base + c * chunk, 8)
            pltpu.sync_copy(gph.at[pl.ds(off, chunk)], ibuf)
            for s_, v_ in zip(srcs, vbufs):
                pltpu.sync_copy(s_.at[pl.ds(off, chunk)], v_)

            def step(k, carry):
                o16 = k * 16
                li = ibuf[pl.ds(o16, 16)] - dstoff
                for v_, dd in zip(vbufs, dbufs):
                    plsc.store_scatter(dd, [li], v_[pl.ds(o16, 16)])
                return carry

            lax.fori_loop(0, chunk // 16, step, 0)
        for dd, o_ in zip(dbufs, outs):
            pltpu.sync_copy(dd, o_.at[pl.ds(pl.multiple_of(wid * DST, 8), DST)])


def _nms_body(th_ref, x1p_ref, x2p_ref, y1_ref, y2q_ref, tha_ref, s_ref,
              cnt_ref, out_ref, *, n_im, rows):
    th = th_ref[0, 0]
    inv_c1 = 1.0 / (1.0 + th)
    lane = jax.lax.broadcasted_iota(jnp.int32, (rows, LANES), 1)
    rowi = jax.lax.broadcasted_iota(jnp.int32, (rows, LANES), 0)
    flat = rowi * LANES + lane
    big = jnp.int32(rows * LANES)
    lane1 = jax.lax.broadcasted_iota(jnp.int32, (1, LANES), 1)
    li5 = jax.lax.broadcasted_iota(jnp.int32, (1, 5), 1)
    inf = jnp.float32(3e38)

    x1pv, x2pv, y1v, y2qv, thav = [], [], [], [], []
    for b in range(n_im):
        sl = pl.ds(b * rows, rows)
        x1pv.append(x1p_ref[sl, :])
        x2pv.append(x2p_ref[sl, :])
        y1v.append(y1_ref[sl, :])
        y2qv.append(y2q_ref[sl, :])
        thav.append(tha_ref[sl, :])

    def body(i, carry):
        ms = [jnp.max(carry[b]) for b in range(n_im)]
        valids = [ms[b] > -0.5 for b in range(n_im)]
        idxs = [jnp.min(jnp.where(carry[b] == ms[b], flat, big))
                for b in range(n_im)]
        rs = [b * rows + idxs[b] // LANES for b in range(n_im)]
        lms = [lane1 == (idxs[b] % LANES) for b in range(n_im)]
        refs = (x1p_ref, x2p_ref, y1_ref, y2q_ref, tha_ref)
        rowvals = [[ref[pl.ds(rs[b], 1), :] for ref in refs]
                   for b in range(n_im)]
        exts = [[jnp.sum(jnp.where(lms[b], rv, 0.0)) for rv in rowvals[b]]
                for b in range(n_im)]
        new = []
        outs = []
        for b in range(n_im):
            sb = carry[b]
            valid = valids[b]
            bx1p, bx2p, by1, by2q, btha = exts[b]
            btha = jnp.where(valid, btha, inf)
            wwp = jnp.maximum(0.0, jnp.minimum(x2pv[b], bx2p)
                              - jnp.maximum(x1pv[b], bx1p))
            hh = jnp.maximum(0.0, jnp.minimum(y2qv[b], by2q)
                             - jnp.maximum(y1v[b], by1))
            supp = (wwp * hh >= thav[b] + btha) | (flat == idxs[b])
            new.append(jnp.where(valid & supp, SENT, sb))
            z = jnp.float32(0.0)
            ob = [jnp.float32(b),
                  jnp.where(valid, bx1p * inv_c1, z),
                  jnp.where(valid, by1, z),
                  jnp.where(valid, bx2p * inv_c1 - 1.0, z),
                  jnp.where(valid, by2q - 1.0, z)]
            outs.append(jnp.where(li5 == 0, ob[0],
                        jnp.where(li5 == 1, ob[1],
                        jnp.where(li5 == 2, ob[2],
                        jnp.where(li5 == 3, ob[3], ob[4])))))
        for b in range(n_im):
            out_ref[b, pl.ds(i, 1), :] = outs[b]
        return tuple(new)

    init = []
    for b in range(n_im):
        sb = s_ref[pl.ds(b * rows, rows), :]
        cb = jnp.broadcast_to(cnt_ref[pl.ds(b, 1), :], (rows, LANES))
        init.append(jnp.where(flat < cb, sb, SENT))
    jax.lax.fori_loop(0, POST_NMS, body, tuple(init))


def kernel(scores, bbox_deltas, anchors, num_anchors, im_info, pre_nms,
           post_nms, nms_thresh):
    n_im = scores.shape[0]
    n_a = scores.shape[1] // 2
    h, w = scores.shape[2], scores.shape[3]
    n = h * w * n_a
    rows = -(-n // LANES)
    rows = -(-rows // 64) * 64
    npad = rows * LANES

    f32 = jnp.float32
    hw = h * w
    sc2 = scores.reshape(n_im, 2, n_a, hw).transpose(0, 1, 3, 2).reshape(n_im, 2, n)
    sc2 = jnp.pad(sc2, ((0, 0), (0, 0), (0, npad - n)))
    bg = sc2[:, 0].reshape(n_im * rows, LANES)
    fg = sc2[:, 1].reshape(n_im * rows, LANES)
    d4 = bbox_deltas.reshape(n_im, n_a, 4, hw).transpose(0, 2, 3, 1).reshape(n_im, 4, n)
    d4 = jnp.pad(d4, ((0, 0), (0, 0), (0, npad - n)))
    dplanes = [d4[:, k].reshape(n_im * rows, LANES) for k in range(4)]

    def prep_a(x):
        return jnp.pad(x, (0, npad - n)).reshape(rows, LANES)

    plane = jax.ShapeDtypeStruct((n_im * rows, LANES), f32)
    iplane = jax.ShapeDtypeStruct((n_im * rows, LANES), jnp.int32)
    vspec = pl.BlockSpec(memory_space=pltpu.VMEM)
    sspec = pl.BlockSpec(memory_space=pltpu.SMEM)
    th = jnp.asarray(nms_thresh, f32).reshape(1, 1)
    decode = pl.pallas_call(
        functools.partial(_decode_body, n_im=n_im, rows=rows, n_valid=n),
        out_shape=[plane] * 5 + [iplane, jax.ShapeDtypeStruct((8, LANES), jnp.int32)]
        + [plane] * 4,
        in_specs=[sspec, sspec] + [vspec] * 10,
        out_specs=[vspec] * 11,
    )
    px1, py1, px2, py2, s_nms, gpos, cnts, x1p, x2p, y2q, tha = decode(
        im_info.astype(f32), th, fg, bg,
        dplanes[0], dplanes[1], dplanes[2], dplanes[3],
        prep_a(anchors[:, 0]), prep_a(anchors[:, 1]),
        prep_a(anchors[:, 2]), prep_a(anchors[:, 3]))

    proposals = jnp.stack(
        [p.reshape(n_im, npad)[:, :n] for p in (px1, py1, px2, py2)], axis=-1)

    src_per_im = rows * LANES
    chunk = 4096
    cplane = jax.ShapeDtypeStruct((n_im * DST,), f32)
    compact = pl.kernel(
        functools.partial(_compact_body, n_im=n_im, src_per_im=src_per_im,
                          chunk=chunk),
        out_type=[cplane] * 6,
        mesh=plsc.VectorSubcoreMesh(core_axis_name="c", subcore_axis_name="s",
                                    num_cores=2, num_subcores=16),
        compiler_params=pltpu.CompilerParams(needs_layout_passes=False),
        scratch_types=[pltpu.VMEM((chunk,), jnp.int32)]
        + [pltpu.VMEM((chunk,), f32)] * 6
        + [pltpu.VMEM((DST,), f32)] * 6,
    )
    cx1p, cx2p, cy1, cy2q, ctha, cs = compact(
        x1p.reshape(-1), x2p.reshape(-1), py1.reshape(-1), y2q.reshape(-1),
        tha.reshape(-1), s_nms.reshape(-1), gpos.reshape(-1))

    nms = pl.pallas_call(
        functools.partial(_nms_body, n_im=n_im, rows=DST_ROWS),
        out_shape=jax.ShapeDtypeStruct((n_im, POST_NMS, 5), f32),
        in_specs=[sspec] + [vspec] * 7,
        out_specs=vspec,
    )
    shp = (n_im * DST_ROWS, LANES)
    output = nms(th, cx1p.reshape(shp), cx2p.reshape(shp), cy1.reshape(shp),
                 cy2q.reshape(shp), ctha.reshape(shp), cs.reshape(shp), cnts)
    return output, proposals

# --- scband reference (transcript-rebuilt; emitter-appended) ---
"""Pipeline reference for scband-proposal-layer-31679678775602 (READ-ONLY COPY).

The authoritative reference and input builder live on the scoring server;
editing this copy changes nothing except your own understanding.
"""

import jax, jax.numpy as jnp
import numpy as np

FEAT_STRIDE = 16
MIN_SIZE = 16.0
NEG = jnp.float32(-1e30)


def _make_anchors(height, width, stride=16):
    sizes = [64.0, 128.0, 256.0, 512.0]
    ratios = [0.5, 1.0, 2.0]
    c = (stride - 1.0) / 2.0
    base = []
    for r in ratios:
        for s in sizes:
            w = s * np.sqrt(1.0 / r)
            h = s * np.sqrt(r)
            base.append([c - 0.5 * (w - 1.0), c - 0.5 * (h - 1.0), c + 0.5 * (w - 1.0), c + 0.5 * (h - 1.0)])
    base = np.array(base, dtype=np.float32)
    sx = np.arange(width, dtype=np.float32) * stride
    sy = np.arange(height, dtype=np.float32) * stride
    gx, gy = np.meshgrid(sx, sy)
    shifts = np.stack([gx.ravel(), gy.ravel(), gx.ravel(), gy.ravel()], axis=1)
    anchors = shifts[:, None, :] + base[None, :, :]
    return anchors.reshape(-1, 4).astype(np.float32)


def setup_inputs(seed: int = 0):
    key = jax.random.key(seed)
    B, A, H, W = 4, 12, 50, 50
    k1, k2 = jax.random.split(key)
    scores = jax.random.normal(k1, (B, 2 * A, H, W), dtype=jnp.float32)
    bbox_deltas = jax.random.normal(k2, (B, 4 * A, H, W), dtype=jnp.float32) * 0.2
    anchors = jnp.asarray(_make_anchors(H, W, FEAT_STRIDE))
    im_info = jnp.tile(jnp.array([800.0, 800.0, 1.0, 1.0], dtype=jnp.float32), (B, 1))
    return {"scores": scores, "bbox_deltas": bbox_deltas, "anchors": anchors, "num_anchors": A,
            "im_info": im_info, "pre_nms": 6000, "post_nms": 1000, "nms_thresh": 0.7}


def _bbox_transform_inv(anchors, deltas):
    widths = anchors[..., 2] - anchors[..., 0] + 1.0
    heights = anchors[..., 3] - anchors[..., 1] + 1.0
    ctr_x = anchors[..., 0] + 0.5 * widths
    ctr_y = anchors[..., 1] + 0.5 * heights
    dx, dy, dw, dh = deltas[..., 0], deltas[..., 1], deltas[..., 2], deltas[..., 3]
    pred_ctr_x = dx * widths + ctr_x
    pred_ctr_y = dy * heights + ctr_y
    pred_w = jnp.exp(dw) * widths
    pred_h = jnp.exp(dh) * heights
    return jnp.stack([pred_ctr_x - 0.5 * pred_w, pred_ctr_y - 0.5 * pred_h,
                      pred_ctr_x + 0.5 * pred_w, pred_ctr_y + 0.5 * pred_h], axis=-1)


def _clip_boxes(boxes, im_info):
    hmax = im_info[:, 0].reshape(-1, 1) - 1.0
    wmax = im_info[:, 1].reshape(-1, 1) - 1.0
    x1 = jnp.clip(boxes[..., 0], 0.0, wmax)
    y1 = jnp.clip(boxes[..., 1], 0.0, hmax)
    x2 = jnp.clip(boxes[..., 2], 0.0, wmax)
    y2 = jnp.clip(boxes[..., 3], 0.0, hmax)
    return jnp.stack([x1, y1, x2, y2], axis=-1)


def _nms_fixed(boxes, scores, thresh, max_out):
    x1, y1, x2, y2 = boxes[:, 0], boxes[:, 1], boxes[:, 2], boxes[:, 3]
    areas = (x2 - x1 + 1.0) * (y2 - y1 + 1.0)
    n = scores.shape[0]

    def body(i, state):
        s, keep = state
        idx = jnp.argmax(s)
        valid = s[idx] > (NEG * 0.5)
        keep = keep.at[i].set(jnp.where(valid, idx.astype(jnp.int32), jnp.int32(-1)))
        xx1 = jnp.maximum(x1[idx], x1)
        yy1 = jnp.maximum(y1[idx], y1)
        xx2 = jnp.minimum(x2[idx], x2)
        yy2 = jnp.minimum(y2[idx], y2)
        w = jnp.maximum(0.0, xx2 - xx1 + 1.0)
        h = jnp.maximum(0.0, yy2 - yy1 + 1.0)
        inter = w * h
        iou = inter / (areas[idx] + areas - inter)
        suppress = (iou >= thresh) | (jnp.arange(n) == idx)
        s = jnp.where(valid & suppress, NEG, s)
        return s, keep

    keep0 = jnp.full((max_out,), -1, dtype=jnp.int32)
    _, keep = jax.lax.fori_loop(0, max_out, body, (scores, keep0))
    return keep


def reference(scores, bbox_deltas, anchors, num_anchors, im_info, pre_nms, post_nms, nms_thresh):
    B = bbox_deltas.shape[0]
    feat_width = scores.shape[3]
    A = scores.shape[1] // 2
    PRE_NMS = 6000
    POST_NMS = 1000
    fold = jnp.float32(0.0) * (jnp.asarray(num_anchors, jnp.float32)
                               + jnp.asarray(pre_nms, jnp.float32)
                               + jnp.asarray(post_nms, jnp.float32))
    anchors_b = jnp.broadcast_to(anchors.reshape(1, -1, 4), (B, anchors.shape[0], 4))
    deltas = jnp.transpose(bbox_deltas, (0, 2, 3, 1)).reshape(B, -1, 4)
    sm = jax.nn.softmax(scores.reshape(B, 2, -1, feat_width), axis=1)
    sm = sm.reshape(B, A * 2, -1, feat_width)[:, A:, :, :]
    scores_flat = jnp.transpose(sm, (0, 2, 3, 1)).reshape(B, -1)
    proposals = _bbox_transform_inv(anchors_b, deltas)
    proposals = _clip_boxes(proposals, im_info)
    outs = []
    for i in range(B):
        p = proposals[i]
        s = scores_flat[i]
        x_min = MIN_SIZE * im_info[i, 3]
        y_min = MIN_SIZE * im_info[i, 2]
        ws = p[:, 2] - p[:, 0] + 1.0
        hs = p[:, 3] - p[:, 1] + 1.0
        keep_mask = (ws >= x_min) & (hs >= y_min)
        s_f = jnp.where(keep_mask, s, NEG) + fold
        k = min(PRE_NMS, s_f.shape[0])
        top_s, top_i = jax.lax.top_k(s_f, k)
        p_top = p[top_i]
        keep_idx = _nms_fixed(p_top, top_s, nms_thresh, POST_NMS)
        valid = keep_idx >= 0
        safe = jnp.clip(keep_idx, 0, k - 1)
        pk = p_top[safe]
        pk = jnp.where(valid[:, None], pk, 0.0)
        col0 = jnp.full((POST_NMS, 1), float(i), dtype=jnp.float32)
        outs.append(jnp.concatenate([col0, pk], axis=1))
    output = jnp.stack(outs, axis=0)
    return output, proposals

if __name__ == "__main__":
    import jax
    _d = setup_inputs()
    print(jax.jit(kernel)(*tuple(_d.values())))

</pallas_src>

<mosaic_0001>
#map = affine_map<(d0, d1) -> (0)>
module attributes {stable_mosaic.version = 14 : i64} {
  func.func @_compact_body(%arg0: i32, %arg1: i32, %arg2: memref<131072xf32, #tpu.memory_space<hbm>>, %arg3: memref<131072xf32, #tpu.memory_space<hbm>>, %arg4: memref<131072xf32, #tpu.memory_space<hbm>>, %arg5: memref<131072xf32, #tpu.memory_space<hbm>>, %arg6: memref<131072xf32, #tpu.memory_space<hbm>>, %arg7: memref<131072xf32, #tpu.memory_space<hbm>>, %arg8: memref<131072xi32, #tpu.memory_space<hbm>>, %arg9: memref<24576xf32, #tpu.memory_space<hbm>>, %arg10: memref<24576xf32, #tpu.memory_space<hbm>>, %arg11: memref<24576xf32, #tpu.memory_space<hbm>>, %arg12: memref<24576xf32, #tpu.memory_space<hbm>>, %arg13: memref<24576xf32, #tpu.memory_space<hbm>>, %arg14: memref<24576xf32, #tpu.memory_space<hbm>>, %arg15: memref<4096xi32, #tpu.memory_space<vmem>>, %arg16: memref<4096xf32, #tpu.memory_space<vmem>>, %arg17: memref<4096xf32, #tpu.memory_space<vmem>>, %arg18: memref<4096xf32, #tpu.memory_space<vmem>>, %arg19: memref<4096xf32, #tpu.memory_space<vmem>>, %arg20: memref<4096xf32, #tpu.memory_space<vmem>>, %arg21: memref<4096xf32, #tpu.memory_space<vmem>>, %arg22: memref<6144xf32, #tpu.memory_space<vmem>>, %arg23: memref<6144xf32, #tpu.memory_space<vmem>>, %arg24: memref<6144xf32, #tpu.memory_space<vmem>>, %arg25: memref<6144xf32, #tpu.memory_space<vmem>>, %arg26: memref<6144xf32, #tpu.memory_space<vmem>>, %arg27: memref<6144xf32, #tpu.memory_space<vmem>>) attributes {dimension_semantics = [#tpu.dimension_semantics<core_parallel>, #tpu.dimension_semantics<subcore_parallel>], iteration_bounds = array<i64: 2, 16>, scalar_prefetch = 0 : i64, scratch_operands = 13 : i64, tpu.core_type = #tpu.core_type<sc_vector_subcore>, window_params = [{transform_indices = #map}, {transform_indices = #map}, {transform_indices = #map}, {transform_indices = #map}, {transform_indices = #map}, {transform_indices = #map}, {transform_indices = #map}, {transform_indices = #map}, {transform_indices = #map}, {transform_indices = #map}, {transform_indices = #map}, {transform_indices = #map}, {transform_indices = #map}]} {
    %mul3A = arith.constant 2 : i32
    %mul3A_0 = arith.muli %arg1, %mul3A : i32
    %add3A = arith.addi %mul3A_0, %arg0 : i32
    %lt3A = arith.constant 4 : i32
    %lt3A_1 = arith.cmpi slt, %add3A, %lt3A : i32
    %convert_element_type3A = arith.extui %lt3A_1 : i1 to i32
    %cond3A = arith.constant 0 : i32
    %cond3A_2 = arith.cmpi ne, %convert_element_type3A, %cond3A : i32
    scf.if %cond3A_2 {
      %mul3A_3 = arith.constant 32768 : i32
      %mul3A_4 = arith.muli %add3A, %mul3A_3 : i32
      %multiple_of3A = tpu.assume_multiple %mul3A_4, 8 : i32
      %mul3A_5 = arith.constant 6144 : i32
      %mul3A_6 = arith.muli %add3A, %mul3A_5 : i32
      %add3A_7 = arith.constant 0 : i32
      %add3A_8 = arith.addi %multiple_of3A, %add3A_7 : i32
      %multiple_of3A_9 = tpu.assume_multiple %add3A_8, 8 : i32
      "tpu.region"() ({
        %run_scoped3A = tpu.sem_alloc : memref<!tpu.dma_semaphore, #tpu.memory_space<semaphore_mem>>
        %dma_start3A = tpu.memref_slice %arg8[%multiple_of3A_9] : memref<131072xi32, #tpu.memory_space<hbm>> -> memref<4096xi32, #tpu.memory_space<hbm>>
        %dma_start3A_96 = tpu.memref_slice %arg8[%multiple_of3A_9] : memref<131072xi32, #tpu.memory_space<hbm>> -> memref<4096xi32, #tpu.memory_space<hbm>>
        tpu.enqueue_dma source(%dma_start3A_96 : memref<4096xi32, #tpu.memory_space<hbm>>) target(%arg15 : memref<4096xi32, #tpu.memory_space<vmem>>) target_semaphore(%run_scoped3A : memref<!tpu.dma_semaphore, #tpu.memory_space<semaphore_mem>>)
        %dma_wait3A = tpu.memref_slice %arg8[%multiple_of3A_9] : memref<131072xi32, #tpu.memory_space<hbm>> -> memref<4096xi32, #tpu.memory_space<hbm>>
        %dma_wait3A_97 = tpu.memref_slice %arg8[%multiple_of3A_9] : memref<131072xi32, #tpu.memory_space<hbm>> -> memref<4096xi32, #tpu.memory_space<hbm>>
        tpu.wait_dma2 semaphore(%run_scoped3A : memref<!tpu.dma_semaphore, #tpu.memory_space<semaphore_mem>>) src(%dma_wait3A_97 : memref<4096xi32, #tpu.memory_space<hbm>>) dst(%arg15 : memref<4096xi32, #tpu.memory_space<vmem>>)
        tpu.yield
      }) : () -> ()
      "tpu.region"() ({
        %run_scoped3A = tpu.sem_alloc : memref<!tpu.dma_semaphore, #tpu.memory_space<semaphore_mem>>
        %dma_start3A = tpu.memref_slice %arg2[%multiple_of3A_9] : memref<131072xf32, #tpu.memory_space<hbm>> -> memref<4096xf32, #tpu.memory_space<hbm>>
        %dma_start3A_96 = tpu.memref_slice %arg2[%multiple_of3A_9] : memref<131072xf32, #tpu.memory_space<hbm>> -> memref<4096xf32, #tpu.memory_space<hbm>>
        tpu.enqueue_dma source(%dma_start3A_96 : memref<4096xf32, #tpu.memory_space<hbm>>) target(%arg16 : memref<4096xf32, #tpu.memory_space<vmem>>) target_semaphore(%run_scoped3A : memref<!tpu.dma_semaphore, #tpu.memory_space<semaphore_mem>>)
        %dma_wait3A = tpu.memref_slice %arg2[%multiple_of3A_9] : memref<131072xf32, #tpu.memory_space<hbm>> -> memref<4096xf32, #tpu.memory_space<hbm>>
        %dma_wait3A_97 = tpu.memref_slice %arg2[%multiple_of3A_9] : memref<131072xf32, #tpu.memory_space<hbm>> -> memref<4096xf32, #tpu.memory_space<hbm>>
        tpu.wait_dma2 semaphore(%run_scoped3A : memref<!tpu.dma_semaphore, #tpu.memory_space<semaphore_mem>>) src(%dma_wait3A_97 : memref<4096xf32, #tpu.memory_space<hbm>>) dst(%arg16 : memref<4096xf32, #tpu.memory_space<vmem>>)
        tpu.yield
      }) : () -> ()
      "tpu.region"() ({
        %run_scoped3A = tpu.sem_alloc : memref<!tpu.dma_semaphore, #tpu.memory_space<semaphore_mem>>
        %dma_start3A = tpu.memref_slice %arg3[%multiple_of3A_9] : memref<131072xf32, #tpu.memory_space<hbm>> -> memref<4096xf32, #tpu.memory_space<hbm>>
        %dma_start3A_96 = tpu.memref_slice %arg3[%multiple_of3A_9] : memref<131072xf32, #tpu.memory_space<hbm>> -> memref<4096xf32, #tpu.memory_space<hbm>>
        tpu.enqueue_dma source(%dma_start3A_96 : memref<4096xf32, #tpu.memory_space<hbm>>) target(%arg17 : memref<4096xf32, #tpu.memory_space<vmem>>) target_semaphore(%run_scoped3A : memref<!tpu.dma_semaphore, #tpu.memory_space<semaphore_mem>>)
        %dma_wait3A = tpu.memref_slice %arg3[%multiple_of3A_9] : memref<131072xf32, #tpu.memory_space<hbm>> -> memref<4096xf32, #tpu.memory_space<hbm>>
        %dma_wait3A_97 = tpu.memref_slice %arg3[%multiple_of3A_9] : memref<131072xf32, #tpu.memory_space<hbm>> -> memref<4096xf32, #tpu.memory_space<hbm>>
        tpu.wait_dma2 semaphore(%run_scoped3A : memref<!tpu.dma_semaphore, #tpu.memory_space<semaphore_mem>>) src(%dma_wait3A_97 : memref<4096xf32, #tpu.memory_space<hbm>>) dst(%arg17 : memref<4096xf32, #tpu.memory_space<vmem>>)
        tpu.yield
      }) : () -> ()
      "tpu.region"() ({
        %run_scoped3A = tpu.sem_alloc : memref<!tpu.dma_semaphore, #tpu.memory_space<semaphore_mem>>
        %dma_start3A = tpu.memref_slice %arg4[%multiple_of3A_9] : memref<131072xf32, #tpu.memory_space<hbm>> -> memref<4096xf32, #tpu.memory_space<hbm>>
        %dma_start3A_96 = tpu.memref_slice %arg4[%multiple_of3A_9] : memref<131072xf32, #tpu.memory_space<hbm>> -> memref<4096xf32, #tpu.memory_space<hbm>>
        tpu.enqueue_dma source(%dma_start3A_96 : memref<4096xf32, #tpu.memory_space<hbm>>) target(%arg18 : memref<4096xf32, #tpu.memory_space<vmem>>) target_semaphore(%run_scoped3A : memref<!tpu.dma_semaphore, #tpu.memory_space<semaphore_mem>>)
        %dma_wait3A = tpu.memref_slice %arg4[%multiple_of3A_9] : memref<131072xf32, #tpu.memory_space<hbm>> -> memref<4096xf32, #tpu.memory_space<hbm>>
        %dma_wait3A_97 = tpu.memref_slice %arg4[%multiple_of3A_9] : memref<131072xf32, #tpu.memory_space<hbm>> -> memref<4096xf32, #tpu.memory_space<hbm>>
        tpu.wait_dma2 semaphore(%run_scoped3A : memref<!tpu.dma_semaphore, #tpu.memory_space<semaphore_mem>>) src(%dma_wait3A_97 : memref<4096xf32, #tpu.memory_space<hbm>>) dst(%arg18 : memref<4096xf32, #tpu.memory_space<vmem>>)
        tpu.yield
      }) : () -> ()
      "tpu.region"() ({
        %run_scoped3A = tpu.sem_alloc : memref<!tpu.dma_semaphore, #tpu.memory_space<semaphore_mem>>
        %dma_start3A = tpu.memref_slice %arg5[%multiple_of3A_9] : memref<131072xf32, #tpu.memory_space<hbm>> -> memref<4096xf32, #tpu.memory_space<hbm>>
        %dma_start3A_96 = tpu.memref_slice %arg5[%multiple_of3A_9] : memref<131072xf32, #tpu.memory_space<hbm>> -> memref<4096xf32, #tpu.memory_space<hbm>>
        tpu.enqueue_dma source(%dma_start3A_96 : memref<4096xf32, #tpu.memory_space<hbm>>) target(%arg19 : memref<4096xf32, #tpu.memory_space<vmem>>) target_semaphore(%run_scoped3A : memref<!tpu.dma_semaphore, #tpu.memory_space<semaphore_mem>>)
        %dma_wait3A = tpu.memref_slice %arg5[%multiple_of3A_9] : memref<131072xf32, #tpu.memory_space<hbm>> -> memref<4096xf32, #tpu.memory_space<hbm>>
        %dma_wait3A_97 = tpu.memref_slice %arg5[%multiple_of3A_9] : memref<131072xf32, #tpu.memory_space<hbm>> -> memref<4096xf32, #tpu.memory_space<hbm>>
        tpu.wait_dma2 semaphore(%run_scoped3A : memref<!tpu.dma_semaphore, #tpu.memory_space<semaphore_mem>>) src(%dma_wait3A_97 : memref<4096xf32, #tpu.memory_space<hbm>>) dst(%arg19 : memref<4096xf32, #tpu.memory_space<vmem>>)
        tpu.yield
      }) : () -> ()
      "tpu.region"() ({
        %run_scoped3A = tpu.sem_alloc : memref<!tpu.dma_semaphore, #tpu.memory_space<semaphore_mem>>
        %dma_start3A = tpu.memref_slice %arg6[%multiple_of3A_9] : memref<131072xf32, #tpu.memory_space<hbm>> -> memref<4096xf32, #tpu.memory_space<hbm>>
        %dma_start3A_96 = tpu.memref_slice %arg6[%multiple_of3A_9] : memref<131072xf32, #tpu.memory_space<hbm>> -> memref<4096xf32, #tpu.memory_space<hbm>>
        tpu.enqueue_dma source(%dma_start3A_96 : memref<4096xf32, #tpu.memory_space<hbm>>) target(%arg20 : memref<4096xf32, #tpu.memory_space<vmem>>) target_semaphore(%run_scoped3A : memref<!tpu.dma_semaphore, #tpu.memory_space<semaphore_mem>>)
        %dma_wait3A = tpu.memref_slice %arg6[%multiple_of3A_9] : memref<131072xf32, #tpu.memory_space<hbm>> -> memref<4096xf32, #tpu.memory_space<hbm>>
        %dma_wait3A_97 = tpu.memref_slice %arg6[%multiple_of3A_9] : memref<131072xf32, #tpu.memory_space<hbm>> -> memref<4096xf32, #tpu.memory_space<hbm>>
        tpu.wait_dma2 semaphore(%run_scoped3A : memref<!tpu.dma_semaphore, #tpu.memory_space<semaphore_mem>>) src(%dma_wait3A_97 : memref<4096xf32, #tpu.memory_space<hbm>>) dst(%arg20 : memref<4096xf32, #tpu.memory_space<vmem>>)
        tpu.yield
      }) : () -> ()
      "tpu.region"() ({
        %run_scoped3A = tpu.sem_alloc : memref<!tpu.dma_semaphore, #tpu.memory_space<semaphore_mem>>
        %dma_start3A = tpu.memref_slice %arg7[%multiple_of3A_9] : memref<131072xf32, #tpu.memory_space<hbm>> -> memref<4096xf32, #tpu.memory_space<hbm>>
        %dma_start3A_96 = tpu.memref_slice %arg7[%multiple_of3A_9] : memref<131072xf32, #tpu.memory_space<hbm>> -> memref<4096xf32, #tpu.memory_space<hbm>>
        tpu.enqueue_dma source(%dma_start3A_96 : memref<4096xf32, #tpu.memory_space<hbm>>) target(%arg21 : memref<4096xf32, #tpu.memory_space<vmem>>) target_semaphore(%run_scoped3A : memref<!tpu.dma_semaphore, #tpu.memory_space<semaphore_mem>>)
        %dma_wait3A = tpu.memref_slice %arg7[%multiple_of3A_9] : memref<131072xf32, #tpu.memory_space<hbm>> -> memref<4096xf32, #tpu.memory_space<hbm>>
        %dma_wait3A_97 = tpu.memref_slice %arg7[%multiple_of3A_9] : memref<131072xf32, #tpu.memory_space<hbm>> -> memref<4096xf32, #tpu.memory_space<hbm>>
        tpu.wait_dma2 semaphore(%run_scoped3A : memref<!tpu.dma_semaphore, #tpu.memory_space<semaphore_mem>>) src(%dma_wait3A_97 : memref<4096xf32, #tpu.memory_space<hbm>>) dst(%arg21 : memref<4096xf32, #tpu.memory_space<vmem>>)
        tpu.yield
      }) : () -> ()
      %scan3A = arith.constant 0 : i32
      %scan3A_10 = arith.constant 0 : i32
      %scan3A_11 = arith.constant 256 : i32
      %scan3A_12 = arith.addi %scan3A_10, %scan3A_11 : i32
      %scan3A_13 = arith.constant 1 : i32
      scf.for %scan3A_96 = %scan3A_10 to %scan3A_12 step %scan3A_13  : i32 {
        %mul3A_97 = arith.constant 16 : i32
        %mul3A_98 = arith.muli %scan3A_96, %mul3A_97 : i32
        %get3A = arith.index_cast %mul3A_98 : i32 to index
        %get3A_99 = tpu.vector_load %arg15[%get3A] {strides = array<i32>} : memref<4096xi32, #tpu.memory_space<vmem>>, vector<16xi32>,
        %sub3A = vector.broadcast %mul3A_6 : i32 to vector<16xi32>
        %sub3A_100 = arith.subi %get3A_99, %sub3A : vector<16xi32>
        %get3A_101 = arith.index_cast %mul3A_98 : i32 to index
        %get3A_102 = tpu.vector_load %arg16[%get3A_101] {strides = array<i32>} : memref<4096xf32, #tpu.memory_space<vmem>>, vector<16xf32>,
        tpu.vector_store_idx %arg22[%sub3A_100], %get3A_102 : memref<6144xf32, #tpu.memory_space<vmem>>[vector<16xi32>], vector<16xf32>,
        %get3A_103 = arith.index_cast %mul3A_98 : i32 to index
        %get3A_104 = tpu.vector_load %arg17[%get3A_103] {strides = array<i32>} : memref<4096xf32, #tpu.memory_space<vmem>>, vector<16xf32>,
        tpu.vector_store_idx %arg23[%sub3A_100], %get3A_104 : memref<6144xf32, #tpu.memory_space<vmem>>[vector<16xi32>], vector<16xf32>,
        %get3A_105 = arith.index_cast %mul3A_98 : i32 to index
        %get3A_106 = tpu.vector_load %arg18[%get3A_105] {strides = array<i32>} : memref<4096xf32, #tpu.memory_space<vmem>>, vector<16xf32>,
        tpu.vector_store_idx %arg24[%sub3A_100], %get3A_106 : memref<6144xf32, #tpu.memory_space<vmem>>[vector<16xi32>], vector<16xf32>,
        %get3A_107 = arith.index_cast %mul3A_98 : i32 to index
        %get3A_108 = tpu.vector_load %arg19[%get3A_107] {strides = array<i32>} : memref<4096xf32, #tpu.memory_space<vmem>>, vector<16xf32>,
        tpu.vector_store_idx %arg25[%sub3A_100], %get3A_108 : memref<6144xf32, #tpu.memory_space<vmem>>[vector<16xi32>], vector<16xf32>,
        %get3A_109 = arith.index_cast %mul3A_98 : i32 to index
        %get3A_110 = tpu.vector_load %arg20[%get3A_109] {strides = array<i32>} : memref<4096xf32, #tpu.memory_space<vmem>>, vector<16xf32>,
        tpu.vector_store_idx %arg26[%sub3A_100], %get3A_110 : memref<6144xf32, #tpu.memory_space<vmem>>[vector<16xi32>], vector<16xf32>,
        %get3A_111 = arith.index_cast %mul3A_98 : i32 to index
        %get3A_112 = tpu.vector_load %arg21[%get3A_111] {strides = array<i32>} : memref<4096xf32, #tpu.memory_space<vmem>>, vector<16xf32>,
        tpu.vector_store_idx %arg27[%sub3A_100], %get3A_112 : memref<6144xf32, #tpu.memory_space<vmem>>[vector<16xi32>], vector<16xf32>,
      }
      %scan3A_14 = arith.constant 256 : i32
      %add3A_15 = arith.constant 4096 : i32
      %add3A_16 = arith.addi %multiple_of3A, %add3A_15 : i32
      %multiple_of3A_17 = tpu.assume_multiple %add3A_16, 8 : i32
      "tpu.region"() ({
        %run_scoped3A = tpu.sem_alloc : memref<!tpu.dma_semaphore, #tpu.memory_space<semaphore_mem>>
        %dma_start3A = tpu.memref_slice %arg8[%multiple_of3A_17] : memref<131072xi32, #tpu.memory_space<hbm>> -> memref<4096xi32, #tpu.memory_space<hbm>>
        %dma_start3A_96 = tpu.memref_slice %arg8[%multiple_of3A_17] : memref<131072xi32, #tpu.memory_space<hbm>> -> memref<4096xi32, #tpu.memory_space<hbm>>
        tpu.enqueue_dma source(%dma_start3A_96 : memref<4096xi32, #tpu.memory_space<hbm>>) target(%arg15 : memref<4096xi32, #tpu.memory_space<vmem>>) target_semaphore(%run_scoped3A : memref<!tpu.dma_semaphore, #tpu.memory_space<semaphore_mem>>)
        %dma_wait3A = tpu.memref_slice %arg8[%multiple_of3A_17] : memref<131072xi32, #tpu.memory_space<hbm>> -> memref<4096xi32, #tpu.memory_space<hbm>>
        %dma_wait3A_97 = tpu.memref_slice %arg8[%multiple_of3A_17] : memref<131072xi32, #tpu.memory_space<hbm>> -> memref<4096xi32, #tpu.memory_space<hbm>>
        tpu.wait_dma2 semaphore(%run_scoped3A : memref<!tpu.dma_semaphore, #tpu.memory_space<semaphore_mem>>) src(%dma_wait3A_97 : memref<4096xi32, #tpu.memory_space<hbm>>) dst(%arg15 : memref<4096xi32, #tpu.memory_space<vmem>>)
        tpu.yield
      }) : () -> ()
      "tpu.region"() ({
        %run_scoped3A = tpu.sem_alloc : memref<!tpu.dma_semaphore, #tpu.memory_space<semaphore_mem>>
        %dma_start3A = tpu.memref_slice %arg2[%multiple_of3A_17] : memref<131072xf32, #tpu.memory_space<hbm>> -> memref<4096xf32, #tpu.memory_space<hbm>>
        %dma_start3A_96 = tpu.memref_slice %arg2[%multiple_of3A_17] : memref<131072xf32, #tpu.memory_space<hbm>> -> memref<4096xf32, #tpu.memory_space<hbm>>
        tpu.enqueue_dma source(%dma_start3A_96 : memref<4096xf32, #tpu.memory_space<hbm>>) target(%arg16 : memref<4096xf32, #tpu.memory_space<vmem>>) target_semaphore(%run_scoped3A : memref<!tpu.dma_semaphore, #tpu.memory_space<semaphore_mem>>)
        %dma_wait3A = tpu.memref_slice %arg2[%multiple_of3A_17] : memref<131072xf32, #tpu.memory_space<hbm>> -> memref<4096xf32, #tpu.memory_space<hbm>>
        %dma_wait3A_97 = tpu.memref_slice %arg2[%multiple_of3A_17] : memref<131072xf32, #tpu.memory_space<hbm>> -> memref<4096xf32, #tpu.memory_space<hbm>>
        tpu.wait_dma2 semaphore(%run_scoped3A : memref<!tpu.dma_semaphore, #tpu.memory_space<semaphore_mem>>) src(%dma_wait3A_97 : memref<4096xf32, #tpu.memory_space<hbm>>) dst(%arg16 : memref<4096xf32, #tpu.memory_space<vmem>>)
        tpu.yield
      }) : () -> ()
      "tpu.region"() ({
        %run_scoped3A = tpu.sem_alloc : memref<!tpu.dma_semaphore, #tpu.memory_space<semaphore_mem>>
        %dma_start3A = tpu.memref_slice %arg3[%multiple_of3A_17] : memref<131072xf32, #tpu.memory_space<hbm>> -> memref<4096xf32, #tpu.memory_space<hbm>>
        %dma_start3A_96 = tpu.memref_slice %arg3[%multiple_of3A_17] : memref<131072xf32, #tpu.memory_space<hbm>> -> memref<4096xf32, #tpu.memory_space<hbm>>
        tpu.enqueue_dma source(%dma_start3A_96 : memref<4096xf32, #tpu.memory_space<hbm>>) target(%arg17 : memref<4096xf32, #tpu.memory_space<vmem>>) target_semaphore(%run_scoped3A : memref<!tpu.dma_semaphore, #tpu.memory_space<semaphore_mem>>)
        %dma_wait3A = tpu.memref_slice %arg3[%multiple_of3A_17] : memref<131072xf32, #tpu.memory_space<hbm>> -> memref<4096xf32, #tpu.memory_space<hbm>>
        %dma_wait3A_97 = tpu.memref_slice %arg3[%multiple_of3A_17] : memref<131072xf32, #tpu.memory_space<hbm>> -> memref<4096xf32, #tpu.memory_space<hbm>>
        tpu.wait_dma2 semaphore(%run_scoped3A : memref<!tpu.dma_semaphore, #tpu.memory_space<semaphore_mem>>) src(%dma_wait3A_97 : memref<4096xf32, #tpu.memory_space<hbm>>) dst(%arg17 : memref<4096xf32, #tpu.memory_space<vmem>>)
        tpu.yield
      }) : () -> ()
      "tpu.region"() ({
        %run_scoped3A = tpu.sem_alloc : memref<!tpu.dma_semaphore, #tpu.memory_space<semaphore_mem>>
        %dma_start3A = tpu.memref_slice %arg4[%multiple_of3A_17] : memref<131072xf32, #tpu.memory_space<hbm>> -> memref<4096xf32, #tpu.memory_space<hbm>>
        %dma_start3A_96 = tpu.memref_slice %arg4[%multiple_of3A_17] : memref<131072xf32, #tpu.memory_space<hbm>> -> memref<4096xf32, #tpu.memory_space<hbm>>
        tpu.enqueue_dma source(%dma_start3A_96 : memref<4096xf32, #tpu.memory_space<hbm>>) target(%arg18 : memref<4096xf32, #tpu.memory_space<vmem>>) target_semaphore(%run_scoped3A : memref<!tpu.dma_semaphore, #tpu.memory_space<semaphore_mem>>)
        %dma_wait3A = tpu.memref_slice %arg4[%multiple_of3A_17] : memref<131072xf32, #tpu.memory_space<hbm>> -> memref<4096xf32, #tpu.memory_space<hbm>>
        %dma_wait3A_97 = tpu.memref_slice %arg4[%multiple_of3A_17] : memref<131072xf32, #tpu.memory_space<hbm>> -> memref<4096xf32, #tpu.memory_space<hbm>>
        tpu.wait_dma2 semaphore(%run_scoped3A : memref<!tpu.dma_semaphore, #tpu.memory_space<semaphore_mem>>) src(%dma_wait3A_97 : memref<4096xf32, #tpu.memory_space<hbm>>) dst(%arg18 : memref<4096xf32, #tpu.memory_space<vmem>>)
        tpu.yield
      }) : () -> ()
      "tpu.region"() ({
        %run_scoped3A = tpu.sem_alloc : memref<!tpu.dma_semaphore, #tpu.memory_space<semaphore_mem>>
        %dma_start3A = tpu.memref_slice %arg5[%multiple_of3A_17] : memref<131072xf32, #tpu.memory_space<hbm>> -> memref<4096xf32, #tpu.memory_space<hbm>>
        %dma_start3A_96 = tpu.memref_slice %arg5[%multiple_of3A_17] : memref<131072xf32, #tpu.memory_space<hbm>> -> memref<4096xf32, #tpu.memory_space<hbm>>
        tpu.enqueue_dma source(%dma_start3A_96 : memref<4096xf32, #tpu.memory_space<hbm>>) target(%arg19 : memref<4096xf32, #tpu.memory_space<vmem>>) target_semaphore(%run_scoped3A : memref<!tpu.dma_semaphore, #tpu.memory_space<semaphore_mem>>)
        %dma_wait3A = tpu.memref_slice %arg5[%multiple_of3A_17] : memref<131072xf32, #tpu.memory_space<hbm>> -> memref<4096xf32, #tpu.memory_space<hbm>>
        %dma_wait3A_97 = tpu.memref_slice %arg5[%multiple_of3A_17] : memref<131072xf32, #tpu.memory_space<hbm>> -> memref<4096xf32, #tpu.memory_space<hbm>>
        tpu.wait_dma2 semaphore(%run_scoped3A : memref<!tpu.dma_semaphore, #tpu.memory_space<semaphore_mem>>) src(%dma_wait3A_97 : memref<4096xf32, #tpu.memory_space<hbm>>) dst(%arg19 : memref<4096xf32, #tpu.memory_space<vmem>>)
        tpu.yield
      }) : () -> ()
      "tpu.region"() ({
        %run_scoped3A = tpu.sem_alloc : memref<!tpu.dma_semaphore, #tpu.memory_space<semaphore_mem>>
        %dma_start3A = tpu.memref_slice %arg6[%multiple_of3A_17] : memref<131072xf32, #tpu.memory_space<hbm>> -> memref<4096xf32, #tpu.memory_space<hbm>>
        %dma_start3A_96 = tpu.memref_slice %arg6[%multiple_of3A_17] : memref<131072xf32, #tpu.memory_space<hbm>> -> memref<4096xf32, #tpu.memory_space<hbm>>
        tpu.enqueue_dma source(%dma_start3A_96 : memref<4096xf32, #tpu.memory_space<hbm>>) target(%arg20 : memref<4096xf32, #tpu.memory_space<vmem>>) target_semaphore(%run_scoped3A : memref<!tpu.dma_semaphore, #tpu.memory_space<semaphore_mem>>)
        %dma_wait3A = tpu.memref_slice %arg6[%multiple_of3A_17] : memref<131072xf32, #tpu.memory_space<hbm>> -> memref<4096xf32, #tpu.memory_space<hbm>>
        %dma_wait3A_97 = tpu.memref_slice %arg6[%multiple_of3A_17] : memref<131072xf32, #tpu.memory_space<hbm>> -> memref<4096xf32, #tpu.memory_space<hbm>>
        tpu.wait_dma2 semaphore(%run_scoped3A : memref<!tpu.dma_semaphore, #tpu.memory_space<semaphore_mem>>) src(%dma_wait3A_97 : memref<4096xf32, #tpu.memory_space<hbm>>) dst(%arg20 : memref<4096xf32, #tpu.memory_space<vmem>>)
        tpu.yield
      }) : () -> ()
      "tpu.region"() ({
        %run_scoped3A = tpu.sem_alloc : memref<!tpu.dma_semaphore, #tpu.memory_space<semaphore_mem>>
        %dma_start3A = tpu.memref_slice %arg7[%multiple_of3A_17] : memref<131072xf32, #tpu.memory_space<hbm>> -> memref<4096xf32, #tpu.memory_space<hbm>>
        %dma_start3A_96 = tpu.memref_slice %arg7[%multiple_of3A_17] : memref<131072xf32, #tpu.memory_space<hbm>> -> memref<4096xf32, #tpu.memory_space<hbm>>
        tpu.enqueue_dma source(%dma_start3A_96 : memref<4096xf32, #tpu.memory_space<hbm>>) target(%arg21 : memref<4096xf32, #tpu.memory_space<vmem>>) target_semaphore(%run_scoped3A : memref<!tpu.dma_semaphore, #tpu.memory_space<semaphore_mem>>)
        %dma_wait3A = tpu.memref_slice %arg7[%multiple_of3A_17] : memref<131072xf32, #tpu.memory_space<hbm>> -> memref<4096xf32, #tpu.memory_space<hbm>>
        %dma_wait3A_97 = tpu.memref_slice %arg7[%multiple_of3A_17] : memref<131072xf32, #tpu.memory_space<hbm>> -> memref<4096xf32, #tpu.memory_space<hbm>>
        tpu.wait_dma2 semaphore(%run_scoped3A : memref<!tpu.dma_semaphore, #tpu.memory_space<semaphore_mem>>) src(%dma_wait3A_97 : memref<4096xf32, #tpu.memory_space<hbm>>) dst(%arg21 : memref<4096xf32, #tpu.memory_space<vmem>>)
        tpu.yield
      }) : () -> ()
      %scan3A_18 = arith.constant 0 : i32
      %scan3A_19 = arith.constant 0 : i32
      %scan3A_20 = arith.constant 256 : i32
      %scan3A_21 = arith.addi %scan3A_19, %scan3A_20 : i32
      %scan3A_22 = arith.constant 1 : i32
      scf.for %scan3A_96 = %scan3A_19 to %scan3A_21 step %scan3A_22  : i32 {
        %mul3A_97 = arith.constant 16 : i32
        %mul3A_98 = arith.muli %scan3A_96, %mul3A_97 : i32
        %get3A = arith.index_cast %mul3A_98 : i32 to index
        %get3A_99 = tpu.vector_load %arg15[%get3A] {strides = array<i32>} : memref<4096xi32, #tpu.memory_space<vmem>>, vector<16xi32>,
        %sub3A = vector.broadcast %mul3A_6 : i32 to vector<16xi32>
        %sub3A_100 = arith.subi %get3A_99, %sub3A : vector<16xi32>
        %get3A_101 = arith.index_cast %mul3A_98 : i32 to index
        %get3A_102 = tpu.vector_load %arg16[%get3A_101] {strides = array<i32>} : memref<4096xf32, #tpu.memory_space<vmem>>, vector<16xf32>,
        tpu.vector_store_idx %arg22[%sub3A_100], %get3A_102 : memref<6144xf32, #tpu.memory_space<vmem>>[vector<16xi32>], vector<16xf32>,
        %get3A_103 = arith.index_cast %mul3A_98 : i32 to index
        %get3A_104 = tpu.vector_load %arg17[%get3A_103] {strides = array<i32>} : memref<4096xf32, #tpu.memory_space<vmem>>, vector<16xf32>,
        tpu.vector_store_idx %arg23[%sub3A_100], %get3A_104 : memref<6144xf32, #tpu.memory_space<vmem>>[vector<16xi32>], vector<16xf32>,
        %get3A_105 = arith.index_cast %mul3A_98 : i32 to index
        %get3A_106 = tpu.vector_load %arg18[%get3A_105] {strides = array<i32>} : memref<4096xf32, #tpu.memory_space<vmem>>, vector<16xf32>,
        tpu.vector_store_idx %arg24[%sub3A_100], %get3A_106 : memref<6144xf32, #tpu.memory_space<vmem>>[vector<16xi32>], vector<16xf32>,
        %get3A_107 = arith.index_cast %mul3A_98 : i32 to index
        %get3A_108 = tpu.vector_load %arg19[%get3A_107] {strides = array<i32>} : memref<4096xf32, #tpu.memory_space<vmem>>, vector<16xf32>,
        tpu.vector_store_idx %arg25[%sub3A_100], %get3A_108 : memref<6144xf32, #tpu.memory_space<vmem>>[vector<16xi32>], vector<16xf32>,
        %get3A_109 = arith.index_cast %mul3A_98 : i32 to index
        %get3A_110 = tpu.vector_load %arg20[%get3A_109] {strides = array<i32>} : memref<4096xf32, #tpu.memory_space<vmem>>, vector<16xf32>,
        tpu.vector_store_idx %arg26[%sub3A_100], %get3A_110 : memref<6144xf32, #tpu.memory_space<vmem>>[vector<16xi32>], vector<16xf32>,
        %get3A_111 = arith.index_cast %mul3A_98 : i32 to index
        %get3A_112 = tpu.vector_load %arg21[%get3A_111] {strides = array<i32>} : memref<4096xf32, #tpu.memory_space<vmem>>, vector<16xf32>,
        tpu.vector_store_idx %arg27[%sub3A_100], %get3A_112 : memref<6144xf32, #tpu.memory_space<vmem>>[vector<16xi32>], vector<16xf32>,
      }
      %scan3A_23 = arith.constant 256 : i32
      %add3A_24 = arith.constant 8192 : i32
      %add3A_25 = arith.addi %multiple_of3A, %add3A_24 : i32
      %multiple_of3A_26 = tpu.assume_multiple %add3A_25, 8 : i32
      "tpu.region"() ({
        %run_scoped3A = tpu.sem_alloc : memref<!tpu.dma_semaphore, #tpu.memory_space<semaphore_mem>>
        %dma_start3A = tpu.memref_slice %arg8[%multiple_of3A_26] : memref<131072xi32, #tpu.memory_space<hbm>> -> memref<4096xi32, #tpu.memory_space<hbm>>
        %dma_start3A_96 = tpu.memref_slice %arg8[%multiple_of3A_26] : memref<131072xi32, #tpu.memory_space<hbm>> -> memref<4096xi32, #tpu.memory_space<hbm>>
        tpu.enqueue_dma source(%dma_start3A_96 : memref<4096xi32, #tpu.memory_space<hbm>>) target(%arg15 : memref<4096xi32, #tpu.memory_space<vmem>>) target_semaphore(%run_scoped3A : memref<!tpu.dma_semaphore, #tpu.memory_space<semaphore_mem>>)
        %dma_wait3A = tpu.memref_slice %arg8[%multiple_of3A_26] : memref<131072xi32, #tpu.memory_space<hbm>> -> memref<4096xi32, #tpu.memory_space<hbm>>
        %dma_wait3A_97 = tpu.memref_slice %arg8[%multiple_of3A_26] : memref<131072xi32, #tpu.memory_space<hbm>> -> memref<4096xi32, #tpu.memory_space<hbm>>
        tpu.wait_dma2 semaphore(%run_scoped3A : memref<!tpu.dma_semaphore, #tpu.memory_space<semaphore_mem>>) src(%dma_wait3A_97 : memref<4096xi32, #tpu.memory_space<hbm>>) dst(%arg15 : memref<4096xi32, #tpu.memory_space<vmem>>)
        tpu.yield
      }) : () -> ()
      "tpu.region"() ({
        %run_scoped3A = tpu.sem_alloc : memref<!tpu.dma_semaphore, #tpu.memory_space<semaphore_mem>>
        %dma_start3A = tpu.memref_slice %arg2[%multiple_of3A_26] : memref<131072xf32, #tpu.memory_space<hbm>> -> memref<4096xf32, #tpu.memory_space<hbm>>
        %dma_start3A_96 = tpu.memref_slice %arg2[%multiple_of3A_26] : memref<131072xf32, #tpu.memory_space<hbm>> -> memref<4096xf32, #tpu.memory_space<hbm>>
        tpu.enqueue_dma source(%dma_start3A_96 : memref<4096xf32, #tpu.memory_space<hbm>>) target(%arg16 : memref<4096xf32, #tpu.memory_space<vmem>>) target_semaphore(%run_scoped3A : memref<!tpu.dma_semaphore, #tpu.memory_space<semaphore_mem>>)
        %dma_wait3A = tpu.memref_slice %arg2[%multiple_of3A_26] : memref<131072xf32, #tpu.memory_space<hbm>> -> memref<4096xf32, #tpu.memory_space<hbm>>
        %dma_wait3A_97 = tpu.memref_slice %arg2[%multiple_of3A_26] : memref<131072xf32, #tpu.memory_space<hbm>> -> memref<4096xf32, #tpu.memory_space<hbm>>
        tpu.wait_dma2 semaphore(%run_scoped3A : memref<!tpu.dma_semaphore, #tpu.memory_space<semaphore_mem>>) src(%dma_wait3A_97 : memref<4096xf32, #tpu.memory_space<hbm>>) dst(%arg16 : memref<4096xf32, #tpu.memory_space<vmem>>)
        tpu.yield
      }) : () -> ()
      "tpu.region"() ({
        %run_scoped3A = tpu.sem_alloc : memref<!tpu.dma_semaphore, #tpu.memory_space<semaphore_mem>>
        %dma_start3A = tpu.memref_slice %arg3[%multiple_of3A_26] : memref<131072xf32, #tpu.memory_space<hbm>> -> memref<4096xf32, #tpu.memory_space<hbm>>
        %dma_start3A_96 = tpu.memref_slice %arg3[%multiple_of3A_26] : memref<131072xf32, #tpu.memory_space<hbm>> -> memref<4096xf32, #tpu.memory_space<hbm>>
        tpu.enqueue_dma source(%dma_start3A_96 : memref<4096xf32, #tpu.memory_space<hbm>>) target(%arg17 : memref<4096xf32, #tpu.memory_space<vmem>>) target_semaphore(%run_scoped3A : memref<!tpu.dma_semaphore, #tpu.memory_space<semaphore_mem>>)
        %dma_wait3A = tpu.memref_slice %arg3[%multiple_of3A_26] : memref<131072xf32, #tpu.memory_space<hbm>> -> memref<4096xf32, #tpu.memory_space<hbm>>
        %dma_wait3A_97 = tpu.memref_slice %arg3[%multiple_of3A_26] : memref<131072xf32, #tpu.memory_space<hbm>> -> memref<4096xf32, #tpu.memory_space<hbm>>
        tpu.wait_dma2 semaphore(%run_scoped3A : memref<!tpu.dma_semaphore, #tpu.memory_space<semaphore_mem>>) src(%dma_wait3A_97 : memref<4096xf32, #tpu.memory_space<hbm>>) dst(%arg17 : memref<4096xf32, #tpu.memory_space<vmem>>)
        tpu.yield
      }) : () -> ()
      "tpu.region"() ({
        %run_scoped3A = tpu.sem_alloc : memref<!tpu.dma_semaphore, #tpu.memory_space<semaphore_mem>>
        %dma_start3A = tpu.memref_slice %arg4[%multiple_of3A_26] : memref<131072xf32, #tpu.memory_space<hbm>> -> memref<4096xf32, #tpu.memory_space<hbm>>
        %dma_start3A_96 = tpu.memref_slice %arg4[%multiple_of3A_26] : memref<131072xf32, #tpu.memory_space<hbm>> -> memref<4096xf32, #tpu.memory_space<hbm>>
        tpu.enqueue_dma source(%dma_start3A_96 : memref<4096xf32, #tpu.memory_space<hbm>>) target(%arg18 : memref<4096xf32, #tpu.memory_space<vmem>>) target_semaphore(%run_scoped3A : memref<!tpu.dma_semaphore, #tpu.memory_space<semaphore_mem>>)
        %dma_wait3A = tpu.memref_slice %arg4[%multiple_of3A_26] : memref<131072xf32, #tpu.memory_space<hbm>> -> memref<4096xf32, #tpu.memory_space<hbm>>
        %dma_wait3A_97 = tpu.memref_slice %arg4[%multiple_of3A_26] : memref<131072xf32, #tpu.memory_space<hbm>> -> memref<4096xf32, #tpu.memory_space<hbm>>
        tpu.wait_dma2 semaphore(%run_scoped3A : memref<!tpu.dma_semaphore, #tpu.memory_space<semaphore_mem>>) src(%dma_wait3A_97 : memref<4096xf32, #tpu.memory_space<hbm>>) dst(%arg18 : memref<4096xf32, #tpu.memory_space<vmem>>)
        tpu.yield
      }) : () -> ()
      "tpu.region"() ({
        %run_scoped3A = tpu.sem_alloc : memref<!tpu.dma_semaphore, #tpu.memory_space<semaphore_mem>>
        %dma_start3A = tpu.memref_slice %arg5[%multiple_of3A_26] : memref<131072xf32, #tpu.memory_space<hbm>> -> memref<4096xf32, #tpu.memory_space<hbm>>
        %dma_start3A_96 = tpu.memref_slice %arg5[%multiple_of3A_26] : memref<131072xf32, #tpu.memory_space<hbm>> -> memref<4096xf32, #tpu.memory_space<hbm>>
        tpu.enqueue_dma source(%dma_start3A_96 : memref<4096xf32, #tpu.memory_space<hbm>>) target(%arg19 : memref<4096xf32, #tpu.memory_space<vmem>>) target_semaphore(%run_scoped3A : memref<!tpu.dma_semaphore, #tpu.memory_space<semaphore_mem>>)
        %dma_wait3A = tpu.memref_slice %arg5[%multiple_of3A_26] : memref<131072xf32, #tpu.memory_space<hbm>> -> memref<4096xf32, #tpu.memory_space<hbm>>
        %dma_wait3A_97 = tpu.memref_slice %arg5[%multiple_of3A_26] : memref<131072xf32, #tpu.memory_space<hbm>> -> memref<4096xf32, #tpu.memory_space<hbm>>
        tpu.wait_dma2 semaphore(%run_scoped3A : memref<!tpu.dma_semaphore, #tpu.memory_space<semaphore_mem>>) src(%dma_wait3A_97 : memref<4096xf32, #tpu.memory_space<hbm>>) dst(%arg19 : memref<4096xf32, #tpu.memory_space<vmem>>)
        tpu.yield
      }) : () -> ()
      "tpu.region"() ({
        %run_scoped3A = tpu.sem_alloc : memref<!tpu.dma_semaphore, #tpu.memory_space<semaphore_mem>>
        %dma_start3A = tpu.memref_slice %arg6[%multiple_of3A_26] : memref<131072xf32, #tpu.memory_space<hbm>> -> memref<4096xf32, #tpu.memory_space<hbm>>
        %dma_start3A_96 = tpu.memref_slice %arg6[%multiple_of3A_26] : memref<131072xf32, #tpu.memory_space<hbm>> -> memref<4096xf32, #tpu.memory_space<hbm>>
        tpu.enqueue_dma source(%dma_start3A_96 : memref<4096xf32, #tpu.memory_space<hbm>>) target(%arg20 : memref<4096xf32, #tpu.memory_space<vmem>>) target_semaphore(%run_scoped3A : memref<!tpu.dma_semaphore, #tpu.memory_space<semaphore_mem>>)
        %dma_wait3A = tpu.memref_slice %arg6[%multiple_of3A_26] : memref<131072xf32, #tpu.memory_space<hbm>> -> memref<4096xf32, #tpu.memory_space<hbm>>
        %dma_wait3A_97 = tpu.memref_slice %arg6[%multiple_of3A_26] : memref<131072xf32, #tpu.memory_space<hbm>> -> memref<4096xf32, #tpu.memory_space<hbm>>
        tpu.wait_dma2 semaphore(%run_scoped3A : memref<!tpu.dma_semaphore, #tpu.memory_space<semaphore_mem>>) src(%dma_wait3A_97 : memref<4096xf32, #tpu.memory_space<hbm>>) dst(%arg20 : memref<4096xf32, #tpu.memory_space<vmem>>)
        tpu.yield
      }) : () -> ()
      "tpu.region"() ({
        %run_scoped3A = tpu.sem_alloc : memref<!tpu.dma_semaphore, #tpu.memory_space<semaphore_mem>>
        %dma_start3A = tpu.memref_slice %arg7[%multiple_of3A_26] : memref<131072xf32, #tpu.memory_space<hbm>> -> memref<4096xf32, #tpu.memory_space<hbm>>
        %dma_start3A_96 = tpu.memref_slice %arg7[%multiple_of3A_26] : memref<131072xf32, #tpu.memory_space<hbm>> -> memref<4096xf32, #tpu.memory_space<hbm>>
        tpu.enqueue_dma source(%dma_start3A_96 : memref<4096xf32, #tpu.memory_space<hbm>>) target(%arg21 : memref<4096xf32, #tpu.memory_space<vmem>>) target_semaphore(%run_scoped3A : memref<!tpu.dma_semaphore, #tpu.memory_space<semaphore_mem>>)
        %dma_wait3A = tpu.memref_slice %arg7[%multiple_of3A_26] : memref<131072xf32, #tpu.memory_space<hbm>> -> memref<4096xf32, #tpu.memory_space<hbm>>
        %dma_wait3A_97 = tpu.memref_slice %arg7[%multiple_of3A_26] : memref<131072xf32, #tpu.memory_space<hbm>> -> memref<4096xf32, #tpu.memory_space<hbm>>
        tpu.wait_dma2 semaphore(%run_scoped3A : memref<!tpu.dma_semaphore, #tpu.memory_space<semaphore_mem>>) src(%dma_wait3A_97 : memref<4096xf32, #tpu.memory_space<hbm>>) dst(%arg21 : memref<4096xf32, #tpu.memory_space<vmem>>)
        tpu.yield
      }) : () -> ()
      %scan3A_27 = arith.constant 0 : i32
      %scan3A_28 = arith.constant 0 : i32
      %scan3A_29 = arith.constant 256 : i32
      %scan3A_30 = arith.addi %scan3A_28, %scan3A_29 : i32
      %scan3A_31 = arith.constant 1 : i32
      scf.for %scan3A_96 = %scan3A_28 to %scan3A_30 step %scan3A_31  : i32 {
        %mul3A_97 = arith.constant 16 : i32
        %mul3A_98 = arith.muli %scan3A_96, %mul3A_97 : i32
        %get3A = arith.index_cast %mul3A_98 : i32 to index
        %get3A_99 = tpu.vector_load %arg15[%get3A] {strides = array<i32>} : memref<4096xi32, #tpu.memory_space<vmem>>, vector<16xi32>,
        %sub3A = vector.broadcast %mul3A_6 : i32 to vector<16xi32>
        %sub3A_100 = arith.subi %get3A_99, %sub3A : vector<16xi32>
        %get3A_101 = arith.index_cast %mul3A_98 : i32 to index
        %get3A_102 = tpu.vector_load %arg16[%get3A_101] {strides = array<i32>} : memref<4096xf32, #tpu.memory_space<vmem>>, vector<16xf32>,
        tpu.vector_store_idx %arg22[%sub3A_100], %get3A_102 : memref<6144xf32, #tpu.memory_space<vmem>>[vector<16xi32>], vector<16xf32>,
        %get3A_103 = arith.index_cast %mul3A_98 : i32 to index
        %get3A_104 = tpu.vector_load %arg17[%get3A_103] {strides = array<i32>} : memref<4096xf32, #tpu.memory_space<vmem>>, vector<16xf32>,
        tpu.vector_store_idx %arg23[%sub3A_100], %get3A_104 : memref<6144xf32, #tpu.memory_space<vmem>>[vector<16xi32>], vector<16xf32>,
        %get3A_105 = arith.index_cast %mul3A_98 : i32 to index
        %get3A_106 = tpu.vector_load %arg18[%get3A_105] {strides = array<i32>} : memref<4096xf32, #tpu.memory_space<vmem>>, vector<16xf32>,
        tpu.vector_store_idx %arg24[%sub3A_100], %get3A_106 : memref<6144xf32, #tpu.memory_space<vmem>>[vector<16xi32>], vector<16xf32>,
        %get3A_107 = arith.index_cast %mul3A_98 : i32 to index
        %get3A_108 = tpu.vector_load %arg19[%get3A_107] {strides = array<i32>} : memref<4096xf32, #tpu.memory_space<vmem>>, vector<16xf32>,
        tpu.vector_store_idx %arg25[%sub3A_100], %get3A_108 : memref<6144xf32, #tpu.memory_space<vmem>>[vector<16xi32>], vector<16xf32>,
        %get3A_109 = arith.index_cast %mul3A_98 : i32 to index
        %get3A_110 = tpu.vector_load %arg20[%get3A_109] {strides = array<i32>} : memref<4096xf32, #tpu.memory_space<vmem>>, vector<16xf32>,
        tpu.vector_store_idx %arg26[%sub3A_100], %get3A_110 : memref<6144xf32, #tpu.memory_space<vmem>>[vector<16xi32>], vector<16xf32>,
        %get3A_111 = arith.index_cast %mul3A_98 : i32 to index
        %get3A_112 = tpu.vector_load %arg21[%get3A_111] {strides = array<i32>} : memref<4096xf32, #tpu.memory_space<vmem>>, vector<16xf32>,
        tpu.vector_store_idx %arg27[%sub3A_100], %get3A_112 : memref<6144xf32, #tpu.memory_space<vmem>>[vector<16xi32>], vector<16xf32>,
      }
      %scan3A_32 = arith.constant 256 : i32
      %add3A_33 = arith.constant 12288 : i32
      %add3A_34 = arith.addi %multiple_of3A, %add3A_33 : i32
      %multiple_of3A_35 = tpu.assume_multiple %add3A_34, 8 : i32
      "tpu.region"() ({
        %run_scoped3A = tpu.sem_alloc : memref<!tpu.dma_semaphore, #tpu.memory_space<semaphore_mem>>
        %dma_start3A = tpu.memref_slice %arg8[%multiple_of3A_35] : memref<131072xi32, #tpu.memory_space<hbm>> -> memref<4096xi32, #tpu.memory_space<hbm>>
        %dma_start3A_96 = tpu.memref_slice %arg8[%multiple_of3A_35] : memref<131072xi32, #tpu.memory_space<hbm>> -> memref<4096xi32, #tpu.memory_space<hbm>>
        tpu.enqueue_dma source(%dma_start3A_96 : memref<4096xi32, #tpu.memory_space<hbm>>) target(%arg15 : memref<4096xi32, #tpu.memory_space<vmem>>) target_semaphore(%run_scoped3A : memref<!tpu.dma_semaphore, #tpu.memory_space<semaphore_mem>>)
        %dma_wait3A = tpu.memref_slice %arg8[%multiple_of3A_35] : memref<131072xi32, #tpu.memory_space<hbm>> -> memref<4096xi32, #tpu.memory_space<hbm>>
        %dma_wait3A_97 = tpu.memref_slice %arg8[%multiple_of3A_35] : memref<131072xi32, #tpu.memory_space<hbm>> -> memref<4096xi32, #tpu.memory_space<hbm>>
        tpu.wait_dma2 semaphore(%run_scoped3A : memref<!tpu.dma_semaphore, #tpu.memory_space<semaphore_mem>>) src(%dma_wait3A_97 : memref<4096xi32, #tpu.memory_space<hbm>>) dst(%arg15 : memref<4096xi32, #tpu.memory_space<vmem>>)
        tpu.yield
      }) : () -> ()
      "tpu.region"() ({
        %run_scoped3A = tpu.sem_alloc : memref<!tpu.dma_semaphore, #tpu.memory_space<semaphore_mem>>
        %dma_start3A = tpu.memref_slice %arg2[%multiple_of3A_35] : memref<131072xf32, #tpu.memory_space<hbm>> -> memref<4096xf32, #tpu.memory_space<hbm>>
        %dma_start3A_96 = tpu.memref_slice %arg2[%multiple_of3A_35] : memref<131072xf32, #tpu.memory_space<hbm>> -> memref<4096xf32, #tpu.memory_space<hbm>>
        tpu.enqueue_dma source(%dma_start3A_96 : memref<4096xf32, #tpu.memory_space<hbm>>) target(%arg16 : memref<4096xf32, #tpu.memory_space<vmem>>) target_semaphore(%run_scoped3A : memref<!tpu.dma_semaphore, #tpu.memory_space<semaphore_mem>>)
        %dma_wait3A = tpu.memref_slice %arg2[%multiple_of3A_35] : memref<131072xf32, #tpu.memory_space<hbm>> -> memref<4096xf32, #tpu.memory_space<hbm>>
        %dma_wait3A_97 = tpu.memref_slice %arg2[%multiple_of3A_35] : memref<131072xf32, #tpu.memory_space<hbm>> -> memref<4096xf32, #tpu.memory_space<hbm>>
        tpu.wait_dma2 semaphore(%run_scoped3A : memref<!tpu.dma_semaphore, #tpu.memory_space<semaphore_mem>>) src(%dma_wait3A_97 : memref<4096xf32, #tpu.memory_space<hbm>>) dst(%arg16 : memref<4096xf32, #tpu.memory_space<vmem>>)
        tpu.yield
      }) : () -> ()
      "tpu.region"() ({
        %run_scoped3A = tpu.sem_alloc : memref<!tpu.dma_semaphore, #tpu.memory_space<semaphore_mem>>
        %dma_start3A = tpu.memref_slice %arg3[%multiple_of3A_35] : memref<131072xf32, #tpu.memory_space<hbm>> -> memref<4096xf32, #tpu.memory_space<hbm>>
        %dma_start3A_96 = tpu.memref_slice %arg3[%multiple_of3A_35] : memref<131072xf32, #tpu.memory_space<hbm>> -> memref<4096xf32, #tpu.memory_space<hbm>>
        tpu.enqueue_dma source(%dma_start3A_96 : memref<4096xf32, #tpu.memory_space<hbm>>) target(%arg17 : memref<4096xf32, #tpu.memory_space<vmem>>) target_semaphore(%run_scoped3A : memref<!tpu.dma_semaphore, #tpu.memory_space<semaphore_mem>>)
        %dma_wait3A = tpu.memref_slice %arg3[%multiple_of3A_35] : memref<131072xf32, #tpu.memory_space<hbm>> -> memref<4096xf32, #tpu.memory_space<hbm>>
        %dma_wait3A_97 = tpu.memref_slice %arg3[%multiple_of3A_35] : memref<131072xf32, #tpu.memory_space<hbm>> -> memref<4096xf32, #tpu.memory_space<hbm>>
        tpu.wait_dma2 semaphore(%run_scoped3A : memref<!tpu.dma_semaphore, #tpu.memory_space<semaphore_mem>>) src(%dma_wait3A_97 : memref<4096xf32, #tpu.memory_space<hbm>>) dst(%arg17 : memref<4096xf32, #tpu.memory_space<vmem>>)
        tpu.yield
      }) : () -> ()
      "tpu.region"() ({
        %run_scoped3A = tpu.sem_alloc : memref<!tpu.dma_semaphore, #tpu.memory_space<semaphore_mem>>
        %dma_start3A = tpu.memref_slice %arg4[%multiple_of3A_35] : memref<131072xf32, #tpu.memory_space<hbm>> -> memref<4096xf32, #tpu.memory_space<hbm>>
        %dma_start3A_96 = tpu.memref_slice %arg4[%multiple_of3A_35] : memref<131072xf32, #tpu.memory_space<hbm>> -> memref<4096xf32, #tpu.memory_space<hbm>>
        tpu.enqueue_dma source(%dma_start3A_96 : memref<4096xf32, #tpu.memory_space<hbm>>) target(%arg18 : memref<4096xf32, #tpu.memory_space<vmem>>) target_semaphore(%run_scoped3A : memref<!tpu.dma_semaphore, #tpu.memory_space<semaphore_mem>>)
        %dma_wait3A = tpu.memref_slice %arg4[%multiple_of3A_35] : memref<131072xf32, #tpu.memory_space<hbm>> -> memref<4096xf32, #tpu.memory_space<hbm>>
        %dma_wait3A_97 = tpu.memref_slice %arg4[%multiple_of3A_35] : memref<131072xf32, #tpu.memory_space<hbm>> -> memref<4096xf32, #tpu.memory_space<hbm>>
        tpu.wait_dma2 semaphore(%run_scoped3A : memref<!tpu.dma_semaphore, #tpu.memory_space<semaphore_mem>>) src(%dma_wait3A_97 : memref<4096xf32, #tpu.memory_space<hbm>>) dst(%arg18 : memref<4096xf32, #tpu.memory_space<vmem>>)
        tpu.yield
      }) : () -> ()
      "tpu.region"() ({
        %run_scoped3A = tpu.sem_alloc : memref<!tpu.dma_semaphore, #tpu.memory_space<semaphore_mem>>
        %dma_start3A = tpu.memref_slice %arg5[%multiple_of3A_35] : memref<131072xf32, #tpu.memory_space<hbm>> -> memref<4096xf32, #tpu.memory_space<hbm>>
        %dma_start3A_96 = tpu.memref_slice %arg5[%multiple_of3A_35] : memref<131072xf32, #tpu.memory_space<hbm>> -> memref<4096xf32, #tpu.memory_space<hbm>>
        tpu.enqueue_dma source(%dma_start3A_96 : memref<4096xf32, #tpu.memory_space<hbm>>) target(%arg19 : memref<4096xf32, #tpu.memory_space<vmem>>) target_semaphore(%run_scoped3A : memref<!tpu.dma_semaphore, #tpu.memory_space<semaphore_mem>>)
        %dma_wait3A = tpu.memref_slice %arg5[%multiple_of3A_35] : memref<131072xf32, #tpu.memory_space<hbm>> -> memref<4096xf32, #tpu.memory_space<hbm>>
        %dma_wait3A_97 = tpu.memref_slice %arg5[%multiple_of3A_35] : memref<131072xf32, #tpu.memory_space<hbm>> -> memref<4096xf32, #tpu.memory_space<hbm>>
        tpu.wait_dma2 semaphore(%run_scoped3A : memref<!tpu.dma_semaphore, #tpu.memory_space<semaphore_mem>>) src(%dma_wait3A_97 : memref<4096xf32, #tpu.memory_space<hbm>>) dst(%arg19 : memref<4096xf32, #tpu.memory_space<vmem>>)
        tpu.yield
      }) : () -> ()
      "tpu.region"() ({
        %run_scoped3A = tpu.sem_alloc : memref<!tpu.dma_semaphore, #tpu.memory_space<semaphore_mem>>
        %dma_start3A = tpu.memref_slice %arg6[%multiple_of3A_35] : memref<131072xf32, #tpu.memory_space<hbm>> -> memref<4096xf32, #tpu.memory_space<hbm>>
        %dma_start3A_96 = tpu.memref_slice %arg6[%multiple_of3A_35] : memref<131072xf32, #tpu.memory_space<hbm>> -> memref<4096xf32, #tpu.memory_space<hbm>>
        tpu.enqueue_dma source(%dma_start3A_96 : memref<4096xf32, #tpu.memory_space<hbm>>) target(%arg20 : memref<4096xf32, #tpu.memory_space<vmem>>) target_semaphore(%run_scoped3A : memref<!tpu.dma_semaphore, #tpu.memory_space<semaphore_mem>>)
        %dma_wait3A = tpu.memref_slice %arg6[%multiple_of3A_35] : memref<131072xf32, #tpu.memory_space<hbm>> -> memref<4096xf32, #tpu.memory_space<hbm>>
        %dma_wait3A_97 = tpu.memref_slice %arg6[%multiple_of3A_35] : memref<131072xf32, #tpu.memory_space<hbm>> -> memref<4096xf32, #tpu.memory_space<hbm>>
        tpu.wait_dma2 semaphore(%run_scoped3A : memref<!tpu.dma_semaphore, #tpu.memory_space<semaphore_mem>>) src(%dma_wait3A_97 : memref<4096xf32, #tpu.memory_space<hbm>>) dst(%arg20 : memref<4096xf32, #tpu.memory_space<vmem>>)
        tpu.yield
      }) : () -> ()
      "tpu.region"() ({
        %run_scoped3A = tpu.sem_alloc : memref<!tpu.dma_semaphore, #tpu.memory_space<semaphore_mem>>
        %dma_start3A = tpu.memref_slice %arg7[%multiple_of3A_35] : memref<131072xf32, #tpu.memory_space<hbm>> -> memref<4096xf32, #tpu.memory_space<hbm>>
        %dma_start3A_96 = tpu.memref_slice %arg7[%multiple_of3A_35] : memref<131072xf32, #tpu.memory_space<hbm>> -> memref<4096xf32, #tpu.memory_space<hbm>>
        tpu.enqueue_dma source(%dma_start3A_96 : memref<4096xf32, #tpu.memory_space<hbm>>) target(%arg21 : memref<4096xf32, #tpu.memory_space<vmem>>) target_semaphore(%run_scoped3A : memref<!tpu.dma_semaphore, #tpu.memory_space<semaphore_mem>>)
        %dma_wait3A = tpu.memref_slice %arg7[%multiple_of3A_35] : memref<131072xf32, #tpu.memory_space<hbm>> -> memref<4096xf32, #tpu.memory_space<hbm>>
        %dma_wait3A_97 = tpu.memref_slice %arg7[%multiple_of3A_35] : memref<131072xf32, #tpu.memory_space<hbm>> -> memref<4096xf32, #tpu.memory_space<hbm>>
        tpu.wait_dma2 semaphore(%run_scoped3A : memref<!tpu.dma_semaphore, #tpu.memory_space<semaphore_mem>>) src(%dma_wait3A_97 : memref<4096xf32, #tpu.memory_space<hbm>>) dst(%arg21 : memref<4096xf32, #tpu.memory_space<vmem>>)
        tpu.yield
      }) : () -> ()
      %scan3A_36 = arith.constant 0 : i32
      %scan3A_37 = arith.constant 0 : i32
      %scan3A_38 = arith.constant 256 : i32
      %scan3A_39 = arith.addi %scan3A_37, %scan3A_38 : i32
      %scan3A_40 = arith.constant 1 : i32
      scf.for %scan3A_96 = %scan3A_37 to %scan3A_39 step %scan3A_40  : i32 {
        %mul3A_97 = arith.constant 16 : i32
        %mul3A_98 = arith.muli %scan3A_96, %mul3A_97 : i32
        %get3A = arith.index_cast %mul3A_98 : i32 to index
        %get3A_99 = tpu.vector_load %arg15[%get3A] {strides = array<i32>} : memref<4096xi32, #tpu.memory_space<vmem>>, vector<16xi32>,
        %sub3A = vector.broadcast %mul3A_6 : i32 to vector<16xi32>
        %sub3A_100 = arith.subi %get3A_99, %sub3A : vector<16xi32>
        %get3A_101 = arith.index_cast %mul3A_98 : i32 to index
        %get3A_102 = tpu.vector_load %arg16[%get3A_101] {strides = array<i32>} : memref<4096xf32, #tpu.memory_space<vmem>>, vector<16xf32>,
        tpu.vector_store_idx %arg22[%sub3A_100], %get3A_102 : memref<6144xf32, #tpu.memory_space<vmem>>[vector<16xi32>], vector<16xf32>,
        %get3A_103 = arith.index_cast %mul3A_98 : i32 to index
        %get3A_104 = tpu.vector_load %arg17[%get3A_103] {strides = array<i32>} : memref<4096xf32, #tpu.memory_space<vmem>>, vector<16xf32>,
        tpu.vector_store_idx %arg23[%sub3A_100], %get3A_104 : memref<6144xf32, #tpu.memory_space<vmem>>[vector<16xi32>], vector<16xf32>,
        %get3A_105 = arith.index_cast %mul3A_98 : i32 to index
        %get3A_106 = tpu.vector_load %arg18[%get3A_105] {strides = array<i32>} : memref<4096xf32, #tpu.memory_space<vmem>>, vector<16xf32>,
        tpu.vector_store_idx %arg24[%sub3A_100], %get3A_106 : memref<6144xf32, #tpu.memory_space<vmem>>[vector<16xi32>], vector<16xf32>,
        %get3A_107 = arith.index_cast %mul3A_98 : i32 to index
        %get3A_108 = tpu.vector_load %arg19[%get3A_107] {strides = array<i32>} : memref<4096xf32, #tpu.memory_space<vmem>>, vector<16xf32>,
        tpu.vector_store_idx %arg25[%sub3A_100], %get3A_108 : memref<6144xf32, #tpu.memory_space<vmem>>[vector<16xi32>], vector<16xf32>,
        %get3A_109 = arith.index_cast %mul3A_98 : i32 to index
        %get3A_110 = tpu.vector_load %arg20[%get3A_109] {strides = array<i32>} : memref<4096xf32, #tpu.memory_space<vmem>>, vector<16xf32>,
        tpu.vector_store_idx %arg26[%sub3A_100], %get3A_110 : memref<6144xf32, #tpu.memory_space<vmem>>[vector<16xi32>], vector<16xf32>,
        %get3A_111 = arith.index_cast %mul3A_98 : i32 to index
        %get3A_112 = tpu.vector_load %arg21[%get3A_111] {strides = array<i32>} : memref<4096xf32, #tpu.memory_space<vmem>>, vector<16xf32>,
        tpu.vector_store_idx %arg27[%sub3A_100], %get3A_112 : memref<6144xf32, #tpu.memory_space<vmem>>[vector<16xi32>], vector<16xf32>,
      }
      %scan3A_41 = arith.constant 256 : i32
      %add3A_42 = arith.constant 16384 : i32
      %add3A_43 = arith.addi %multiple_of3A, %add3A_42 : i32
      %multiple_of3A_44 = tpu.assume_multiple %add3A_43, 8 : i32
      "tpu.region"() ({
        %run_scoped3A = tpu.sem_alloc : memref<!tpu.dma_semaphore, #tpu.memory_space<semaphore_mem>>
        %dma_start3A = tpu.memref_slice %arg8[%multiple_of3A_44] : memref<131072xi32, #tpu.memory_space<hbm>> -> memref<4096xi32, #tpu.memory_space<hbm>>
        %dma_start3A_96 = tpu.memref_slice %arg8[%multiple_of3A_44] : memref<131072xi32, #tpu.memory_space<hbm>> -> memref<4096xi32, #tpu.memory_space<hbm>>
        tpu.enqueue_dma source(%dma_start3A_96 : memref<4096xi32, #tpu.memory_space<hbm>>) target(%arg15 : memref<4096xi32, #tpu.memory_space<vmem>>) target_semaphore(%run_scoped3A : memref<!tpu.dma_semaphore, #tpu.memory_space<semaphore_mem>>)
        %dma_wait3A = tpu.memref_slice %arg8[%multiple_of3A_44] : memref<131072xi32, #tpu.memory_space<hbm>> -> memref<4096xi32, #tpu.memory_space<hbm>>
        %dma_wait3A_97 = tpu.memref_slice %arg8[%multiple_of3A_44] : memref<131072xi32, #tpu.memory_space<hbm>> -> memref<4096xi32, #tpu.memory_space<hbm>>
        tpu.wait_dma2 semaphore(%run_scoped3A : memref<!tpu.dma_semaphore, #tpu.memory_space<semaphore_mem>>) src(%dma_wait3A_97 : memref<4096xi32, #tpu.memory_space<hbm>>) dst(%arg15 : memref<4096xi32, #tpu.memory_space<vmem>>)
        tpu.yield
      }) : () -> ()
      "tpu.region"() ({
        %run_scoped3A = tpu.sem_alloc : memref<!tpu.dma_semaphore, #tpu.memory_space<semaphore_mem>>
        %dma_start3A = tpu.memref_slice %arg2[%multiple_of3A_44] : memref<131072xf32, #tpu.memory_space<hbm>> -> memref<4096xf32, #tpu.memory_space<hbm>>
        %dma_start3A_96 = tpu.memref_slice %arg2[%multiple_of3A_44] : memref<131072xf32, #tpu.memory_space<hbm>> -> memref<4096xf32, #tpu.memory_space<hbm>>
        tpu.enqueue_dma source(%dma_start3A_96 : memref<4096xf32, #tpu.memory_space<hbm>>) target(%arg16 : memref<4096xf32, #tpu.memory_space<vmem>>) target_semaphore(%run_scoped3A : memref<!tpu.dma_semaphore, #tpu.memory_space<semaphore_mem>>)
        %dma_wait3A = tpu.memref_slice %arg2[%multiple_of3A_44] : memref<131072xf32, #tpu.memory_space<hbm>> -> memref<4096xf32, #tpu.memory_space<hbm>>
        %dma_wait3A_97 = tpu.memref_slice %arg2[%multiple_of3A_44] : memref<131072xf32, #tpu.memory_space<hbm>> -> memref<4096xf32, #tpu.memory_space<hbm>>
        tpu.wait_dma2 semaphore(%run_scoped3A : memref<!tpu.dma_semaphore, #tpu.memory_space<semaphore_mem>>) src(%dma_wait3A_97 : memref<4096xf32, #tpu.memory_space<hbm>>) dst(%arg16 : memref<4096xf32, #tpu.memory_space<vmem>>)
        tpu.yield
      }) : () -> ()
      "tpu.region"() ({
        %run_scoped3A = tpu.sem_alloc : memref<!tpu.dma_semaphore, #tpu.memory_space<semaphore_mem>>
        %dma_start3A = tpu.memref_slice %arg3[%multiple_of3A_44] : memref<131072xf32, #tpu.memory_space<hbm>> -> memref<4096xf32, #tpu.memory_space<hbm>>
        %dma_start3A_96 = tpu.memref_slice %arg3[%multiple_of3A_44] : memref<131072xf32, #tpu.memory_space<hbm>> -> memref<4096xf32, #tpu.memory_space<hbm>>
        tpu.enqueue_dma source(%dma_start3A_96 : memref<4096xf32, #tpu.memory_space<hbm>>) target(%arg17 : memref<4096xf32, #tpu.memory_space<vmem>>) target_semaphore(%run_scoped3A : memref<!tpu.dma_semaphore, #tpu.memory_space<semaphore_mem>>)
        %dma_wait3A = tpu.memref_slice %arg3[%multiple_of3A_44] : memref<131072xf32, #tpu.memory_space<hbm>> -> memref<4096xf32, #tpu.memory_space<hbm>>
        %dma_wait3A_97 = tpu.memref_slice %arg3[%multiple_of3A_44] : memref<131072xf32, #tpu.memory_space<hbm>> -> memref<4096xf32, #tpu.memory_space<hbm>>
        tpu.wait_dma2 semaphore(%run_scoped3A : memref<!tpu.dma_semaphore, #tpu.memory_space<semaphore_mem>>) src(%dma_wait3A_97 : memref<4096xf32, #tpu.memory_space<hbm>>) dst(%arg17 : memref<4096xf32, #tpu.memory_space<vmem>>)
        tpu.yield
      }) : () -> ()
      "tpu.region"() ({
        %run_scoped3A = tpu.sem_alloc : memref<!tpu.dma_semaphore, #tpu.memory_space<semaphore_mem>>
        %dma_start3A = tpu.memref_slice %arg4[%multiple_of3A_44] : memref<131072xf32, #tpu.memory_space<hbm>> -> memref<4096xf32, #tpu.memory_space<hbm>>
        %dma_start3A_96 = tpu.memref_slice %arg4[%multiple_of3A_44] : memref<131072xf32, #tpu.memory_space<hbm>> -> memref<4096xf32, #tpu.memory_space<hbm>>
        tpu.enqueue_dma source(%dma_start3A_96 : memref<4096xf32, #tpu.memory_space<hbm>>) target(%arg18 : memref<4096xf32, #tpu.memory_space<vmem>>) target_semaphore(%run_scoped3A : memref<!tpu.dma_semaphore, #tpu.memory_space<semaphore_mem>>)
        %dma_wait3A = tpu.memref_slice %arg4[%multiple_of3A_44] : memref<131072xf32, #tpu.memory_space<hbm>> -> memref<4096xf32, #tpu.memory_space<hbm>>
        %dma_wait3A_97 = tpu.memref_slice %arg4[%multiple_of3A_44] : memref<131072xf32, #tpu.memory_space<hbm>> -> memref<4096xf32, #tpu.memory_space<hbm>>
        tpu.wait_dma2 semaphore(%run_scoped3A : memref<!tpu.dma_semaphore, #tpu.memory_space<semaphore_mem>>) src(%dma_wait3A_97 : memref<4096xf32, #tpu.memory_space<hbm>>) dst(%arg18 : memref<4096xf32, #tpu.memory_space<vmem>>)
        tpu.yield
      }) : () -> ()
      "tpu.region"() ({
        %run_scoped3A = tpu.sem_alloc : memref<!tpu.dma_semaphore, #tpu.memory_space<semaphore_mem>>
        %dma_start3A = tpu.memref_slice %arg5[%multiple_of3A_44] : memref<131072xf32, #tpu.memory_space<hbm>> -> memref<4096xf32, #tpu.memory_space<hbm>>
        %dma_start3A_96 = tpu.memref_slice %arg5[%multiple_of3A_44] : memref<131072xf32, #tpu.memory_space<hbm>> -> memref<4096xf32, #tpu.memory_space<hbm>>
        tpu.enqueue_dma source(%dma_start3A_96 : memref<4096xf32, #tpu.memory_space<hbm>>) target(%arg19 : memref<4096xf32, #tpu.memory_space<vmem>>) target_semaphore(%run_scoped3A : memref<!tpu.dma_semaphore, #tpu.memory_space<semaphore_mem>>)
        %dma_wait3A = tpu.memref_slice %arg5[%multiple_of3A_44] : memref<131072xf32, #tpu.memory_space<hbm>> -> memref<4096xf32, #tpu.memory_space<hbm>>
        %dma_wait3A_97 = tpu.memref_slice %arg5[%multiple_of3A_44] : memref<131072xf32, #tpu.memory_space<hbm>> -> memref<4096xf32, #tpu.memory_space<hbm>>
        tpu.wait_dma2 semaphore(%run_scoped3A : memref<!tpu.dma_semaphore, #tpu.memory_space<semaphore_mem>>) src(%dma_wait3A_97 : memref<4096xf32, #tpu.memory_space<hbm>>) dst(%arg19 : memref<4096xf32, #tpu.memory_space<vmem>>)
        tpu.yield
      }) : () -> ()
      "tpu.region"() ({
        %run_scoped3A = tpu.sem_alloc : memref<!tpu.dma_semaphore, #tpu.memory_space<semaphore_mem>>
        %dma_start3A = tpu.memref_slice %arg6[%multiple_of3A_44] : memref<131072xf32, #tpu.memory_space<hbm>> -> memref<4096xf32, #tpu.memory_space<hbm>>
        %dma_start3A_96 = tpu.memref_slice %arg6[%multiple_of3A_44] : memref<131072xf32, #tpu.memory_space<hbm>> -> memref<4096xf32, #tpu.memory_space<hbm>>
        tpu.enqueue_dma source(%dma_start3A_96 : memref<4096xf32, #tpu.memory_space<hbm>>) target(%arg20 : memref<4096xf32, #tpu.memory_space<vmem>>) target_semaphore(%run_scoped3A : memref<!tpu.dma_semaphore, #tpu.memory_space<semaphore_mem>>)
        %dma_wait3A = tpu.memref_slice %arg6[%multiple_of3A_44] : memref<131072xf32, #tpu.memory_space<hbm>> -> memref<4096xf32, #tpu.memory_space<hbm>>
        %dma_wait3A_97 = tpu.memref_slice %arg6[%multiple_of3A_44] : memref<131072xf32, #tpu.memory_space<hbm>> -> memref<4096xf32, #tpu.memory_space<hbm>>
        tpu.wait_dma2 semaphore(%run_scoped3A : memref<!tpu.dma_semaphore, #tpu.memory_space<semaphore_mem>>) src(%dma_wait3A_97 : memref<4096xf32, #tpu.memory_space<hbm>>) dst(%arg20 : memref<4096xf32, #tpu.memory_space<vmem>>)
        tpu.yield
      }) : () -> ()
      "tpu.region"() ({
        %run_scoped3A = tpu.sem_alloc : memref<!tpu.dma_semaphore, #tpu.memory_space<semaphore_mem>>
        %dma_start3A = tpu.memref_slice %arg7[%multiple_of3A_44] : memref<131072xf32, #tpu.memory_space<hbm>> -> memref<4096xf32, #tpu.memory_space<hbm>>
        %dma_start3A_96 = tpu.memref_slice %arg7[%multiple_of3A_44] : memref<131072xf32, #tpu.memory_space<hbm>> -> memref<4096xf32, #tpu.memory_space<hbm>>
        tpu.enqueue_dma source(%dma_start3A_96 : memref<4096xf32, #tpu.memory_space<hbm>>) target(%arg21 : memref<4096xf32, #tpu.memory_space<vmem>>) target_semaphore(%run_scoped3A : memref<!tpu.dma_semaphore, #tpu.memory_space<semaphore_mem>>)
        %dma_wait3A = tpu.memref_slice %arg7[%multiple_of3A_44] : memref<131072xf32, #tpu.memory_space<hbm>> -> memref<4096xf32, #tpu.memory_space<hbm>>
        %dma_wait3A_97 = tpu.memref_slice %arg7[%multiple_of3A_44] : memref<131072xf32, #tpu.memory_space<hbm>> -> memref<4096xf32, #tpu.memory_space<hbm>>
        tpu.wait_dma2 semaphore(%run_scoped3A : memref<!tpu.dma_semaphore, #tpu.memory_space<semaphore_mem>>) src(%dma_wait3A_97 : memref<4096xf32, #tpu.memory_space<hbm>>) dst(%arg21 : memref<4096xf32, #tpu.memory_space<vmem>>)
        tpu.yield
      }) : () -> ()
      %scan3A_45 = arith.constant 0 : i32
      %scan3A_46 = arith.constant 0 : i32
      %scan3A_47 = arith.constant 256 : i32
      %scan3A_48 = arith.addi %scan3A_46, %scan3A_47 : i32
      %scan3A_49 = arith.constant 1 : i32
      scf.for %scan3A_96 = %scan3A_46 to %scan3A_48 step %scan3A_49  : i32 {
        %mul3A_97 = arith.constant 16 : i32
        %mul3A_98 = arith.muli %scan3A_96, %mul3A_97 : i32
        %get3A = arith.index_cast %mul3A_98 : i32 to index
        %get3A_99 = tpu.vector_load %arg15[%get3A] {strides = array<i32>} : memref<4096xi32, #tpu.memory_space<vmem>>, vector<16xi32>,
        %sub3A = vector.broadcast %mul3A_6 : i32 to vector<16xi32>
        %sub3A_100 = arith.subi %get3A_99, %sub3A : vector<16xi32>
        %get3A_101 = arith.index_cast %mul3A_98 : i32 to index
        %get3A_102 = tpu.vector_load %arg16[%get3A_101] {strides = array<i32>} : memref<4096xf32, #tpu.memory_space<vmem>>, vector<16xf32>,
        tpu.vector_store_idx %arg22[%sub3A_100], %get3A_102 : memref<6144xf32, #tpu.memory_space<vmem>>[vector<16xi32>], vector<16xf32>,
        %get3A_103 = arith.index_cast %mul3A_98 : i32 to index
        %get3A_104 = tpu.vector_load %arg17[%get3A_103] {strides = array<i32>} : memref<4096xf32, #tpu.memory_space<vmem>>, vector<16xf32>,
        tpu.vector_store_idx %arg23[%sub3A_100], %get3A_104 : memref<6144xf32, #tpu.memory_space<vmem>>[vector<16xi32>], vector<16xf32>,
        %get3A_105 = arith.index_cast %mul3A_98 : i32 to index
        %get3A_106 = tpu.vector_load %arg18[%get3A_105] {strides = array<i32>} : memref<4096xf32, #tpu.memory_space<vmem>>, vector<16xf32>,
        tpu.vector_store_idx %arg24[%sub3A_100], %get3A_106 : memref<6144xf32, #tpu.memory_space<vmem>>[vector<16xi32>], vector<16xf32>,
        %get3A_107 = arith.index_cast %mul3A_98 : i32 to index
        %get3A_108 = tpu.vector_load %arg19[%get3A_107] {strides = array<i32>} : memref<4096xf32, #tpu.memory_space<vmem>>, vector<16xf32>,
        tpu.vector_store_idx %arg25[%sub3A_100], %get3A_108 : memref<6144xf32, #tpu.memory_space<vmem>>[vector<16xi32>], vector<16xf32>,
        %get3A_109 = arith.index_cast %mul3A_98 : i32 to index
        %get3A_110 = tpu.vector_load %arg20[%get3A_109] {strides = array<i32>} : memref<4096xf32, #tpu.memory_space<vmem>>, vector<16xf32>,
        tpu.vector_store_idx %arg26[%sub3A_100], %get3A_110 : memref<6144xf32, #tpu.memory_space<vmem>>[vector<16xi32>], vector<16xf32>,
        %get3A_111 = arith.index_cast %mul3A_98 : i32 to index
        %get3A_112 = tpu.vector_load %arg21[%get3A_111] {strides = array<i32>} : memref<4096xf32, #tpu.memory_space<vmem>>, vector<16xf32>,
        tpu.vector_store_idx %arg27[%sub3A_100], %get3A_112 : memref<6144xf32, #tpu.memory_space<vmem>>[vector<16xi32>], vector<16xf32>,
      }
      %scan3A_50 = arith.constant 256 : i32
      %add3A_51 = arith.constant 20480 : i32
      %add3A_52 = arith.addi %multiple_of3A, %add3A_51 : i32
      %multiple_of3A_53 = tpu.assume_multiple %add3A_52, 8 : i32
      "tpu.region"() ({
        %run_scoped3A = tpu.sem_alloc : memref<!tpu.dma_semaphore, #tpu.memory_space<semaphore_mem>>
        %dma_start3A = tpu.memref_slice %arg8[%multiple_of3A_53] : memref<131072xi32, #tpu.memory_space<hbm>> -> memref<4096xi32, #tpu.memory_space<hbm>>
        %dma_start3A_96 = tpu.memref_slice %arg8[%multiple_of3A_53] : memref<131072xi32, #tpu.memory_space<hbm>> -> memref<4096xi32, #tpu.memory_space<hbm>>
        tpu.enqueue_dma source(%dma_start3A_96 : memref<4096xi32, #tpu.memory_space<hbm>>) target(%arg15 : memref<4096xi32, #tpu.memory_space<vmem>>) target_semaphore(%run_scoped3A : memref<!tpu.dma_semaphore, #tpu.memory_space<semaphore_mem>>)
        %dma_wait3A = tpu.memref_slice %arg8[%multiple_of3A_53] : memref<131072xi32, #tpu.memory_space<hbm>> -> memref<4096xi32, #tpu.memory_space<hbm>>
        %dma_wait3A_97 = tpu.memref_slice %arg8[%multiple_of3A_53] : memref<131072xi32, #tpu.memory_space<hbm>> -> memref<4096xi32, #tpu.memory_space<hbm>>
        tpu.wait_dma2 semaphore(%run_scoped3A : memref<!tpu.dma_semaphore, #tpu.memory_space<semaphore_mem>>) src(%dma_wait3A_97 : memref<4096xi32, #tpu.memory_space<hbm>>) dst(%arg15 : memref<4096xi32, #tpu.memory_space<vmem>>)
        tpu.yield
      }) : () -> ()
      "tpu.region"() ({
        %run_scoped3A = tpu.sem_alloc : memref<!tpu.dma_semaphore, #tpu.memory_space<semaphore_mem>>
        %dma_start3A = tpu.memref_slice %arg2[%multiple_of3A_53] : memref<131072xf32, #tpu.memory_space<hbm>> -> memref<4096xf32, #tpu.memory_space<hbm>>
        %dma_start3A_96 = tpu.memref_slice %arg2[%multiple_of3A_53] : memref<131072xf32, #tpu.memory_space<hbm>> -> memref<4096xf32, #tpu.memory_space<hbm>>
        tpu.enqueue_dma source(%dma_start3A_96 : memref<4096xf32, #tpu.memory_space<hbm>>) target(%arg16 : memref<4096xf32, #tpu.memory_space<vmem>>) target_semaphore(%run_scoped3A : memref<!tpu.dma_semaphore, #tpu.memory_space<semaphore_mem>>)
        %dma_wait3A = tpu.memref_slice %arg2[%multiple_of3A_53] : memref<131072xf32, #tpu.memory_space<hbm>> -> memref<4096xf32, #tpu.memory_space<hbm>>
        %dma_wait3A_97 = tpu.memref_slice %arg2[%multiple_of3A_53] : memref<131072xf32, #tpu.memory_space<hbm>> -> memref<4096xf32, #tpu.memory_space<hbm>>
        tpu.wait_dma2 semaphore(%run_scoped3A : memref<!tpu.dma_semaphore, #tpu.memory_space<semaphore_mem>>) src(%dma_wait3A_97 : memref<4096xf32, #tpu.memory_space<hbm>>) dst(%arg16 : memref<4096xf32, #tpu.memory_space<vmem>>)
        tpu.yield
      }) : () -> ()
      "tpu.region"() ({
        %run_scoped3A = tpu.sem_alloc : memref<!tpu.dma_semaphore, #tpu.memory_space<semaphore_mem>>
        %dma_start3A = tpu.memref_slice %arg3[%multiple_of3A_53] : memref<131072xf32, #tpu.memory_space<hbm>> -> memref<4096xf32, #tpu.memory_space<hbm>>
        %dma_start3A_96 = tpu.memref_slice %arg3[%multiple_of3A_53] : memref<131072xf32, #tpu.memory_space<hbm>> -> memref<4096xf32, #tpu.memory_space<hbm>>
        tpu.enqueue_dma source(%dma_start3A_96 : memref<4096xf32, #tpu.memory_space<hbm>>) target(%arg17 : memref<4096xf32, #tpu.memory_space<vmem>>) target_semaphore(%run_scoped3A : memref<!tpu.dma_semaphore, #tpu.memory_space<semaphore_mem>>)
        %dma_wait3A = tpu.memref_slice %arg3[%multiple_of3A_53] : memref<131072xf32, #tpu.memory_space<hbm>> -> memref<4096xf32, #tpu.memory_space<hbm>>
        %dma_wait3A_97 = tpu.memref_slice %arg3[%multiple_of3A_53] : memref<131072xf32, #tpu.memory_space<hbm>> -> memref<4096xf32, #tpu.memory_space<hbm>>
        tpu.wait_dma2 semaphore(%run_scoped3A : memref<!tpu.dma_semaphore, #tpu.memory_space<semaphore_mem>>) src(%dma_wait3A_97 : memref<4096xf32, #tpu.memory_space<hbm>>) dst(%arg17 : memref<4096xf32, #tpu.memory_space<vmem>>)
        tpu.yield
      }) : () -> ()
      "tpu.region"() ({
        %run_scoped3A = tpu.sem_alloc : memref<!tpu.dma_semaphore, #tpu.memory_space<semaphore_mem>>
        %dma_start3A = tpu.memref_slice %arg4[%multiple_of3A_53] : memref<131072xf32, #tpu.memory_space<hbm>> -> memref<4096xf32, #tpu.memory_space<hbm>>
        %dma_start3A_96 = tpu.memref_slice %arg4[%multiple_of3A_53] : memref<131072xf32, #tpu.memory_space<hbm>> -> memref<4096xf32, #tpu.memory_space<hbm>>
        tpu.enqueue_dma source(%dma_start3A_96 : memref<4096xf32, #tpu.memory_space<hbm>>) target(%arg18 : memref<4096xf32, #tpu.memory_space<vmem>>) target_semaphore(%run_scoped3A : memref<!tpu.dma_semaphore, #tpu.memory_space<semaphore_mem>>)
        %dma_wait3A = tpu.memref_slice %arg4[%multiple_of3A_53] : memref<131072xf32, #tpu.memory_space<hbm>> -> memref<4096xf32, #tpu.memory_space<hbm>>
        %dma_wait3A_97 = tpu.memref_slice %arg4[%multiple_of3A_53] : memref<131072xf32, #tpu.memory_space<hbm>> -> memref<4096xf32, #tpu.memory_space<hbm>>
        tpu.wait_dma2 semaphore(%run_scoped3A : memref<!tpu.dma_semaphore, #tpu.memory_space<semaphore_mem>>) src(%dma_wait3A_97 : memref<4096xf32, #tpu.memory_space<hbm>>) dst(%arg18 : memref<4096xf32, #tpu.memory_space<vmem>>)
        tpu.yield
      }) : () -> ()
      "tpu.region"() ({
        %run_scoped3A = tpu.sem_alloc : memref<!tpu.dma_semaphore, #tpu.memory_space<semaphore_mem>>
        %dma_start3A = tpu.memref_slice %arg5[%multiple_of3A_53] : memref<131072xf32, #tpu.memory_space<hbm>> -> memref<4096xf32, #tpu.memory_space<hbm>>
        %dma_start3A_96 = tpu.memref_slice %arg5[%multiple_of3A_53] : memref<131072xf32, #tpu.memory_space<hbm>> -> memref<4096xf32, #tpu.memory_space<hbm>>
        tpu.enqueue_dma source(%dma_start3A_96 : memref<4096xf32, #tpu.memory_space<hbm>>) target(%arg19 : memref<4096xf32, #tpu.memory_space<vmem>>) target_semaphore(%run_scoped3A : memref<!tpu.dma_semaphore, #tpu.memory_space<semaphore_mem>>)
        %dma_wait3A = tpu.memref_slice %arg5[%multiple_of3A_53] : memref<131072xf32, #tpu.memory_space<hbm>> -> memref<4096xf32, #tpu.memory_space<hbm>>
        %dma_wait3A_97 = tpu.memref_slice %arg5[%multiple_of3A_53] : memref<131072xf32, #tpu.memory_space<hbm>> -> memref<4096xf32, #tpu.memory_space<hbm>>
        tpu.wait_dma2 semaphore(%run_scoped3A : memref<!tpu.dma_semaphore, #tpu.memory_space<semaphore_mem>>) src(%dma_wait3A_97 : memref<4096xf32, #tpu.memory_space<hbm>>) dst(%arg19 : memref<4096xf32, #tpu.memory_space<vmem>>)
        tpu.yield
      }) : () -> ()
      "tpu.region"() ({
        %run_scoped3A = tpu.sem_alloc : memref<!tpu.dma_semaphore, #tpu.memory_space<semaphore_mem>>
        %dma_start3A = tpu.memref_slice %arg6[%multiple_of3A_53] : memref<131072xf32, #tpu.memory_space<hbm>> -> memref<4096xf32, #tpu.memory_space<hbm>>
        %dma_start3A_96 = tpu.memref_slice %arg6[%multiple_of3A_53] : memref<131072xf32, #tpu.memory_space<hbm>> -> memref<4096xf32, #tpu.memory_space<hbm>>
        tpu.enqueue_dma source(%dma_start3A_96 : memref<4096xf32, #tpu.memory_space<hbm>>) target(%arg20 : memref<4096xf32, #tpu.memory_space<vmem>>) target_semaphore(%run_scoped3A : memref<!tpu.dma_semaphore, #tpu.memory_space<semaphore_mem>>)
        %dma_wait3A = tpu.memref_slice %arg6[%multiple_of3A_53] : memref<131072xf32, #tpu.memory_space<hbm>> -> memref<4096xf32, #tpu.memory_space<hbm>>
        %dma_wait3A_97 = tpu.memref_slice %arg6[%multiple_of3A_53] : memref<131072xf32, #tpu.memory_space<hbm>> -> memref<4096xf32, #tpu.memory_space<hbm>>
        tpu.wait_dma2 semaphore(%run_scoped3A : memref<!tpu.dma_semaphore, #tpu.memory_space<semaphore_mem>>) src(%dma_wait3A_97 : memref<4096xf32, #tpu.memory_space<hbm>>) dst(%arg20 : memref<4096xf32, #tpu.memory_space<vmem>>)
        tpu.yield
      }) : () -> ()
      "tpu.region"() ({
        %run_scoped3A = tpu.sem_alloc : memref<!tpu.dma_semaphore, #tpu.memory_space<semaphore_mem>>
        %dma_start3A = tpu.memref_slice %arg7[%multiple_of3A_53] : memref<131072xf32, #tpu.memory_space<hbm>> -> memref<4096xf32, #tpu.memory_space<hbm>>
        %dma_start3A_96 = tpu.memref_slice %arg7[%multiple_of3A_53] : memref<131072xf32, #tpu.memory_space<hbm>> -> memref<4096xf32, #tpu.memory_space<hbm>>
        tpu.enqueue_dma source(%dma_start3A_96 : memref<4096xf32, #tpu.memory_space<hbm>>) target(%arg21 : memref<4096xf32, #tpu.memory_space<vmem>>) target_semaphore(%run_scoped3A : memref<!tpu.dma_semaphore, #tpu.memory_space<semaphore_mem>>)
        %dma_wait3A = tpu.memref_slice %arg7[%multiple_of3A_53] : memref<131072xf32, #tpu.memory_space<hbm>> -> memref<4096xf32, #tpu.memory_space<hbm>>
        %dma_wait3A_97 = tpu.memref_slice %arg7[%multiple_of3A_53] : memref<131072xf32, #tpu.memory_space<hbm>> -> memref<4096xf32, #tpu.memory_space<hbm>>
        tpu.wait_dma2 semaphore(%run_scoped3A : memref<!tpu.dma_semaphore, #tpu.memory_space<semaphore_mem>>) src(%dma_wait3A_97 : memref<4096xf32, #tpu.memory_space<hbm>>) dst(%arg21 : memref<4096xf32, #tpu.memory_space<vmem>>)
        tpu.yield
      }) : () -> ()
      %scan3A_54 = arith.constant 0 : i32
      %scan3A_55 = arith.constant 0 : i32
      %scan3A_56 = arith.constant 256 : i32
      %scan3A_57 = arith.addi %scan3A_55, %scan3A_56 : i32
      %scan3A_58 = arith.constant 1 : i32
      scf.for %scan3A_96 = %scan3A_55 to %scan3A_57 step %scan3A_58  : i32 {
        %mul3A_97 = arith.constant 16 : i32
        %mul3A_98 = arith.muli %scan3A_96, %mul3A_97 : i32
        %get3A = arith.index_cast %mul3A_98 : i32 to index
        %get3A_99 = tpu.vector_load %arg15[%get3A] {strides = array<i32>} : memref<4096xi32, #tpu.memory_space<vmem>>, vector<16xi32>,
        %sub3A = vector.broadcast %mul3A_6 : i32 to vector<16xi32>
        %sub3A_100 = arith.subi %get3A_99, %sub3A : vector<16xi32>
        %get3A_101 = arith.index_cast %mul3A_98 : i32 to index
        %get3A_102 = tpu.vector_load %arg16[%get3A_101] {strides = array<i32>} : memref<4096xf32, #tpu.memory_space<vmem>>, vector<16xf32>,
        tpu.vector_store_idx %arg22[%sub3A_100], %get3A_102 : memref<6144xf32, #tpu.memory_space<vmem>>[vector<16xi32>], vector<16xf32>,
        %get3A_103 = arith.index_cast %mul3A_98 : i32 to index
        %get3A_104 = tpu.vector_load %arg17[%get3A_103] {strides = array<i32>} : memref<4096xf32, #tpu.memory_space<vmem>>, vector<16xf32>,
        tpu.vector_store_idx %arg23[%sub3A_100], %get3A_104 : memref<6144xf32, #tpu.memory_space<vmem>>[vector<16xi32>], vector<16xf32>,
        %get3A_105 = arith.index_cast %mul3A_98 : i32 to index
        %get3A_106 = tpu.vector_load %arg18[%get3A_105] {strides = array<i32>} : memref<4096xf32, #tpu.memory_space<vmem>>, vector<16xf32>,
        tpu.vector_store_idx %arg24[%sub3A_100], %get3A_106 : memref<6144xf32, #tpu.memory_space<vmem>>[vector<16xi32>], vector<16xf32>,
        %get3A_107 = arith.index_cast %mul3A_98 : i32 to index
        %get3A_108 = tpu.vector_load %arg19[%get3A_107] {strides = array<i32>} : memref<4096xf32, #tpu.memory_space<vmem>>, vector<16xf32>,
        tpu.vector_store_idx %arg25[%sub3A_100], %get3A_108 : memref<6144xf32, #tpu.memory_space<vmem>>[vector<16xi32>], vector<16xf32>,
        %get3A_109 = arith.index_cast %mul3A_98 : i32 to index
        %get3A_110 = tpu.vector_load %arg20[%get3A_109] {strides = array<i32>} : memref<4096xf32, #tpu.memory_space<vmem>>, vector<16xf32>,
        tpu.vector_store_idx %arg26[%sub3A_100], %get3A_110 : memref<6144xf32, #tpu.memory_space<vmem>>[vector<16xi32>], vector<16xf32>,
        %get3A_111 = arith.index_cast %mul3A_98 : i32 to index
        %get3A_112 = tpu.vector_load %arg21[%get3A_111] {strides = array<i32>} : memref<4096xf32, #tpu.memory_space<vmem>>, vector<16xf32>,
        tpu.vector_store_idx %arg27[%sub3A_100], %get3A_112 : memref<6144xf32, #tpu.memory_space<vmem>>[vector<16xi32>], vector<16xf32>,
      }
      %scan3A_59 = arith.constant 256 : i32
      %add3A_60 = arith.constant 24576 : i32
      %add3A_61 = arith.addi %multiple_of3A, %add3A_60 : i32
      %multiple_of3A_62 = tpu.assume_multiple %add3A_61, 8 : i32
      "tpu.region"() ({
        %run_scoped3A = tpu.sem_alloc : memref<!tpu.dma_semaphore, #tpu.memory_space<semaphore_mem>>
        %dma_start3A = tpu.memref_slice %arg8[%multiple_of3A_62] : memref<131072xi32, #tpu.memory_space<hbm>> -> memref<4096xi32, #tpu.memory_space<hbm>>
        %dma_start3A_96 = tpu.memref_slice %arg8[%multiple_of3A_62] : memref<131072xi32, #tpu.memory_space<hbm>> -> memref<4096xi32, #tpu.memory_space<hbm>>
        tpu.enqueue_dma source(%dma_start3A_96 : memref<4096xi32, #tpu.memory_space<hbm>>) target(%arg15 : memref<4096xi32, #tpu.memory_space<vmem>>) target_semaphore(%run_scoped3A : memref<!tpu.dma_semaphore, #tpu.memory_space<semaphore_mem>>)
        %dma_wait3A = tpu.memref_slice %arg8[%multiple_of3A_62] : memref<131072xi32, #tpu.memory_space<hbm>> -> memref<4096xi32, #tpu.memory_space<hbm>>
        %dma_wait3A_97 = tpu.memref_slice %arg8[%multiple_of3A_62] : memref<131072xi32, #tpu.memory_space<hbm>> -> memref<4096xi32, #tpu.memory_space<hbm>>
        tpu.wait_dma2 semaphore(%run_scoped3A : memref<!tpu.dma_semaphore, #tpu.memory_space<semaphore_mem>>) src(%dma_wait3A_97 : memref<4096xi32, #tpu.memory_space<hbm>>) dst(%arg15 : memref<4096xi32, #tpu.memory_space<vmem>>)
        tpu.yield
      }) : () -> ()
      "tpu.region"() ({
        %run_scoped3A = tpu.sem_alloc : memref<!tpu.dma_semaphore, #tpu.memory_space<semaphore_mem>>
        %dma_start3A = tpu.memref_slice %arg2[%multiple_of3A_62] : memref<131072xf32, #tpu.memory_space<hbm>> -> memref<4096xf32, #tpu.memory_space<hbm>>
        %dma_start3A_96 = tpu.memref_slice %arg2[%multiple_of3A_62] : memref<131072xf32, #tpu.memory_space<hbm>> -> memref<4096xf32, #tpu.memory_space<hbm>>
        tpu.enqueue_dma source(%dma_start3A_96 : memref<4096xf32, #tpu.memory_space<hbm>>) target(%arg16 : memref<4096xf32, #tpu.memory_space<vmem>>) target_semaphore(%run_scoped3A : memref<!tpu.dma_semaphore, #tpu.memory_space<semaphore_mem>>)
        %dma_wait3A = tpu.memref_slice %arg2[%multiple_of3A_62] : memref<131072xf32, #tpu.memory_space<hbm>> -> memref<4096xf32, #tpu.memory_space<hbm>>
        %dma_wait3A_97 = tpu.memref_slice %arg2[%multiple_of3A_62] : memref<131072xf32, #tpu.memory_space<hbm>> -> memref<4096xf32, #tpu.memory_space<hbm>>
        tpu.wait_dma2 semaphore(%run_scoped3A : memref<!tpu.dma_semaphore, #tpu.memory_space<semaphore_mem>>) src(%dma_wait3A_97 : memref<4096xf32, #tpu.memory_space<hbm>>) dst(%arg16 : memref<4096xf32, #tpu.memory_space<vmem>>)
        tpu.yield
      }) : () -> ()
      "tpu.region"() ({
        %run_scoped3A = tpu.sem_alloc : memref<!tpu.dma_semaphore, #tpu.memory_space<semaphore_mem>>
        %dma_start3A = tpu.memref_slice %arg3[%multiple_of3A_62] : memref<131072xf32, #tpu.memory_space<hbm>> -> memref<4096xf32, #tpu.memory_space<hbm>>
        %dma_start3A_96 = tpu.memref_slice %arg3[%multiple_of3A_62] : memref<131072xf32, #tpu.memory_space<hbm>> -> memref<4096xf32, #tpu.memory_space<hbm>>
        tpu.enqueue_dma source(%dma_start3A_96 : memref<4096xf32, #tpu.memory_space<hbm>>) target(%arg17 : memref<4096xf32, #tpu.memory_space<vmem>>) target_semaphore(%run_scoped3A : memref<!tpu.dma_semaphore, #tpu.memory_space<semaphore_mem>>)
        %dma_wait3A = tpu.memref_slice %arg3[%multiple_of3A_62] : memref<131072xf32, #tpu.memory_space<hbm>> -> memref<4096xf32, #tpu.memory_space<hbm>>
        %dma_wait3A_97 = tpu.memref_slice %arg3[%multiple_of3A_62] : memref<131072xf32, #tpu.memory_space<hbm>> -> memref<4096xf32, #tpu.memory_space<hbm>>
        tpu.wait_dma2 semaphore(%run_scoped3A : memref<!tpu.dma_semaphore, #tpu.memory_space<semaphore_mem>>) src(%dma_wait3A_97 : memref<4096xf32, #tpu.memory_space<hbm>>) dst(%arg17 : memref<4096xf32, #tpu.memory_space<vmem>>)
        tpu.yield
      }) : () -> ()
      "tpu.region"() ({
        %run_scoped3A = tpu.sem_alloc : memref<!tpu.dma_semaphore, #tpu.memory_space<semaphore_mem>>
        %dma_start3A = tpu.memref_slice %arg4[%multiple_of3A_62] : memref<131072xf32, #tpu.memory_space<hbm>> -> memref<4096xf32, #tpu.memory_space<hbm>>
        %dma_start3A_96 = tpu.memref_slice %arg4[%multiple_of3A_62] : memref<131072xf32, #tpu.memory_space<hbm>> -> memref<4096xf32, #tpu.memory_space<hbm>>
        tpu.enqueue_dma source(%dma_start3A_96 : memref<4096xf32, #tpu.memory_space<hbm>>) target(%arg18 : memref<4096xf32, #tpu.memory_space<vmem>>) target_semaphore(%run_scoped3A : memref<!tpu.dma_semaphore, #tpu.memory_space<semaphore_mem>>)
        %dma_wait3A = tpu.memref_slice %arg4[%multiple_of3A_62] : memref<131072xf32, #tpu.memory_space<hbm>> -> memref<4096xf32, #tpu.memory_space<hbm>>
        %dma_wait3A_97 = tpu.memref_slice %arg4[%multiple_of3A_62] : memref<131072xf32, #tpu.memory_space<hbm>> -> memref<4096xf32, #tpu.memory_space<hbm>>
        tpu.wait_dma2 semaphore(%run_scoped3A : memref<!tpu.dma_semaphore, #tpu.memory_space<semaphore_mem>>) src(%dma_wait3A_97 : memref<4096xf32, #tpu.memory_space<hbm>>) dst(%arg18 : memref<4096xf32, #tpu.memory_space<vmem>>)
        tpu.yield
      }) : () -> ()
      "tpu.region"() ({
        %run_scoped3A = tpu.sem_alloc : memref<!tpu.dma_semaphore, #tpu.memory_space<semaphore_mem>>
        %dma_start3A = tpu.memref_slice %arg5[%multiple_of3A_62] : memref<131072xf32, #tpu.memory_space<hbm>> -> memref<4096xf32, #tpu.memory_space<hbm>>
        %dma_start3A_96 = tpu.memref_slice %arg5[%multiple_of3A_62] : memref<131072xf32, #tpu.memory_space<hbm>> -> memref<4096xf32, #tpu.memory_space<hbm>>
        tpu.enqueue_dma source(%dma_start3A_96 : memref<4096xf32, #tpu.memory_space<hbm>>) target(%arg19 : memref<4096xf32, #tpu.memory_space<vmem>>) target_semaphore(%run_scoped3A : memref<!tpu.dma_semaphore, #tpu.memory_space<semaphore_mem>>)
        %dma_wait3A = tpu.memref_slice %arg5[%multiple_of3A_62] : memref<131072xf32, #tpu.memory_space<hbm>> -> memref<4096xf32, #tpu.memory_space<hbm>>
        %dma_wait3A_97 = tpu.memref_slice %arg5[%multiple_of3A_62] : memref<131072xf32, #tpu.memory_space<hbm>> -> memref<4096xf32, #tpu.memory_space<hbm>>
        tpu.wait_dma2 semaphore(%run_scoped3A : memref<!tpu.dma_semaphore, #tpu.memory_space<semaphore_mem>>) src(%dma_wait3A_97 : memref<4096xf32, #tpu.memory_space<hbm>>) dst(%arg19 : memref<4096xf32, #tpu.memory_space<vmem>>)
        tpu.yield
      }) : () -> ()
      "tpu.region"() ({
        %run_scoped3A = tpu.sem_alloc : memref<!tpu.dma_semaphore, #tpu.memory_space<semaphore_mem>>
        %dma_start3A = tpu.memref_slice %arg6[%multiple_of3A_62] : memref<131072xf32, #tpu.memory_space<hbm>> -> memref<4096xf32, #tpu.memory_space<hbm>>
        %dma_start3A_96 = tpu.memref_slice %arg6[%multiple_of3A_62] : memref<131072xf32, #tpu.memory_space<hbm>> -> memref<4096xf32, #tpu.memory_space<hbm>>
        tpu.enqueue_dma source(%dma_start3A_96 : memref<4096xf32, #tpu.memory_space<hbm>>) target(%arg20 : memref<4096xf32, #tpu.memory_space<vmem>>) target_semaphore(%run_scoped3A : memref<!tpu.dma_semaphore, #tpu.memory_space<semaphore_mem>>)
        %dma_wait3A = tpu.memref_slice %arg6[%multiple_of3A_62] : memref<131072xf32, #tpu.memory_space<hbm>> -> memref<4096xf32, #tpu.memory_space<hbm>>
        %dma_wait3A_97 = tpu.memref_slice %arg6[%multiple_of3A_62] : memref<131072xf32, #tpu.memory_space<hbm>> -> memref<4096xf32, #tpu.memory_space<hbm>>
        tpu.wait_dma2 semaphore(%run_scoped3A : memref<!tpu.dma_semaphore, #tpu.memory_space<semaphore_mem>>) src(%dma_wait3A_97 : memref<4096xf32, #tpu.memory_space<hbm>>) dst(%arg20 : memref<4096xf32, #tpu.memory_space<vmem>>)
        tpu.yield
      }) : () -> ()
      "tpu.region"() ({
        %run_scoped3A = tpu.sem_alloc : memref<!tpu.dma_semaphore, #tpu.memory_space<semaphore_mem>>
        %dma_start3A = tpu.memref_slice %arg7[%multiple_of3A_62] : memref<131072xf32, #tpu.memory_space<hbm>> -> memref<4096xf32, #tpu.memory_space<hbm>>
        %dma_start3A_96 = tpu.memref_slice %arg7[%multiple_of3A_62] : memref<131072xf32, #tpu.memory_space<hbm>> -> memref<4096xf32, #tpu.memory_space<hbm>>
        tpu.enqueue_dma source(%dma_start3A_96 : memref<4096xf32, #tpu.memory_space<hbm>>) target(%arg21 : memref<4096xf32, #tpu.memory_space<vmem>>) target_semaphore(%run_scoped3A : memref<!tpu.dma_semaphore, #tpu.memory_space<semaphore_mem>>)
        %dma_wait3A = tpu.memref_slice %arg7[%multiple_of3A_62] : memref<131072xf32, #tpu.memory_space<hbm>> -> memref<4096xf32, #tpu.memory_space<hbm>>
        %dma_wait3A_97 = tpu.memref_slice %arg7[%multiple_of3A_62] : memref<131072xf32, #tpu.memory_space<hbm>> -> memref<4096xf32, #tpu.memory_space<hbm>>
        tpu.wait_dma2 semaphore(%run_scoped3A : memref<!tpu.dma_semaphore, #tpu.memory_space<semaphore_mem>>) src(%dma_wait3A_97 : memref<4096xf32, #tpu.memory_space<hbm>>) dst(%arg21 : memref<4096xf32, #tpu.memory_space<vmem>>)
        tpu.yield
      }) : () -> ()
      %scan3A_63 = arith.constant 0 : i32
      %scan3A_64 = arith.constant 0 : i32
      %scan3A_65 = arith.constant 256 : i32
      %scan3A_66 = arith.addi %scan3A_64, %scan3A_65 : i32
      %scan3A_67 = arith.constant 1 : i32
      scf.for %scan3A_96 = %scan3A_64 to %scan3A_66 step %scan3A_67  : i32 {
        %mul3A_97 = arith.constant 16 : i32
        %mul3A_98 = arith.muli %scan3A_96, %mul3A_97 : i32
        %get3A = arith.index_cast %mul3A_98 : i32 to index
        %get3A_99 = tpu.vector_load %arg15[%get3A] {strides = array<i32>} : memref<4096xi32, #tpu.memory_space<vmem>>, vector<16xi32>,
        %sub3A = vector.broadcast %mul3A_6 : i32 to vector<16xi32>
        %sub3A_100 = arith.subi %get3A_99, %sub3A : vector<16xi32>
        %get3A_101 = arith.index_cast %mul3A_98 : i32 to index
        %get3A_102 = tpu.vector_load %arg16[%get3A_101] {strides = array<i32>} : memref<4096xf32, #tpu.memory_space<vmem>>, vector<16xf32>,
        tpu.vector_store_idx %arg22[%sub3A_100], %get3A_102 : memref<6144xf32, #tpu.memory_space<vmem>>[vector<16xi32>], vector<16xf32>,
        %get3A_103 = arith.index_cast %mul3A_98 : i32 to index
        %get3A_104 = tpu.vector_load %arg17[%get3A_103] {strides = array<i32>} : memref<4096xf32, #tpu.memory_space<vmem>>, vector<16xf32>,
        tpu.vector_store_idx %arg23[%sub3A_100], %get3A_104 : memref<6144xf32, #tpu.memory_space<vmem>>[vector<16xi32>], vector<16xf32>,
        %get3A_105 = arith.index_cast %mul3A_98 : i32 to index
        %get3A_106 = tpu.vector_load %arg18[%get3A_105] {strides = array<i32>} : memref<4096xf32, #tpu.memory_space<vmem>>, vector<16xf32>,
        tpu.vector_store_idx %arg24[%sub3A_100], %get3A_106 : memref<6144xf32, #tpu.memory_space<vmem>>[vector<16xi32>], vector<16xf32>,
        %get3A_107 = arith.index_cast %mul3A_98 : i32 to index
        %get3A_108 = tpu.vector_load %arg19[%get3A_107] {strides = array<i32>} : memref<4096xf32, #tpu.memory_space<vmem>>, vector<16xf32>,
        tpu.vector_store_idx %arg25[%sub3A_100], %get3A_108 : memref<6144xf32, #tpu.memory_space<vmem>>[vector<16xi32>], vector<16xf32>,
        %get3A_109 = arith.index_cast %mul3A_98 : i32 to index
        %get3A_110 = tpu.vector_load %arg20[%get3A_109] {strides = array<i32>} : memref<4096xf32, #tpu.memory_space<vmem>>, vector<16xf32>,
        tpu.vector_store_idx %arg26[%sub3A_100], %get3A_110 : memref<6144xf32, #tpu.memory_space<vmem>>[vector<16xi32>], vector<16xf32>,
        %get3A_111 = arith.index_cast %mul3A_98 : i32 to index
        %get3A_112 = tpu.vector_load %arg21[%get3A_111] {strides = array<i32>} : memref<4096xf32, #tpu.memory_space<vmem>>, vector<16xf32>,
        tpu.vector_store_idx %arg27[%sub3A_100], %get3A_112 : memref<6144xf32, #tpu.memory_space<vmem>>[vector<16xi32>], vector<16xf32>,
      }
      %scan3A_68 = arith.constant 256 : i32
      %add3A_69 = arith.constant 28672 : i32
      %add3A_70 = arith.addi %multiple_of3A, %add3A_69 : i32
      %multiple_of3A_71 = tpu.assume_multiple %add3A_70, 8 : i32
      "tpu.region"() ({
        %run_scoped3A = tpu.sem_alloc : memref<!tpu.dma_semaphore, #tpu.memory_space<semaphore_mem>>
        %dma_start3A = tpu.memref_slice %arg8[%multiple_of3A_71] : memref<131072xi32, #tpu.memory_space<hbm>> -> memref<4096xi32, #tpu.memory_space<hbm>>
        %dma_start3A_96 = tpu.memref_slice %arg8[%multiple_of3A_71] : memref<131072xi32, #tpu.memory_space<hbm>> -> memref<4096xi32, #tpu.memory_space<hbm>>
        tpu.enqueue_dma source(%dma_start3A_96 : memref<4096xi32, #tpu.memory_space<hbm>>) target(%arg15 : memref<4096xi32, #tpu.memory_space<vmem>>) target_semaphore(%run_scoped3A : memref<!tpu.dma_semaphore, #tpu.memory_space<semaphore_mem>>)
        %dma_wait3A = tpu.memref_slice %arg8[%multiple_of3A_71] : memref<131072xi32, #tpu.memory_space<hbm>> -> memref<4096xi32, #tpu.memory_space<hbm>>
        %dma_wait3A_97 = tpu.memref_slice %arg8[%multiple_of3A_71] : memref<131072xi32, #tpu.memory_space<hbm>> -> memref<4096xi32, #tpu.memory_space<hbm>>
        tpu.wait_dma2 semaphore(%run_scoped3A : memref<!tpu.dma_semaphore, #tpu.memory_space<semaphore_mem>>) src(%dma_wait3A_97 : memref<4096xi32, #tpu.memory_space<hbm>>) dst(%arg15 : memref<4096xi32, #tpu.memory_space<vmem>>)
        tpu.yield
      }) : () -> ()
      "tpu.region"() ({
        %run_scoped3A = tpu.sem_alloc : memref<!tpu.dma_semaphore, #tpu.memory_space<semaphore_mem>>
        %dma_start3A = tpu.memref_slice %arg2[%multiple_of3A_71] : memref<131072xf32, #tpu.memory_space<hbm>> -> memref<4096xf32, #tpu.memory_space<hbm>>
        %dma_start3A_96 = tpu.memref_slice %arg2[%multiple_of3A_71] : memref<131072xf32, #tpu.memory_space<hbm>> -> memref<4096xf32, #tpu.memory_space<hbm>>
        tpu.enqueue_dma source(%dma_start3A_96 : memref<4096xf32, #tpu.memory_space<hbm>>) target(%arg16 : memref<4096xf32, #tpu.memory_space<vmem>>) target_semaphore(%run_scoped3A : memref<!tpu.dma_semaphore, #tpu.memory_space<semaphore_mem>>)
        %dma_wait3A = tpu.memref_slice %arg2[%multiple_of3A_71] : memref<131072xf32, #tpu.memory_space<hbm>> -> memref<4096xf32, #tpu.memory_space<hbm>>
        %dma_wait3A_97 = tpu.memref_slice %arg2[%multiple_of3A_71] : memref<131072xf32, #tpu.memory_space<hbm>> -> memref<4096xf32, #tpu.memory_space<hbm>>
        tpu.wait_dma2 semaphore(%run_scoped3A : memref<!tpu.dma_semaphore, #tpu.memory_space<semaphore_mem>>) src(%dma_wait3A_97 : memref<4096xf32, #tpu.memory_space<hbm>>) dst(%arg16 : memref<4096xf32, #tpu.memory_space<vmem>>)
        tpu.yield
      }) : () -> ()
      "tpu.region"() ({
        %run_scoped3A = tpu.sem_alloc : memref<!tpu.dma_semaphore, #tpu.memory_space<semaphore_mem>>
        %dma_start3A = tpu.memref_slice %arg3[%multiple_of3A_71] : memref<131072xf32, #tpu.memory_space<hbm>> -> memref<4096xf32, #tpu.memory_space<hbm>>
        %dma_start3A_96 = tpu.memref_slice %arg3[%multiple_of3A_71] : memref<131072xf32, #tpu.memory_space<hbm>> -> memref<4096xf32, #tpu.memory_space<hbm>>
        tpu.enqueue_dma source(%dma_start3A_96 : memref<4096xf32, #tpu.memory_space<hbm>>) target(%arg17 : memref<4096xf32, #tpu.memory_space<vmem>>) target_semaphore(%run_scoped3A : memref<!tpu.dma_semaphore, #tpu.memory_space<semaphore_mem>>)
        %dma_wait3A = tpu.memref_slice %arg3[%multiple_of3A_71] : memref<131072xf32, #tpu.memory_space<hbm>> -> memref<4096xf32, #tpu.memory_space<hbm>>
        %dma_wait3A_97 = tpu.memref_slice %arg3[%multiple_of3A_71] : memref<131072xf32, #tpu.memory_space<hbm>> -> memref<4096xf32, #tpu.memory_space<hbm>>
        tpu.wait_dma2 semaphore(%run_scoped3A : memref<!tpu.dma_semaphore, #tpu.memory_space<semaphore_mem>>) src(%dma_wait3A_97 : memref<4096xf32, #tpu.memory_space<hbm>>) dst(%arg17 : memref<4096xf32, #tpu.memory_space<vmem>>)
        tpu.yield
      }) : () -> ()
      "tpu.region"() ({
        %run_scoped3A = tpu.sem_alloc : memref<!tpu.dma_semaphore, #tpu.memory_space<semaphore_mem>>
        %dma_start3A = tpu.memref_slice %arg4[%multiple_of3A_71] : memref<131072xf32, #tpu.memory_space<hbm>> -> memref<4096xf32, #tpu.memory_space<hbm>>
        %dma_start3A_96 = tpu.memref_slice %arg4[%multiple_of3A_71] : memref<131072xf32, #tpu.memory_space<hbm>> -> memref<4096xf32, #tpu.memory_space<hbm>>
        tpu.enqueue_dma source(%dma_start3A_96 : memref<4096xf32, #tpu.memory_space<hbm>>) target(%arg18 : memref<4096xf32, #tpu.memory_space<vmem>>) target_semaphore(%run_scoped3A : memref<!tpu.dma_semaphore, #tpu.memory_space<semaphore_mem>>)
        %dma_wait3A = tpu.memref_slice %arg4[%multiple_of3A_71] : memref<131072xf32, #tpu.memory_space<hbm>> -> memref<4096xf32, #tpu.memory_space<hbm>>
        %dma_wait3A_97 = tpu.memref_slice %arg4[%multiple_of3A_71] : memref<131072xf32, #tpu.memory_space<hbm>> -> memref<4096xf32, #tpu.memory_space<hbm>>
        tpu.wait_dma2 semaphore(%run_scoped3A : memref<!tpu.dma_semaphore, #tpu.memory_space<semaphore_mem>>) src(%dma_wait3A_97 : memref<4096xf32, #tpu.memory_space<hbm>>) dst(%arg18 : memref<4096xf32, #tpu.memory_space<vmem>>)
        tpu.yield
      }) : () -> ()
      "tpu.region"() ({
        %run_scoped3A = tpu.sem_alloc : memref<!tpu.dma_semaphore, #tpu.memory_space<semaphore_mem>>
        %dma_start3A = tpu.memref_slice %arg5[%multiple_of3A_71] : memref<131072xf32, #tpu.memory_space<hbm>> -> memref<4096xf32, #tpu.memory_space<hbm>>
        %dma_start3A_96 = tpu.memref_slice %arg5[%multiple_of3A_71] : memref<131072xf32, #tpu.memory_space<hbm>> -> memref<4096xf32, #tpu.memory_space<hbm>>
        tpu.enqueue_dma source(%dma_start3A_96 : memref<4096xf32, #tpu.memory_space<hbm>>) target(%arg19 : memref<4096xf32, #tpu.memory_space<vmem>>) target_semaphore(%run_scoped3A : memref<!tpu.dma_semaphore, #tpu.memory_space<semaphore_mem>>)
        %dma_wait3A = tpu.memref_slice %arg5[%multiple_of3A_71] : memref<131072xf32, #tpu.memory_space<hbm>> -> memref<4096xf32, #tpu.memory_space<hbm>>
        %dma_wait3A_97 = tpu.memref_slice %arg5[%multiple_of3A_71] : memref<131072xf32, #tpu.memory_space<hbm>> -> memref<4096xf32, #tpu.memory_space<hbm>>
        tpu.wait_dma2 semaphore(%run_scoped3A : memref<!tpu.dma_semaphore, #tpu.memory_space<semaphore_mem>>) src(%dma_wait3A_97 : memref<4096xf32, #tpu.memory_space<hbm>>) dst(%arg19 : memref<4096xf32, #tpu.memory_space<vmem>>)
        tpu.yield
      }) : () -> ()
      "tpu.region"() ({
        %run_scoped3A = tpu.sem_alloc : memref<!tpu.dma_semaphore, #tpu.memory_space<semaphore_mem>>
        %dma_start3A = tpu.memref_slice %arg6[%multiple_of3A_71] : memref<131072xf32, #tpu.memory_space<hbm>> -> memref<4096xf32, #tpu.memory_space<hbm>>
        %dma_start3A_96 = tpu.memref_slice %arg6[%multiple_of3A_71] : memref<131072xf32, #tpu.memory_space<hbm>> -> memref<4096xf32, #tpu.memory_space<hbm>>
        tpu.enqueue_dma source(%dma_start3A_96 : memref<4096xf32, #tpu.memory_space<hbm>>) target(%arg20 : memref<4096xf32, #tpu.memory_space<vmem>>) target_semaphore(%run_scoped3A : memref<!tpu.dma_semaphore, #tpu.memory_space<semaphore_mem>>)
        %dma_wait3A = tpu.memref_slice %arg6[%multiple_of3A_71] : memref<131072xf32, #tpu.memory_space<hbm>> -> memref<4096xf32, #tpu.memory_space<hbm>>
        %dma_wait3A_97 = tpu.memref_slice %arg6[%multiple_of3A_71] : memref<131072xf32, #tpu.memory_space<hbm>> -> memref<4096xf32, #tpu.memory_space<hbm>>
        tpu.wait_dma2 semaphore(%run_scoped3A : memref<!tpu.dma_semaphore, #tpu.memory_space<semaphore_mem>>) src(%dma_wait3A_97 : memref<4096xf32, #tpu.memory_space<hbm>>) dst(%arg20 : memref<4096xf32, #tpu.memory_space<vmem>>)
        tpu.yield
      }) : () -> ()
      "tpu.region"() ({
        %run_scoped3A = tpu.sem_alloc : memref<!tpu.dma_semaphore, #tpu.memory_space<semaphore_mem>>
        %dma_start3A = tpu.memref_slice %arg7[%multiple_of3A_71] : memref<131072xf32, #tpu.memory_space<hbm>> -> memref<4096xf32, #tpu.memory_space<hbm>>
        %dma_start3A_96 = tpu.memref_slice %arg7[%multiple_of3A_71] : memref<131072xf32, #tpu.memory_space<hbm>> -> memref<4096xf32, #tpu.memory_space<hbm>>
        tpu.enqueue_dma source(%dma_start3A_96 : memref<4096xf32, #tpu.memory_space<hbm>>) target(%arg21 : memref<4096xf32, #tpu.memory_space<vmem>>) target_semaphore(%run_scoped3A : memref<!tpu.dma_semaphore, #tpu.memory_space<semaphore_mem>>)
        %dma_wait3A = tpu.memref_slice %arg7[%multiple_of3A_71] : memref<131072xf32, #tpu.memory_space<hbm>> -> memref<4096xf32, #tpu.memory_space<hbm>>
        %dma_wait3A_97 = tpu.memref_slice %arg7[%multiple_of3A_71] : memref<131072xf32, #tpu.memory_space<hbm>> -> memref<4096xf32, #tpu.memory_space<hbm>>
        tpu.wait_dma2 semaphore(%run_scoped3A : memref<!tpu.dma_semaphore, #tpu.memory_space<semaphore_mem>>) src(%dma_wait3A_97 : memref<4096xf32, #tpu.memory_space<hbm>>) dst(%arg21 : memref<4096xf32, #tpu.memory_space<vmem>>)
        tpu.yield
      }) : () -> ()
      %scan3A_72 = arith.constant 0 : i32
      %scan3A_73 = arith.constant 0 : i32
      %scan3A_74 = arith.constant 256 : i32
      %scan3A_75 = arith.addi %scan3A_73, %scan3A_74 : i32
      %scan3A_76 = arith.constant 1 : i32
      scf.for %scan3A_96 = %scan3A_73 to %scan3A_75 step %scan3A_76  : i32 {
        %mul3A_97 = arith.constant 16 : i32
        %mul3A_98 = arith.muli %scan3A_96, %mul3A_97 : i32
        %get3A = arith.index_cast %mul3A_98 : i32 to index
        %get3A_99 = tpu.vector_load %arg15[%get3A] {strides = array<i32>} : memref<4096xi32, #tpu.memory_space<vmem>>, vector<16xi32>,
        %sub3A = vector.broadcast %mul3A_6 : i32 to vector<16xi32>
        %sub3A_100 = arith.subi %get3A_99, %sub3A : vector<16xi32>
        %get3A_101 = arith.index_cast %mul3A_98 : i32 to index
        %get3A_102 = tpu.vector_load %arg16[%get3A_101] {strides = array<i32>} : memref<4096xf32, #tpu.memory_space<vmem>>, vector<16xf32>,
        tpu.vector_store_idx %arg22[%sub3A_100], %get3A_102 : memref<6144xf32, #tpu.memory_space<vmem>>[vector<16xi32>], vector<16xf32>,
        %get3A_103 = arith.index_cast %mul3A_98 : i32 to index
        %get3A_104 = tpu.vector_load %arg17[%get3A_103] {strides = array<i32>} : memref<4096xf32, #tpu.memory_space<vmem>>, vector<16xf32>,
        tpu.vector_store_idx %arg23[%sub3A_100], %get3A_104 : memref<6144xf32, #tpu.memory_space<vmem>>[vector<16xi32>], vector<16xf32>,
        %get3A_105 = arith.index_cast %mul3A_98 : i32 to index
        %get3A_106 = tpu.vector_load %arg18[%get3A_105] {strides = array<i32>} : memref<4096xf32, #tpu.memory_space<vmem>>, vector<16xf32>,
        tpu.vector_store_idx %arg24[%sub3A_100], %get3A_106 : memref<6144xf32, #tpu.memory_space<vmem>>[vector<16xi32>], vector<16xf32>,
        %get3A_107 = arith.index_cast %mul3A_98 : i32 to index
        %get3A_108 = tpu.vector_load %arg19[%get3A_107] {strides = array<i32>} : memref<4096xf32, #tpu.memory_space<vmem>>, vector<16xf32>,
        tpu.vector_store_idx %arg25[%sub3A_100], %get3A_108 : memref<6144xf32, #tpu.memory_space<vmem>>[vector<16xi32>], vector<16xf32>,
        %get3A_109 = arith.index_cast %mul3A_98 : i32 to index
        %get3A_110 = tpu.vector_load %arg20[%get3A_109] {strides = array<i32>} : memref<4096xf32, #tpu.memory_space<vmem>>, vector<16xf32>,
        tpu.vector_store_idx %arg26[%sub3A_100], %get3A_110 : memref<6144xf32, #tpu.memory_space<vmem>>[vector<16xi32>], vector<16xf32>,
        %get3A_111 = arith.index_cast %mul3A_98 : i32 to index
        %get3A_112 = tpu.vector_load %arg21[%get3A_111] {strides = array<i32>} : memref<4096xf32, #tpu.memory_space<vmem>>, vector<16xf32>,
        tpu.vector_store_idx %arg27[%sub3A_100], %get3A_112 : memref<6144xf32, #tpu.memory_space<vmem>>[vector<16xi32>], vector<16xf32>,
      }
      %scan3A_77 = arith.constant 256 : i32
      %mul3A_78 = arith.constant 6144 : i32
      %mul3A_79 = arith.muli %add3A, %mul3A_78 : i32
      %multiple_of3A_80 = tpu.assume_multiple %mul3A_79, 8 : i32
      "tpu.region"() ({
        %run_scoped3A = tpu.sem_alloc : memref<!tpu.dma_semaphore, #tpu.memory_space<semaphore_mem>>
        %dma_start3A = tpu.memref_slice %arg9[%multiple_of3A_80] : memref<24576xf32, #tpu.memory_space<hbm>> -> memref<6144xf32, #tpu.memory_space<hbm>>
        %dma_start3A_96 = tpu.memref_slice %arg9[%multiple_of3A_80] : memref<24576xf32, #tpu.memory_space<hbm>> -> memref<6144xf32, #tpu.memory_space<hbm>>
        tpu.enqueue_dma source(%arg22 : memref<6144xf32, #tpu.memory_space<vmem>>) target(%dma_start3A_96 : memref<6144xf32, #tpu.memory_space<hbm>>) target_semaphore(%run_scoped3A : memref<!tpu.dma_semaphore, #tpu.memory_space<semaphore_mem>>)
        %dma_wait3A = tpu.memref_slice %arg9[%multiple_of3A_80] : memref<24576xf32, #tpu.memory_space<hbm>> -> memref<6144xf32, #tpu.memory_space<hbm>>
        %dma_wait3A_97 = tpu.memref_slice %arg9[%multiple_of3A_80] : memref<24576xf32, #tpu.memory_space<hbm>> -> memref<6144xf32, #tpu.memory_space<hbm>>
        tpu.wait_dma2 semaphore(%run_scoped3A : memref<!tpu.dma_semaphore, #tpu.memory_space<semaphore_mem>>) src(%arg22 : memref<6144xf32, #tpu.memory_space<vmem>>) dst(%dma_wait3A_97 : memref<6144xf32, #tpu.memory_space<hbm>>)
        tpu.yield
      }) : () -> ()
      %mul3A_81 = arith.constant 6144 : i32
      %mul3A_82 = arith.muli %add3A, %mul3A_81 : i32
      %multiple_of3A_83 = tpu.assume_multiple %mul3A_82, 8 : i32
      "tpu.region"() ({
        %run_scoped3A = tpu.sem_alloc : memref<!tpu.dma_semaphore, #tpu.memory_space<semaphore_mem>>
        %dma_start3A = tpu.memref_slice %arg10[%multiple_of3A_83] : memref<24576xf32, #tpu.memory_space<hbm>> -> memref<6144xf32, #tpu.memory_space<hbm>>
        %dma_start3A_96 = tpu.memref_slice %arg10[%multiple_of3A_83] : memref<24576xf32, #tpu.memory_space<hbm>> -> memref<6144xf32, #tpu.memory_space<hbm>>
        tpu.enqueue_dma source(%arg23 : memref<6144xf32, #tpu.memory_space<vmem>>) target(%dma_start3A_96 : memref<6144xf32, #tpu.memory_space<hbm>>) target_semaphore(%run_scoped3A : memref<!tpu.dma_semaphore, #tpu.memory_space<semaphore_mem>>)
        %dma_wait3A = tpu.memref_slice %arg10[%multiple_of3A_83] : memref<24576xf32, #tpu.memory_space<hbm>> -> memref<6144xf32, #tpu.memory_space<hbm>>
        %dma_wait3A_97 = tpu.memref_slice %arg10[%multiple_of3A_83] : memref<24576xf32, #tpu.memory_space<hbm>> -> memref<6144xf32, #tpu.memory_space<hbm>>
        tpu.wait_dma2 semaphore(%run_scoped3A : memref<!tpu.dma_semaphore, #tpu.memory_space<semaphore_mem>>) src(%arg23 : memref<6144xf32, #tpu.memory_space<vmem>>) dst(%dma_wait3A_97 : memref<6144xf32, #tpu.memory_space<hbm>>)
        tpu.yield
      }) : () -> ()
      %mul3A_84 = arith.constant 6144 : i32
      %mul3A_85 = arith.muli %add3A, %mul3A_84 : i32
      %multiple_of3A_86 = tpu.assume_multiple %mul3A_85, 8 : i32
      "tpu.region"() ({
        %run_scoped3A = tpu.sem_alloc : memref<!tpu.dma_semaphore, #tpu.memory_space<semaphore_mem>>
        %dma_start3A = tpu.memref_slice %arg11[%multiple_of3A_86] : memref<24576xf32, #tpu.memory_space<hbm>> -> memref<6144xf32, #tpu.memory_space<hbm>>
        %dma_start3A_96 = tpu.memref_slice %arg11[%multiple_of3A_86] : memref<24576xf32, #tpu.memory_space<hbm>> -> memref<6144xf32, #tpu.memory_space<hbm>>
        tpu.enqueue_dma source(%arg24 : memref<6144xf32, #tpu.memory_space<vmem>>) target(%dma_start3A_96 : memref<6144xf32, #tpu.memory_space<hbm>>) target_semaphore(%run_scoped3A : memref<!tpu.dma_semaphore, #tpu.memory_space<semaphore_mem>>)
        %dma_wait3A = tpu.memref_slice %arg11[%multiple_of3A_86] : memref<24576xf32, #tpu.memory_space<hbm>> -> memref<6144xf32, #tpu.memory_space<hbm>>
        %dma_wait3A_97 = tpu.memref_slice %arg11[%multiple_of3A_86] : memref<24576xf32, #tpu.memory_space<hbm>> -> memref<6144xf32, #tpu.memory_space<hbm>>
        tpu.wait_dma2 semaphore(%run_scoped3A : memref<!tpu.dma_semaphore, #tpu.memory_space<semaphore_mem>>) src(%arg24 : memref<6144xf32, #tpu.memory_space<vmem>>) dst(%dma_wait3A_97 : memref<6144xf32, #tpu.memory_space<hbm>>)
        tpu.yield
      }) : () -> ()
      %mul3A_87 = arith.constant 6144 : i32
      %mul3A_88 = arith.muli %add3A, %mul3A_87 : i32
      %multiple_of3A_89 = tpu.assume_multiple %mul3A_88, 8 : i32
      "tpu.region"() ({
        %run_scoped3A = tpu.sem_alloc : memref<!tpu.dma_semaphore, #tpu.memory_space<semaphore_mem>>
        %dma_start3A = tpu.memref_slice %arg12[%multiple_of3A_89] : memref<24576xf32, #tpu.memory_space<hbm>> -> memref<6144xf32, #tpu.memory_space<hbm>>
        %dma_start3A_96 = tpu.memref_slice %arg12[%multiple_of3A_89] : memref<24576xf32, #tpu.memory_space<hbm>> -> memref<6144xf32, #tpu.memory_space<hbm>>
        tpu.enqueue_dma source(%arg25 : memref<6144xf32, #tpu.memory_space<vmem>>) target(%dma_start3A_96 : memref<6144xf32, #tpu.memory_space<hbm>>) target_semaphore(%run_scoped3A : memref<!tpu.dma_semaphore, #tpu.memory_space<semaphore_mem>>)
        %dma_wait3A = tpu.memref_slice %arg12[%multiple_of3A_89] : memref<24576xf32, #tpu.memory_space<hbm>> -> memref<6144xf32, #tpu.memory_space<hbm>>
        %dma_wait3A_97 = tpu.memref_slice %arg12[%multiple_of3A_89] : memref<24576xf32, #tpu.memory_space<hbm>> -> memref<6144xf32, #tpu.memory_space<hbm>>
        tpu.wait_dma2 semaphore(%run_scoped3A : memref<!tpu.dma_semaphore, #tpu.memory_space<semaphore_mem>>) src(%arg25 : memref<6144xf32, #tpu.memory_space<vmem>>) dst(%dma_wait3A_97 : memref<6144xf32, #tpu.memory_space<hbm>>)
        tpu.yield
      }) : () -> ()
      %mul3A_90 = arith.constant 6144 : i32
      %mul3A_91 = arith.muli %add3A, %mul3A_90 : i32
      %multiple_of3A_92 = tpu.assume_multiple %mul3A_91, 8 : i32
      "tpu.region"() ({
        %run_scoped3A = tpu.sem_alloc : memref<!tpu.dma_semaphore, #tpu.memory_space<semaphore_mem>>
        %dma_start3A = tpu.memref_slice %arg13[%multiple_of3A_92] : memref<24576xf32, #tpu.memory_space<hbm>> -> memref<6144xf32, #tpu.memory_space<hbm>>
        %dma_start3A_96 = tpu.memref_slice %arg13[%multiple_of3A_92] : memref<24576xf32, #tpu.memory_space<hbm>> -> memref<6144xf32, #tpu.memory_space<hbm>>
        tpu.enqueue_dma source(%arg26 : memref<6144xf32, #tpu.memory_space<vmem>>) target(%dma_start3A_96 : memref<6144xf32, #tpu.memory_space<hbm>>) target_semaphore(%run_scoped3A : memref<!tpu.dma_semaphore, #tpu.memory_space<semaphore_mem>>)
        %dma_wait3A = tpu.memref_slice %arg13[%multiple_of3A_92] : memref<24576xf32, #tpu.memory_space<hbm>> -> memref<6144xf32, #tpu.memory_space<hbm>>
        %dma_wait3A_97 = tpu.memref_slice %arg13[%multiple_of3A_92] : memref<24576xf32, #tpu.memory_space<hbm>> -> memref<6144xf32, #tpu.memory_space<hbm>>
        tpu.wait_dma2 semaphore(%run_scoped3A : memref<!tpu.dma_semaphore, #tpu.memory_space<semaphore_mem>>) src(%arg26 : memref<6144xf32, #tpu.memory_space<vmem>>) dst(%dma_wait3A_97 : memref<6144xf32, #tpu.memory_space<hbm>>)
        tpu.yield
      }) : () -> ()
      %mul3A_93 = arith.constant 6144 : i32
      %mul3A_94 = arith.muli %add3A, %mul3A_93 : i32
      %multiple_of3A_95 = tpu.assume_multiple %mul3A_94, 8 : i32
      "tpu.region"() ({
        %run_scoped3A = tpu.sem_alloc : memref<!tpu.dma_semaphore, #tpu.memory_space<semaphore_mem>>
        %dma_start3A = tpu.memref_slice %arg14[%multiple_of3A_95] : memref<24576xf32, #tpu.memory_space<hbm>> -> memref<6144xf32, #tpu.memory_space<hbm>>
        %dma_start3A_96 = tpu.memref_slice %arg14[%multiple_of3A_95] : memref<24576xf32, #tpu.memory_space<hbm>> -> memref<6144xf32, #tpu.memory_space<hbm>>
        tpu.enqueue_dma source(%arg27 : memref<6144xf32, #tpu.memory_space<vmem>>) target(%dma_start3A_96 : memref<6144xf32, #tpu.memory_space<hbm>>) target_semaphore(%run_scoped3A : memref<!tpu.dma_semaphore, #tpu.memory_space<semaphore_mem>>)
        %dma_wait3A = tpu.memref_slice %arg14[%multiple_of3A_95] : memref<24576xf32, #tpu.memory_space<hbm>> -> memref<6144xf32, #tpu.memory_space<hbm>>
        %dma_wait3A_97 = tpu.memref_slice %arg14[%multiple_of3A_95] : memref<24576xf32, #tpu.memory_space<hbm>> -> memref<6144xf32, #tpu.memory_space<hbm>>
        tpu.wait_dma2 semaphore(%run_scoped3A : memref<!tpu.dma_semaphore, #tpu.memory_space<semaphore_mem>>) src(%arg27 : memref<6144xf32, #tpu.memory_space<vmem>>) dst(%dma_wait3A_97 : memref<6144xf32, #tpu.memory_space<hbm>>)
        tpu.yield
      }) : () -> ()
    } else {
    }
    return
  }
}

module attributes {stable_mosaic.version = 14 : i64} {
  func.func @_decode_body(%arg0: memref<4x4xf32, #tpu.memory_space<smem>>, %arg1: memref<1x1xf32, #tpu.memory_space<smem>>, %arg2: memref<1024x128xf32, #tpu.memory_space<vmem>>, %arg3: memref<1024x128xf32, #tpu.memory_space<vmem>>, %arg4: memref<1024x128xf32, #tpu.memory_space<vmem>>, %arg5: memref<1024x128xf32, #tpu.memory_space<vmem>>, %arg6: memref<1024x128xf32, #tpu.memory_space<vmem>>, %arg7: memref<1024x128xf32, #tpu.memory_space<vmem>>, %arg8: memref<256x128xf32, #tpu.memory_space<vmem>>, %arg9: memref<256x128xf32, #tpu.memory_space<vmem>>, %arg10: memref<256x128xf32, #tpu.memory_space<vmem>>, %arg11: memref<256x128xf32, #tpu.memory_space<vmem>>, %arg12: memref<1024x128xf32, #tpu.memory_space<vmem>>, %arg13: memref<1024x128xf32, #tpu.memory_space<vmem>>, %arg14: memref<1024x128xf32, #tpu.memory_space<vmem>>, %arg15: memref<1024x128xf32, #tpu.memory_space<vmem>>, %arg16: memref<1024x128xf32, #tpu.memory_space<vmem>>, %arg17: memref<1024x128xi32, #tpu.memory_space<vmem>>, %arg18: memref<8x128xi32, #tpu.memory_space<vmem>>, %arg19: memref<1024x128xf32, #tpu.memory_space<vmem>>, %arg20: memref<1024x128xf32, #tpu.memory_space<vmem>>, %arg21: memref<1024x128xf32, #tpu.memory_space<vmem>>, %arg22: memref<1024x128xf32, #tpu.memory_space<vmem>>) attributes {dimension_semantics = [], scalar_prefetch = 0 : i64, scratch_operands = 0 : i64, tpu.core_type = #tpu.core_type<tc>} {
    %get3A = arith.constant 0 : index
    %get3A_0 = arith.constant 0 : index
    %get3A_1 = memref.load %arg1[%get3A, %get3A_0] : memref<1x1xf32, #tpu.memory_space<smem>>
    %get3A_2 = arith.constant 0 : index
    %get3A_3 = arith.constant 0 : index
    %get3A_4 = vector.load %arg10[%get3A_2, %get3A_3] : memref<256x128xf32, #tpu.memory_space<vmem>>, vector<256x128xf32>
    %get3A_5 = arith.constant 0 : index
    %get3A_6 = arith.constant 0 : index
    %get3A_7 = vector.load %arg8[%get3A_5, %get3A_6] : memref<256x128xf32, #tpu.memory_space<vmem>>, vector<256x128xf32>
    %sub3A = arith.subf %get3A_4, %get3A_7 : vector<256x128xf32>
    %add3A = arith.constant 1.000000e+00 : f32
    %add3A_8 = vector.broadcast %add3A : f32 to vector<256x128xf32>
    %add3A_9 = arith.addf %sub3A, %add3A_8 : vector<256x128xf32>
    %get3A_10 = arith.constant 0 : index
    %get3A_11 = arith.constant 0 : index
    %get3A_12 = vector.load %arg11[%get3A_10, %get3A_11] : memref<256x128xf32, #tpu.memory_space<vmem>>, vector<256x128xf32>
    %get3A_13 = arith.constant 0 : index
    %get3A_14 = arith.constant 0 : index
    %get3A_15 = vector.load %arg9[%get3A_13, %get3A_14] : memref<256x128xf32, #tpu.memory_space<vmem>>, vector<256x128xf32>
    %sub3A_16 = arith.subf %get3A_12, %get3A_15 : vector<256x128xf32>
    %add3A_17 = arith.constant 1.000000e+00 : f32
    %add3A_18 = vector.broadcast %add3A_17 : f32 to vector<256x128xf32>
    %add3A_19 = arith.addf %sub3A_16, %add3A_18 : vector<256x128xf32>
    %get3A_20 = arith.constant 0 : index
    %get3A_21 = arith.constant 0 : index
    %get3A_22 = vector.load %arg8[%get3A_20, %get3A_21] : memref<256x128xf32, #tpu.memory_space<vmem>>, vector<256x128xf32>
    %mul3A = arith.constant 5.000000e-01 : f32
    %mul3A_23 = vector.broadcast %mul3A : f32 to vector<256x128xf32>
    %mul3A_24 = arith.mulf %mul3A_23, %add3A_9 : vector<256x128xf32>
    %add3A_25 = arith.addf %get3A_22, %mul3A_24 : vector<256x128xf32>
    %get3A_26 = arith.constant 0 : index
    %get3A_27 = arith.constant 0 : index
    %get3A_28 = vector.load %arg9[%get3A_26, %get3A_27] : memref<256x128xf32, #tpu.memory_space<vmem>>, vector<256x128xf32>
    %mul3A_29 = arith.constant 5.000000e-01 : f32
    %mul3A_30 = vector.broadcast %mul3A_29 : f32 to vector<256x128xf32>
    %mul3A_31 = arith.mulf %mul3A_30, %add3A_19 : vector<256x128xf32>
    %add3A_32 = arith.addf %get3A_28, %mul3A_31 : vector<256x128xf32>
    %iota3A = tpu.iota {dimensions = array<i32: 1>} : vector<256x128xi32>
    %iota3A_33 = tpu.iota {dimensions = array<i32: 0>} : vector<256x128xi32>
    %mul3A_34 = arith.constant 128 : i32
    %mul3A_35 = vector.broadcast %mul3A_34 : i32 to vector<256x128xi32>
    %mul3A_36 = arith.muli %iota3A_33, %mul3A_35 : vector<256x128xi32>
    %add3A_37 = arith.addi %mul3A_36, %iota3A : vector<256x128xi32>
    %lt3A = arith.constant 30000 : i32
    %lt3A_38 = vector.broadcast %lt3A : i32 to vector<256x128xi32>
    %lt3A_39 = arith.cmpi slt, %add3A_37, %lt3A_38 : vector<256x128xi32>
    %get3A_40 = arith.constant 0 : index
    %get3A_41 = arith.constant 0 : index
    %get3A_42 = memref.load %arg0[%get3A_40, %get3A_41] : memref<4x4xf32, #tpu.memory_space<smem>>
    %sub3A_43 = arith.constant 1.000000e+00 : f32
    %sub3A_44 = arith.subf %get3A_42, %sub3A_43 : f32
    %get3A_45 = arith.constant 0 : index
    %get3A_46 = arith.constant 1 : index
    %get3A_47 = memref.load %arg0[%get3A_45, %get3A_46] : memref<4x4xf32, #tpu.memory_space<smem>>
    %sub3A_48 = arith.constant 1.000000e+00 : f32
    %sub3A_49 = arith.subf %get3A_47, %sub3A_48 : f32
    %get3A_50 = arith.constant 0 : index
    %get3A_51 = arith.constant 2 : index
    %get3A_52 = memref.load %arg0[%get3A_50, %get3A_51] : memref<4x4xf32, #tpu.memory_space<smem>>
    %mul3A_53 = arith.constant 1.600000e+01 : f32
    %mul3A_54 = arith.mulf %mul3A_53, %get3A_52 : f32
    %get3A_55 = arith.constant 0 : index
    %get3A_56 = arith.constant 3 : index
    %get3A_57 = memref.load %arg0[%get3A_55, %get3A_56] : memref<4x4xf32, #tpu.memory_space<smem>>
    %mul3A_58 = arith.constant 1.600000e+01 : f32
    %mul3A_59 = arith.mulf %mul3A_58, %get3A_57 : f32
    %get3A_60 = arith.constant 0 : index
    %get3A_61 = arith.constant 0 : index
    %get3A_62 = vector.load %arg4[%get3A_60, %get3A_61] : memref<1024x128xf32, #tpu.memory_space<vmem>>, vector<256x128xf32>
    %mul3A_63 = arith.mulf %get3A_62, %add3A_9 : vector<256x128xf32>
    %add3A_64 = arith.addf %mul3A_63, %add3A_25 : vector<256x128xf32>
    %get3A_65 = arith.constant 0 : index
    %get3A_66 = arith.constant 0 : index
    %get3A_67 = vector.load %arg5[%get3A_65, %get3A_66] : memref<1024x128xf32, #tpu.memory_space<vmem>>, vector<256x128xf32>
    %mul3A_68 = arith.mulf %get3A_67, %add3A_19 : vector<256x128xf32>
    %add3A_69 = arith.addf %mul3A_68, %add3A_32 : vector<256x128xf32>
    %get3A_70 = arith.constant 0 : index
    %get3A_71 = arith.constant 0 : index
    %get3A_72 = vector.load %arg6[%get3A_70, %get3A_71] : memref<1024x128xf32, #tpu.memory_space<vmem>>, vector<256x128xf32>
    %exp3A = math.exp %get3A_72 : vector<256x128xf32>
    %mul3A_73 = arith.mulf %exp3A, %add3A_9 : vector<256x128xf32>
    %get3A_74 = arith.constant 0 : index
    %get3A_75 = arith.constant 0 : index
    %get3A_76 = vector.load %arg7[%get3A_74, %get3A_75] : memref<1024x128xf32, #tpu.memory_space<vmem>>, vector<256x128xf32>
    %exp3A_77 = math.exp %get3A_76 : vector<256x128xf32>
    %mul3A_78 = arith.mulf %exp3A_77, %add3A_19 : vector<256x128xf32>
    %mul3A_79 = arith.constant 5.000000e-01 : f32
    %mul3A_80 = vector.broadcast %mul3A_79 : f32 to vector<256x128xf32>
    %mul3A_81 = arith.mulf %mul3A_80, %mul3A_73 : vector<256x128xf32>
    %sub3A_82 = arith.subf %add3A_64, %mul3A_81 : vector<256x128xf32>
    %jit3A = arith.constant 0.000000e+00 : f32
    %max3A = vector.broadcast %jit3A : f32 to vector<256x128xf32>
    %max3A_83 = arith.maximumf %max3A, %sub3A_82 : vector<256x128xf32>
    %min3A = vector.broadcast %sub3A_49 : f32 to vector<256x128xf32>
    %min3A_84 = arith.minimumf %min3A, %max3A_83 : vector<256x128xf32>
    %mul3A_85 = arith.constant 5.000000e-01 : f32
    %mul3A_86 = vector.broadcast %mul3A_85 : f32 to vector<256x128xf32>
    %mul3A_87 = arith.mulf %mul3A_86, %mul3A_78 : vector<256x128xf32>
    %sub3A_88 = arith.subf %add3A_69, %mul3A_87 : vector<256x128xf32>
    %jit3A_89 = arith.constant 0.000000e+00 : f32
    %max3A_90 = vector.broadcast %jit3A_89 : f32 to vector<256x128xf32>
    %max3A_91 = arith.maximumf %max3A_90, %sub3A_88 : vector<256x128xf32>
    %min3A_92 = vector.broadcast %sub3A_44 : f32 to vector<256x128xf32>
    %min3A_93 = arith.minimumf %min3A_92, %max3A_91 : vector<256x128xf32>
    %mul3A_94 = arith.constant 5.000000e-01 : f32
    %mul3A_95 = vector.broadcast %mul3A_94 : f32 to vector<256x128xf32>
    %mul3A_96 = arith.mulf %mul3A_95, %mul3A_73 : vector<256x128xf32>
    %add3A_97 = arith.addf %add3A_64, %mul3A_96 : vector<256x128xf32>
    %jit3A_98 = arith.constant 0.000000e+00 : f32
    %max3A_99 = vector.broadcast %jit3A_98 : f32 to vector<256x128xf32>
    %max3A_100 = arith.maximumf %max3A_99, %add3A_97 : vector<256x128xf32>
    %min3A_101 = vector.broadcast %sub3A_49 : f32 to vector<256x128xf32>
    %min3A_102 = arith.minimumf %min3A_101, %max3A_100 : vector<256x128xf32>
    %mul3A_103 = arith.constant 5.000000e-01 : f32
    %mul3A_104 = vector.broadcast %mul3A_103 : f32 to vector<256x128xf32>
    %mul3A_105 = arith.mulf %mul3A_104, %mul3A_78 : vector<256x128xf32>
    %add3A_106 = arith.addf %add3A_69, %mul3A_105 : vector<256x128xf32>
    %jit3A_107 = arith.constant 0.000000e+00 : f32
    %max3A_108 = vector.broadcast %jit3A_107 : f32 to vector<256x128xf32>
    %max3A_109 = arith.maximumf %max3A_108, %add3A_106 : vector<256x128xf32>
    %min3A_110 = vector.broadcast %sub3A_44 : f32 to vector<256x128xf32>
    %min3A_111 = arith.minimumf %min3A_110, %max3A_109 : vector<256x128xf32>
    %swap3A = arith.constant 0 : index
    %swap3A_112 = arith.constant 0 : index
    %swap3A_113 = vector.load %arg12[%swap3A, %swap3A_112] : memref<1024x128xf32, #tpu.memory_space<vmem>>, vector<256x128xf32>
    tpu.vector_store %arg12[%swap3A, %swap3A_112], %min3A_84 {strides = array<i32>} : memref<1024x128xf32, #tpu.memory_space<vmem>>, vector<256x128xf32>,
    %swap3A_114 = arith.constant 0 : index
    %swap3A_115 = arith.constant 0 : index
    %swap3A_116 = vector.load %arg13[%swap3A_114, %swap3A_115] : memref<1024x128xf32, #tpu.memory_space<vmem>>, vector<256x128xf32>
    tpu.vector_store %arg13[%swap3A_114, %swap3A_115], %min3A_93 {strides = array<i32>} : memref<1024x128xf32, #tpu.memory_space<vmem>>, vector<256x128xf32>,
    %swap3A_117 = arith.constant 0 : index
    %swap3A_118 = arith.constant 0 : index
    %swap3A_119 = vector.load %arg14[%swap3A_117, %swap3A_118] : memref<1024x128xf32, #tpu.memory_space<vmem>>, vector<256x128xf32>
    tpu.vector_store %arg14[%swap3A_117, %swap3A_118], %min3A_102 {strides = array<i32>} : memref<1024x128xf32, #tpu.memory_space<vmem>>, vector<256x128xf32>,
    %swap3A_120 = arith.constant 0 : index
    %swap3A_121 = arith.constant 0 : index
    %swap3A_122 = vector.load %arg15[%swap3A_120, %swap3A_121] : memref<1024x128xf32, #tpu.memory_space<vmem>>, vector<256x128xf32>
    tpu.vector_store %arg15[%swap3A_120, %swap3A_121], %min3A_111 {strides = array<i32>} : memref<1024x128xf32, #tpu.memory_space<vmem>>, vector<256x128xf32>,
    %get3A_123 = arith.constant 0 : index
    %get3A_124 = arith.constant 0 : index
    %get3A_125 = vector.load %arg2[%get3A_123, %get3A_124] : memref<1024x128xf32, #tpu.memory_space<vmem>>, vector<256x128xf32>
    %get3A_126 = arith.constant 0 : index
    %get3A_127 = arith.constant 0 : index
    %get3A_128 = vector.load %arg3[%get3A_126, %get3A_127] : memref<1024x128xf32, #tpu.memory_space<vmem>>, vector<256x128xf32>
    %max3A_129 = arith.maximumf %get3A_125, %get3A_128 : vector<256x128xf32>
    %sub3A_130 = arith.subf %get3A_125, %max3A_129 : vector<256x128xf32>
    %exp3A_131 = math.exp %sub3A_130 : vector<256x128xf32>
    %sub3A_132 = arith.subf %get3A_128, %max3A_129 : vector<256x128xf32>
    %exp3A_133 = math.exp %sub3A_132 : vector<256x128xf32>
    %add3A_134 = arith.addf %exp3A_131, %exp3A_133 : vector<256x128xf32>
    %div3A = arith.divf %exp3A_131, %add3A_134 : vector<256x128xf32>
    %sub3A_135 = arith.subf %min3A_102, %min3A_84 : vector<256x128xf32>
    %add3A_136 = arith.constant 1.000000e+00 : f32
    %add3A_137 = vector.broadcast %add3A_136 : f32 to vector<256x128xf32>
    %add3A_138 = arith.addf %sub3A_135, %add3A_137 : vector<256x128xf32>
    %ge3A = vector.broadcast %mul3A_59 : f32 to vector<256x128xf32>
    %ge3A_139 = arith.cmpf oge, %add3A_138, %ge3A : vector<256x128xf32>
    %sub3A_140 = arith.subf %min3A_111, %min3A_93 : vector<256x128xf32>
    %add3A_141 = arith.constant 1.000000e+00 : f32
    %add3A_142 = vector.broadcast %add3A_141 : f32 to vector<256x128xf32>
    %add3A_143 = arith.addf %sub3A_140, %add3A_142 : vector<256x128xf32>
    %ge3A_144 = vector.broadcast %mul3A_54 : f32 to vector<256x128xf32>
    %ge3A_145 = arith.cmpf oge, %add3A_143, %ge3A_144 : vector<256x128xf32>
    %and3A = arith.andi %ge3A_139, %ge3A_145 : vector<256x128xi1>
    %and3A_146 = arith.andi %and3A, %lt3A_39 : vector<256x128xi1>
    %jit3A_147 = arith.constant -1.000000e+00 : f32
    %broadcast_in_dim3A = vector.broadcast %jit3A_147 : f32 to vector<256x128xf32>
    %select_n3A = arith.select %and3A_146, %div3A, %broadcast_in_dim3A : vector<256x128xi1>, vector<256x128xf32>
    %bitcast_convert_type3A = tpu.bitcast %select_n3A : vector<256x128xf32> -> vector<256x128xi32>
    %ge3A_148 = arith.constant 0 : i32
    %ge3A_149 = vector.broadcast %ge3A_148 : i32 to vector<256x128xi32>
    %ge3A_150 = arith.cmpi sge, %bitcast_convert_type3A, %ge3A_149 : vector<256x128xi32>
    %convert_element_type3A = arith.extui %ge3A_150 : vector<256x128xi1> to vector<256x128xi32>
    %reduce_sum3A = vector.shape_cast %convert_element_type3A : vector<256x128xi32> to vector<1x256x128xi32>
    %reduce_sum3A_151 = arith.constant dense<0> : vector<1xi32>
    %reduce_sum3A_152 = vector.multi_reduction <add>, %reduce_sum3A, %reduce_sum3A_151 [1, 2] : vector<1x256x128xi32> to vector<1xi32>
    %reduce_sum3A_153 = vector.shape_cast %reduce_sum3A_152 : vector<1xi32> to vector<1x1x1xi32>
    %reduce_sum3A_154 = vector.extract %reduce_sum3A_153[0, 0, 0] : i32 from vector<1x1x1xi32>
    %or3A = arith.constant 0 : i32
    %or3A_155 = arith.constant 536870912 : i32
    %or3A_156 = arith.ori %or3A, %or3A_155 : i32
    %ge3A_157 = vector.broadcast %or3A_156 : i32 to vector<256x128xi32>
    %ge3A_158 = arith.cmpi sge, %bitcast_convert_type3A, %ge3A_157 : vector<256x128xi32>
    %convert_element_type3A_159 = arith.extui %ge3A_158 : vector<256x128xi1> to vector<256x128xi32>
    %reduce_sum3A_160 = vector.shape_cast %convert_element_type3A_159 : vector<256x128xi32> to vector<1x256x128xi32>
    %reduce_sum3A_161 = arith.constant dense<0> : vector<1xi32>
    %reduce_sum3A_162 = vector.multi_reduction <add>, %reduce_sum3A_160, %reduce_sum3A_161 [1, 2] : vector<1x256x128xi32> to vector<1xi32>
    %reduce_sum3A_163 = vector.shape_cast %reduce_sum3A_162 : vector<1xi32> to vector<1x1x1xi32>
    %reduce_sum3A_164 = vector.extract %reduce_sum3A_163[0, 0, 0] : i32 from vector<1x1x1xi32>
    %ge3A_165 = arith.constant 6000 : i32
    %ge3A_166 = arith.cmpi sge, %reduce_sum3A_164, %ge3A_165 : i32
    %jit3A_167 = arith.constant 0 : i32
    %select_n3A_168 = arith.select %ge3A_166, %or3A_156, %jit3A_167 : i32
    %or3A_169 = arith.constant 268435456 : i32
    %or3A_170 = arith.ori %select_n3A_168, %or3A_169 : i32
    %ge3A_171 = vector.broadcast %or3A_170 : i32 to vector<256x128xi32>
    %ge3A_172 = arith.cmpi sge, %bitcast_convert_type3A, %ge3A_171 : vector<256x128xi32>
    %convert_element_type3A_173 = arith.extui %ge3A_172 : vector<256x128xi1> to vector<256x128xi32>
    %reduce_sum3A_174 = vector.shape_cast %convert_element_type3A_173 : vector<256x128xi32> to vector<1x256x128xi32>
    %reduce_sum3A_175 = arith.constant dense<0> : vector<1xi32>
    %reduce_sum3A_176 = vector.multi_reduction <add>, %reduce_sum3A_174, %reduce_sum3A_175 [1, 2] : vector<1x256x128xi32> to vector<1xi32>
    %reduce_sum3A_177 = vector.shape_cast %reduce_sum3A_176 : vector<1xi32> to vector<1x1x1xi32>
    %reduce_sum3A_178 = vector.extract %reduce_sum3A_177[0, 0, 0] : i32 from vector<1x1x1xi32>
    %ge3A_179 = arith.constant 6000 : i32
    %ge3A_180 = arith.cmpi sge, %reduce_sum3A_178, %ge3A_179 : i32
    %select_n3A_181 = arith.select %ge3A_180, %or3A_170, %select_n3A_168 : i32
    %or3A_182 = arith.constant 134217728 : i32
    %or3A_183 = arith.ori %select_n3A_181, %or3A_182 : i32
    %ge3A_184 = vector.broadcast %or3A_183 : i32 to vector<256x128xi32>
    %ge3A_185 = arith.cmpi sge, %bitcast_convert_type3A, %ge3A_184 : vector<256x128xi32>
    %convert_element_type3A_186 = arith.extui %ge3A_185 : vector<256x128xi1> to vector<256x128xi32>
    %reduce_sum3A_187 = vector.shape_cast %convert_element_type3A_186 : vector<256x128xi32> to vector<1x256x128xi32>
    %reduce_sum3A_188 = arith.constant dense<0> : vector<1xi32>
    %reduce_sum3A_189 = vector.multi_reduction <add>, %reduce_sum3A_187, %reduce_sum3A_188 [1, 2] : vector<1x256x128xi32> to vector<1xi32>
    %reduce_sum3A_190 = vector.shape_cast %reduce_sum3A_189 : vector<1xi32> to vector<1x1x1xi32>
    %reduce_sum3A_191 = vector.extract %reduce_sum3A_190[0, 0, 0] : i32 from vector<1x1x1xi32>
    %ge3A_192 = arith.constant 6000 : i32
    %ge3A_193 = arith.cmpi sge, %reduce_sum3A_191, %ge3A_192 : i32
    %select_n3A_194 = arith.select %ge3A_193, %or3A_183, %select_n3A_181 : i32
    %or3A_195 = arith.constant 67108864 : i32
    %or3A_196 = arith.ori %select_n3A_194, %or3A_195 : i32
    %ge3A_197 = vector.broadcast %or3A_196 : i32 to vector<256x128xi32>
    %ge3A_198 = arith.cmpi sge, %bitcast_convert_type3A, %ge3A_197 : vector<256x128xi32>
    %convert_element_type3A_199 = arith.extui %ge3A_198 : vector<256x128xi1> to vector<256x128xi32>
    %reduce_sum3A_200 = vector.shape_cast %convert_element_type3A_199 : vector<256x128xi32> to vector<1x256x128xi32>
    %reduce_sum3A_201 = arith.constant dense<0> : vector<1xi32>
    %reduce_sum3A_202 = vector.multi_reduction <add>, %reduce_sum3A_200, %reduce_sum3A_201 [1, 2] : vector<1x256x128xi32> to vector<1xi32>
    %reduce_sum3A_203 = vector.shape_cast %reduce_sum3A_202 : vector<1xi32> to vector<1x1x1xi32>
    %reduce_sum3A_204 = vector.extract %reduce_sum3A_203[0, 0, 0] : i32 from vector<1x1x1xi32>
    %ge3A_205 = arith.constant 6000 : i32
    %ge3A_206 = arith.cmpi sge, %reduce_sum3A_204, %ge3A_205 : i32
    %select_n3A_207 = arith.select %ge3A_206, %or3A_196, %select_n3A_194 : i32
    %or3A_208 = arith.constant 33554432 : i32
    %or3A_209 = arith.ori %select_n3A_207, %or3A_208 : i32
    %ge3A_210 = vector.broadcast %or3A_209 : i32 to vector<256x128xi32>
    %ge3A_211 = arith.cmpi sge, %bitcast_convert_type3A, %ge3A_210 : vector<256x128xi32>
    %convert_element_type3A_212 = arith.extui %ge3A_211 : vector<256x128xi1> to vector<256x128xi32>
    %reduce_sum3A_213 = vector.shape_cast %convert_element_type3A_212 : vector<256x128xi32> to vector<1x256x128xi32>
    %reduce_sum3A_214 = arith.constant dense<0> : vector<1xi32>
    %reduce_sum3A_215 = vector.multi_reduction <add>, %reduce_sum3A_213, %reduce_sum3A_214 [1, 2] : vector<1x256x128xi32> to vector<1xi32>
    %reduce_sum3A_216 = vector.shape_cast %reduce_sum3A_215 : vector<1xi32> to vector<1x1x1xi32>
    %reduce_sum3A_217 = vector.extract %reduce_sum3A_216[0, 0, 0] : i32 from vector<1x1x1xi32>
    %ge3A_218 = arith.constant 6000 : i32
    %ge3A_219 = arith.cmpi sge, %reduce_sum3A_217, %ge3A_218 : i32
    %select_n3A_220 = arith.select %ge3A_219, %or3A_209, %select_n3A_207 : i32
    %or3A_221 = arith.constant 16777216 : i32
    %or3A_222 = arith.ori %select_n3A_220, %or3A_221 : i32
    %ge3A_223 = vector.broadcast %or3A_222 : i32 to vector<256x128xi32>
    %ge3A_224 = arith.cmpi sge, %bitcast_convert_type3A, %ge3A_223 : vector<256x128xi32>
    %convert_element_type3A_225 = arith.extui %ge3A_224 : vector<256x128xi1> to vector<256x128xi32>
    %reduce_sum3A_226 = vector.shape_cast %convert_element_type3A_225 : vector<256x128xi32> to vector<1x256x128xi32>
    %reduce_sum3A_227 = arith.constant dense<0> : vector<1xi32>
    %reduce_sum3A_228 = vector.multi_reduction <add>, %reduce_sum3A_226, %reduce_sum3A_227 [1, 2] : vector<1x256x128xi32> to vector<1xi32>
    %reduce_sum3A_229 = vector.shape_cast %reduce_sum3A_228 : vector<1xi32> to vector<1x1x1xi32>
    %reduce_sum3A_230 = vector.extract %reduce_sum3A_229[0, 0, 0] : i32 from vector<1x1x1xi32>
    %ge3A_231 = arith.constant 6000 : i32
    %ge3A_232 = arith.cmpi sge, %reduce_sum3A_230, %ge3A_231 : i32
    %select_n3A_233 = arith.select %ge3A_232, %or3A_222, %select_n3A_220 : i32
    %or3A_234 = arith.constant 8388608 : i32
    %or3A_235 = arith.ori %select_n3A_233, %or3A_234 : i32
    %ge3A_236 = vector.broadcast %or3A_235 : i32 to vector<256x128xi32>
    %ge3A_237 = arith.cmpi sge, %bitcast_convert_type3A, %ge3A_236 : vector<256x128xi32>
    %convert_element_type3A_238 = arith.extui %ge3A_237 : vector<256x128xi1> to vector<256x128xi32>
    %reduce_sum3A_239 = vector.shape_cast %convert_element_type3A_238 : vector<256x128xi32> to vector<1x256x128xi32>
    %reduce_sum3A_240 = arith.constant dense<0> : vector<1xi32>
    %reduce_sum3A_241 = vector.multi_reduction <add>, %reduce_sum3A_239, %reduce_sum3A_240 [1, 2] : vector<1x256x128xi32> to vector<1xi32>
    %reduce_sum3A_242 = vector.shape_cast %reduce_sum3A_241 : vector<1xi32> to vector<1x1x1xi32>
    %reduce_sum3A_243 = vector.extract %reduce_sum3A_242[0, 0, 0] : i32 from vector<1x1x1xi32>
    %ge3A_244 = arith.constant 6000 : i32
    %ge3A_245 = arith.cmpi sge, %reduce_sum3A_243, %ge3A_244 : i32
    %select_n3A_246 = arith.select %ge3A_245, %or3A_235, %select_n3A_233 : i32
    %or3A_247 = arith.constant 4194304 : i32
    %or3A_248 = arith.ori %select_n3A_246, %or3A_247 : i32
    %ge3A_249 = vector.broadcast %or3A_248 : i32 to vector<256x128xi32>
    %ge3A_250 = arith.cmpi sge, %bitcast_convert_type3A, %ge3A_249 : vector<256x128xi32>
    %convert_element_type3A_251 = arith.extui %ge3A_250 : vector<256x128xi1> to vector<256x128xi32>
    %reduce_sum3A_252 = vector.shape_cast %convert_element_type3A_251 : vector<256x128xi32> to vector<1x256x128xi32>
    %reduce_sum3A_253 = arith.constant dense<0> : vector<1xi32>
    %reduce_sum3A_254 = vector.multi_reduction <add>, %reduce_sum3A_252, %reduce_sum3A_253 [1, 2] : vector<1x256x128xi32> to vector<1xi32>
    %reduce_sum3A_255 = vector.shape_cast %reduce_sum3A_254 : vector<1xi32> to vector<1x1x1xi32>
    %reduce_sum3A_256 = vector.extract %reduce_sum3A_255[0, 0, 0] : i32 from vector<1x1x1xi32>
    %ge3A_257 = arith.constant 6000 : i32
    %ge3A_258 = arith.cmpi sge, %reduce_sum3A_256, %ge3A_257 : i32
    %select_n3A_259 = arith.select %ge3A_258, %or3A_248, %select_n3A_246 : i32
    %or3A_260 = arith.constant 2097152 : i32
    %or3A_261 = arith.ori %select_n3A_259, %or3A_260 : i32
    %ge3A_262 = vector.broadcast %or3A_261 : i32 to vector<256x128xi32>
    %ge3A_263 = arith.cmpi sge, %bitcast_convert_type3A, %ge3A_262 : vector<256x128xi32>
    %convert_element_type3A_264 = arith.extui %ge3A_263 : vector<256x128xi1> to vector<256x128xi32>
    %reduce_sum3A_265 = vector.shape_cast %convert_element_type3A_264 : vector<256x128xi32> to vector<1x256x128xi32>
    %reduce_sum3A_266 = arith.constant dense<0> : vector<1xi32>
    %reduce_sum3A_267 = vector.multi_reduction <add>, %reduce_sum3A_265, %reduce_sum3A_266 [1, 2] : vector<1x256x128xi32> to vector<1xi32>
    %reduce_sum3A_268 = vector.shape_cast %reduce_sum3A_267 : vector<1xi32> to vector<1x1x1xi32>
    %reduce_sum3A_269 = vector.extract %reduce_sum3A_268[0, 0, 0] : i32 from vector<1x1x1xi32>
    %ge3A_270 = arith.constant 6000 : i32
    %ge3A_271 = arith.cmpi sge, %reduce_sum3A_269, %ge3A_270 : i32
    %select_n3A_272 = arith.select %ge3A_271, %or3A_261, %select_n3A_259 : i32
    %or3A_273 = arith.constant 1048576 : i32
    %or3A_274 = arith.ori %select_n3A_272, %or3A_273 : i32
    %ge3A_275 = vector.broadcast %or3A_274 : i32 to vector<256x128xi32>
    %ge3A_276 = arith.cmpi sge, %bitcast_convert_type3A, %ge3A_275 : vector<256x128xi32>
    %convert_element_type3A_277 = arith.extui %ge3A_276 : vector<256x128xi1> to vector<256x128xi32>
    %reduce_sum3A_278 = vector.shape_cast %convert_element_type3A_277 : vector<256x128xi32> to vector<1x256x128xi32>
    %reduce_sum3A_279 = arith.constant dense<0> : vector<1xi32>
    %reduce_sum3A_280 = vector.multi_reduction <add>, %reduce_sum3A_278, %reduce_sum3A_279 [1, 2] : vector<1x256x128xi32> to vector<1xi32>
    %reduce_sum3A_281 = vector.shape_cast %reduce_sum3A_280 : vector<1xi32> to vector<1x1x1xi32>
    %reduce_sum3A_282 = vector.extract %reduce_sum3A_281[0, 0, 0] : i32 from vector<1x1x1xi32>
    %ge3A_283 = arith.constant 6000 : i32
    %ge3A_284 = arith.cmpi sge, %reduce_sum3A_282, %ge3A_283 : i32
    %select_n3A_285 = arith.select %ge3A_284, %or3A_274, %select_n3A_272 : i32
    %or3A_286 = arith.constant 524288 : i32
    %or3A_287 = arith.ori %select_n3A_285, %or3A_286 : i32
    %ge3A_288 = vector.broadcast %or3A_287 : i32 to vector<256x128xi32>
    %ge3A_289 = arith.cmpi sge, %bitcast_convert_type3A, %ge3A_288 : vector<256x128xi32>
    %convert_element_type3A_290 = arith.extui %ge3A_289 : vector<256x128xi1> to vector<256x128xi32>
    %reduce_sum3A_291 = vector.shape_cast %convert_element_type3A_290 : vector<256x128xi32> to vector<1x256x128xi32>
    %reduce_sum3A_292 = arith.constant dense<0> : vector<1xi32>
    %reduce_sum3A_293 = vector.multi_reduction <add>, %reduce_sum3A_291, %reduce_sum3A_292 [1, 2] : vector<1x256x128xi32> to vector<1xi32>
    %reduce_sum3A_294 = vector.shape_cast %reduce_sum3A_293 : vector<1xi32> to vector<1x1x1xi32>
    %reduce_sum3A_295 = vector.extract %reduce_sum3A_294[0, 0, 0] : i32 from vector<1x1x1xi32>
    %ge3A_296 = arith.constant 6000 : i32
    %ge3A_297 = arith.cmpi sge, %reduce_sum3A_295, %ge3A_296 : i32
    %select_n3A_298 = arith.select %ge3A_297, %or3A_287, %select_n3A_285 : i32
    %or3A_299 = arith.constant 262144 : i32
    %or3A_300 = arith.ori %select_n3A_298, %or3A_299 : i32
    %ge3A_301 = vector.broadcast %or3A_300 : i32 to vector<256x128xi32>
    %ge3A_302 = arith.cmpi sge, %bitcast_convert_type3A, %ge3A_301 : vector<256x128xi32>
    %convert_element_type3A_303 = arith.extui %ge3A_302 : vector<256x128xi1> to vector<256x128xi32>
    %reduce_sum3A_304 = vector.shape_cast %convert_element_type3A_303 : vector<256x128xi32> to vector<1x256x128xi32>
    %reduce_sum3A_305 = arith.constant dense<0> : vector<1xi32>
    %reduce_sum3A_306 = vector.multi_reduction <add>, %reduce_sum3A_304, %reduce_sum3A_305 [1, 2] : vector<1x256x128xi32> to vector<1xi32>
    %reduce_sum3A_307 = vector.shape_cast %reduce_sum3A_306 : vector<1xi32> to vector<1x1x1xi32>
    %reduce_sum3A_308 = vector.extract %reduce_sum3A_307[0, 0, 0] : i32 from vector<1x1x1xi32>
    %ge3A_309 = arith.constant 6000 : i32
    %ge3A_310 = arith.cmpi sge, %reduce_sum3A_308, %ge3A_309 : i32
    %select_n3A_311 = arith.select %ge3A_310, %or3A_300, %select_n3A_298 : i32
    %or3A_312 = arith.constant 131072 : i32
    %or3A_313 = arith.ori %select_n3A_311, %or3A_312 : i32
    %ge3A_314 = vector.broadcast %or3A_313 : i32 to vector<256x128xi32>
    %ge3A_315 = arith.cmpi sge, %bitcast_convert_type3A, %ge3A_314 : vector<256x128xi32>
    %convert_element_type3A_316 = arith.extui %ge3A_315 : vector<256x128xi1> to vector<256x128xi32>
    %reduce_sum3A_317 = vector.shape_cast %convert_element_type3A_316 : vector<256x128xi32> to vector<1x256x128xi32>
    %reduce_sum3A_318 = arith.constant dense<0> : vector<1xi32>
    %reduce_sum3A_319 = vector.multi_reduction <add>, %reduce_sum3A_317, %reduce_sum3A_318 [1, 2] : vector<1x256x128xi32> to vector<1xi32>
    %reduce_sum3A_320 = vector.shape_cast %reduce_sum3A_319 : vector<1xi32> to vector<1x1x1xi32>
    %reduce_sum3A_321 = vector.extract %reduce_sum3A_320[0, 0, 0] : i32 from vector<1x1x1xi32>
    %ge3A_322 = arith.constant 6000 : i32
    %ge3A_323 = arith.cmpi sge, %reduce_sum3A_321, %ge3A_322 : i32
    %select_n3A_324 = arith.select %ge3A_323, %or3A_313, %select_n3A_311 : i32
    %or3A_325 = arith.constant 65536 : i32
    %or3A_326 = arith.ori %select_n3A_324, %or3A_325 : i32
    %ge3A_327 = vector.broadcast %or3A_326 : i32 to vector<256x128xi32>
    %ge3A_328 = arith.cmpi sge, %bitcast_convert_type3A, %ge3A_327 : vector<256x128xi32>
    %convert_element_type3A_329 = arith.extui %ge3A_328 : vector<256x128xi1> to vector<256x128xi32>
    %reduce_sum3A_330 = vector.shape_cast %convert_element_type3A_329 : vector<256x128xi32> to vector<1x256x128xi32>
    %reduce_sum3A_331 = arith.constant dense<0> : vector<1xi32>
    %reduce_sum3A_332 = vector.multi_reduction <add>, %reduce_sum3A_330, %reduce_sum3A_331 [1, 2] : vector<1x256x128xi32> to vector<1xi32>
    %reduce_sum3A_333 = vector.shape_cast %reduce_sum3A_332 : vector<1xi32> to vector<1x1x1xi32>
    %reduce_sum3A_334 = vector.extract %reduce_sum3A_333[0, 0, 0] : i32 from vector<1x1x1xi32>
    %ge3A_335 = arith.constant 6000 : i32
    %ge3A_336 = arith.cmpi sge, %reduce_sum3A_334, %ge3A_335 : i32
    %select_n3A_337 = arith.select %ge3A_336, %or3A_326, %select_n3A_324 : i32
    %or3A_338 = arith.constant 32768 : i32
    %or3A_339 = arith.ori %select_n3A_337, %or3A_338 : i32
    %ge3A_340 = vector.broadcast %or3A_339 : i32 to vector<256x128xi32>
    %ge3A_341 = arith.cmpi sge, %bitcast_convert_type3A, %ge3A_340 : vector<256x128xi32>
    %convert_element_type3A_342 = arith.extui %ge3A_341 : vector<256x128xi1> to vector<256x128xi32>
    %reduce_sum3A_343 = vector.shape_cast %convert_element_type3A_342 : vector<256x128xi32> to vector<1x256x128xi32>
    %reduce_sum3A_344 = arith.constant dense<0> : vector<1xi32>
    %reduce_sum3A_345 = vector.multi_reduction <add>, %reduce_sum3A_343, %reduce_sum3A_344 [1, 2] : vector<1x256x128xi32> to vector<1xi32>
    %reduce_sum3A_346 = vector.shape_cast %reduce_sum3A_345 : vector<1xi32> to vector<1x1x1xi32>
    %reduce_sum3A_347 = vector.extract %reduce_sum3A_346[0, 0, 0] : i32 from vector<1x1x1xi32>
    %ge3A_348 = arith.constant 6000 : i32
    %ge3A_349 = arith.cmpi sge, %reduce_sum3A_347, %ge3A_348 : i32
    %select_n3A_350 = arith.select %ge3A_349, %or3A_339, %select_n3A_337 : i32
    %or3A_351 = arith.constant 16384 : i32
    %or3A_352 = arith.ori %select_n3A_350, %or3A_351 : i32
    %ge3A_353 = vector.broadcast %or3A_352 : i32 to vector<256x128xi32>
    %ge3A_354 = arith.cmpi sge, %bitcast_convert_type3A, %ge3A_353 : vector<256x128xi32>
    %convert_element_type3A_355 = arith.extui %ge3A_354 : vector<256x128xi1> to vector<256x128xi32>
    %reduce_sum3A_356 = vector.shape_cast %convert_element_type3A_355 : vector<256x128xi32> to vector<1x256x128xi32>
    %reduce_sum3A_357 = arith.constant dense<0> : vector<1xi32>
    %reduce_sum3A_358 = vector.multi_reduction <add>, %reduce_sum3A_356, %reduce_sum3A_357 [1, 2] : vector<1x256x128xi32> to vector<1xi32>
    %reduce_sum3A_359 = vector.shape_cast %reduce_sum3A_358 : vector<1xi32> to vector<1x1x1xi32>
    %reduce_sum3A_360 = vector.extract %reduce_sum3A_359[0, 0, 0] : i32 from vector<1x1x1xi32>
    %ge3A_361 = arith.constant 6000 : i32
    %ge3A_362 = arith.cmpi sge, %reduce_sum3A_360, %ge3A_361 : i32
    %select_n3A_363 = arith.select %ge3A_362, %or3A_352, %select_n3A_350 : i32
    %or3A_364 = arith.constant 8192 : i32
    %or3A_365 = arith.ori %select_n3A_363, %or3A_364 : i32
    %ge3A_366 = vector.broadcast %or3A_365 : i32 to vector<256x128xi32>
    %ge3A_367 = arith.cmpi sge, %bitcast_convert_type3A, %ge3A_366 : vector<256x128xi32>
    %convert_element_type3A_368 = arith.extui %ge3A_367 : vector<256x128xi1> to vector<256x128xi32>
    %reduce_sum3A_369 = vector.shape_cast %convert_element_type3A_368 : vector<256x128xi32> to vector<1x256x128xi32>
    %reduce_sum3A_370 = arith.constant dense<0> : vector<1xi32>
    %reduce_sum3A_371 = vector.multi_reduction <add>, %reduce_sum3A_369, %reduce_sum3A_370 [1, 2] : vector<1x256x128xi32> to vector<1xi32>
    %reduce_sum3A_372 = vector.shape_cast %reduce_sum3A_371 : vector<1xi32> to vector<1x1x1xi32>
    %reduce_sum3A_373 = vector.extract %reduce_sum3A_372[0, 0, 0] : i32 from vector<1x1x1xi32>
    %ge3A_374 = arith.constant 6000 : i32
    %ge3A_375 = arith.cmpi sge, %reduce_sum3A_373, %ge3A_374 : i32
    %select_n3A_376 = arith.select %ge3A_375, %or3A_365, %select_n3A_363 : i32
    %or3A_377 = arith.constant 4096 : i32
    %or3A_378 = arith.ori %select_n3A_376, %or3A_377 : i32
    %ge3A_379 = vector.broadcast %or3A_378 : i32 to vector<256x128xi32>
    %ge3A_380 = arith.cmpi sge, %bitcast_convert_type3A, %ge3A_379 : vector<256x128xi32>
    %convert_element_type3A_381 = arith.extui %ge3A_380 : vector<256x128xi1> to vector<256x128xi32>
    %reduce_sum3A_382 = vector.shape_cast %convert_element_type3A_381 : vector<256x128xi32> to vector<1x256x128xi32>
    %reduce_sum3A_383 = arith.constant dense<0> : vector<1xi32>
    %reduce_sum3A_384 = vector.multi_reduction <add>, %reduce_sum3A_382, %reduce_sum3A_383 [1, 2] : vector<1x256x128xi32> to vector<1xi32>
    %reduce_sum3A_385 = vector.shape_cast %reduce_sum3A_384 : vector<1xi32> to vector<1x1x1xi32>
    %reduce_sum3A_386 = vector.extract %reduce_sum3A_385[0, 0, 0] : i32 from vector<1x1x1xi32>
    %ge3A_387 = arith.constant 6000 : i32
    %ge3A_388 = arith.cmpi sge, %reduce_sum3A_386, %ge3A_387 : i32
    %select_n3A_389 = arith.select %ge3A_388, %or3A_378, %select_n3A_376 : i32
    %or3A_390 = arith.constant 2048 : i32
    %or3A_391 = arith.ori %select_n3A_389, %or3A_390 : i32
    %ge3A_392 = vector.broadcast %or3A_391 : i32 to vector<256x128xi32>
    %ge3A_393 = arith.cmpi sge, %bitcast_convert_type3A, %ge3A_392 : vector<256x128xi32>
    %convert_element_type3A_394 = arith.extui %ge3A_393 : vector<256x128xi1> to vector<256x128xi32>
    %reduce_sum3A_395 = vector.shape_cast %convert_element_type3A_394 : vector<256x128xi32> to vector<1x256x128xi32>
    %reduce_sum3A_396 = arith.constant dense<0> : vector<1xi32>
    %reduce_sum3A_397 = vector.multi_reduction <add>, %reduce_sum3A_395, %reduce_sum3A_396 [1, 2] : vector<1x256x128xi32> to vector<1xi32>
    %reduce_sum3A_398 = vector.shape_cast %reduce_sum3A_397 : vector<1xi32> to vector<1x1x1xi32>
    %reduce_sum3A_399 = vector.extract %reduce_sum3A_398[0, 0, 0] : i32 from vector<1x1x1xi32>
    %ge3A_400 = arith.constant 6000 : i32
    %ge3A_401 = arith.cmpi sge, %reduce_sum3A_399, %ge3A_400 : i32
    %select_n3A_402 = arith.select %ge3A_401, %or3A_391, %select_n3A_389 : i32
    %or3A_403 = arith.constant 1024 : i32
    %or3A_404 = arith.ori %select_n3A_402, %or3A_403 : i32
    %ge3A_405 = vector.broadcast %or3A_404 : i32 to vector<256x128xi32>
    %ge3A_406 = arith.cmpi sge, %bitcast_convert_type3A, %ge3A_405 : vector<256x128xi32>
    %convert_element_type3A_407 = arith.extui %ge3A_406 : vector<256x128xi1> to vector<256x128xi32>
    %reduce_sum3A_408 = vector.shape_cast %convert_element_type3A_407 : vector<256x128xi32> to vector<1x256x128xi32>
    %reduce_sum3A_409 = arith.constant dense<0> : vector<1xi32>
    %reduce_sum3A_410 = vector.multi_reduction <add>, %reduce_sum3A_408, %reduce_sum3A_409 [1, 2] : vector<1x256x128xi32> to vector<1xi32>
    %reduce_sum3A_411 = vector.shape_cast %reduce_sum3A_410 : vector<1xi32> to vector<1x1x1xi32>
    %reduce_sum3A_412 = vector.extract %reduce_sum3A_411[0, 0, 0] : i32 from vector<1x1x1xi32>
    %ge3A_413 = arith.constant 6000 : i32
    %ge3A_414 = arith.cmpi sge, %reduce_sum3A_412, %ge3A_413 : i32
    %select_n3A_415 = arith.select %ge3A_414, %or3A_404, %select_n3A_402 : i32
    %or3A_416 = arith.constant 512 : i32
    %or3A_417 = arith.ori %select_n3A_415, %or3A_416 : i32
    %ge3A_418 = vector.broadcast %or3A_417 : i32 to vector<256x128xi32>
    %ge3A_419 = arith.cmpi sge, %bitcast_convert_type3A, %ge3A_418 : vector<256x128xi32>
    %convert_element_type3A_420 = arith.extui %ge3A_419 : vector<256x128xi1> to vector<256x128xi32>
    %reduce_sum3A_421 = vector.shape_cast %convert_element_type3A_420 : vector<256x128xi32> to vector<1x256x128xi32>
    %reduce_sum3A_422 = arith.constant dense<0> : vector<1xi32>
    %reduce_sum3A_423 = vector.multi_reduction <add>, %reduce_sum3A_421, %reduce_sum3A_422 [1, 2] : vector<1x256x128xi32> to vector<1xi32>
    %reduce_sum3A_424 = vector.shape_cast %reduce_sum3A_423 : vector<1xi32> to vector<1x1x1xi32>
    %reduce_sum3A_425 = vector.extract %reduce_sum3A_424[0, 0, 0] : i32 from vector<1x1x1xi32>
    %ge3A_426 = arith.constant 6000 : i32
    %ge3A_427 = arith.cmpi sge, %reduce_sum3A_425, %ge3A_426 : i32
    %select_n3A_428 = arith.select %ge3A_427, %or3A_417, %select_n3A_415 : i32
    %or3A_429 = arith.constant 256 : i32
    %or3A_430 = arith.ori %select_n3A_428, %or3A_429 : i32
    %ge3A_431 = vector.broadcast %or3A_430 : i32 to vector<256x128xi32>
    %ge3A_432 = arith.cmpi sge, %bitcast_convert_type3A, %ge3A_431 : vector<256x128xi32>
    %convert_element_type3A_433 = arith.extui %ge3A_432 : vector<256x128xi1> to vector<256x128xi32>
    %reduce_sum3A_434 = vector.shape_cast %convert_element_type3A_433 : vector<256x128xi32> to vector<1x256x128xi32>
    %reduce_sum3A_435 = arith.constant dense<0> : vector<1xi32>
    %reduce_sum3A_436 = vector.multi_reduction <add>, %reduce_sum3A_434, %reduce_sum3A_435 [1, 2] : vector<1x256x128xi32> to vector<1xi32>
    %reduce_sum3A_437 = vector.shape_cast %reduce_sum3A_436 : vector<1xi32> to vector<1x1x1xi32>
    %reduce_sum3A_438 = vector.extract %reduce_sum3A_437[0, 0, 0] : i32 from vector<1x1x1xi32>
    %ge3A_439 = arith.constant 6000 : i32
    %ge3A_440 = arith.cmpi sge, %reduce_sum3A_438, %ge3A_439 : i32
    %select_n3A_441 = arith.select %ge3A_440, %or3A_430, %select_n3A_428 : i32
    %or3A_442 = arith.constant 128 : i32
    %or3A_443 = arith.ori %select_n3A_441, %or3A_442 : i32
    %ge3A_444 = vector.broadcast %or3A_443 : i32 to vector<256x128xi32>
    %ge3A_445 = arith.cmpi sge, %bitcast_convert_type3A, %ge3A_444 : vector<256x128xi32>
    %convert_element_type3A_446 = arith.extui %ge3A_445 : vector<256x128xi1> to vector<256x128xi32>
    %reduce_sum3A_447 = vector.shape_cast %convert_element_type3A_446 : vector<256x128xi32> to vector<1x256x128xi32>
    %reduce_sum3A_448 = arith.constant dense<0> : vector<1xi32>
    %reduce_sum3A_449 = vector.multi_reduction <add>, %reduce_sum3A_447, %reduce_sum3A_448 [1, 2] : vector<1x256x128xi32> to vector<1xi32>
    %reduce_sum3A_450 = vector.shape_cast %reduce_sum3A_449 : vector<1xi32> to vector<1x1x1xi32>
    %reduce_sum3A_451 = vector.extract %reduce_sum3A_450[0, 0, 0] : i32 from vector<1x1x1xi32>
    %ge3A_452 = arith.constant 6000 : i32
    %ge3A_453 = arith.cmpi sge, %reduce_sum3A_451, %ge3A_452 : i32
    %select_n3A_454 = arith.select %ge3A_453, %or3A_443, %select_n3A_441 : i32
    %or3A_455 = arith.constant 64 : i32
    %or3A_456 = arith.ori %select_n3A_454, %or3A_455 : i32
    %ge3A_457 = vector.broadcast %or3A_456 : i32 to vector<256x128xi32>
    %ge3A_458 = arith.cmpi sge, %bitcast_convert_type3A, %ge3A_457 : vector<256x128xi32>
    %convert_element_type3A_459 = arith.extui %ge3A_458 : vector<256x128xi1> to vector<256x128xi32>
    %reduce_sum3A_460 = vector.shape_cast %convert_element_type3A_459 : vector<256x128xi32> to vector<1x256x128xi32>
    %reduce_sum3A_461 = arith.constant dense<0> : vector<1xi32>
    %reduce_sum3A_462 = vector.multi_reduction <add>, %reduce_sum3A_460, %reduce_sum3A_461 [1, 2] : vector<1x256x128xi32> to vector<1xi32>
    %reduce_sum3A_463 = vector.shape_cast %reduce_sum3A_462 : vector<1xi32> to vector<1x1x1xi32>
    %reduce_sum3A_464 = vector.extract %reduce_sum3A_463[0, 0, 0] : i32 from vector<1x1x1xi32>
    %ge3A_465 = arith.constant 6000 : i32
    %ge3A_466 = arith.cmpi sge, %reduce_sum3A_464, %ge3A_465 : i32
    %select_n3A_467 = arith.select %ge3A_466, %or3A_456, %select_n3A_454 : i32
    %or3A_468 = arith.constant 32 : i32
    %or3A_469 = arith.ori %select_n3A_467, %or3A_468 : i32
    %ge3A_470 = vector.broadcast %or3A_469 : i32 to vector<256x128xi32>
    %ge3A_471 = arith.cmpi sge, %bitcast_convert_type3A, %ge3A_470 : vector<256x128xi32>
    %convert_element_type3A_472 = arith.extui %ge3A_471 : vector<256x128xi1> to vector<256x128xi32>
    %reduce_sum3A_473 = vector.shape_cast %convert_element_type3A_472 : vector<256x128xi32> to vector<1x256x128xi32>
    %reduce_sum3A_474 = arith.constant dense<0> : vector<1xi32>
    %reduce_sum3A_475 = vector.multi_reduction <add>, %reduce_sum3A_473, %reduce_sum3A_474 [1, 2] : vector<1x256x128xi32> to vector<1xi32>
    %reduce_sum3A_476 = vector.shape_cast %reduce_sum3A_475 : vector<1xi32> to vector<1x1x1xi32>
    %reduce_sum3A_477 = vector.extract %reduce_sum3A_476[0, 0, 0] : i32 from vector<1x1x1xi32>
    %ge3A_478 = arith.constant 6000 : i32
    %ge3A_479 = arith.cmpi sge, %reduce_sum3A_477, %ge3A_478 : i32
    %select_n3A_480 = arith.select %ge3A_479, %or3A_469, %select_n3A_467 : i32
    %or3A_481 = arith.constant 16 : i32
    %or3A_482 = arith.ori %select_n3A_480, %or3A_481 : i32
    %ge3A_483 = vector.broadcast %or3A_482 : i32 to vector<256x128xi32>
    %ge3A_484 = arith.cmpi sge, %bitcast_convert_type3A, %ge3A_483 : vector<256x128xi32>
    %convert_element_type3A_485 = arith.extui %ge3A_484 : vector<256x128xi1> to vector<256x128xi32>
    %reduce_sum3A_486 = vector.shape_cast %convert_element_type3A_485 : vector<256x128xi32> to vector<1x256x128xi32>
    %reduce_sum3A_487 = arith.constant dense<0> : vector<1xi32>
    %reduce_sum3A_488 = vector.multi_reduction <add>, %reduce_sum3A_486, %reduce_sum3A_487 [1, 2] : vector<1x256x128xi32> to vector<1xi32>
    %reduce_sum3A_489 = vector.shape_cast %reduce_sum3A_488 : vector<1xi32> to vector<1x1x1xi32>
    %reduce_sum3A_490 = vector.extract %reduce_sum3A_489[0, 0, 0] : i32 from vector<1x1x1xi32>
    %ge3A_491 = arith.constant 6000 : i32
    %ge3A_492 = arith.cmpi sge, %reduce_sum3A_490, %ge3A_491 : i32
    %select_n3A_493 = arith.select %ge3A_492, %or3A_482, %select_n3A_480 : i32
    %or3A_494 = arith.constant 8 : i32
    %or3A_495 = arith.ori %select_n3A_493, %or3A_494 : i32
    %ge3A_496 = vector.broadcast %or3A_495 : i32 to vector<256x128xi32>
    %ge3A_497 = arith.cmpi sge, %bitcast_convert_type3A, %ge3A_496 : vector<256x128xi32>
    %convert_element_type3A_498 = arith.extui %ge3A_497 : vector<256x128xi1> to vector<256x128xi32>
    %reduce_sum3A_499 = vector.shape_cast %convert_element_type3A_498 : vector<256x128xi32> to vector<1x256x128xi32>
    %reduce_sum3A_500 = arith.constant dense<0> : vector<1xi32>
    %reduce_sum3A_501 = vector.multi_reduction <add>, %reduce_sum3A_499, %reduce_sum3A_500 [1, 2] : vector<1x256x128xi32> to vector<1xi32>
    %reduce_sum3A_502 = vector.shape_cast %reduce_sum3A_501 : vector<1xi32> to vector<1x1x1xi32>
    %reduce_sum3A_503 = vector.extract %reduce_sum3A_502[0, 0, 0] : i32 from vector<1x1x1xi32>
    %ge3A_504 = arith.constant 6000 : i32
    %ge3A_505 = arith.cmpi sge, %reduce_sum3A_503, %ge3A_504 : i32
    %select_n3A_506 = arith.select %ge3A_505, %or3A_495, %select_n3A_493 : i32
    %or3A_507 = arith.constant 4 : i32
    %or3A_508 = arith.ori %select_n3A_506, %or3A_507 : i32
    %ge3A_509 = vector.broadcast %or3A_508 : i32 to vector<256x128xi32>
    %ge3A_510 = arith.cmpi sge, %bitcast_convert_type3A, %ge3A_509 : vector<256x128xi32>
    %convert_element_type3A_511 = arith.extui %ge3A_510 : vector<256x128xi1> to vector<256x128xi32>
    %reduce_sum3A_512 = vector.shape_cast %convert_element_type3A_511 : vector<256x128xi32> to vector<1x256x128xi32>
    %reduce_sum3A_513 = arith.constant dense<0> : vector<1xi32>
    %reduce_sum3A_514 = vector.multi_reduction <add>, %reduce_sum3A_512, %reduce_sum3A_513 [1, 2] : vector<1x256x128xi32> to vector<1xi32>
    %reduce_sum3A_515 = vector.shape_cast %reduce_sum3A_514 : vector<1xi32> to vector<1x1x1xi32>
    %reduce_sum3A_516 = vector.extract %reduce_sum3A_515[0, 0, 0] : i32 from vector<1x1x1xi32>
    %ge3A_517 = arith.constant 6000 : i32
    %ge3A_518 = arith.cmpi sge, %reduce_sum3A_516, %ge3A_517 : i32
    %select_n3A_519 = arith.select %ge3A_518, %or3A_508, %select_n3A_506 : i32
    %or3A_520 = arith.constant 2 : i32
    %or3A_521 = arith.ori %select_n3A_519, %or3A_520 : i32
    %ge3A_522 = vector.broadcast %or3A_521 : i32 to vector<256x128xi32>
    %ge3A_523 = arith.cmpi sge, %bitcast_convert_type3A, %ge3A_522 : vector<256x128xi32>
    %convert_element_type3A_524 = arith.extui %ge3A_523 : vector<256x128xi1> to vector<256x128xi32>
    %reduce_sum3A_525 = vector.shape_cast %convert_element_type3A_524 : vector<256x128xi32> to vector<1x256x128xi32>
    %reduce_sum3A_526 = arith.constant dense<0> : vector<1xi32>
    %reduce_sum3A_527 = vector.multi_reduction <add>, %reduce_sum3A_525, %reduce_sum3A_526 [1, 2] : vector<1x256x128xi32> to vector<1xi32>
    %reduce_sum3A_528 = vector.shape_cast %reduce_sum3A_527 : vector<1xi32> to vector<1x1x1xi32>
    %reduce_sum3A_529 = vector.extract %reduce_sum3A_528[0, 0, 0] : i32 from vector<1x1x1xi32>
    %ge3A_530 = arith.constant 6000 : i32
    %ge3A_531 = arith.cmpi sge, %reduce_sum3A_529, %ge3A_530 : i32
    %select_n3A_532 = arith.select %ge3A_531, %or3A_521, %select_n3A_519 : i32
    %or3A_533 = arith.constant 1 : i32
    %or3A_534 = arith.ori %select_n3A_532, %or3A_533 : i32
    %ge3A_535 = vector.broadcast %or3A_534 : i32 to vector<256x128xi32>
    %ge3A_536 = arith.cmpi sge, %bitcast_convert_type3A, %ge3A_535 : vector<256x128xi32>
    %convert_element_type3A_537 = arith.extui %ge3A_536 : vector<256x128xi1> to vector<256x128xi32>
    %reduce_sum3A_538 = vector.shape_cast %convert_element_type3A_537 : vector<256x128xi32> to vector<1x256x128xi32>
    %reduce_sum3A_539 = arith.constant dense<0> : vector<1xi32>
    %reduce_sum3A_540 = vector.multi_reduction <add>, %reduce_sum3A_538, %reduce_sum3A_539 [1, 2] : vector<1x256x128xi32> to vector<1xi32>
    %reduce_sum3A_541 = vector.shape_cast %reduce_sum3A_540 : vector<1xi32> to vector<1x1x1xi32>
    %reduce_sum3A_542 = vector.extract %reduce_sum3A_541[0, 0, 0] : i32 from vector<1x1x1xi32>
    %ge3A_543 = arith.constant 6000 : i32
    %ge3A_544 = arith.cmpi sge, %reduce_sum3A_542, %ge3A_543 : i32
    %select_n3A_545 = arith.select %ge3A_544, %or3A_534, %select_n3A_532 : i32
    %gt3A = vector.broadcast %select_n3A_545 : i32 to vector<256x128xi32>
    %gt3A_546 = arith.cmpi sgt, %bitcast_convert_type3A, %gt3A : vector<256x128xi32>
    %convert_element_type3A_547 = arith.extui %gt3A_546 : vector<256x128xi1> to vector<256x128xi32>
    %reduce_sum3A_548 = vector.shape_cast %convert_element_type3A_547 : vector<256x128xi32> to vector<1x256x128xi32>
    %reduce_sum3A_549 = arith.constant dense<0> : vector<1xi32>
    %reduce_sum3A_550 = vector.multi_reduction <add>, %reduce_sum3A_548, %reduce_sum3A_549 [1, 2] : vector<1x256x128xi32> to vector<1xi32>
    %reduce_sum3A_551 = vector.shape_cast %reduce_sum3A_550 : vector<1xi32> to vector<1x1x1xi32>
    %reduce_sum3A_552 = vector.extract %reduce_sum3A_551[0, 0, 0] : i32 from vector<1x1x1xi32>
    %sub3A_553 = arith.constant 6000 : i32
    %sub3A_554 = arith.subi %sub3A_553, %reduce_sum3A_552 : i32
    %eq3A = vector.broadcast %select_n3A_545 : i32 to vector<256x128xi32>
    %eq3A_555 = arith.cmpi eq, %bitcast_convert_type3A, %eq3A : vector<256x128xi32>
    %convert_element_type3A_556 = arith.extui %eq3A_555 : vector<256x128xi1> to vector<256x128xi32>
    %broadcast_in_dim3A_557 = arith.constant 0 : i32
    %broadcast_in_dim3A_558 = vector.broadcast %broadcast_in_dim3A_557 : i32 to vector<256x1xi32>
    %slice3A = vector.extract_strided_slice %convert_element_type3A_556 {offsets = [0, 0], sizes = [256, 127], strides = [1, 1]} : vector<256x128xi32> to vector<256x127xi32>
    %concatenate3A = tpu.concatenate %broadcast_in_dim3A_558, %slice3A in 1 : vector<256x1xi32>, vector<256x127xi32> -> vector<256x128xi32>
    %add3A_559 = arith.addi %convert_element_type3A_556, %concatenate3A : vector<256x128xi32>
    %broadcast_in_dim3A_560 = arith.constant 0 : i32
    %broadcast_in_dim3A_561 = vector.broadcast %broadcast_in_dim3A_560 : i32 to vector<256x2xi32>
    %slice3A_562 = vector.extract_strided_slice %add3A_559 {offsets = [0, 0], sizes = [256, 126], strides = [1, 1]} : vector<256x128xi32> to vector<256x126xi32>
    %concatenate3A_563 = tpu.concatenate %broadcast_in_dim3A_561, %slice3A_562 in 1 : vector<256x2xi32>, vector<256x126xi32> -> vector<256x128xi32>
    %add3A_564 = arith.addi %add3A_559, %concatenate3A_563 : vector<256x128xi32>
    %broadcast_in_dim3A_565 = arith.constant 0 : i32
    %broadcast_in_dim3A_566 = vector.broadcast %broadcast_in_dim3A_565 : i32 to vector<256x4xi32>
    %slice3A_567 = vector.extract_strided_slice %add3A_564 {offsets = [0, 0], sizes = [256, 124], strides = [1, 1]} : vector<256x128xi32> to vector<256x124xi32>
    %concatenate3A_568 = tpu.concatenate %broadcast_in_dim3A_566, %slice3A_567 in 1 : vector<256x4xi32>, vector<256x124xi32> -> vector<256x128xi32>
    %add3A_569 = arith.addi %add3A_564, %concatenate3A_568 : vector<256x128xi32>
    %broadcast_in_dim3A_570 = arith.constant 0 : i32
    %broadcast_in_dim3A_571 = vector.broadcast %broadcast_in_dim3A_570 : i32 to vector<256x8xi32>
    %slice3A_572 = vector.extract_strided_slice %add3A_569 {offsets = [0, 0], sizes = [256, 120], strides = [1, 1]} : vector<256x128xi32> to vector<256x120xi32>
    %concatenate3A_573 = tpu.concatenate %broadcast_in_dim3A_571, %slice3A_572 in 1 : vector<256x8xi32>, vector<256x120xi32> -> vector<256x128xi32>
    %add3A_574 = arith.addi %add3A_569, %concatenate3A_573 : vector<256x128xi32>
    %broadcast_in_dim3A_575 = arith.constant 0 : i32
    %broadcast_in_dim3A_576 = vector.broadcast %broadcast_in_dim3A_575 : i32 to vector<256x16xi32>
    %slice3A_577 = vector.extract_strided_slice %add3A_574 {offsets = [0, 0], sizes = [256, 112], strides = [1, 1]} : vector<256x128xi32> to vector<256x112xi32>
    %concatenate3A_578 = tpu.concatenate %broadcast_in_dim3A_576, %slice3A_577 in 1 : vector<256x16xi32>, vector<256x112xi32> -> vector<256x128xi32>
    %add3A_579 = arith.addi %add3A_574, %concatenate3A_578 : vector<256x128xi32>
    %broadcast_in_dim3A_580 = arith.constant 0 : i32
    %broadcast_in_dim3A_581 = vector.broadcast %broadcast_in_dim3A_580 : i32 to vector<256x32xi32>
    %slice3A_582 = vector.extract_strided_slice %add3A_579 {offsets = [0, 0], sizes = [256, 96], strides = [1, 1]} : vector<256x128xi32> to vector<256x96xi32>
    %concatenate3A_583 = tpu.concatenate %broadcast_in_dim3A_581, %slice3A_582 in 1 : vector<256x32xi32>, vector<256x96xi32> -> vector<256x128xi32>
    %add3A_584 = arith.addi %add3A_579, %concatenate3A_583 : vector<256x128xi32>
    %broadcast_in_dim3A_585 = arith.constant 0 : i32
    %broadcast_in_dim3A_586 = vector.broadcast %broadcast_in_dim3A_585 : i32 to vector<256x64xi32>
    %slice3A_587 = vector.extract_strided_slice %add3A_584 {offsets = [0, 0], sizes = [256, 64], strides = [1, 1]} : vector<256x128xi32> to vector<256x64xi32>
    %concatenate3A_588 = tpu.concatenate %broadcast_in_dim3A_586, %slice3A_587 in 1 : vector<256x64xi32>, vector<256x64xi32> -> vector<256x128xi32>
    %add3A_589 = arith.addi %add3A_584, %concatenate3A_588 : vector<256x128xi32>
    %slice3A_590 = vector.extract_strided_slice %add3A_589 {offsets = [0, 127], sizes = [256, 1], strides = [1, 1]} : vector<256x128xi32> to vector<256x1xi32>
    %broadcast_in_dim3A_591 = vector.shape_cast %slice3A_590 : vector<256x1xi32> to vector<256x1xi32>
    %broadcast_in_dim3A_592 = vector.broadcast %broadcast_in_dim3A_591 : vector<256x1xi32> to vector<256x128xi32>
    %broadcast_in_dim3A_593 = arith.constant 0 : i32
    %broadcast_in_dim3A_594 = vector.broadcast %broadcast_in_dim3A_593 : i32 to vector<1x128xi32>
    %slice3A_595 = vector.extract_strided_slice %broadcast_in_dim3A_592 {offsets = [0, 0], sizes = [255, 128], strides = [1, 1]} : vector<256x128xi32> to vector<255x128xi32>
    %concatenate3A_596 = tpu.concatenate %broadcast_in_dim3A_594, %slice3A_595 in 0 : vector<1x128xi32>, vector<255x128xi32> -> vector<256x128xi32>
    %add3A_597 = arith.addi %broadcast_in_dim3A_592, %concatenate3A_596 : vector<256x128xi32>
    %broadcast_in_dim3A_598 = arith.constant 0 : i32
    %broadcast_in_dim3A_599 = vector.broadcast %broadcast_in_dim3A_598 : i32 to vector<2x128xi32>
    %slice3A_600 = vector.extract_strided_slice %add3A_597 {offsets = [0, 0], sizes = [254, 128], strides = [1, 1]} : vector<256x128xi32> to vector<254x128xi32>
    %concatenate3A_601 = tpu.concatenate %broadcast_in_dim3A_599, %slice3A_600 in 0 : vector<2x128xi32>, vector<254x128xi32> -> vector<256x128xi32>
    %add3A_602 = arith.addi %add3A_597, %concatenate3A_601 : vector<256x128xi32>
    %broadcast_in_dim3A_603 = arith.constant 0 : i32
    %broadcast_in_dim3A_604 = vector.broadcast %broadcast_in_dim3A_603 : i32 to vector<4x128xi32>
    %slice3A_605 = vector.extract_strided_slice %add3A_602 {offsets = [0, 0], sizes = [252, 128], strides = [1, 1]} : vector<256x128xi32> to vector<252x128xi32>
    %concatenate3A_606 = tpu.concatenate %broadcast_in_dim3A_604, %slice3A_605 in 0 : vector<4x128xi32>, vector<252x128xi32> -> vector<256x128xi32>
    %add3A_607 = arith.addi %add3A_602, %concatenate3A_606 : vector<256x128xi32>
    %broadcast_in_dim3A_608 = arith.constant 0 : i32
    %broadcast_in_dim3A_609 = vector.broadcast %broadcast_in_dim3A_608 : i32 to vector<8x128xi32>
    %slice3A_610 = vector.extract_strided_slice %add3A_607 {offsets = [0, 0], sizes = [248, 128], strides = [1, 1]} : vector<256x128xi32> to vector<248x128xi32>
    %concatenate3A_611 = tpu.concatenate %broadcast_in_dim3A_609, %slice3A_610 in 0 : vector<8x128xi32>, vector<248x128xi32> -> vector<256x128xi32>
    %add3A_612 = arith.addi %add3A_607, %concatenate3A_611 : vector<256x128xi32>
    %broadcast_in_dim3A_613 = arith.constant 0 : i32
    %broadcast_in_dim3A_614 = vector.broadcast %broadcast_in_dim3A_613 : i32 to vector<16x128xi32>
    %slice3A_615 = vector.extract_strided_slice %add3A_612 {offsets = [0, 0], sizes = [240, 128], strides = [1, 1]} : vector<256x128xi32> to vector<240x128xi32>
    %concatenate3A_616 = tpu.concatenate %broadcast_in_dim3A_614, %slice3A_615 in 0 : vector<16x128xi32>, vector<240x128xi32> -> vector<256x128xi32>
    %add3A_617 = arith.addi %add3A_612, %concatenate3A_616 : vector<256x128xi32>
    %broadcast_in_dim3A_618 = arith.constant 0 : i32
    %broadcast_in_dim3A_619 = vector.broadcast %broadcast_in_dim3A_618 : i32 to vector<32x128xi32>
    %slice3A_620 = vector.extract_strided_slice %add3A_617 {offsets = [0, 0], sizes = [224, 128], strides = [1, 1]} : vector<256x128xi32> to vector<224x128xi32>
    %concatenate3A_621 = tpu.concatenate %broadcast_in_dim3A_619, %slice3A_620 in 0 : vector<32x128xi32>, vector<224x128xi32> -> vector<256x128xi32>
    %add3A_622 = arith.addi %add3A_617, %concatenate3A_621 : vector<256x128xi32>
    %broadcast_in_dim3A_623 = arith.constant 0 : i32
    %broadcast_in_dim3A_624 = vector.broadcast %broadcast_in_dim3A_623 : i32 to vector<64x128xi32>
    %slice3A_625 = vector.extract_strided_slice %add3A_622 {offsets = [0, 0], sizes = [192, 128], strides = [1, 1]} : vector<256x128xi32> to vector<192x128xi32>
    %concatenate3A_626 = tpu.concatenate %broadcast_in_dim3A_624, %slice3A_625 in 0 : vector<64x128xi32>, vector<192x128xi32> -> vector<256x128xi32>
    %add3A_627 = arith.addi %add3A_622, %concatenate3A_626 : vector<256x128xi32>
    %broadcast_in_dim3A_628 = arith.constant 0 : i32
    %broadcast_in_dim3A_629 = vector.broadcast %broadcast_in_dim3A_628 : i32 to vector<128x128xi32>
    %slice3A_630 = vector.extract_strided_slice %add3A_627 {offsets = [0, 0], sizes = [128, 128], strides = [1, 1]} : vector<256x128xi32> to vector<128x128xi32>
    %concatenate3A_631 = tpu.concatenate %broadcast_in_dim3A_629, %slice3A_630 in 0 : vector<128x128xi32>, vector<128x128xi32> -> vector<256x128xi32>
    %add3A_632 = arith.addi %add3A_627, %concatenate3A_631 : vector<256x128xi32>
    %sub3A_633 = arith.subi %add3A_632, %broadcast_in_dim3A_592 : vector<256x128xi32>
    %add3A_634 = arith.addi %add3A_589, %sub3A_633 : vector<256x128xi32>
    %convert_element_type3A_635 = arith.extui %eq3A_555 : vector<256x128xi1> to vector<256x128xi32>
    %sub3A_636 = arith.subi %add3A_634, %convert_element_type3A_635 : vector<256x128xi32>
    %lt3A_637 = vector.broadcast %sub3A_554 : i32 to vector<256x128xi32>
    %lt3A_638 = arith.cmpi slt, %sub3A_636, %lt3A_637 : vector<256x128xi32>
    %and3A_639 = arith.andi %eq3A_555, %lt3A_638 : vector<256x128xi1>
    %le3A = arith.constant 6000 : i32
    %le3A_640 = arith.cmpi sle, %reduce_sum3A_154, %le3A : i32
    %gt3A_641 = vector.broadcast %select_n3A_545 : i32 to vector<256x128xi32>
    %gt3A_642 = arith.cmpi sgt, %bitcast_convert_type3A, %gt3A_641 : vector<256x128xi32>
    %or3A_643 = vector.broadcast %le3A_640 : i1 to vector<256x128xi1>
    %or3A_644 = arith.ori %or3A_643, %gt3A_642 : vector<256x128xi1>
    %or3A_645 = arith.ori %or3A_644, %and3A_639 : vector<256x128xi1>
    %and3A_646 = arith.andi %ge3A_150, %or3A_645 : vector<256x128xi1>
    %jit3A_647 = arith.constant -1.000000e+00 : f32
    %broadcast_in_dim3A_648 = vector.broadcast %jit3A_647 : f32 to vector<256x128xf32>
    %select_n3A_649 = arith.select %and3A_646, %select_n3A, %broadcast_in_dim3A_648 : vector<256x128xi1>, vector<256x128xf32>
    %swap3A_650 = arith.constant 0 : index
    %swap3A_651 = arith.constant 0 : index
    %swap3A_652 = vector.load %arg16[%swap3A_650, %swap3A_651] : memref<1024x128xf32, #tpu.memory_space<vmem>>, vector<256x128xf32>
    tpu.vector_store %arg16[%swap3A_650, %swap3A_651], %select_n3A_649 {strides = array<i32>} : memref<1024x128xf32, #tpu.memory_space<vmem>>, vector<256x128xf32>,
    %add3A_653 = arith.constant 1.000000e+00 : f32
    %add3A_654 = arith.addf %add3A_653, %get3A_1 : f32
    %mul3A_655 = vector.broadcast %add3A_654 : f32 to vector<256x128xf32>
    %mul3A_656 = arith.mulf %mul3A_655, %min3A_84 : vector<256x128xf32>
    %swap3A_657 = arith.constant 0 : index
    %swap3A_658 = arith.constant 0 : index
    %swap3A_659 = vector.load %arg19[%swap3A_657, %swap3A_658] : memref<1024x128xf32, #tpu.memory_space<vmem>>, vector<256x128xf32>
    tpu.vector_store %arg19[%swap3A_657, %swap3A_658], %mul3A_656 {strides = array<i32>} : memref<1024x128xf32, #tpu.memory_space<vmem>>, vector<256x128xf32>,
    %add3A_660 = arith.constant 1.000000e+00 : f32
    %add3A_661 = vector.broadcast %add3A_660 : f32 to vector<256x128xf32>
    %add3A_662 = arith.addf %min3A_102, %add3A_661 : vector<256x128xf32>
    %mul3A_663 = vector.broadcast %add3A_654 : f32 to vector<256x128xf32>
    %mul3A_664 = arith.mulf %mul3A_663, %add3A_662 : vector<256x128xf32>
    %swap3A_665 = arith.constant 0 : index
    %swap3A_666 = arith.constant 0 : index
    %swap3A_667 = vector.load %arg20[%swap3A_665, %swap3A_666] : memref<1024x128xf32, #tpu.memory_space<vmem>>, vector<256x128xf32>
    tpu.vector_store %arg20[%swap3A_665, %swap3A_666], %mul3A_664 {strides = array<i32>} : memref<1024x128xf32, #tpu.memory_space<vmem>>, vector<256x128xf32>,
    %add3A_668 = arith.constant 1.000000e+00 : f32
    %add3A_669 = vector.broadcast %add3A_668 : f32 to vector<256x128xf32>
    %add3A_670 = arith.addf %min3A_111, %add3A_669 : vector<256x128xf32>
    %swap3A_671 = arith.constant 0 : index
    %swap3A_672 = arith.constant 0 : index
    %swap3A_673 = vector.load %arg21[%swap3A_671, %swap3A_672] : memref<1024x128xf32, #tpu.memory_space<vmem>>, vector<256x128xf32>
    tpu.vector_store %arg21[%swap3A_671, %swap3A_672], %add3A_670 {strides = array<i32>} : memref<1024x128xf32, #tpu.memory_space<vmem>>, vector<256x128xf32>,
    %sub3A_674 = arith.subf %min3A_102, %min3A_84 : vector<256x128xf32>
    %add3A_675 = arith.constant 1.000000e+00 : f32
    %add3A_676 = vector.broadcast %add3A_675 : f32 to vector<256x128xf32>
    %add3A_677 = arith.addf %sub3A_674, %add3A_676 : vector<256x128xf32>
    %sub3A_678 = arith.subf %min3A_111, %min3A_93 : vector<256x128xf32>
    %add3A_679 = arith.constant 1.000000e+00 : f32
    %add3A_680 = vector.broadcast %add3A_679 : f32 to vector<256x128xf32>
    %add3A_681 = arith.addf %sub3A_678, %add3A_680 : vector<256x128xf32>
    %mul3A_682 = arith.mulf %add3A_677, %add3A_681 : vector<256x128xf32>
    %mul3A_683 = vector.broadcast %get3A_1 : f32 to vector<256x128xf32>
    %mul3A_684 = arith.mulf %mul3A_683, %mul3A_682 : vector<256x128xf32>
    %swap3A_685 = arith.constant 0 : index
    %swap3A_686 = arith.constant 0 : index
    %swap3A_687 = vector.load %arg22[%swap3A_685, %swap3A_686] : memref<1024x128xf32, #tpu.memory_space<vmem>>, vector<256x128xf32>
    tpu.vector_store %arg22[%swap3A_685, %swap3A_686], %mul3A_684 {strides = array<i32>} : memref<1024x128xf32, #tpu.memory_space<vmem>>, vector<256x128xf32>,
    %convert_element_type3A_688 = arith.extui %and3A_646 : vector<256x128xi1> to vector<256x128xi32>
    %broadcast_in_dim3A_689 = arith.constant 0 : i32
    %broadcast_in_dim3A_690 = vector.broadcast %broadcast_in_dim3A_689 : i32 to vector<256x1xi32>
    %slice3A_691 = vector.extract_strided_slice %convert_element_type3A_688 {offsets = [0, 0], sizes = [256, 127], strides = [1, 1]} : vector<256x128xi32> to vector<256x127xi32>
    %concatenate3A_692 = tpu.concatenate %broadcast_in_dim3A_690, %slice3A_691 in 1 : vector<256x1xi32>, vector<256x127xi32> -> vector<256x128xi32>
    %add3A_693 = arith.addi %convert_element_type3A_688, %concatenate3A_692 : vector<256x128xi32>
    %broadcast_in_dim3A_694 = arith.constant 0 : i32
    %broadcast_in_dim3A_695 = vector.broadcast %broadcast_in_dim3A_694 : i32 to vector<256x2xi32>
    %slice3A_696 = vector.extract_strided_slice %add3A_693 {offsets = [0, 0], sizes = [256, 126], strides = [1, 1]} : vector<256x128xi32> to vector<256x126xi32>
    %concatenate3A_697 = tpu.concatenate %broadcast_in_dim3A_695, %slice3A_696 in 1 : vector<256x2xi32>, vector<256x126xi32> -> vector<256x128xi32>
    %add3A_698 = arith.addi %add3A_693, %concatenate3A_697 : vector<256x128xi32>
    %broadcast_in_dim3A_699 = arith.constant 0 : i32
    %broadcast_in_dim3A_700 = vector.broadcast %broadcast_in_dim3A_699 : i32 to vector<256x4xi32>
    %slice3A_701 = vector.extract_strided_slice %add3A_698 {offsets = [0, 0], sizes = [256, 124], strides = [1, 1]} : vector<256x128xi32> to vector<256x124xi32>
    %concatenate3A_702 = tpu.concatenate %broadcast_in_dim3A_700, %slice3A_701 in 1 : vector<256x4xi32>, vector<256x124xi32> -> vector<256x128xi32>
    %add3A_703 = arith.addi %add3A_698, %concatenate3A_702 : vector<256x128xi32>
    %broadcast_in_dim3A_704 = arith.constant 0 : i32
    %broadcast_in_dim3A_705 = vector.broadcast %broadcast_in_dim3A_704 : i32 to vector<256x8xi32>
    %slice3A_706 = vector.extract_strided_slice %add3A_703 {offsets = [0, 0], sizes = [256, 120], strides = [1, 1]} : vector<256x128xi32> to vector<256x120xi32>
    %concatenate3A_707 = tpu.concatenate %broadcast_in_dim3A_705, %slice3A_706 in 1 : vector<256x8xi32>, vector<256x120xi32> -> vector<256x128xi32>
    %add3A_708 = arith.addi %add3A_703, %concatenate3A_707 : vector<256x128xi32>
    %broadcast_in_dim3A_709 = arith.constant 0 : i32
    %broadcast_in_dim3A_710 = vector.broadcast %broadcast_in_dim3A_709 : i32 to vector<256x16xi32>
    %slice3A_711 = vector.extract_strided_slice %add3A_708 {offsets = [0, 0], sizes = [256, 112], strides = [1, 1]} : vector<256x128xi32> to vector<256x112xi32>
    %concatenate3A_712 = tpu.concatenate %broadcast_in_dim3A_710, %slice3A_711 in 1 : vector<256x16xi32>, vector<256x112xi32> -> vector<256x128xi32>
    %add3A_713 = arith.addi %add3A_708, %concatenate3A_712 : vector<256x128xi32>
    %broadcast_in_dim3A_714 = arith.constant 0 : i32
    %broadcast_in_dim3A_715 = vector.broadcast %broadcast_in_dim3A_714 : i32 to vector<256x32xi32>
    %slice3A_716 = vector.extract_strided_slice %add3A_713 {offsets = [0, 0], sizes = [256, 96], strides = [1, 1]} : vector<256x128xi32> to vector<256x96xi32>
    %concatenate3A_717 = tpu.concatenate %broadcast_in_dim3A_715, %slice3A_716 in 1 : vector<256x32xi32>, vector<256x96xi32> -> vector<256x128xi32>
    %add3A_718 = arith.addi %add3A_713, %concatenate3A_717 : vector<256x128xi32>
    %broadcast_in_dim3A_719 = arith.constant 0 : i32
    %broadcast_in_dim3A_720 = vector.broadcast %broadcast_in_dim3A_719 : i32 to vector<256x64xi32>
    %slice3A_721 = vector.extract_strided_slice %add3A_718 {offsets = [0, 0], sizes = [256, 64], strides = [1, 1]} : vector<256x128xi32> to vector<256x64xi32>
    %concatenate3A_722 = tpu.concatenate %broadcast_in_dim3A_720, %slice3A_721 in 1 : vector<256x64xi32>, vector<256x64xi32> -> vector<256x128xi32>
    %add3A_723 = arith.addi %add3A_718, %concatenate3A_722 : vector<256x128xi32>
    %slice3A_724 = vector.extract_strided_slice %add3A_723 {offsets = [0, 127], sizes = [256, 1], strides = [1, 1]} : vector<256x128xi32> to vector<256x1xi32>
    %broadcast_in_dim3A_725 = vector.shape_cast %slice3A_724 : vector<256x1xi32> to vector<256x1xi32>
    %broadcast_in_dim3A_726 = vector.broadcast %broadcast_in_dim3A_725 : vector<256x1xi32> to vector<256x128xi32>
    %broadcast_in_dim3A_727 = arith.constant 0 : i32
    %broadcast_in_dim3A_728 = vector.broadcast %broadcast_in_dim3A_727 : i32 to vector<1x128xi32>
    %slice3A_729 = vector.extract_strided_slice %broadcast_in_dim3A_726 {offsets = [0, 0], sizes = [255, 128], strides = [1, 1]} : vector<256x128xi32> to vector<255x128xi32>
    %concatenate3A_730 = tpu.concatenate %broadcast_in_dim3A_728, %slice3A_729 in 0 : vector<1x128xi32>, vector<255x128xi32> -> vector<256x128xi32>
    %add3A_731 = arith.addi %broadcast_in_dim3A_726, %concatenate3A_730 : vector<256x128xi32>
    %broadcast_in_dim3A_732 = arith.constant 0 : i32
    %broadcast_in_dim3A_733 = vector.broadcast %broadcast_in_dim3A_732 : i32 to vector<2x128xi32>
    %slice3A_734 = vector.extract_strided_slice %add3A_731 {offsets = [0, 0], sizes = [254, 128], strides = [1, 1]} : vector<256x128xi32> to vector<254x128xi32>
    %concatenate3A_735 = tpu.concatenate %broadcast_in_dim3A_733, %slice3A_734 in 0 : vector<2x128xi32>, vector<254x128xi32> -> vector<256x128xi32>
    %add3A_736 = arith.addi %add3A_731, %concatenate3A_735 : vector<256x128xi32>
    %broadcast_in_dim3A_737 = arith.constant 0 : i32
    %broadcast_in_dim3A_738 = vector.broadcast %broadcast_in_dim3A_737 : i32 to vector<4x128xi32>
    %slice3A_739 = vector.extract_strided_slice %add3A_736 {offsets = [0, 0], sizes = [252, 128], strides = [1, 1]} : vector<256x128xi32> to vector<252x128xi32>
    %concatenate3A_740 = tpu.concatenate %broadcast_in_dim3A_738, %slice3A_739 in 0 : vector<4x128xi32>, vector<252x128xi32> -> vector<256x128xi32>
    %add3A_741 = arith.addi %add3A_736, %concatenate3A_740 : vector<256x128xi32>
    %broadcast_in_dim3A_742 = arith.constant 0 : i32
    %broadcast_in_dim3A_743 = vector.broadcast %broadcast_in_dim3A_742 : i32 to vector<8x128xi32>
    %slice3A_744 = vector.extract_strided_slice %add3A_741 {offsets = [0, 0], sizes = [248, 128], strides = [1, 1]} : vector<256x128xi32> to vector<248x128xi32>
    %concatenate3A_745 = tpu.concatenate %broadcast_in_dim3A_743, %slice3A_744 in 0 : vector<8x128xi32>, vector<248x128xi32> -> vector<256x128xi32>
    %add3A_746 = arith.addi %add3A_741, %concatenate3A_745 : vector<256x128xi32>
    %broadcast_in_dim3A_747 = arith.constant 0 : i32
    %broadcast_in_dim3A_748 = vector.broadcast %broadcast_in_dim3A_747 : i32 to vector<16x128xi32>
    %slice3A_749 = vector.extract_strided_slice %add3A_746 {offsets = [0, 0], sizes = [240, 128], strides = [1, 1]} : vector<256x128xi32> to vector<240x128xi32>
    %concatenate3A_750 = tpu.concatenate %broadcast_in_dim3A_748, %slice3A_749 in 0 : vector<16x128xi32>, vector<240x128xi32> -> vector<256x128xi32>
    %add3A_751 = arith.addi %add3A_746, %concatenate3A_750 : vector<256x128xi32>
    %broadcast_in_dim3A_752 = arith.constant 0 : i32
    %broadcast_in_dim3A_753 = vector.broadcast %broadcast_in_dim3A_752 : i32 to vector<32x128xi32>
    %slice3A_754 = vector.extract_strided_slice %add3A_751 {offsets = [0, 0], sizes = [224, 128], strides = [1, 1]} : vector<256x128xi32> to vector<224x128xi32>
    %concatenate3A_755 = tpu.concatenate %broadcast_in_dim3A_753, %slice3A_754 in 0 : vector<32x128xi32>, vector<224x128xi32> -> vector<256x128xi32>
    %add3A_756 = arith.addi %add3A_751, %concatenate3A_755 : vector<256x128xi32>
    %broadcast_in_dim3A_757 = arith.constant 0 : i32
    %broadcast_in_dim3A_758 = vector.broadcast %broadcast_in_dim3A_757 : i32 to vector<64x128xi32>
    %slice3A_759 = vector.extract_strided_slice %add3A_756 {offsets = [0, 0], sizes = [192, 128], strides = [1, 1]} : vector<256x128xi32> to vector<192x128xi32>
    %concatenate3A_760 = tpu.concatenate %broadcast_in_dim3A_758, %slice3A_759 in 0 : vector<64x128xi32>, vector<192x128xi32> -> vector<256x128xi32>
    %add3A_761 = arith.addi %add3A_756, %concatenate3A_760 : vector<256x128xi32>
    %broadcast_in_dim3A_762 = arith.constant 0 : i32
    %broadcast_in_dim3A_763 = vector.broadcast %broadcast_in_dim3A_762 : i32 to vector<128x128xi32>
    %slice3A_764 = vector.extract_strided_slice %add3A_761 {offsets = [0, 0], sizes = [128, 128], strides = [1, 1]} : vector<256x128xi32> to vector<128x128xi32>
    %concatenate3A_765 = tpu.concatenate %broadcast_in_dim3A_763, %slice3A_764 in 0 : vector<128x128xi32>, vector<128x128xi32> -> vector<256x128xi32>
    %add3A_766 = arith.addi %add3A_761, %concatenate3A_765 : vector<256x128xi32>
    %sub3A_767 = arith.subi %add3A_766, %broadcast_in_dim3A_726 : vector<256x128xi32>
    %add3A_768 = arith.addi %add3A_723, %sub3A_767 : vector<256x128xi32>
    %sub3A_769 = arith.subi %add3A_768, %convert_element_type3A_688 : vector<256x128xi32>
    %add3A_770 = arith.constant 0 : i32
    %add3A_771 = vector.broadcast %add3A_770 : i32 to vector<256x128xi32>
    %add3A_772 = arith.addi %sub3A_769, %add3A_771 : vector<256x128xi32>
    %jit3A_773 = arith.constant 6143 : i32
    %broadcast_in_dim3A_774 = vector.broadcast %jit3A_773 : i32 to vector<256x128xi32>
    %select_n3A_775 = arith.select %and3A_646, %add3A_772, %broadcast_in_dim3A_774 : vector<256x128xi1>, vector<256x128xi32>
    %swap3A_776 = arith.constant 0 : index
    %swap3A_777 = arith.constant 0 : index
    %swap3A_778 = vector.load %arg17[%swap3A_776, %swap3A_777] : memref<1024x128xi32, #tpu.memory_space<vmem>>, vector<256x128xi32>
    tpu.vector_store %arg17[%swap3A_776, %swap3A_777], %select_n3A_775 {strides = array<i32>} : memref<1024x128xi32, #tpu.memory_space<vmem>>, vector<256x128xi32>,
    %reduce_sum3A_779 = vector.shape_cast %convert_element_type3A_688 : vector<256x128xi32> to vector<1x256x128xi32>
    %reduce_sum3A_780 = arith.constant dense<0> : vector<1xi32>
    %reduce_sum3A_781 = vector.multi_reduction <add>, %reduce_sum3A_779, %reduce_sum3A_780 [1, 2] : vector<1x256x128xi32> to vector<1xi32>
    %reduce_sum3A_782 = vector.shape_cast %reduce_sum3A_781 : vector<1xi32> to vector<1x1x1xi32>
    %reduce_sum3A_783 = vector.extract %reduce_sum3A_782[0, 0, 0] : i32 from vector<1x1x1xi32>
    %get3A_784 = arith.constant 1 : index
    %get3A_785 = arith.constant 0 : index
    %get3A_786 = memref.load %arg0[%get3A_784, %get3A_785] : memref<4x4xf32, #tpu.memory_space<smem>>
    %sub3A_787 = arith.constant 1.000000e+00 : f32
    %sub3A_788 = arith.subf %get3A_786, %sub3A_787 : f32
    %get3A_789 = arith.constant 1 : index
    %get3A_790 = arith.constant 1 : index
    %get3A_791 = memref.load %arg0[%get3A_789, %get3A_790] : memref<4x4xf32, #tpu.memory_space<smem>>
    %sub3A_792 = arith.constant 1.000000e+00 : f32
    %sub3A_793 = arith.subf %get3A_791, %sub3A_792 : f32
    %get3A_794 = arith.constant 1 : index
    %get3A_795 = arith.constant 2 : index
    %get3A_796 = memref.load %arg0[%get3A_794, %get3A_795] : memref<4x4xf32, #tpu.memory_space<smem>>
    %mul3A_797 = arith.constant 1.600000e+01 : f32
    %mul3A_798 = arith.mulf %mul3A_797, %get3A_796 : f32
    %get3A_799 = arith.constant 1 : index
    %get3A_800 = arith.constant 3 : index
    %get3A_801 = memref.load %arg0[%get3A_799, %get3A_800] : memref<4x4xf32, #tpu.memory_space<smem>>
    %mul3A_802 = arith.constant 1.600000e+01 : f32
    %mul3A_803 = arith.mulf %mul3A_802, %get3A_801 : f32
    %get3A_804 = arith.constant 256 : index
    %get3A_805 = arith.constant 0 : index
    %get3A_806 = vector.load %arg4[%get3A_804, %get3A_805] : memref<1024x128xf32, #tpu.memory_space<vmem>>, vector<256x128xf32>
    %mul3A_807 = arith.mulf %get3A_806, %add3A_9 : vector<256x128xf32>
    %add3A_808 = arith.addf %mul3A_807, %add3A_25 : vector<256x128xf32>
    %get3A_809 = arith.constant 256 : index
    %get3A_810 = arith.constant 0 : index
    %get3A_811 = vector.load %arg5[%get3A_809, %get3A_810] : memref<1024x128xf32, #tpu.memory_space<vmem>>, vector<256x128xf32>
    %mul3A_812 = arith.mulf %get3A_811, %add3A_19 : vector<256x128xf32>
    %add3A_813 = arith.addf %mul3A_812, %add3A_32 : vector<256x128xf32>
    %get3A_814 = arith.constant 256 : index
    %get3A_815 = arith.constant 0 : index
    %get3A_816 = vector.load %arg6[%get3A_814, %get3A_815] : memref<1024x128xf32, #tpu.memory_space<vmem>>, vector<256x128xf32>
    %exp3A_817 = math.exp %get3A_816 : vector<256x128xf32>
    %mul3A_818 = arith.mulf %exp3A_817, %add3A_9 : vector<256x128xf32>
    %get3A_819 = arith.constant 256 : index
    %get3A_820 = arith.constant 0 : index
    %get3A_821 = vector.load %arg7[%get3A_819, %get3A_820] : memref<1024x128xf32, #tpu.memory_space<vmem>>, vector<256x128xf32>
    %exp3A_822 = math.exp %get3A_821 : vector<256x128xf32>
    %mul3A_823 = arith.mulf %exp3A_822, %add3A_19 : vector<256x128xf32>
    %mul3A_824 = arith.constant 5.000000e-01 : f32
    %mul3A_825 = vector.broadcast %mul3A_824 : f32 to vector<256x128xf32>
    %mul3A_826 = arith.mulf %mul3A_825, %mul3A_818 : vector<256x128xf32>
    %sub3A_827 = arith.subf %add3A_808, %mul3A_826 : vector<256x128xf32>
    %jit3A_828 = arith.constant 0.000000e+00 : f32
    %max3A_829 = vector.broadcast %jit3A_828 : f32 to vector<256x128xf32>
    %max3A_830 = arith.maximumf %max3A_829, %sub3A_827 : vector<256x128xf32>
    %min3A_831 = vector.broadcast %sub3A_793 : f32 to vector<256x128xf32>
    %min3A_832 = arith.minimumf %min3A_831, %max3A_830 : vector<256x128xf32>
    %mul3A_833 = arith.constant 5.000000e-01 : f32
    %mul3A_834 = vector.broadcast %mul3A_833 : f32 to vector<256x128xf32>
    %mul3A_835 = arith.mulf %mul3A_834, %mul3A_823 : vector<256x128xf32>
    %sub3A_836 = arith.subf %add3A_813, %mul3A_835 : vector<256x128xf32>
    %jit3A_837 = arith.constant 0.000000e+00 : f32
    %max3A_838 = vector.broadcast %jit3A_837 : f32 to vector<256x128xf32>
    %max3A_839 = arith.maximumf %max3A_838, %sub3A_836 : vector<256x128xf32>
    %min3A_840 = vector.broadcast %sub3A_788 : f32 to vector<256x128xf32>
    %min3A_841 = arith.minimumf %min3A_840, %max3A_839 : vector<256x128xf32>
    %mul3A_842 = arith.constant 5.000000e-01 : f32
    %mul3A_843 = vector.broadcast %mul3A_842 : f32 to vector<256x128xf32>
    %mul3A_844 = arith.mulf %mul3A_843, %mul3A_818 : vector<256x128xf32>
    %add3A_845 = arith.addf %add3A_808, %mul3A_844 : vector<256x128xf32>
    %jit3A_846 = arith.constant 0.000000e+00 : f32
    %max3A_847 = vector.broadcast %jit3A_846 : f32 to vector<256x128xf32>
    %max3A_848 = arith.maximumf %max3A_847, %add3A_845 : vector<256x128xf32>
    %min3A_849 = vector.broadcast %sub3A_793 : f32 to vector<256x128xf32>
    %min3A_850 = arith.minimumf %min3A_849, %max3A_848 : vector<256x128xf32>
    %mul3A_851 = arith.constant 5.000000e-01 : f32
    %mul3A_852 = vector.broadcast %mul3A_851 : f32 to vector<256x128xf32>
    %mul3A_853 = arith.mulf %mul3A_852, %mul3A_823 : vector<256x128xf32>
    %add3A_854 = arith.addf %add3A_813, %mul3A_853 : vector<256x128xf32>
    %jit3A_855 = arith.constant 0.000000e+00 : f32
    %max3A_856 = vector.broadcast %jit3A_855 : f32 to vector<256x128xf32>
    %max3A_857 = arith.maximumf %max3A_856, %add3A_854 : vector<256x128xf32>
    %min3A_858 = vector.broadcast %sub3A_788 : f32 to vector<256x128xf32>
    %min3A_859 = arith.minimumf %min3A_858, %max3A_857 : vector<256x128xf32>
    %swap3A_860 = arith.constant 256 : index
    %swap3A_861 = arith.constant 0 : index
    %swap3A_862 = vector.load %arg12[%swap3A_860, %swap3A_861] : memref<1024x128xf32, #tpu.memory_space<vmem>>, vector<256x128xf32>
    tpu.vector_store %arg12[%swap3A_860, %swap3A_861], %min3A_832 {strides = array<i32>} : memref<1024x128xf32, #tpu.memory_space<vmem>>, vector<256x128xf32>,
    %swap3A_863 = arith.constant 256 : index
    %swap3A_864 = arith.constant 0 : index
    %swap3A_865 = vector.load %arg13[%swap3A_863, %swap3A_864] : memref<1024x128xf32, #tpu.memory_space<vmem>>, vector<256x128xf32>
    tpu.vector_store %arg13[%swap3A_863, %swap3A_864], %min3A_841 {strides = array<i32>} : memref<1024x128xf32, #tpu.memory_space<vmem>>, vector<256x128xf32>,
    %swap3A_866 = arith.constant 256 : index
    %swap3A_867 = arith.constant 0 : index
    %swap3A_868 = vector.load %arg14[%swap3A_866, %swap3A_867] : memref<1024x128xf32, #tpu.memory_space<vmem>>, vector<256x128xf32>
    tpu.vector_store %arg14[%swap3A_866, %swap3A_867], %min3A_850 {strides = array<i32>} : memref<1024x128xf32, #tpu.memory_space<vmem>>, vector<256x128xf32>,
    %swap3A_869 = arith.constant 256 : index
    %swap3A_870 = arith.constant 0 : index
    %swap3A_871 = vector.load %arg15[%swap3A_869, %swap3A_870] : memref<1024x128xf32, #tpu.memory_space<vmem>>, vector<256x128xf32>
    tpu.vector_store %arg15[%swap3A_869, %swap3A_870], %min3A_859 {strides = array<i32>} : memref<1024x128xf32, #tpu.memory_space<vmem>>, vector<256x128xf32>,
    %get3A_872 = arith.constant 256 : index
    %get3A_873 = arith.constant 0 : index
    %get3A_874 = vector.load %arg2[%get3A_872, %get3A_873] : memref<1024x128xf32, #tpu.memory_space<vmem>>, vector<256x128xf32>
    %get3A_875 = arith.constant 256 : index
    %get3A_876 = arith.constant 0 : index
    %get3A_877 = vector.load %arg3[%get3A_875, %get3A_876] : memref<1024x128xf32, #tpu.memory_space<vmem>>, vector<256x128xf32>
    %max3A_878 = arith.maximumf %get3A_874, %get3A_877 : vector<256x128xf32>
    %sub3A_879 = arith.subf %get3A_874, %max3A_878 : vector<256x128xf32>
    %exp3A_880 = math.exp %sub3A_879 : vector<256x128xf32>
    %sub3A_881 = arith.subf %get3A_877, %max3A_878 : vector<256x128xf32>
    %exp3A_882 = math.exp %sub3A_881 : vector<256x128xf32>
    %add3A_883 = arith.addf %exp3A_880, %exp3A_882 : vector<256x128xf32>
    %div3A_884 = arith.divf %exp3A_880, %add3A_883 : vector<256x128xf32>
    %sub3A_885 = arith.subf %min3A_850, %min3A_832 : vector<256x128xf32>
    %add3A_886 = arith.constant 1.000000e+00 : f32
    %add3A_887 = vector.broadcast %add3A_886 : f32 to vector<256x128xf32>
    %add3A_888 = arith.addf %sub3A_885, %add3A_887 : vector<256x128xf32>
    %ge3A_889 = vector.broadcast %mul3A_803 : f32 to vector<256x128xf32>
    %ge3A_890 = arith.cmpf oge, %add3A_888, %ge3A_889 : vector<256x128xf32>
    %sub3A_891 = arith.subf %min3A_859, %min3A_841 : vector<256x128xf32>
    %add3A_892 = arith.constant 1.000000e+00 : f32
    %add3A_893 = vector.broadcast %add3A_892 : f32 to vector<256x128xf32>
    %add3A_894 = arith.addf %sub3A_891, %add3A_893 : vector<256x128xf32>
    %ge3A_895 = vector.broadcast %mul3A_798 : f32 to vector<256x128xf32>
    %ge3A_896 = arith.cmpf oge, %add3A_894, %ge3A_895 : vector<256x128xf32>
    %and3A_897 = arith.andi %ge3A_890, %ge3A_896 : vector<256x128xi1>
    %and3A_898 = arith.andi %and3A_897, %lt3A_39 : vector<256x128xi1>
    %jit3A_899 = arith.constant -1.000000e+00 : f32
    %broadcast_in_dim3A_900 = vector.broadcast %jit3A_899 : f32 to vector<256x128xf32>
    %select_n3A_901 = arith.select %and3A_898, %div3A_884, %broadcast_in_dim3A_900 : vector<256x128xi1>, vector<256x128xf32>
    %bitcast_convert_type3A_902 = tpu.bitcast %select_n3A_901 : vector<256x128xf32> -> vector<256x128xi32>
    %ge3A_903 = arith.constant 0 : i32
    %ge3A_904 = vector.broadcast %ge3A_903 : i32 to vector<256x128xi32>
    %ge3A_905 = arith.cmpi sge, %bitcast_convert_type3A_902, %ge3A_904 : vector<256x128xi32>
    %convert_element_type3A_906 = arith.extui %ge3A_905 : vector<256x128xi1> to vector<256x128xi32>
    %reduce_sum3A_907 = vector.shape_cast %convert_element_type3A_906 : vector<256x128xi32> to vector<1x256x128xi32>
    %reduce_sum3A_908 = arith.constant dense<0> : vector<1xi32>
    %reduce_sum3A_909 = vector.multi_reduction <add>, %reduce_sum3A_907, %reduce_sum3A_908 [1, 2] : vector<1x256x128xi32> to vector<1xi32>
    %reduce_sum3A_910 = vector.shape_cast %reduce_sum3A_909 : vector<1xi32> to vector<1x1x1xi32>
    %reduce_sum3A_911 = vector.extract %reduce_sum3A_910[0, 0, 0] : i32 from vector<1x1x1xi32>
    %or3A_912 = arith.constant 0 : i32
    %or3A_913 = arith.constant 536870912 : i32
    %or3A_914 = arith.ori %or3A_912, %or3A_913 : i32
    %ge3A_915 = vector.broadcast %or3A_914 : i32 to vector<256x128xi32>
    %ge3A_916 = arith.cmpi sge, %bitcast_convert_type3A_902, %ge3A_915 : vector<256x128xi32>
    %convert_element_type3A_917 = arith.extui %ge3A_916 : vector<256x128xi1> to vector<256x128xi32>
    %reduce_sum3A_918 = vector.shape_cast %convert_element_type3A_917 : vector<256x128xi32> to vector<1x256x128xi32>
    %reduce_sum3A_919 = arith.constant dense<0> : vector<1xi32>
    %reduce_sum3A_920 = vector.multi_reduction <add>, %reduce_sum3A_918, %reduce_sum3A_919 [1, 2] : vector<1x256x128xi32> to vector<1xi32>
    %reduce_sum3A_921 = vector.shape_cast %reduce_sum3A_920 : vector<1xi32> to vector<1x1x1xi32>
    %reduce_sum3A_922 = vector.extract %reduce_sum3A_921[0, 0, 0] : i32 from vector<1x1x1xi32>
    %ge3A_923 = arith.constant 6000 : i32
    %ge3A_924 = arith.cmpi sge, %reduce_sum3A_922, %ge3A_923 : i32
    %jit3A_925 = arith.constant 0 : i32
    %select_n3A_926 = arith.select %ge3A_924, %or3A_914, %jit3A_925 : i32
    %or3A_927 = arith.constant 268435456 : i32
    %or3A_928 = arith.ori %select_n3A_926, %or3A_927 : i32
    %ge3A_929 = vector.broadcast %or3A_928 : i32 to vector<256x128xi32>
    %ge3A_930 = arith.cmpi sge, %bitcast_convert_type3A_902, %ge3A_929 : vector<256x128xi32>
    %convert_element_type3A_931 = arith.extui %ge3A_930 : vector<256x128xi1> to vector<256x128xi32>
    %reduce_sum3A_932 = vector.shape_cast %convert_element_type3A_931 : vector<256x128xi32> to vector<1x256x128xi32>
    %reduce_sum3A_933 = arith.constant dense<0> : vector<1xi32>
    %reduce_sum3A_934 = vector.multi_reduction <add>, %reduce_sum3A_932, %reduce_sum3A_933 [1, 2] : vector<1x256x128xi32> to vector<1xi32>
    %reduce_sum3A_935 = vector.shape_cast %reduce_sum3A_934 : vector<1xi32> to vector<1x1x1xi32>
    %reduce_sum3A_936 = vector.extract %reduce_sum3A_935[0, 0, 0] : i32 from vector<1x1x1xi32>
    %ge3A_937 = arith.constant 6000 : i32
    %ge3A_938 = arith.cmpi sge, %reduce_sum3A_936, %ge3A_937 : i32
    %select_n3A_939 = arith.select %ge3A_938, %or3A_928, %select_n3A_926 : i32
    %or3A_940 = arith.constant 134217728 : i32
    %or3A_941 = arith.ori %select_n3A_939, %or3A_940 : i32
    %ge3A_942 = vector.broadcast %or3A_941 : i32 to vector<256x128xi32>
    %ge3A_943 = arith.cmpi sge, %bitcast_convert_type3A_902, %ge3A_942 : vector<256x128xi32>
    %convert_element_type3A_944 = arith.extui %ge3A_943 : vector<256x128xi1> to vector<256x128xi32>
    %reduce_sum3A_945 = vector.shape_cast %convert_element_type3A_944 : vector<256x128xi32> to vector<1x256x128xi32>
    %reduce_sum3A_946 = arith.constant dense<0> : vector<1xi32>
    %reduce_sum3A_947 = vector.multi_reduction <add>, %reduce_sum3A_945, %reduce_sum3A_946 [1, 2] : vector<1x256x128xi32> to vector<1xi32>
    %reduce_sum3A_948 = vector.shape_cast %reduce_sum3A_947 : vector<1xi32> to vector<1x1x1xi32>
    %reduce_sum3A_949 = vector.extract %reduce_sum3A_948[0, 0, 0] : i32 from vector<1x1x1xi32>
    %ge3A_950 = arith.constant 6000 : i32
    %ge3A_951 = arith.cmpi sge, %reduce_sum3A_949, %ge3A_950 : i32
    %select_n3A_952 = arith.select %ge3A_951, %or3A_941, %select_n3A_939 : i32
    %or3A_953 = arith.constant 67108864 : i32
    %or3A_954 = arith.ori %select_n3A_952, %or3A_953 : i32
    %ge3A_955 = vector.broadcast %or3A_954 : i32 to vector<256x128xi32>
    %ge3A_956 = arith.cmpi sge, %bitcast_convert_type3A_902, %ge3A_955 : vector<256x128xi32>
    %convert_element_type3A_957 = arith.extui %ge3A_956 : vector<256x128xi1> to vector<256x128xi32>
    %reduce_sum3A_958 = vector.shape_cast %convert_element_type3A_957 : vector<256x128xi32> to vector<1x256x128xi32>
    %reduce_sum3A_959 = arith.constant dense<0> : vector<1xi32>
    %reduce_sum3A_960 = vector.multi_reduction <add>, %reduce_sum3A_958, %reduce_sum3A_959 [1, 2] : vector<1x256x128xi32> to vector<1xi32>
    %reduce_sum3A_961 = vector.shape_cast %reduce_sum3A_960 : vector<1xi32> to vector<1x1x1xi32>
    %reduce_sum3A_962 = vector.extract %reduce_sum3A_961[0, 0, 0] : i32 from vector<1x1x1xi32>
    %ge3A_963 = arith.constant 6000 : i32
    %ge3A_964 = arith.cmpi sge, %reduce_sum3A_962, %ge3A_963 : i32
    %select_n3A_965 = arith.select %ge3A_964, %or3A_954, %select_n3A_952 : i32
    %or3A_966 = arith.constant 33554432 : i32
    %or3A_967 = arith.ori %select_n3A_965, %or3A_966 : i32
    %ge3A_968 = vector.broadcast %or3A_967 : i32 to vector<256x128xi32>
    %ge3A_969 = arith.cmpi sge, %bitcast_convert_type3A_902, %ge3A_968 : vector<256x128xi32>
    %convert_element_type3A_970 = arith.extui %ge3A_969 : vector<256x128xi1> to vector<256x128xi32>
    %reduce_sum3A_971 = vector.shape_cast %convert_element_type3A_970 : vector<256x128xi32> to vector<1x256x128xi32>
    %reduce_sum3A_972 = arith.constant dense<0> : vector<1xi32>
    %reduce_sum3A_973 = vector.multi_reduction <add>, %reduce_sum3A_971, %reduce_sum3A_972 [1, 2] : vector<1x256x128xi32> to vector<1xi32>
    %reduce_sum3A_974 = vector.shape_cast %reduce_sum3A_973 : vector<1xi32> to vector<1x1x1xi32>
    %reduce_sum3A_975 = vector.extract %reduce_sum3A_974[0, 0, 0] : i32 from vector<1x1x1xi32>
    %ge3A_976 = arith.constant 6000 : i32
    %ge3A_977 = arith.cmpi sge, %reduce_sum3A_975, %ge3A_976 : i32
    %select_n3A_978 = arith.select %ge3A_977, %or3A_967, %select_n3A_965 : i32
    %or3A_979 = arith.constant 16777216 : i32
    %or3A_980 = arith.ori %select_n3A_978, %or3A_979 : i32
    %ge3A_981 = vector.broadcast %or3A_980 : i32 to vector<256x128xi32>
    %ge3A_982 = arith.cmpi sge, %bitcast_convert_type3A_902, %ge3A_981 : vector<256x128xi32>
    %convert_element_type3A_983 = arith.extui %ge3A_982 : vector<256x128xi1> to vector<256x128xi32>
    %reduce_sum3A_984 = vector.shape_cast %convert_element_type3A_983 : vector<256x128xi32> to vector<1x256x128xi32>
    %reduce_sum3A_985 = arith.constant dense<0> : vector<1xi32>
    %reduce_sum3A_986 = vector.multi_reduction <add>, %reduce_sum3A_984, %reduce_sum3A_985 [1, 2] : vector<1x256x128xi32> to vector<1xi32>
    %reduce_sum3A_987 = vector.shape_cast %reduce_sum3A_986 : vector<1xi32> to vector<1x1x1xi32>
    %reduce_sum3A_988 = vector.extract %reduce_sum3A_987[0, 0, 0] : i32 from vector<1x1x1xi32>
    %ge3A_989 = arith.constant 6000 : i32
    %ge3A_990 = arith.cmpi sge, %reduce_sum3A_988, %ge3A_989 : i32
    %select_n3A_991 = arith.select %ge3A_990, %or3A_980, %select_n3A_978 : i32
    %or3A_992 = arith.constant 8388608 : i32
    %or3A_993 = arith.ori %select_n3A_991, %or3A_992 : i32
    %ge3A_994 = vector.broadcast %or3A_993 : i32 to vector<256x128xi32>
    %ge3A_995 = arith.cmpi sge, %bitcast_convert_type3A_902, %ge3A_994 : vector<256x128xi32>
    %convert_element_type3A_996 = arith.extui %ge3A_995 : vector<256x128xi1> to vector<256x128xi32>
    %reduce_sum3A_997 = vector.shape_cast %convert_element_type3A_996 : vector<256x128xi32> to vector<1x256x128xi32>
    %reduce_sum3A_998 = arith.constant dense<0> : vector<1xi32>
    %reduce_sum3A_999 = vector.multi_reduction <add>, %reduce_sum3A_997, %reduce_sum3A_998 [1, 2] : vector<1x256x128xi32> to vector<1xi32>
    %reduce_sum3A_1000 = vector.shape_cast %reduce_sum3A_999 : vector<1xi32> to vector<1x1x1xi32>
    %reduce_sum3A_1001 = vector.extract %reduce_sum3A_1000[0, 0, 0] : i32 from vector<1x1x1xi32>
    %ge3A_1002 = arith.constant 6000 : i32
    %ge3A_1003 = arith.cmpi sge, %reduce_sum3A_1001, %ge3A_1002 : i32
    %select_n3A_1004 = arith.select %ge3A_1003, %or3A_993, %select_n3A_991 : i32
    %or3A_1005 = arith.constant 4194304 : i32
    %or3A_1006 = arith.ori %select_n3A_1004, %or3A_1005 : i32
    %ge3A_1007 = vector.broadcast %or3A_1006 : i32 to vector<256x128xi32>
    %ge3A_1008 = arith.cmpi sge, %bitcast_convert_type3A_902, %ge3A_1007 : vector<256x128xi32>
    %convert_element_type3A_1009 = arith.extui %ge3A_1008 : vector<256x128xi1> to vector<256x128xi32>
    %reduce_sum3A_1010 = vector.shape_cast %convert_element_type3A_1009 : vector<256x128xi32> to vector<1x256x128xi32>
    %reduce_sum3A_1011 = arith.constant dense<0> : vector<1xi32>
    %reduce_sum3A_1012 = vector.multi_reduction <add>, %reduce_sum3A_1010, %reduce_sum3A_1011 [1, 2] : vector<1x256x128xi32> to vector<1xi32>
    %reduce_sum3A_1013 = vector.shape_cast %reduce_sum3A_1012 : vector<1xi32> to vector<1x1x1xi32>
    %reduce_sum3A_1014 = vector.extract %reduce_sum3A_1013[0, 0, 0] : i32 from vector<1x1x1xi32>
    %ge3A_1015 = arith.constant 6000 : i32
    %ge3A_1016 = arith.cmpi sge, %reduce_sum3A_1014, %ge3A_1015 : i32
    %select_n3A_1017 = arith.select %ge3A_1016, %or3A_1006, %select_n3A_1004 : i32
    %or3A_1018 = arith.constant 2097152 : i32
    %or3A_1019 = arith.ori %select_n3A_1017, %or3A_1018 : i32
    %ge3A_1020 = vector.broadcast %or3A_1019 : i32 to vector<256x128xi32>
    %ge3A_1021 = arith.cmpi sge, %bitcast_convert_type3A_902, %ge3A_1020 : vector<256x128xi32>
    %convert_element_type3A_1022 = arith.extui %ge3A_1021 : vector<256x128xi1> to vector<256x128xi32>
    %reduce_sum3A_1023 = vector.shape_cast %convert_element_type3A_1022 : vector<256x128xi32> to vector<1x256x128xi32>
    %reduce_sum3A_1024 = arith.constant dense<0> : vector<1xi32>
    %reduce_sum3A_1025 = vector.multi_reduction <add>, %reduce_sum3A_1023, %reduce_sum3A_1024 [1, 2] : vector<1x256x128xi32> to vector<1xi32>
    %reduce_sum3A_1026 = vector.shape_cast %reduce_sum3A_1025 : vector<1xi32> to vector<1x1x1xi32>
    %reduce_sum3A_1027 = vector.extract %reduce_sum3A_1026[0, 0, 0] : i32 from vector<1x1x1xi32>
    %ge3A_1028 = arith.constant 6000 : i32
    %ge3A_1029 = arith.cmpi sge, %reduce_sum3A_1027, %ge3A_1028 : i32
    %select_n3A_1030 = arith.select %ge3A_1029, %or3A_1019, %select_n3A_1017 : i32
    %or3A_1031 = arith.constant 1048576 : i32
    %or3A_1032 = arith.ori %select_n3A_1030, %or3A_1031 : i32
    %ge3A_1033 = vector.broadcast %or3A_1032 : i32 to vector<256x128xi32>
    %ge3A_1034 = arith.cmpi sge, %bitcast_convert_type3A_902, %ge3A_1033 : vector<256x128xi32>
    %convert_element_type3A_1035 = arith.extui %ge3A_1034 : vector<256x128xi1> to vector<256x128xi32>
    %reduce_sum3A_1036 = vector.shape_cast %convert_element_type3A_1035 : vector<256x128xi32> to vector<1x256x128xi32>
    %reduce_sum3A_1037 = arith.constant dense<0> : vector<1xi32>
    %reduce_sum3A_1038 = vector.multi_reduction <add>, %reduce_sum3A_1036, %reduce_sum3A_1037 [1, 2] : vector<1x256x128xi32> to vector<1xi32>
    %reduce_sum3A_1039 = vector.shape_cast %reduce_sum3A_1038 : vector<1xi32> to vector<1x1x1xi32>
    %reduce_sum3A_1040 = vector.extract %reduce_sum3A_1039[0, 0, 0] : i32 from vector<1x1x1xi32>
    %ge3A_1041 = arith.constant 6000 : i32
    %ge3A_1042 = arith.cmpi sge, %reduce_sum3A_1040, %ge3A_1041 : i32
    %select_n3A_1043 = arith.select %ge3A_1042, %or3A_1032, %select_n3A_1030 : i32
    %or3A_1044 = arith.constant 524288 : i32
    %or3A_1045 = arith.ori %select_n3A_1043, %or3A_1044 : i32
    %ge3A_1046 = vector.broadcast %or3A_1045 : i32 to vector<256x128xi32>
    %ge3A_1047 = arith.cmpi sge, %bitcast_convert_type3A_902, %ge3A_1046 : vector<256x128xi32>
    %convert_element_type3A_1048 = arith.extui %ge3A_1047 : vector<256x128xi1> to vector<256x128xi32>
    %reduce_sum3A_1049 = vector.shape_cast %convert_element_type3A_1048 : vector<256x128xi32> to vector<1x256x128xi32>
    %reduce_sum3A_1050 = arith.constant dense<0> : vector<1xi32>
    %reduce_sum3A_1051 = vector.multi_reduction <add>, %reduce_sum3A_1049, %reduce_sum3A_1050 [1, 2] : vector<1x256x128xi32> to vector<1xi32>
    %reduce_sum3A_1052 = vector.shape_cast %reduce_sum3A_1051 : vector<1xi32> to vector<1x1x1xi32>
    %reduce_sum3A_1053 = vector.extract %reduce_sum3A_1052[0, 0, 0] : i32 from vector<1x1x1xi32>
    %ge3A_1054 = arith.constant 6000 : i32
    %ge3A_1055 = arith.cmpi sge, %reduce_sum3A_1053, %ge3A_1054 : i32
    %select_n3A_1056 = arith.select %ge3A_1055, %or3A_1045, %select_n3A_1043 : i32
    %or3A_1057 = arith.constant 262144 : i32
    %or3A_1058 = arith.ori %select_n3A_1056, %or3A_1057 : i32
    %ge3A_1059 = vector.broadcast %or3A_1058 : i32 to vector<256x128xi32>
    %ge3A_1060 = arith.cmpi sge, %bitcast_convert_type3A_902, %ge3A_1059 : vector<256x128xi32>
    %convert_element_type3A_1061 = arith.extui %ge3A_1060 : vector<256x128xi1> to vector<256x128xi32>
    %reduce_sum3A_1062 = vector.shape_cast %convert_element_type3A_1061 : vector<256x128xi32> to vector<1x256x128xi32>
    %reduce_sum3A_1063 = arith.constant dense<0> : vector<1xi32>
    %reduce_sum3A_1064 = vector.multi_reduction <add>, %reduce_sum3A_1062, %reduce_sum3A_1063 [1, 2] : vector<1x256x128xi32> to vector<1xi32>
    %reduce_sum3A_1065 = vector.shape_cast %reduce_sum3A_1064 : vector<1xi32> to vector<1x1x1xi32>
    %reduce_sum3A_1066 = vector.extract %reduce_sum3A_1065[0, 0, 0] : i32 from vector<1x1x1xi32>
    %ge3A_1067 = arith.constant 6000 : i32
    %ge3A_1068 = arith.cmpi sge, %reduce_sum3A_1066, %ge3A_1067 : i32
    %select_n3A_1069 = arith.select %ge3A_1068, %or3A_1058, %select_n3A_1056 : i32
    %or3A_1070 = arith.constant 131072 : i32
    %or3A_1071 = arith.ori %select_n3A_1069, %or3A_1070 : i32
    %ge3A_1072 = vector.broadcast %or3A_1071 : i32 to vector<256x128xi32>
    %ge3A_1073 = arith.cmpi sge, %bitcast_convert_type3A_902, %ge3A_1072 : vector<256x128xi32>
    %convert_element_type3A_1074 = arith.extui %ge3A_1073 : vector<256x128xi1> to vector<256x128xi32>
    %reduce_sum3A_1075 = vector.shape_cast %convert_element_type3A_1074 : vector<256x128xi32> to vector<1x256x128xi32>
    %reduce_sum3A_1076 = arith.constant dense<0> : vector<1xi32>
    %reduce_sum3A_1077 = vector.multi_reduction <add>, %reduce_sum3A_1075, %reduce_sum3A_1076 [1, 2] : vector<1x256x128xi32> to vector<1xi32>
    %reduce_sum3A_1078 = vector.shape_cast %reduce_sum3A_1077 : vector<1xi32> to vector<1x1x1xi32>
    %reduce_sum3A_1079 = vector.extract %reduce_sum3A_1078[0, 0, 0] : i32 from vector<1x1x1xi32>
    %ge3A_1080 = arith.constant 6000 : i32
    %ge3A_1081 = arith.cmpi sge, %reduce_sum3A_1079, %ge3A_1080 : i32
    %select_n3A_1082 = arith.select %ge3A_1081, %or3A_1071, %select_n3A_1069 : i32
    %or3A_1083 = arith.constant 65536 : i32
    %or3A_1084 = arith.ori %select_n3A_1082, %or3A_1083 : i32
    %ge3A_1085 = vector.broadcast %or3A_1084 : i32 to vector<256x128xi32>
    %ge3A_1086 = arith.cmpi sge, %bitcast_convert_type3A_902, %ge3A_1085 : vector<256x128xi32>
    %convert_element_type3A_1087 = arith.extui %ge3A_1086 : vector<256x128xi1> to vector<256x128xi32>
    %reduce_sum3A_1088 = vector.shape_cast %convert_element_type3A_1087 : vector<256x128xi32> to vector<1x256x128xi32>
    %reduce_sum3A_1089 = arith.constant dense<0> : vector<1xi32>
    %reduce_sum3A_1090 = vector.multi_reduction <add>, %reduce_sum3A_1088, %reduce_sum3A_1089 [1, 2] : vector<1x256x128xi32> to vector<1xi32>
    %reduce_sum3A_1091 = vector.shape_cast %reduce_sum3A_1090 : vector<1xi32> to vector<1x1x1xi32>
    %reduce_sum3A_1092 = vector.extract %reduce_sum3A_1091[0, 0, 0] : i32 from vector<1x1x1xi32>
    %ge3A_1093 = arith.constant 6000 : i32
    %ge3A_1094 = arith.cmpi sge, %reduce_sum3A_1092, %ge3A_1093 : i32
    %select_n3A_1095 = arith.select %ge3A_1094, %or3A_1084, %select_n3A_1082 : i32
    %or3A_1096 = arith.constant 32768 : i32
    %or3A_1097 = arith.ori %select_n3A_1095, %or3A_1096 : i32
    %ge3A_1098 = vector.broadcast %or3A_1097 : i32 to vector<256x128xi32>
    %ge3A_1099 = arith.cmpi sge, %bitcast_convert_type3A_902, %ge3A_1098 : vector<256x128xi32>
    %convert_element_type3A_1100 = arith.extui %ge3A_1099 : vector<256x128xi1> to vector<256x128xi32>
    %reduce_sum3A_1101 = vector.shape_cast %convert_element_type3A_1100 : vector<256x128xi32> to vector<1x256x128xi32>
    %reduce_sum3A_1102 = arith.constant dense<0> : vector<1xi32>
    %reduce_sum3A_1103 = vector.multi_reduction <add>, %reduce_sum3A_1101, %reduce_sum3A_1102 [1, 2] : vector<1x256x128xi32> to vector<1xi32>
    %reduce_sum3A_1104 = vector.shape_cast %reduce_sum3A_1103 : vector<1xi32> to vector<1x1x1xi32>
    %reduce_sum3A_1105 = vector.extract %reduce_sum3A_1104[0, 0, 0] : i32 from vector<1x1x1xi32>
    %ge3A_1106 = arith.constant 6000 : i32
    %ge3A_1107 = arith.cmpi sge, %reduce_sum3A_1105, %ge3A_1106 : i32
    %select_n3A_1108 = arith.select %ge3A_1107, %or3A_1097, %select_n3A_1095 : i32
    %or3A_1109 = arith.constant 16384 : i32
    %or3A_1110 = arith.ori %select_n3A_1108, %or3A_1109 : i32
    %ge3A_1111 = vector.broadcast %or3A_1110 : i32 to vector<256x128xi32>
    %ge3A_1112 = arith.cmpi sge, %bitcast_convert_type3A_902, %ge3A_1111 : vector<256x128xi32>
    %convert_element_type3A_1113 = arith.extui %ge3A_1112 : vector<256x128xi1> to vector<256x128xi32>
    %reduce_sum3A_1114 = vector.shape_cast %convert_element_type3A_1113 : vector<256x128xi32> to vector<1x256x128xi32>
    %reduce_sum3A_1115 = arith.constant dense<0> : vector<1xi32>
    %reduce_sum3A_1116 = vector.multi_reduction <add>, %reduce_sum3A_1114, %reduce_sum3A_1115 [1, 2] : vector<1x256x128xi32> to vector<1xi32>
    %reduce_sum3A_1117 = vector.shape_cast %reduce_sum3A_1116 : vector<1xi32> to vector<1x1x1xi32>
    %reduce_sum3A_1118 = vector.extract %reduce_sum3A_1117[0, 0, 0] : i32 from vector<1x1x1xi32>
    %ge3A_1119 = arith.constant 6000 : i32
    %ge3A_1120 = arith.cmpi sge, %reduce_sum3A_1118, %ge3A_1119 : i32
    %select_n3A_1121 = arith.select %ge3A_1120, %or3A_1110, %select_n3A_1108 : i32
    %or3A_1122 = arith.constant 8192 : i32
    %or3A_1123 = arith.ori %select_n3A_1121, %or3A_1122 : i32
    %ge3A_1124 = vector.broadcast %or3A_1123 : i32 to vector<256x128xi32>
    %ge3A_1125 = arith.cmpi sge, %bitcast_convert_type3A_902, %ge3A_1124 : vector<256x128xi32>
    %convert_element_type3A_1126 = arith.extui %ge3A_1125 : vector<256x128xi1> to vector<256x128xi32>
    %reduce_sum3A_1127 = vector.shape_cast %convert_element_type3A_1126 : vector<256x128xi32> to vector<1x256x128xi32>
    %reduce_sum3A_1128 = arith.constant dense<0> : vector<1xi32>
    %reduce_sum3A_1129 = vector.multi_reduction <add>, %reduce_sum3A_1127, %reduce_sum3A_1128 [1, 2] : vector<1x256x128xi32> to vector<1xi32>
    %reduce_sum3A_1130 = vector.shape_cast %reduce_sum3A_1129 : vector<1xi32> to vector<1x1x1xi32>
    %reduce_sum3A_1131 = vector.extract %reduce_sum3A_1130[0, 0, 0] : i32 from vector<1x1x1xi32>
    %ge3A_1132 = arith.constant 6000 : i32
    %ge3A_1133 = arith.cmpi sge, %reduce_sum3A_1131, %ge3A_1132 : i32
    %select_n3A_1134 = arith.select %ge3A_1133, %or3A_1123, %select_n3A_1121 : i32
    %or3A_1135 = arith.constant 4096 : i32
    %or3A_1136 = arith.ori %select_n3A_1134, %or3A_1135 : i32
    %ge3A_1137 = vector.broadcast %or3A_1136 : i32 to vector<256x128xi32>
    %ge3A_1138 = arith.cmpi sge, %bitcast_convert_type3A_902, %ge3A_1137 : vector<256x128xi32>
    %convert_element_type3A_1139 = arith.extui %ge3A_1138 : vector<256x128xi1> to vector<256x128xi32>
    %reduce_sum3A_1140 = vector.shape_cast %convert_element_type3A_1139 : vector<256x128xi32> to vector<1x256x128xi32>
    %reduce_sum3A_1141 = arith.constant dense<0> : vector<1xi32>
    %reduce_sum3A_1142 = vector.multi_reduction <add>, %reduce_sum3A_1140, %reduce_sum3A_1141 [1, 2] : vector<1x256x128xi32> to vector<1xi32>
    %reduce_sum3A_1143 = vector.shape_cast %reduce_sum3A_1142 : vector<1xi32> to vector<1x1x1xi32>
    %reduce_sum3A_1144 = vector.extract %reduce_sum3A_1143[0, 0, 0] : i32 from vector<1x1x1xi32>
    %ge3A_1145 = arith.constant 6000 : i32
    %ge3A_1146 = arith.cmpi sge, %reduce_sum3A_1144, %ge3A_1145 : i32
    %select_n3A_1147 = arith.select %ge3A_1146, %or3A_1136, %select_n3A_1134 : i32
    %or3A_1148 = arith.constant 2048 : i32
    %or3A_1149 = arith.ori %select_n3A_1147, %or3A_1148 : i32
    %ge3A_1150 = vector.broadcast %or3A_1149 : i32 to vector<256x128xi32>
    %ge3A_1151 = arith.cmpi sge, %bitcast_convert_type3A_902, %ge3A_1150 : vector<256x128xi32>
    %convert_element_type3A_1152 = arith.extui %ge3A_1151 : vector<256x128xi1> to vector<256x128xi32>
    %reduce_sum3A_1153 = vector.shape_cast %convert_element_type3A_1152 : vector<256x128xi32> to vector<1x256x128xi32>
    %reduce_sum3A_1154 = arith.constant dense<0> : vector<1xi32>
    %reduce_sum3A_1155 = vector.multi_reduction <add>, %reduce_sum3A_1153, %reduce_sum3A_1154 [1, 2] : vector<1x256x128xi32> to vector<1xi32>
    %reduce_sum3A_1156 = vector.shape_cast %reduce_sum3A_1155 : vector<1xi32> to vector<1x1x1xi32>
    %reduce_sum3A_1157 = vector.extract %reduce_sum3A_1156[0, 0, 0] : i32 from vector<1x1x1xi32>
    %ge3A_1158 = arith.constant 6000 : i32
    %ge3A_1159 = arith.cmpi sge, %reduce_sum3A_1157, %ge3A_1158 : i32
    %select_n3A_1160 = arith.select %ge3A_1159, %or3A_1149, %select_n3A_1147 : i32
    %or3A_1161 = arith.constant 1024 : i32
    %or3A_1162 = arith.ori %select_n3A_1160, %or3A_1161 : i32
    %ge3A_1163 = vector.broadcast %or3A_1162 : i32 to vector<256x128xi32>
    %ge3A_1164 = arith.cmpi sge, %bitcast_convert_type3A_902, %ge3A_1163 : vector<256x128xi32>
    %convert_element_type3A_1165 = arith.extui %ge3A_1164 : vector<256x128xi1> to vector<256x128xi32>
    %reduce_sum3A_1166 = vector.shape_cast %convert_element_type3A_1165 : vector<256x128xi32> to vector<1x256x128xi32>
    %reduce_sum3A_1167 = arith.constant dense<0> : vector<1xi32>
    %reduce_sum3A_1168 = vector.multi_reduction <add>, %reduce_sum3A_1166, %reduce_sum3A_1167 [1, 2] : vector<1x256x128xi32> to vector<1xi32>
    %reduce_sum3A_1169 = vector.shape_cast %reduce_sum3A_1168 : vector<1xi32> to vector<1x1x1xi32>
    %reduce_sum3A_1170 = vector.extract %reduce_sum3A_1169[0, 0, 0] : i32 from vector<1x1x1xi32>
    %ge3A_1171 = arith.constant 6000 : i32
    %ge3A_1172 = arith.cmpi sge, %reduce_sum3A_1170, %ge3A_1171 : i32
    %select_n3A_1173 = arith.select %ge3A_1172, %or3A_1162, %select_n3A_1160 : i32
    %or3A_1174 = arith.constant 512 : i32
    %or3A_1175 = arith.ori %select_n3A_1173, %or3A_1174 : i32
    %ge3A_1176 = vector.broadcast %or3A_1175 : i32 to vector<256x128xi32>
    %ge3A_1177 = arith.cmpi sge, %bitcast_convert_type3A_902, %ge3A_1176 : vector<256x128xi32>
    %convert_element_type3A_1178 = arith.extui %ge3A_1177 : vector<256x128xi1> to vector<256x128xi32>
    %reduce_sum3A_1179 = vector.shape_cast %convert_element_type3A_1178 : vector<256x128xi32> to vector<1x256x128xi32>
    %reduce_sum3A_1180 = arith.constant dense<0> : vector<1xi32>
    %reduce_sum3A_1181 = vector.multi_reduction <add>, %reduce_sum3A_1179, %reduce_sum3A_1180 [1, 2] : vector<1x256x128xi32> to vector<1xi32>
    %reduce_sum3A_1182 = vector.shape_cast %reduce_sum3A_1181 : vector<1xi32> to vector<1x1x1xi32>
    %reduce_sum3A_1183 = vector.extract %reduce_sum3A_1182[0, 0, 0] : i32 from vector<1x1x1xi32>
    %ge3A_1184 = arith.constant 6000 : i32
    %ge3A_1185 = arith.cmpi sge, %reduce_sum3A_1183, %ge3A_1184 : i32
    %select_n3A_1186 = arith.select %ge3A_1185, %or3A_1175, %select_n3A_1173 : i32
    %or3A_1187 = arith.constant 256 : i32
    %or3A_1188 = arith.ori %select_n3A_1186, %or3A_1187 : i32
    %ge3A_1189 = vector.broadcast %or3A_1188 : i32 to vector<256x128xi32>
    %ge3A_1190 = arith.cmpi sge, %bitcast_convert_type3A_902, %ge3A_1189 : vector<256x128xi32>
    %convert_element_type3A_1191 = arith.extui %ge3A_1190 : vector<256x128xi1> to vector<256x128xi32>
    %reduce_sum3A_1192 = vector.shape_cast %convert_element_type3A_1191 : vector<256x128xi32> to vector<1x256x128xi32>
    %reduce_sum3A_1193 = arith.constant dense<0> : vector<1xi32>
    %reduce_sum3A_1194 = vector.multi_reduction <add>, %reduce_sum3A_1192, %reduce_sum3A_1193 [1, 2] : vector<1x256x128xi32> to vector<1xi32>
    %reduce_sum3A_1195 = vector.shape_cast %reduce_sum3A_1194 : vector<1xi32> to vector<1x1x1xi32>
    %reduce_sum3A_1196 = vector.extract %reduce_sum3A_1195[0, 0, 0] : i32 from vector<1x1x1xi32>
    %ge3A_1197 = arith.constant 6000 : i32
    %ge3A_1198 = arith.cmpi sge, %reduce_sum3A_1196, %ge3A_1197 : i32
    %select_n3A_1199 = arith.select %ge3A_1198, %or3A_1188, %select_n3A_1186 : i32
    %or3A_1200 = arith.constant 128 : i32
    %or3A_1201 = arith.ori %select_n3A_1199, %or3A_1200 : i32
    %ge3A_1202 = vector.broadcast %or3A_1201 : i32 to vector<256x128xi32>
    %ge3A_1203 = arith.cmpi sge, %bitcast_convert_type3A_902, %ge3A_1202 : vector<256x128xi32>
    %convert_element_type3A_1204 = arith.extui %ge3A_1203 : vector<256x128xi1> to vector<256x128xi32>
    %reduce_sum3A_1205 = vector.shape_cast %convert_element_type3A_1204 : vector<256x128xi32> to vector<1x256x128xi32>
    %reduce_sum3A_1206 = arith.constant dense<0> : vector<1xi32>
    %reduce_sum3A_1207 = vector.multi_reduction <add>, %reduce_sum3A_1205, %reduce_sum3A_1206 [1, 2] : vector<1x256x128xi32> to vector<1xi32>
    %reduce_sum3A_1208 = vector.shape_cast %reduce_sum3A_1207 : vector<1xi32> to vector<1x1x1xi32>
    %reduce_sum3A_1209 = vector.extract %reduce_sum3A_1208[0, 0, 0] : i32 from vector<1x1x1xi32>
    %ge3A_1210 = arith.constant 6000 : i32
    %ge3A_1211 = arith.cmpi sge, %reduce_sum3A_1209, %ge3A_1210 : i32
    %select_n3A_1212 = arith.select %ge3A_1211, %or3A_1201, %select_n3A_1199 : i32
    %or3A_1213 = arith.constant 64 : i32
    %or3A_1214 = arith.ori %select_n3A_1212, %or3A_1213 : i32
    %ge3A_1215 = vector.broadcast %or3A_1214 : i32 to vector<256x128xi32>
    %ge3A_1216 = arith.cmpi sge, %bitcast_convert_type3A_902, %ge3A_1215 : vector<256x128xi32>
    %convert_element_type3A_1217 = arith.extui %ge3A_1216 : vector<256x128xi1> to vector<256x128xi32>
    %reduce_sum3A_1218 = vector.shape_cast %convert_element_type3A_1217 : vector<256x128xi32> to vector<1x256x128xi32>
    %reduce_sum3A_1219 = arith.constant dense<0> : vector<1xi32>
    %reduce_sum3A_1220 = vector.multi_reduction <add>, %reduce_sum3A_1218, %reduce_sum3A_1219 [1, 2] : vector<1x256x128xi32> to vector<1xi32>
    %reduce_sum3A_1221 = vector.shape_cast %reduce_sum3A_1220 : vector<1xi32> to vector<1x1x1xi32>
    %reduce_sum3A_1222 = vector.extract %reduce_sum3A_1221[0, 0, 0] : i32 from vector<1x1x1xi32>
    %ge3A_1223 = arith.constant 6000 : i32
    %ge3A_1224 = arith.cmpi sge, %reduce_sum3A_1222, %ge3A_1223 : i32
    %select_n3A_1225 = arith.select %ge3A_1224, %or3A_1214, %select_n3A_1212 : i32
    %or3A_1226 = arith.constant 32 : i32
    %or3A_1227 = arith.ori %select_n3A_1225, %or3A_1226 : i32
    %ge3A_1228 = vector.broadcast %or3A_1227 : i32 to vector<256x128xi32>
    %ge3A_1229 = arith.cmpi sge, %bitcast_convert_type3A_902, %ge3A_1228 : vector<256x128xi32>
    %convert_element_type3A_1230 = arith.extui %ge3A_1229 : vector<256x128xi1> to vector<256x128xi32>
    %reduce_sum3A_1231 = vector.shape_cast %convert_element_type3A_1230 : vector<256x128xi32> to vector<1x256x128xi32>
    %reduce_sum3A_1232 = arith.constant dense<0> : vector<1xi32>
    %reduce_sum3A_1233 = vector.multi_reduction <add>, %reduce_sum3A_1231, %reduce_sum3A_1232 [1, 2] : vector<1x256x128xi32> to vector<1xi32>
    %reduce_sum3A_1234 = vector.shape_cast %reduce_sum3A_1233 : vector<1xi32> to vector<1x1x1xi32>
    %reduce_sum3A_1235 = vector.extract %reduce_sum3A_1234[0, 0, 0] : i32 from vector<1x1x1xi32>
    %ge3A_1236 = arith.constant 6000 : i32
    %ge3A_1237 = arith.cmpi sge, %reduce_sum3A_1235, %ge3A_1236 : i32
    %select_n3A_1238 = arith.select %ge3A_1237, %or3A_1227, %select_n3A_1225 : i32
    %or3A_1239 = arith.constant 16 : i32
    %or3A_1240 = arith.ori %select_n3A_1238, %or3A_1239 : i32
    %ge3A_1241 = vector.broadcast %or3A_1240 : i32 to vector<256x128xi32>
    %ge3A_1242 = arith.cmpi sge, %bitcast_convert_type3A_902, %ge3A_1241 : vector<256x128xi32>
    %convert_element_type3A_1243 = arith.extui %ge3A_1242 : vector<256x128xi1> to vector<256x128xi32>
    %reduce_sum3A_1244 = vector.shape_cast %convert_element_type3A_1243 : vector<256x128xi32> to vector<1x256x128xi32>
    %reduce_sum3A_1245 = arith.constant dense<0> : vector<1xi32>
    %reduce_sum3A_1246 = vector.multi_reduction <add>, %reduce_sum3A_1244, %reduce_sum3A_1245 [1, 2] : vector<1x256x128xi32> to vector<1xi32>
    %reduce_sum3A_1247 = vector.shape_cast %reduce_sum3A_1246 : vector<1xi32> to vector<1x1x1xi32>
    %reduce_sum3A_1248 = vector.extract %reduce_sum3A_1247[0, 0, 0] : i32 from vector<1x1x1xi32>
    %ge3A_1249 = arith.constant 6000 : i32
    %ge3A_1250 = arith.cmpi sge, %reduce_sum3A_1248, %ge3A_1249 : i32
    %select_n3A_1251 = arith.select %ge3A_1250, %or3A_1240, %select_n3A_1238 : i32
    %or3A_1252 = arith.constant 8 : i32
    %or3A_1253 = arith.ori %select_n3A_1251, %or3A_1252 : i32
    %ge3A_1254 = vector.broadcast %or3A_1253 : i32 to vector<256x128xi32>
    %ge3A_1255 = arith.cmpi sge, %bitcast_convert_type3A_902, %ge3A_1254 : vector<256x128xi32>
    %convert_element_type3A_1256 = arith.extui %ge3A_1255 : vector<256x128xi1> to vector<256x128xi32>
    %reduce_sum3A_1257 = vector.shape_cast %convert_element_type3A_1256 : vector<256x128xi32> to vector<1x256x128xi32>
    %reduce_sum3A_1258 = arith.constant dense<0> : vector<1xi32>
    %reduce_sum3A_1259 = vector.multi_reduction <add>, %reduce_sum3A_1257, %reduce_sum3A_1258 [1, 2] : vector<1x256x128xi32> to vector<1xi32>
    %reduce_sum3A_1260 = vector.shape_cast %reduce_sum3A_1259 : vector<1xi32> to vector<1x1x1xi32>
    %reduce_sum3A_1261 = vector.extract %reduce_sum3A_1260[0, 0, 0] : i32 from vector<1x1x1xi32>
    %ge3A_1262 = arith.constant 6000 : i32
    %ge3A_1263 = arith.cmpi sge, %reduce_sum3A_1261, %ge3A_1262 : i32
    %select_n3A_1264 = arith.select %ge3A_1263, %or3A_1253, %select_n3A_1251 : i32
    %or3A_1265 = arith.constant 4 : i32
    %or3A_1266 = arith.ori %select_n3A_1264, %or3A_1265 : i32
    %ge3A_1267 = vector.broadcast %or3A_1266 : i32 to vector<256x128xi32>
    %ge3A_1268 = arith.cmpi sge, %bitcast_convert_type3A_902, %ge3A_1267 : vector<256x128xi32>
    %convert_element_type3A_1269 = arith.extui %ge3A_1268 : vector<256x128xi1> to vector<256x128xi32>
    %reduce_sum3A_1270 = vector.shape_cast %convert_element_type3A_1269 : vector<256x128xi32> to vector<1x256x128xi32>
    %reduce_sum3A_1271 = arith.constant dense<0> : vector<1xi32>
    %reduce_sum3A_1272 = vector.multi_reduction <add>, %reduce_sum3A_1270, %reduce_sum3A_1271 [1, 2] : vector<1x256x128xi32> to vector<1xi32>
    %reduce_sum3A_1273 = vector.shape_cast %reduce_sum3A_1272 : vector<1xi32> to vector<1x1x1xi32>
    %reduce_sum3A_1274 = vector.extract %reduce_sum3A_1273[0, 0, 0] : i32 from vector<1x1x1xi32>
    %ge3A_1275 = arith.constant 6000 : i32
    %ge3A_1276 = arith.cmpi sge, %reduce_sum3A_1274, %ge3A_1275 : i32
    %select_n3A_1277 = arith.select %ge3A_1276, %or3A_1266, %select_n3A_1264 : i32
    %or3A_1278 = arith.constant 2 : i32
    %or3A_1279 = arith.ori %select_n3A_1277, %or3A_1278 : i32
    %ge3A_1280 = vector.broadcast %or3A_1279 : i32 to vector<256x128xi32>
    %ge3A_1281 = arith.cmpi sge, %bitcast_convert_type3A_902, %ge3A_1280 : vector<256x128xi32>
    %convert_element_type3A_1282 = arith.extui %ge3A_1281 : vector<256x128xi1> to vector<256x128xi32>
    %reduce_sum3A_1283 = vector.shape_cast %convert_element_type3A_1282 : vector<256x128xi32> to vector<1x256x128xi32>
    %reduce_sum3A_1284 = arith.constant dense<0> : vector<1xi32>
    %reduce_sum3A_1285 = vector.multi_reduction <add>, %reduce_sum3A_1283, %reduce_sum3A_1284 [1, 2] : vector<1x256x128xi32> to vector<1xi32>
    %reduce_sum3A_1286 = vector.shape_cast %reduce_sum3A_1285 : vector<1xi32> to vector<1x1x1xi32>
    %reduce_sum3A_1287 = vector.extract %reduce_sum3A_1286[0, 0, 0] : i32 from vector<1x1x1xi32>
    %ge3A_1288 = arith.constant 6000 : i32
    %ge3A_1289 = arith.cmpi sge, %reduce_sum3A_1287, %ge3A_1288 : i32
    %select_n3A_1290 = arith.select %ge3A_1289, %or3A_1279, %select_n3A_1277 : i32
    %or3A_1291 = arith.constant 1 : i32
    %or3A_1292 = arith.ori %select_n3A_1290, %or3A_1291 : i32
    %ge3A_1293 = vector.broadcast %or3A_1292 : i32 to vector<256x128xi32>
    %ge3A_1294 = arith.cmpi sge, %bitcast_convert_type3A_902, %ge3A_1293 : vector<256x128xi32>
    %convert_element_type3A_1295 = arith.extui %ge3A_1294 : vector<256x128xi1> to vector<256x128xi32>
    %reduce_sum3A_1296 = vector.shape_cast %convert_element_type3A_1295 : vector<256x128xi32> to vector<1x256x128xi32>
    %reduce_sum3A_1297 = arith.constant dense<0> : vector<1xi32>
    %reduce_sum3A_1298 = vector.multi_reduction <add>, %reduce_sum3A_1296, %reduce_sum3A_1297 [1, 2] : vector<1x256x128xi32> to vector<1xi32>
    %reduce_sum3A_1299 = vector.shape_cast %reduce_sum3A_1298 : vector<1xi32> to vector<1x1x1xi32>
    %reduce_sum3A_1300 = vector.extract %reduce_sum3A_1299[0, 0, 0] : i32 from vector<1x1x1xi32>
    %ge3A_1301 = arith.constant 6000 : i32
    %ge3A_1302 = arith.cmpi sge, %reduce_sum3A_1300, %ge3A_1301 : i32
    %select_n3A_1303 = arith.select %ge3A_1302, %or3A_1292, %select_n3A_1290 : i32
    %gt3A_1304 = vector.broadcast %select_n3A_1303 : i32 to vector<256x128xi32>
    %gt3A_1305 = arith.cmpi sgt, %bitcast_convert_type3A_902, %gt3A_1304 : vector<256x128xi32>
    %convert_element_type3A_1306 = arith.extui %gt3A_1305 : vector<256x128xi1> to vector<256x128xi32>
    %reduce_sum3A_1307 = vector.shape_cast %convert_element_type3A_1306 : vector<256x128xi32> to vector<1x256x128xi32>
    %reduce_sum3A_1308 = arith.constant dense<0> : vector<1xi32>
    %reduce_sum3A_1309 = vector.multi_reduction <add>, %reduce_sum3A_1307, %reduce_sum3A_1308 [1, 2] : vector<1x256x128xi32> to vector<1xi32>
    %reduce_sum3A_1310 = vector.shape_cast %reduce_sum3A_1309 : vector<1xi32> to vector<1x1x1xi32>
    %reduce_sum3A_1311 = vector.extract %reduce_sum3A_1310[0, 0, 0] : i32 from vector<1x1x1xi32>
    %sub3A_1312 = arith.constant 6000 : i32
    %sub3A_1313 = arith.subi %sub3A_1312, %reduce_sum3A_1311 : i32
    %eq3A_1314 = vector.broadcast %select_n3A_1303 : i32 to vector<256x128xi32>
    %eq3A_1315 = arith.cmpi eq, %bitcast_convert_type3A_902, %eq3A_1314 : vector<256x128xi32>
    %convert_element_type3A_1316 = arith.extui %eq3A_1315 : vector<256x128xi1> to vector<256x128xi32>
    %broadcast_in_dim3A_1317 = arith.constant 0 : i32
    %broadcast_in_dim3A_1318 = vector.broadcast %broadcast_in_dim3A_1317 : i32 to vector<256x1xi32>
    %slice3A_1319 = vector.extract_strided_slice %convert_element_type3A_1316 {offsets = [0, 0], sizes = [256, 127], strides = [1, 1]} : vector<256x128xi32> to vector<256x127xi32>
    %concatenate3A_1320 = tpu.concatenate %broadcast_in_dim3A_1318, %slice3A_1319 in 1 : vector<256x1xi32>, vector<256x127xi32> -> vector<256x128xi32>
    %add3A_1321 = arith.addi %convert_element_type3A_1316, %concatenate3A_1320 : vector<256x128xi32>
    %broadcast_in_dim3A_1322 = arith.constant 0 : i32
    %broadcast_in_dim3A_1323 = vector.broadcast %broadcast_in_dim3A_1322 : i32 to vector<256x2xi32>
    %slice3A_1324 = vector.extract_strided_slice %add3A_1321 {offsets = [0, 0], sizes = [256, 126], strides = [1, 1]} : vector<256x128xi32> to vector<256x126xi32>
    %concatenate3A_1325 = tpu.concatenate %broadcast_in_dim3A_1323, %slice3A_1324 in 1 : vector<256x2xi32>, vector<256x126xi32> -> vector<256x128xi32>
    %add3A_1326 = arith.addi %add3A_1321, %concatenate3A_1325 : vector<256x128xi32>
    %broadcast_in_dim3A_1327 = arith.constant 0 : i32
    %broadcast_in_dim3A_1328 = vector.broadcast %broadcast_in_dim3A_1327 : i32 to vector<256x4xi32>
    %slice3A_1329 = vector.extract_strided_slice %add3A_1326 {offsets = [0, 0], sizes = [256, 124], strides = [1, 1]} : vector<256x128xi32> to vector<256x124xi32>
    %concatenate3A_1330 = tpu.concatenate %broadcast_in_dim3A_1328, %slice3A_1329 in 1 : vector<256x4xi32>, vector<256x124xi32> -> vector<256x128xi32>
    %add3A_1331 = arith.addi %add3A_1326, %concatenate3A_1330 : vector<256x128xi32>
    %broadcast_in_dim3A_1332 = arith.constant 0 : i32
    %broadcast_in_dim3A_1333 = vector.broadcast %broadcast_in_dim3A_1332 : i32 to vector<256x8xi32>
    %slice3A_1334 = vector.extract_strided_slice %add3A_1331 {offsets = [0, 0], sizes = [256, 120], strides = [1, 1]} : vector<256x128xi32> to vector<256x120xi32>
    %concatenate3A_1335 = tpu.concatenate %broadcast_in_dim3A_1333, %slice3A_1334 in 1 : vector<256x8xi32>, vector<256x120xi32> -> vector<256x128xi32>
    %add3A_1336 = arith.addi %add3A_1331, %concatenate3A_1335 : vector<256x128xi32>
    %broadcast_in_dim3A_1337 = arith.constant 0 : i32
    %broadcast_in_dim3A_1338 = vector.broadcast %broadcast_in_dim3A_1337 : i32 to vector<256x16xi32>
    %slice3A_1339 = vector.extract_strided_slice %add3A_1336 {offsets = [0, 0], sizes = [256, 112], strides = [1, 1]} : vector<256x128xi32> to vector<256x112xi32>
    %concatenate3A_1340 = tpu.concatenate %broadcast_in_dim3A_1338, %slice3A_1339 in 1 : vector<256x16xi32>, vector<256x112xi32> -> vector<256x128xi32>
    %add3A_1341 = arith.addi %add3A_1336, %concatenate3A_1340 : vector<256x128xi32>
    %broadcast_in_dim3A_1342 = arith.constant 0 : i32
    %broadcast_in_dim3A_1343 = vector.broadcast %broadcast_in_dim3A_1342 : i32 to vector<256x32xi32>
    %slice3A_1344 = vector.extract_strided_slice %add3A_1341 {offsets = [0, 0], sizes = [256, 96], strides = [1, 1]} : vector<256x128xi32> to vector<256x96xi32>
    %concatenate3A_1345 = tpu.concatenate %broadcast_in_dim3A_1343, %slice3A_1344 in 1 : vector<256x32xi32>, vector<256x96xi32> -> vector<256x128xi32>
    %add3A_1346 = arith.addi %add3A_1341, %concatenate3A_1345 : vector<256x128xi32>
    %broadcast_in_dim3A_1347 = arith.constant 0 : i32
    %broadcast_in_dim3A_1348 = vector.broadcast %broadcast_in_dim3A_1347 : i32 to vector<256x64xi32>
    %slice3A_1349 = vector.extract_strided_slice %add3A_1346 {offsets = [0, 0], sizes = [256, 64], strides = [1, 1]} : vector<256x128xi32> to vector<256x64xi32>
    %concatenate3A_1350 = tpu.concatenate %broadcast_in_dim3A_1348, %slice3A_1349 in 1 : vector<256x64xi32>, vector<256x64xi32> -> vector<256x128xi32>
    %add3A_1351 = arith.addi %add3A_1346, %concatenate3A_1350 : vector<256x128xi32>
    %slice3A_1352 = vector.extract_strided_slice %add3A_1351 {offsets = [0, 127], sizes = [256, 1], strides = [1, 1]} : vector<256x128xi32> to vector<256x1xi32>
    %broadcast_in_dim3A_1353 = vector.shape_cast %slice3A_1352 : vector<256x1xi32> to vector<256x1xi32>
    %broadcast_in_dim3A_1354 = vector.broadcast %broadcast_in_dim3A_1353 : vector<256x1xi32> to vector<256x128xi32>
    %broadcast_in_dim3A_1355 = arith.constant 0 : i32
    %broadcast_in_dim3A_1356 = vector.broadcast %broadcast_in_dim3A_1355 : i32 to vector<1x128xi32>
    %slice3A_1357 = vector.extract_strided_slice %broadcast_in_dim3A_1354 {offsets = [0, 0], sizes = [255, 128], strides = [1, 1]} : vector<256x128xi32> to vector<255x128xi32>
    %concatenate3A_1358 = tpu.concatenate %broadcast_in_dim3A_1356, %slice3A_1357 in 0 : vector<1x128xi32>, vector<255x128xi32> -> vector<256x128xi32>
    %add3A_1359 = arith.addi %broadcast_in_dim3A_1354, %concatenate3A_1358 : vector<256x128xi32>
    %broadcast_in_dim3A_1360 = arith.constant 0 : i32
    %broadcast_in_dim3A_1361 = vector.broadcast %broadcast_in_dim3A_1360 : i32 to vector<2x128xi32>
    %slice3A_1362 = vector.extract_strided_slice %add3A_1359 {offsets = [0, 0], sizes = [254, 128], strides = [1, 1]} : vector<256x128xi32> to vector<254x128xi32>
    %concatenate3A_1363 = tpu.concatenate %broadcast_in_dim3A_1361, %slice3A_1362 in 0 : vector<2x128xi32>, vector<254x128xi32> -> vector<256x128xi32>
    %add3A_1364 = arith.addi %add3A_1359, %concatenate3A_1363 : vector<256x128xi32>
    %broadcast_in_dim3A_1365 = arith.constant 0 : i32
    %broadcast_in_dim3A_1366 = vector.broadcast %broadcast_in_dim3A_1365 : i32 to vector<4x128xi32>
    %slice3A_1367 = vector.extract_strided_slice %add3A_1364 {offsets = [0, 0], sizes = [252, 128], strides = [1, 1]} : vector<256x128xi32> to vector<252x128xi32>
    %concatenate3A_1368 = tpu.concatenate %broadcast_in_dim3A_1366, %slice3A_1367 in 0 : vector<4x128xi32>, vector<252x128xi32> -> vector<256x128xi32>
    %add3A_1369 = arith.addi %add3A_1364, %concatenate3A_1368 : vector<256x128xi32>
    %broadcast_in_dim3A_1370 = arith.constant 0 : i32
    %broadcast_in_dim3A_1371 = vector.broadcast %broadcast_in_dim3A_1370 : i32 to vector<8x128xi32>
    %slice3A_1372 = vector.extract_strided_slice %add3A_1369 {offsets = [0, 0], sizes = [248, 128], strides = [1, 1]} : vector<256x128xi32> to vector<248x128xi32>
    %concatenate3A_1373 = tpu.concatenate %broadcast_in_dim3A_1371, %slice3A_1372 in 0 : vector<8x128xi32>, vector<248x128xi32> -> vector<256x128xi32>
    %add3A_1374 = arith.addi %add3A_1369, %concatenate3A_1373 : vector<256x128xi32>
    %broadcast_in_dim3A_1375 = arith.constant 0 : i32
    %broadcast_in_dim3A_1376 = vector.broadcast %broadcast_in_dim3A_1375 : i32 to vector<16x128xi32>
    %slice3A_1377 = vector.extract_strided_slice %add3A_1374 {offsets = [0, 0], sizes = [240, 128], strides = [1, 1]} : vector<256x128xi32> to vector<240x128xi32>
    %concatenate3A_1378 = tpu.concatenate %broadcast_in_dim3A_1376, %slice3A_1377 in 0 : vector<16x128xi32>, vector<240x128xi32> -> vector<256x128xi32>
    %add3A_1379 = arith.addi %add3A_1374, %concatenate3A_1378 : vector<256x128xi32>
    %broadcast_in_dim3A_1380 = arith.constant 0 : i32
    %broadcast_in_dim3A_1381 = vector.broadcast %broadcast_in_dim3A_1380 : i32 to vector<32x128xi32>
    %slice3A_1382 = vector.extract_strided_slice %add3A_1379 {offsets = [0, 0], sizes = [224, 128], strides = [1, 1]} : vector<256x128xi32> to vector<224x128xi32>
    %concatenate3A_1383 = tpu.concatenate %broadcast_in_dim3A_1381, %slice3A_1382 in 0 : vector<32x128xi32>, vector<224x128xi32> -> vector<256x128xi32>
    %add3A_1384 = arith.addi %add3A_1379, %concatenate3A_1383 : vector<256x128xi32>
    %broadcast_in_dim3A_1385 = arith.constant 0 : i32
    %broadcast_in_dim3A_1386 = vector.broadcast %broadcast_in_dim3A_1385 : i32 to vector<64x128xi32>
    %slice3A_1387 = vector.extract_strided_slice %add3A_1384 {offsets = [0, 0], sizes = [192, 128], strides = [1, 1]} : vector<256x128xi32> to vector<192x128xi32>
    %concatenate3A_1388 = tpu.concatenate %broadcast_in_dim3A_1386, %slice3A_1387 in 0 : vector<64x128xi32>, vector<192x128xi32> -> vector<256x128xi32>
    %add3A_1389 = arith.addi %add3A_1384, %concatenate3A_1388 : vector<256x128xi32>
    %broadcast_in_dim3A_1390 = arith.constant 0 : i32
    %broadcast_in_dim3A_1391 = vector.broadcast %broadcast_in_dim3A_1390 : i32 to vector<128x128xi32>
    %slice3A_1392 = vector.extract_strided_slice %add3A_1389 {offsets = [0, 0], sizes = [128, 128], strides = [1, 1]} : vector<256x128xi32> to vector<128x128xi32>
    %concatenate3A_1393 = tpu.concatenate %broadcast_in_dim3A_1391, %slice3A_1392 in 0 : vector<128x128xi32>, vector<128x128xi32> -> vector<256x128xi32>
    %add3A_1394 = arith.addi %add3A_1389, %concatenate3A_1393 : vector<256x128xi32>
    %sub3A_1395 = arith.subi %add3A_1394, %broadcast_in_dim3A_1354 : vector<256x128xi32>
    %add3A_1396 = arith.addi %add3A_1351, %sub3A_1395 : vector<256x128xi32>
    %convert_element_type3A_1397 = arith.extui %eq3A_1315 : vector<256x128xi1> to vector<256x128xi32>
    %sub3A_1398 = arith.subi %add3A_1396, %convert_element_type3A_1397 : vector<256x128xi32>
    %lt3A_1399 = vector.broadcast %sub3A_1313 : i32 to vector<256x128xi32>
    %lt3A_1400 = arith.cmpi slt, %sub3A_1398, %lt3A_1399 : vector<256x128xi32>
    %and3A_1401 = arith.andi %eq3A_1315, %lt3A_1400 : vector<256x128xi1>
    %le3A_1402 = arith.constant 6000 : i32
    %le3A_1403 = arith.cmpi sle, %reduce_sum3A_911, %le3A_1402 : i32
    %gt3A_1404 = vector.broadcast %select_n3A_1303 : i32 to vector<256x128xi32>
    %gt3A_1405 = arith.cmpi sgt, %bitcast_convert_type3A_902, %gt3A_1404 : vector<256x128xi32>
    %or3A_1406 = vector.broadcast %le3A_1403 : i1 to vector<256x128xi1>
    %or3A_1407 = arith.ori %or3A_1406, %gt3A_1405 : vector<256x128xi1>
    %or3A_1408 = arith.ori %or3A_1407, %and3A_1401 : vector<256x128xi1>
    %and3A_1409 = arith.andi %ge3A_905, %or3A_1408 : vector<256x128xi1>
    %jit3A_1410 = arith.constant -1.000000e+00 : f32
    %broadcast_in_dim3A_1411 = vector.broadcast %jit3A_1410 : f32 to vector<256x128xf32>
    %select_n3A_1412 = arith.select %and3A_1409, %select_n3A_901, %broadcast_in_dim3A_1411 : vector<256x128xi1>, vector<256x128xf32>
    %swap3A_1413 = arith.constant 256 : index
    %swap3A_1414 = arith.constant 0 : index
    %swap3A_1415 = vector.load %arg16[%swap3A_1413, %swap3A_1414] : memref<1024x128xf32, #tpu.memory_space<vmem>>, vector<256x128xf32>
    tpu.vector_store %arg16[%swap3A_1413, %swap3A_1414], %select_n3A_1412 {strides = array<i32>} : memref<1024x128xf32, #tpu.memory_space<vmem>>, vector<256x128xf32>,
    %add3A_1416 = arith.constant 1.000000e+00 : f32
    %add3A_1417 = arith.addf %add3A_1416, %get3A_1 : f32
    %mul3A_1418 = vector.broadcast %add3A_1417 : f32 to vector<256x128xf32>
    %mul3A_1419 = arith.mulf %mul3A_1418, %min3A_832 : vector<256x128xf32>
    %swap3A_1420 = arith.constant 256 : index
    %swap3A_1421 = arith.constant 0 : index
    %swap3A_1422 = vector.load %arg19[%swap3A_1420, %swap3A_1421] : memref<1024x128xf32, #tpu.memory_space<vmem>>, vector<256x128xf32>
    tpu.vector_store %arg19[%swap3A_1420, %swap3A_1421], %mul3A_1419 {strides = array<i32>} : memref<1024x128xf32, #tpu.memory_space<vmem>>, vector<256x128xf32>,
    %add3A_1423 = arith.constant 1.000000e+00 : f32
    %add3A_1424 = vector.broadcast %add3A_1423 : f32 to vector<256x128xf32>
    %add3A_1425 = arith.addf %min3A_850, %add3A_1424 : vector<256x128xf32>
    %mul3A_1426 = vector.broadcast %add3A_1417 : f32 to vector<256x128xf32>
    %mul3A_1427 = arith.mulf %mul3A_1426, %add3A_1425 : vector<256x128xf32>
    %swap3A_1428 = arith.constant 256 : index
    %swap3A_1429 = arith.constant 0 : index
    %swap3A_1430 = vector.load %arg20[%swap3A_1428, %swap3A_1429] : memref<1024x128xf32, #tpu.memory_space<vmem>>, vector<256x128xf32>
    tpu.vector_store %arg20[%swap3A_1428, %swap3A_1429], %mul3A_1427 {strides = array<i32>} : memref<1024x128xf32, #tpu.memory_space<vmem>>, vector<256x128xf32>,
    %add3A_1431 = arith.constant 1.000000e+00 : f32
    %add3A_1432 = vector.broadcast %add3A_1431 : f32 to vector<256x128xf32>
    %add3A_1433 = arith.addf %min3A_859, %add3A_1432 : vector<256x128xf32>
    %swap3A_1434 = arith.constant 256 : index
    %swap3A_1435 = arith.constant 0 : index
    %swap3A_1436 = vector.load %arg21[%swap3A_1434, %swap3A_1435] : memref<1024x128xf32, #tpu.memory_space<vmem>>, vector<256x128xf32>
    tpu.vector_store %arg21[%swap3A_1434, %swap3A_1435], %add3A_1433 {strides = array<i32>} : memref<1024x128xf32, #tpu.memory_space<vmem>>, vector<256x128xf32>,
    %sub3A_1437 = arith.subf %min3A_850, %min3A_832 : vector<256x128xf32>
    %add3A_1438 = arith.constant 1.000000e+00 : f32
    %add3A_1439 = vector.broadcast %add3A_1438 : f32 to vector<256x128xf32>
    %add3A_1440 = arith.addf %sub3A_1437, %add3A_1439 : vector<256x128xf32>
    %sub3A_1441 = arith.subf %min3A_859, %min3A_841 : vector<256x128xf32>
    %add3A_1442 = arith.constant 1.000000e+00 : f32
    %add3A_1443 = vector.broadcast %add3A_1442 : f32 to vector<256x128xf32>
    %add3A_1444 = arith.addf %sub3A_1441, %add3A_1443 : vector<256x128xf32>
    %mul3A_1445 = arith.mulf %add3A_1440, %add3A_1444 : vector<256x128xf32>
    %mul3A_1446 = vector.broadcast %get3A_1 : f32 to vector<256x128xf32>
    %mul3A_1447 = arith.mulf %mul3A_1446, %mul3A_1445 : vector<256x128xf32>
    %swap3A_1448 = arith.constant 256 : index
    %swap3A_1449 = arith.constant 0 : index
    %swap3A_1450 = vector.load %arg22[%swap3A_1448, %swap3A_1449] : memref<1024x128xf32, #tpu.memory_space<vmem>>, vector<256x128xf32>
    tpu.vector_store %arg22[%swap3A_1448, %swap3A_1449], %mul3A_1447 {strides = array<i32>} : memref<1024x128xf32, #tpu.memory_space<vmem>>, vector<256x128xf32>,
    %convert_element_type3A_1451 = arith.extui %and3A_1409 : vector<256x128xi1> to vector<256x128xi32>
    %broadcast_in_dim3A_1452 = arith.constant 0 : i32
    %broadcast_in_dim3A_1453 = vector.broadcast %broadcast_in_dim3A_1452 : i32 to vector<256x1xi32>
    %slice3A_1454 = vector.extract_strided_slice %convert_element_type3A_1451 {offsets = [0, 0], sizes = [256, 127], strides = [1, 1]} : vector<256x128xi32> to vector<256x127xi32>
    %concatenate3A_1455 = tpu.concatenate %broadcast_in_dim3A_1453, %slice3A_1454 in 1 : vector<256x1xi32>, vector<256x127xi32> -> vector<256x128xi32>
    %add3A_1456 = arith.addi %convert_element_type3A_1451, %concatenate3A_1455 : vector<256x128xi32>
    %broadcast_in_dim3A_1457 = arith.constant 0 : i32
    %broadcast_in_dim3A_1458 = vector.broadcast %broadcast_in_dim3A_1457 : i32 to vector<256x2xi32>
    %slice3A_1459 = vector.extract_strided_slice %add3A_1456 {offsets = [0, 0], sizes = [256, 126], strides = [1, 1]} : vector<256x128xi32> to vector<256x126xi32>
    %concatenate3A_1460 = tpu.concatenate %broadcast_in_dim3A_1458, %slice3A_1459 in 1 : vector<256x2xi32>, vector<256x126xi32> -> vector<256x128xi32>
    %add3A_1461 = arith.addi %add3A_1456, %concatenate3A_1460 : vector<256x128xi32>
    %broadcast_in_dim3A_1462 = arith.constant 0 : i32
    %broadcast_in_dim3A_1463 = vector.broadcast %broadcast_in_dim3A_1462 : i32 to vector<256x4xi32>
    %slice3A_1464 = vector.extract_strided_slice %add3A_1461 {offsets = [0, 0], sizes = [256, 124], strides = [1, 1]} : vector<256x128xi32> to vector<256x124xi32>
    %concatenate3A_1465 = tpu.concatenate %broadcast_in_dim3A_1463, %slice3A_1464 in 1 : vector<256x4xi32>, vector<256x124xi32> -> vector<256x128xi32>
    %add3A_1466 = arith.addi %add3A_1461, %concatenate3A_1465 : vector<256x128xi32>
    %broadcast_in_dim3A_1467 = arith.constant 0 : i32
    %broadcast_in_dim3A_1468 = vector.broadcast %broadcast_in_dim3A_1467 : i32 to vector<256x8xi32>
    %slice3A_1469 = vector.extract_strided_slice %add3A_1466 {offsets = [0, 0], sizes = [256, 120], strides = [1, 1]} : vector<256x128xi32> to vector<256x120xi32>
    %concatenate3A_1470 = tpu.concatenate %broadcast_in_dim3A_1468, %slice3A_1469 in 1 : vector<256x8xi32>, vector<256x120xi32> -> vector<256x128xi32>
    %add3A_1471 = arith.addi %add3A_1466, %concatenate3A_1470 : vector<256x128xi32>
    %broadcast_in_dim3A_1472 = arith.constant 0 : i32
    %broadcast_in_dim3A_1473 = vector.broadcast %broadcast_in_dim3A_1472 : i32 to vector<256x16xi32>
    %slice3A_1474 = vector.extract_strided_slice %add3A_1471 {offsets = [0, 0], sizes = [256, 112], strides = [1, 1]} : vector<256x128xi32> to vector<256x112xi32>
    %concatenate3A_1475 = tpu.concatenate %broadcast_in_dim3A_1473, %slice3A_1474 in 1 : vector<256x16xi32>, vector<256x112xi32> -> vector<256x128xi32>
    %add3A_1476 = arith.addi %add3A_1471, %concatenate3A_1475 : vector<256x128xi32>
    %broadcast_in_dim3A_1477 = arith.constant 0 : i32
    %broadcast_in_dim3A_1478 = vector.broadcast %broadcast_in_dim3A_1477 : i32 to vector<256x32xi32>
    %slice3A_1479 = vector.extract_strided_slice %add3A_1476 {offsets = [0, 0], sizes = [256, 96], strides = [1, 1]} : vector<256x128xi32> to vector<256x96xi32>
    %concatenate3A_1480 = tpu.concatenate %broadcast_in_dim3A_1478, %slice3A_1479 in 1 : vector<256x32xi32>, vector<256x96xi32> -> vector<256x128xi32>
    %add3A_1481 = arith.addi %add3A_1476, %concatenate3A_1480 : vector<256x128xi32>
    %broadcast_in_dim3A_1482 = arith.constant 0 : i32
    %broadcast_in_dim3A_1483 = vector.broadcast %broadcast_in_dim3A_1482 : i32 to vector<256x64xi32>
    %slice3A_1484 = vector.extract_strided_slice %add3A_1481 {offsets = [0, 0], sizes = [256, 64], strides = [1, 1]} : vector<256x128xi32> to vector<256x64xi32>
    %concatenate3A_1485 = tpu.concatenate %broadcast_in_dim3A_1483, %slice3A_1484 in 1 : vector<256x64xi32>, vector<256x64xi32> -> vector<256x128xi32>
    %add3A_1486 = arith.addi %add3A_1481, %concatenate3A_1485 : vector<256x128xi32>
    %slice3A_1487 = vector.extract_strided_slice %add3A_1486 {offsets = [0, 127], sizes = [256, 1], strides = [1, 1]} : vector<256x128xi32> to vector<256x1xi32>
    %broadcast_in_dim3A_1488 = vector.shape_cast %slice3A_1487 : vector<256x1xi32> to vector<256x1xi32>
    %broadcast_in_dim3A_1489 = vector.broadcast %broadcast_in_dim3A_1488 : vector<256x1xi32> to vector<256x128xi32>
    %broadcast_in_dim3A_1490 = arith.constant 0 : i32
    %broadcast_in_dim3A_1491 = vector.broadcast %broadcast_in_dim3A_1490 : i32 to vector<1x128xi32>
    %slice3A_1492 = vector.extract_strided_slice %broadcast_in_dim3A_1489 {offsets = [0, 0], sizes = [255, 128], strides = [1, 1]} : vector<256x128xi32> to vector<255x128xi32>
    %concatenate3A_1493 = tpu.concatenate %broadcast_in_dim3A_1491, %slice3A_1492 in 0 : vector<1x128xi32>, vector<255x128xi32> -> vector<256x128xi32>
    %add3A_1494 = arith.addi %broadcast_in_dim3A_1489, %concatenate3A_1493 : vector<256x128xi32>
    %broadcast_in_dim3A_1495 = arith.constant 0 : i32
    %broadcast_in_dim3A_1496 = vector.broadcast %broadcast_in_dim3A_1495 : i32 to vector<2x128xi32>
    %slice3A_1497 = vector.extract_strided_slice %add3A_1494 {offsets = [0, 0], sizes = [254, 128], strides = [1, 1]} : vector<256x128xi32> to vector<254x128xi32>
    %concatenate3A_1498 = tpu.concatenate %broadcast_in_dim3A_1496, %slice3A_1497 in 0 : vector<2x128xi32>, vector<254x128xi32> -> vector<256x128xi32>
    %add3A_1499 = arith.addi %add3A_1494, %concatenate3A_1498 : vector<256x128xi32>
    %broadcast_in_dim3A_1500 = arith.constant 0 : i32
    %broadcast_in_dim3A_1501 = vector.broadcast %broadcast_in_dim3A_1500 : i32 to vector<4x128xi32>
    %slice3A_1502 = vector.extract_strided_slice %add3A_1499 {offsets = [0, 0], sizes = [252, 128], strides = [1, 1]} : vector<256x128xi32> to vector<252x128xi32>
    %concatenate3A_1503 = tpu.concatenate %broadcast_in_dim3A_1501, %slice3A_1502 in 0 : vector<4x128xi32>, vector<252x128xi32> -> vector<256x128xi32>
    %add3A_1504 = arith.addi %add3A_1499, %concatenate3A_1503 : vector<256x128xi32>
    %broadcast_in_dim3A_1505 = arith.constant 0 : i32
    %broadcast_in_dim3A_1506 = vector.broadcast %broadcast_in_dim3A_1505 : i32 to vector<8x128xi32>
    %slice3A_1507 = vector.extract_strided_slice %add3A_1504 {offsets = [0, 0], sizes = [248, 128], strides = [1, 1]} : vector<256x128xi32> to vector<248x128xi32>
    %concatenate3A_1508 = tpu.concatenate %broadcast_in_dim3A_1506, %slice3A_1507 in 0 : vector<8x128xi32>, vector<248x128xi32> -> vector<256x128xi32>
    %add3A_1509 = arith.addi %add3A_1504, %concatenate3A_1508 : vector<256x128xi32>
    %broadcast_in_dim3A_1510 = arith.constant 0 : i32
    %broadcast_in_dim3A_1511 = vector.broadcast %broadcast_in_dim3A_1510 : i32 to vector<16x128xi32>
    %slice3A_1512 = vector.extract_strided_slice %add3A_1509 {offsets = [0, 0], sizes = [240, 128], strides = [1, 1]} : vector<256x128xi32> to vector<240x128xi32>
    %concatenate3A_1513 = tpu.concatenate %broadcast_in_dim3A_1511, %slice3A_1512 in 0 : vector<16x128xi32>, vector<240x128xi32> -> vector<256x128xi32>
    %add3A_1514 = arith.addi %add3A_1509, %concatenate3A_1513 : vector<256x128xi32>
    %broadcast_in_dim3A_1515 = arith.constant 0 : i32
    %broadcast_in_dim3A_1516 = vector.broadcast %broadcast_in_dim3A_1515 : i32 to vector<32x128xi32>
    %slice3A_1517 = vector.extract_strided_slice %add3A_1514 {offsets = [0, 0], sizes = [224, 128], strides = [1, 1]} : vector<256x128xi32> to vector<224x128xi32>
    %concatenate3A_1518 = tpu.concatenate %broadcast_in_dim3A_1516, %slice3A_1517 in 0 : vector<32x128xi32>, vector<224x128xi32> -> vector<256x128xi32>
    %add3A_1519 = arith.addi %add3A_1514, %concatenate3A_1518 : vector<256x128xi32>
    %broadcast_in_dim3A_1520 = arith.constant 0 : i32
    %broadcast_in_dim3A_1521 = vector.broadcast %broadcast_in_dim3A_1520 : i32 to vector<64x128xi32>
    %slice3A_1522 = vector.extract_strided_slice %add3A_1519 {offsets = [0, 0], sizes = [192, 128], strides = [1, 1]} : vector<256x128xi32> to vector<192x128xi32>
    %concatenate3A_1523 = tpu.concatenate %broadcast_in_dim3A_1521, %slice3A_1522 in 0 : vector<64x128xi32>, vector<192x128xi32> -> vector<256x128xi32>
    %add3A_1524 = arith.addi %add3A_1519, %concatenate3A_1523 : vector<256x128xi32>
    %broadcast_in_dim3A_1525 = arith.constant 0 : i32
    %broadcast_in_dim3A_1526 = vector.broadcast %broadcast_in_dim3A_1525 : i32 to vector<128x128xi32>
    %slice3A_1527 = vector.extract_strided_slice %add3A_1524 {offsets = [0, 0], sizes = [128, 128], strides = [1, 1]} : vector<256x128xi32> to vector<128x128xi32>
    %concatenate3A_1528 = tpu.concatenate %broadcast_in_dim3A_1526, %slice3A_1527 in 0 : vector<128x128xi32>, vector<128x128xi32> -> vector<256x128xi32>
    %add3A_1529 = arith.addi %add3A_1524, %concatenate3A_1528 : vector<256x128xi32>
    %sub3A_1530 = arith.subi %add3A_1529, %broadcast_in_dim3A_1489 : vector<256x128xi32>
    %add3A_1531 = arith.addi %add3A_1486, %sub3A_1530 : vector<256x128xi32>
    %sub3A_1532 = arith.subi %add3A_1531, %convert_element_type3A_1451 : vector<256x128xi32>
    %add3A_1533 = arith.constant 6144 : i32
    %add3A_1534 = vector.broadcast %add3A_1533 : i32 to vector<256x128xi32>
    %add3A_1535 = arith.addi %sub3A_1532, %add3A_1534 : vector<256x128xi32>
    %jit3A_1536 = arith.constant 12287 : i32
    %broadcast_in_dim3A_1537 = vector.broadcast %jit3A_1536 : i32 to vector<256x128xi32>
    %select_n3A_1538 = arith.select %and3A_1409, %add3A_1535, %broadcast_in_dim3A_1537 : vector<256x128xi1>, vector<256x128xi32>
    %swap3A_1539 = arith.constant 256 : index
    %swap3A_1540 = arith.constant 0 : index
    %swap3A_1541 = vector.load %arg17[%swap3A_1539, %swap3A_1540] : memref<1024x128xi32, #tpu.memory_space<vmem>>, vector<256x128xi32>
    tpu.vector_store %arg17[%swap3A_1539, %swap3A_1540], %select_n3A_1538 {strides = array<i32>} : memref<1024x128xi32, #tpu.memory_space<vmem>>, vector<256x128xi32>,
    %reduce_sum3A_1542 = vector.shape_cast %convert_element_type3A_1451 : vector<256x128xi32> to vector<1x256x128xi32>
    %reduce_sum3A_1543 = arith.constant dense<0> : vector<1xi32>
    %reduce_sum3A_1544 = vector.multi_reduction <add>, %reduce_sum3A_1542, %reduce_sum3A_1543 [1, 2] : vector<1x256x128xi32> to vector<1xi32>
    %reduce_sum3A_1545 = vector.shape_cast %reduce_sum3A_1544 : vector<1xi32> to vector<1x1x1xi32>
    %reduce_sum3A_1546 = vector.extract %reduce_sum3A_1545[0, 0, 0] : i32 from vector<1x1x1xi32>
    %get3A_1547 = arith.constant 2 : index
    %get3A_1548 = arith.constant 0 : index
    %get3A_1549 = memref.load %arg0[%get3A_1547, %get3A_1548] : memref<4x4xf32, #tpu.memory_space<smem>>
    %sub3A_1550 = arith.constant 1.000000e+00 : f32
    %sub3A_1551 = arith.subf %get3A_1549, %sub3A_1550 : f32
    %get3A_1552 = arith.constant 2 : index
    %get3A_1553 = arith.constant 1 : index
    %get3A_1554 = memref.load %arg0[%get3A_1552, %get3A_1553] : memref<4x4xf32, #tpu.memory_space<smem>>
    %sub3A_1555 = arith.constant 1.000000e+00 : f32
    %sub3A_1556 = arith.subf %get3A_1554, %sub3A_1555 : f32
    %get3A_1557 = arith.constant 2 : index
    %get3A_1558 = arith.constant 2 : index
    %get3A_1559 = memref.load %arg0[%get3A_1557, %get3A_1558] : memref<4x4xf32, #tpu.memory_space<smem>>
    %mul3A_1560 = arith.constant 1.600000e+01 : f32
    %mul3A_1561 = arith.mulf %mul3A_1560, %get3A_1559 : f32
    %get3A_1562 = arith.constant 2 : index
    %get3A_1563 = arith.constant 3 : index
    %get3A_1564 = memref.load %arg0[%get3A_1562, %get3A_1563] : memref<4x4xf32, #tpu.memory_space<smem>>
    %mul3A_1565 = arith.constant 1.600000e+01 : f32
    %mul3A_1566 = arith.mulf %mul3A_1565, %get3A_1564 : f32
    %get3A_1567 = arith.constant 512 : index
    %get3A_1568 = arith.constant 0 : index
    %get3A_1569 = vector.load %arg4[%get3A_1567, %get3A_1568] : memref<1024x128xf32, #tpu.memory_space<vmem>>, vector<256x128xf32>
    %mul3A_1570 = arith.mulf %get3A_1569, %add3A_9 : vector<256x128xf32>
    %add3A_1571 = arith.addf %mul3A_1570, %add3A_25 : vector<256x128xf32>
    %get3A_1572 = arith.constant 512 : index
    %get3A_1573 = arith.constant 0 : index
    %get3A_1574 = vector.load %arg5[%get3A_1572, %get3A_1573] : memref<1024x128xf32, #tpu.memory_space<vmem>>, vector<256x128xf32>
    %mul3A_1575 = arith.mulf %get3A_1574, %add3A_19 : vector<256x128xf32>
    %add3A_1576 = arith.addf %mul3A_1575, %add3A_32 : vector<256x128xf32>
    %get3A_1577 = arith.constant 512 : index
    %get3A_1578 = arith.constant 0 : index
    %get3A_1579 = vector.load %arg6[%get3A_1577, %get3A_1578] : memref<1024x128xf32, #tpu.memory_space<vmem>>, vector<256x128xf32>
    %exp3A_1580 = math.exp %get3A_1579 : vector<256x128xf32>
    %mul3A_1581 = arith.mulf %exp3A_1580, %add3A_9 : vector<256x128xf32>
    %get3A_1582 = arith.constant 512 : index
    %get3A_1583 = arith.constant 0 : index
    %get3A_1584 = vector.load %arg7[%get3A_1582, %get3A_1583] : memref<1024x128xf32, #tpu.memory_space<vmem>>, vector<256x128xf32>
    %exp3A_1585 = math.exp %get3A_1584 : vector<256x128xf32>
    %mul3A_1586 = arith.mulf %exp3A_1585, %add3A_19 : vector<256x128xf32>
    %mul3A_1587 = arith.constant 5.000000e-01 : f32
    %mul3A_1588 = vector.broadcast %mul3A_1587 : f32 to vector<256x128xf32>
    %mul3A_1589 = arith.mulf %mul3A_1588, %mul3A_1581 : vector<256x128xf32>
    %sub3A_1590 = arith.subf %add3A_1571, %mul3A_1589 : vector<256x128xf32>
    %jit3A_1591 = arith.constant 0.000000e+00 : f32
    %max3A_1592 = vector.broadcast %jit3A_1591 : f32 to vector<256x128xf32>
    %max3A_1593 = arith.maximumf %max3A_1592, %sub3A_1590 : vector<256x128xf32>
    %min3A_1594 = vector.broadcast %sub3A_1556 : f32 to vector<256x128xf32>
    %min3A_1595 = arith.minimumf %min3A_1594, %max3A_1593 : vector<256x128xf32>
    %mul3A_1596 = arith.constant 5.000000e-01 : f32
    %mul3A_1597 = vector.broadcast %mul3A_1596 : f32 to vector<256x128xf32>
    %mul3A_1598 = arith.mulf %mul3A_1597, %mul3A_1586 : vector<256x128xf32>
    %sub3A_1599 = arith.subf %add3A_1576, %mul3A_1598 : vector<256x128xf32>
    %jit3A_1600 = arith.constant 0.000000e+00 : f32
    %max3A_1601 = vector.broadcast %jit3A_1600 : f32 to vector<256x128xf32>
    %max3A_1602 = arith.maximumf %max3A_1601, %sub3A_1599 : vector<256x128xf32>
    %min3A_1603 = vector.broadcast %sub3A_1551 : f32 to vector<256x128xf32>
    %min3A_1604 = arith.minimumf %min3A_1603, %max3A_1602 : vector<256x128xf32>
    %mul3A_1605 = arith.constant 5.000000e-01 : f32
    %mul3A_1606 = vector.broadcast %mul3A_1605 : f32 to vector<256x128xf32>
    %mul3A_1607 = arith.mulf %mul3A_1606, %mul3A_1581 : vector<256x128xf32>
    %add3A_1608 = arith.addf %add3A_1571, %mul3A_1607 : vector<256x128xf32>
    %jit3A_1609 = arith.constant 0.000000e+00 : f32
    %max3A_1610 = vector.broadcast %jit3A_1609 : f32 to vector<256x128xf32>
    %max3A_1611 = arith.maximumf %max3A_1610, %add3A_1608 : vector<256x128xf32>
    %min3A_1612 = vector.broadcast %sub3A_1556 : f32 to vector<256x128xf32>
    %min3A_1613 = arith.minimumf %min3A_1612, %max3A_1611 : vector<256x128xf32>
    %mul3A_1614 = arith.constant 5.000000e-01 : f32
    %mul3A_1615 = vector.broadcast %mul3A_1614 : f32 to vector<256x128xf32>
    %mul3A_1616 = arith.mulf %mul3A_1615, %mul3A_1586 : vector<256x128xf32>
    %add3A_1617 = arith.addf %add3A_1576, %mul3A_1616 : vector<256x128xf32>
    %jit3A_1618 = arith.constant 0.000000e+00 : f32
    %max3A_1619 = vector.broadcast %jit3A_1618 : f32 to vector<256x128xf32>
    %max3A_1620 = arith.maximumf %max3A_1619, %add3A_1617 : vector<256x128xf32>
    %min3A_1621 = vector.broadcast %sub3A_1551 : f32 to vector<256x128xf32>
    %min3A_1622 = arith.minimumf %min3A_1621, %max3A_1620 : vector<256x128xf32>
    %swap3A_1623 = arith.constant 512 : index
    %swap3A_1624 = arith.constant 0 : index
    %swap3A_1625 = vector.load %arg12[%swap3A_1623, %swap3A_1624] : memref<1024x128xf32, #tpu.memory_space<vmem>>, vector<256x128xf32>
    tpu.vector_store %arg12[%swap3A_1623, %swap3A_1624], %min3A_1595 {strides = array<i32>} : memref<1024x128xf32, #tpu.memory_space<vmem>>, vector<256x128xf32>,
    %swap3A_1626 = arith.constant 512 : index
    %swap3A_1627 = arith.constant 0 : index
    %swap3A_1628 = vector.load %arg13[%swap3A_1626, %swap3A_1627] : memref<1024x128xf32, #tpu.memory_space<vmem>>, vector<256x128xf32>
    tpu.vector_store %arg13[%swap3A_1626, %swap3A_1627], %min3A_1604 {strides = array<i32>} : memref<1024x128xf32, #tpu.memory_space<vmem>>, vector<256x128xf32>,
    %swap3A_1629 = arith.constant 512 : index
    %swap3A_1630 = arith.constant 0 : index
    %swap3A_1631 = vector.load %arg14[%swap3A_1629, %swap3A_1630] : memref<1024x128xf32, #tpu.memory_space<vmem>>, vector<256x128xf32>
    tpu.vector_store %arg14[%swap3A_1629, %swap3A_1630], %min3A_1613 {strides = array<i32>} : memref<1024x128xf32, #tpu.memory_space<vmem>>, vector<256x128xf32>,
    %swap3A_1632 = arith.constant 512 : index
    %swap3A_1633 = arith.constant 0 : index
    %swap3A_1634 = vector.load %arg15[%swap3A_1632, %swap3A_1633] : memref<1024x128xf32, #tpu.memory_space<vmem>>, vector<256x128xf32>
    tpu.vector_store %arg15[%swap3A_1632, %swap3A_1633], %min3A_1622 {strides = array<i32>} : memref<1024x128xf32, #tpu.memory_space<vmem>>, vector<256x128xf32>,
    %get3A_1635 = arith.constant 512 : index
    %get3A_1636 = arith.constant 0 : index
    %get3A_1637 = vector.load %arg2[%get3A_1635, %get3A_1636] : memref<1024x128xf32, #tpu.memory_space<vmem>>, vector<256x128xf32>
    %get3A_1638 = arith.constant 512 : index
    %get3A_1639 = arith.constant 0 : index
    %get3A_1640 = vector.load %arg3[%get3A_1638, %get3A_1639] : memref<1024x128xf32, #tpu.memory_space<vmem>>, vector<256x128xf32>
    %max3A_1641 = arith.maximumf %get3A_1637, %get3A_1640 : vector<256x128xf32>
    %sub3A_1642 = arith.subf %get3A_1637, %max3A_1641 : vector<256x128xf32>
    %exp3A_1643 = math.exp %sub3A_1642 : vector<256x128xf32>
    %sub3A_1644 = arith.subf %get3A_1640, %max3A_1641 : vector<256x128xf32>
    %exp3A_1645 = math.exp %sub3A_1644 : vector<256x128xf32>
    %add3A_1646 = arith.addf %exp3A_1643, %exp3A_1645 : vector<256x128xf32>
    %div3A_1647 = arith.divf %exp3A_1643, %add3A_1646 : vector<256x128xf32>
    %sub3A_1648 = arith.subf %min3A_1613, %min3A_1595 : vector<256x128xf32>
    %add3A_1649 = arith.constant 1.000000e+00 : f32
    %add3A_1650 = vector.broadcast %add3A_1649 : f32 to vector<256x128xf32>
    %add3A_1651 = arith.addf %sub3A_1648, %add3A_1650 : vector<256x128xf32>
    %ge3A_1652 = vector.broadcast %mul3A_1566 : f32 to vector<256x128xf32>
    %ge3A_1653 = arith.cmpf oge, %add3A_1651, %ge3A_1652 : vector<256x128xf32>
    %sub3A_1654 = arith.subf %min3A_1622, %min3A_1604 : vector<256x128xf32>
    %add3A_1655 = arith.constant 1.000000e+00 : f32
    %add3A_1656 = vector.broadcast %add3A_1655 : f32 to vector<256x128xf32>
    %add3A_1657 = arith.addf %sub3A_1654, %add3A_1656 : vector<256x128xf32>
    %ge3A_1658 = vector.broadcast %mul3A_1561 : f32 to vector<256x128xf32>
    %ge3A_1659 = arith.cmpf oge, %add3A_1657, %ge3A_1658 : vector<256x128xf32>
    %and3A_1660 = arith.andi %ge3A_1653, %ge3A_1659 : vector<256x128xi1>
    %and3A_1661 = arith.andi %and3A_1660, %lt3A_39 : vector<256x128xi1>
    %jit3A_1662 = arith.constant -1.000000e+00 : f32
    %broadcast_in_dim3A_1663 = vector.broadcast %jit3A_1662 : f32 to vector<256x128xf32>
    %select_n3A_1664 = arith.select %and3A_1661, %div3A_1647, %broadcast_in_dim3A_1663 : vector<256x128xi1>, vector<256x128xf32>
    %bitcast_convert_type3A_1665 = tpu.bitcast %select_n3A_1664 : vector<256x128xf32> -> vector<256x128xi32>
    %ge3A_1666 = arith.constant 0 : i32
    %ge3A_1667 = vector.broadcast %ge3A_1666 : i32 to vector<256x128xi32>
    %ge3A_1668 = arith.cmpi sge, %bitcast_convert_type3A_1665, %ge3A_1667 : vector<256x128xi32>
    %convert_element_type3A_1669 = arith.extui %ge3A_1668 : vector<256x128xi1> to vector<256x128xi32>
    %reduce_sum3A_1670 = vector.shape_cast %convert_element_type3A_1669 : vector<256x128xi32> to vector<1x256x128xi32>
    %reduce_sum3A_1671 = arith.constant dense<0> : vector<1xi32>
    %reduce_sum3A_1672 = vector.multi_reduction <add>, %reduce_sum3A_1670, %reduce_sum3A_1671 [1, 2] : vector<1x256x128xi32> to vector<1xi32>
    %reduce_sum3A_1673 = vector.shape_cast %reduce_sum3A_1672 : vector<1xi32> to vector<1x1x1xi32>
    %reduce_sum3A_1674 = vector.extract %reduce_sum3A_1673[0, 0, 0] : i32 from vector<1x1x1xi32>
    %or3A_1675 = arith.constant 0 : i32
    %or3A_1676 = arith.constant 536870912 : i32
    %or3A_1677 = arith.ori %or3A_1675, %or3A_1676 : i32
    %ge3A_1678 = vector.broadcast %or3A_1677 : i32 to vector<256x128xi32>
    %ge3A_1679 = arith.cmpi sge, %bitcast_convert_type3A_1665, %ge3A_1678 : vector<256x128xi32>
    %convert_element_type3A_1680 = arith.extui %ge3A_1679 : vector<256x128xi1> to vector<256x128xi32>
    %reduce_sum3A_1681 = vector.shape_cast %convert_element_type3A_1680 : vector<256x128xi32> to vector<1x256x128xi32>
    %reduce_sum3A_1682 = arith.constant dense<0> : vector<1xi32>
    %reduce_sum3A_1683 = vector.multi_reduction <add>, %reduce_sum3A_1681, %reduce_sum3A_1682 [1, 2] : vector<1x256x128xi32> to vector<1xi32>
    %reduce_sum3A_1684 = vector.shape_cast %reduce_sum3A_1683 : vector<1xi32> to vector<1x1x1xi32>
    %reduce_sum3A_1685 = vector.extract %reduce_sum3A_1684[0, 0, 0] : i32 from vector<1x1x1xi32>
    %ge3A_1686 = arith.constant 6000 : i32
    %ge3A_1687 = arith.cmpi sge, %reduce_sum3A_1685, %ge3A_1686 : i32
    %jit3A_1688 = arith.constant 0 : i32
    %select_n3A_1689 = arith.select %ge3A_1687, %or3A_1677, %jit3A_1688 : i32
    %or3A_1690 = arith.constant 268435456 : i32
    %or3A_1691 = arith.ori %select_n3A_1689, %or3A_1690 : i32
    %ge3A_1692 = vector.broadcast %or3A_1691 : i32 to vector<256x128xi32>
    %ge3A_1693 = arith.cmpi sge, %bitcast_convert_type3A_1665, %ge3A_1692 : vector<256x128xi32>
    %convert_element_type3A_1694 = arith.extui %ge3A_1693 : vector<256x128xi1> to vector<256x128xi32>
    %reduce_sum3A_1695 = vector.shape_cast %convert_element_type3A_1694 : vector<256x128xi32> to vector<1x256x128xi32>
    %reduce_sum3A_1696 = arith.constant dense<0> : vector<1xi32>
    %reduce_sum3A_1697 = vector.multi_reduction <add>, %reduce_sum3A_1695, %reduce_sum3A_1696 [1, 2] : vector<1x256x128xi32> to vector<1xi32>
    %reduce_sum3A_1698 = vector.shape_cast %reduce_sum3A_1697 : vector<1xi32> to vector<1x1x1xi32>
    %reduce_sum3A_1699 = vector.extract %reduce_sum3A_1698[0, 0, 0] : i32 from vector<1x1x1xi32>
    %ge3A_1700 = arith.constant 6000 : i32
    %ge3A_1701 = arith.cmpi sge, %reduce_sum3A_1699, %ge3A_1700 : i32
    %select_n3A_1702 = arith.select %ge3A_1701, %or3A_1691, %select_n3A_1689 : i32
    %or3A_1703 = arith.constant 134217728 : i32
    %or3A_1704 = arith.ori %select_n3A_1702, %or3A_1703 : i32
    %ge3A_1705 = vector.broadcast %or3A_1704 : i32 to vector<256x128xi32>
    %ge3A_1706 = arith.cmpi sge, %bitcast_convert_type3A_1665, %ge3A_1705 : vector<256x128xi32>
    %convert_element_type3A_1707 = arith.extui %ge3A_1706 : vector<256x128xi1> to vector<256x128xi32>
    %reduce_sum3A_1708 = vector.shape_cast %convert_element_type3A_1707 : vector<256x128xi32> to vector<1x256x128xi32>
    %reduce_sum3A_1709 = arith.constant dense<0> : vector<1xi32>
    %reduce_sum3A_1710 = vector.multi_reduction <add>, %reduce_sum3A_1708, %reduce_sum3A_1709 [1, 2] : vector<1x256x128xi32> to vector<1xi32>
    %reduce_sum3A_1711 = vector.shape_cast %reduce_sum3A_1710 : vector<1xi32> to vector<1x1x1xi32>
    %reduce_sum3A_1712 = vector.extract %reduce_sum3A_1711[0, 0, 0] : i32 from vector<1x1x1xi32>
    %ge3A_1713 = arith.constant 6000 : i32
    %ge3A_1714 = arith.cmpi sge, %reduce_sum3A_1712, %ge3A_1713 : i32
    %select_n3A_1715 = arith.select %ge3A_1714, %or3A_1704, %select_n3A_1702 : i32
    %or3A_1716 = arith.constant 67108864 : i32
    %or3A_1717 = arith.ori %select_n3A_1715, %or3A_1716 : i32
    %ge3A_1718 = vector.broadcast %or3A_1717 : i32 to vector<256x128xi32>
    %ge3A_1719 = arith.cmpi sge, %bitcast_convert_type3A_1665, %ge3A_1718 : vector<256x128xi32>
    %convert_element_type3A_1720 = arith.extui %ge3A_1719 : vector<256x128xi1> to vector<256x128xi32>
    %reduce_sum3A_1721 = vector.shape_cast %convert_element_type3A_1720 : vector<256x128xi32> to vector<1x256x128xi32>
    %reduce_sum3A_1722 = arith.constant dense<0> : vector<1xi32>
    %reduce_sum3A_1723 = vector.multi_reduction <add>, %reduce_sum3A_1721, %reduce_sum3A_1722 [1, 2] : vector<1x256x128xi32> to vector<1xi32>
    %reduce_sum3A_1724 = vector.shape_cast %reduce_sum3A_1723 : vector<1xi32> to vector<1x1x1xi32>
    %reduce_sum3A_1725 = vector.extract %reduce_sum3A_1724[0, 0, 0] : i32 from vector<1x1x1xi32>
    %ge3A_1726 = arith.constant 6000 : i32
    %ge3A_1727 = arith.cmpi sge, %reduce_sum3A_1725, %ge3A_1726 : i32
    %select_n3A_1728 = arith.select %ge3A_1727, %or3A_1717, %select_n3A_1715 : i32
    %or3A_1729 = arith.constant 33554432 : i32
    %or3A_1730 = arith.ori %select_n3A_1728, %or3A_1729 : i32
    %ge3A_1731 = vector.broadcast %or3A_1730 : i32 to vector<256x128xi32>
    %ge3A_1732 = arith.cmpi sge, %bitcast_convert_type3A_1665, %ge3A_1731 : vector<256x128xi32>
    %convert_element_type3A_1733 = arith.extui %ge3A_1732 : vector<256x128xi1> to vector<256x128xi32>
    %reduce_sum3A_1734 = vector.shape_cast %convert_element_type3A_1733 : vector<256x128xi32> to vector<1x256x128xi32>
    %reduce_sum3A_1735 = arith.constant dense<0> : vector<1xi32>
    %reduce_sum3A_1736 = vector.multi_reduction <add>, %reduce_sum3A_1734, %reduce_sum3A_1735 [1, 2] : vector<1x256x128xi32> to vector<1xi32>
    %reduce_sum3A_1737 = vector.shape_cast %reduce_sum3A_1736 : vector<1xi32> to vector<1x1x1xi32>
    %reduce_sum3A_1738 = vector.extract %reduce_sum3A_1737[0, 0, 0] : i32 from vector<1x1x1xi32>
    %ge3A_1739 = arith.constant 6000 : i32
    %ge3A_1740 = arith.cmpi sge, %reduce_sum3A_1738, %ge3A_1739 : i32
    %select_n3A_1741 = arith.select %ge3A_1740, %or3A_1730, %select_n3A_1728 : i32
    %or3A_1742 = arith.constant 16777216 : i32
    %or3A_1743 = arith.ori %select_n3A_1741, %or3A_1742 : i32
    %ge3A_1744 = vector.broadcast %or3A_1743 : i32 to vector<256x128xi32>
    %ge3A_1745 = arith.cmpi sge, %bitcast_convert_type3A_1665, %ge3A_1744 : vector<256x128xi32>
    %convert_element_type3A_1746 = arith.extui %ge3A_1745 : vector<256x128xi1> to vector<256x128xi32>
    %reduce_sum3A_1747 = vector.shape_cast %convert_element_type3A_1746 : vector<256x128xi32> to vector<1x256x128xi32>
    %reduce_sum3A_1748 = arith.constant dense<0> : vector<1xi32>
    %reduce_sum3A_1749 = vector.multi_reduction <add>, %reduce_sum3A_1747, %reduce_sum3A_1748 [1, 2] : vector<1x256x128xi32> to vector<1xi32>
    %reduce_sum3A_1750 = vector.shape_cast %reduce_sum3A_1749 : vector<1xi32> to vector<1x1x1xi32>
    %reduce_sum3A_1751 = vector.extract %reduce_sum3A_1750[0, 0, 0] : i32 from vector<1x1x1xi32>
    %ge3A_1752 = arith.constant 6000 : i32
    %ge3A_1753 = arith.cmpi sge, %reduce_sum3A_1751, %ge3A_1752 : i32
    %select_n3A_1754 = arith.select %ge3A_1753, %or3A_1743, %select_n3A_1741 : i32
    %or3A_1755 = arith.constant 8388608 : i32
    %or3A_1756 = arith.ori %select_n3A_1754, %or3A_1755 : i32
    %ge3A_1757 = vector.broadcast %or3A_1756 : i32 to vector<256x128xi32>
    %ge3A_1758 = arith.cmpi sge, %bitcast_convert_type3A_1665, %ge3A_1757 : vector<256x128xi32>
    %convert_element_type3A_1759 = arith.extui %ge3A_1758 : vector<256x128xi1> to vector<256x128xi32>
    %reduce_sum3A_1760 = vector.shape_cast %convert_element_type3A_1759 : vector<256x128xi32> to vector<1x256x128xi32>
    %reduce_sum3A_1761 = arith.constant dense<0> : vector<1xi32>
    %reduce_sum3A_1762 = vector.multi_reduction <add>, %reduce_sum3A_1760, %reduce_sum3A_1761 [1, 2] : vector<1x256x128xi32> to vector<1xi32>
    %reduce_sum3A_1763 = vector.shape_cast %reduce_sum3A_1762 : vector<1xi32> to vector<1x1x1xi32>
    %reduce_sum3A_1764 = vector.extract %reduce_sum3A_1763[0, 0, 0] : i32 from vector<1x1x1xi32>
    %ge3A_1765 = arith.constant 6000 : i32
    %ge3A_1766 = arith.cmpi sge, %reduce_sum3A_1764, %ge3A_1765 : i32
    %select_n3A_1767 = arith.select %ge3A_1766, %or3A_1756, %select_n3A_1754 : i32
    %or3A_1768 = arith.constant 4194304 : i32
    %or3A_1769 = arith.ori %select_n3A_1767, %or3A_1768 : i32
    %ge3A_1770 = vector.broadcast %or3A_1769 : i32 to vector<256x128xi32>
    %ge3A_1771 = arith.cmpi sge, %bitcast_convert_type3A_1665, %ge3A_1770 : vector<256x128xi32>
    %convert_element_type3A_1772 = arith.extui %ge3A_1771 : vector<256x128xi1> to vector<256x128xi32>
    %reduce_sum3A_1773 = vector.shape_cast %convert_element_type3A_1772 : vector<256x128xi32> to vector<1x256x128xi32>
    %reduce_sum3A_1774 = arith.constant dense<0> : vector<1xi32>
    %reduce_sum3A_1775 = vector.multi_reduction <add>, %reduce_sum3A_1773, %reduce_sum3A_1774 [1, 2] : vector<1x256x128xi32> to vector<1xi32>
    %reduce_sum3A_1776 = vector.shape_cast %reduce_sum3A_1775 : vector<1xi32> to vector<1x1x1xi32>
    %reduce_sum3A_1777 = vector.extract %reduce_sum3A_1776[0, 0, 0] : i32 from vector<1x1x1xi32>
    %ge3A_1778 = arith.constant 6000 : i32
    %ge3A_1779 = arith.cmpi sge, %reduce_sum3A_1777, %ge3A_1778 : i32
    %select_n3A_1780 = arith.select %ge3A_1779, %or3A_1769, %select_n3A_1767 : i32
    %or3A_1781 = arith.constant 2097152 : i32
    %or3A_1782 = arith.ori %select_n3A_1780, %or3A_1781 : i32
    %ge3A_1783 = vector.broadcast %or3A_1782 : i32 to vector<256x128xi32>
    %ge3A_1784 = arith.cmpi sge, %bitcast_convert_type3A_1665, %ge3A_1783 : vector<256x128xi32>
    %convert_element_type3A_1785 = arith.extui %ge3A_1784 : vector<256x128xi1> to vector<256x128xi32>
    %reduce_sum3A_1786 = vector.shape_cast %convert_element_type3A_1785 : vector<256x128xi32> to vector<1x256x128xi32>
    %reduce_sum3A_1787 = arith.constant dense<0> : vector<1xi32>
    %reduce_sum3A_1788 = vector.multi_reduction <add>, %reduce_sum3A_1786, %reduce_sum3A_1787 [1, 2] : vector<1x256x128xi32> to vector<1xi32>
    %reduce_sum3A_1789 = vector.shape_cast %reduce_sum3A_1788 : vector<1xi32> to vector<1x1x1xi32>
    %reduce_sum3A_1790 = vector.extract %reduce_sum3A_1789[0, 0, 0] : i32 from vector<1x1x1xi32>
    %ge3A_1791 = arith.constant 6000 : i32
    %ge3A_1792 = arith.cmpi sge, %reduce_sum3A_1790, %ge3A_1791 : i32
    %select_n3A_1793 = arith.select %ge3A_1792, %or3A_1782, %select_n3A_1780 : i32
    %or3A_1794 = arith.constant 1048576 : i32
    %or3A_1795 = arith.ori %select_n3A_1793, %or3A_1794 : i32
    %ge3A_1796 = vector.broadcast %or3A_1795 : i32 to vector<256x128xi32>
    %ge3A_1797 = arith.cmpi sge, %bitcast_convert_type3A_1665, %ge3A_1796 : vector<256x128xi32>
    %convert_element_type3A_1798 = arith.extui %ge3A_1797 : vector<256x128xi1> to vector<256x128xi32>
    %reduce_sum3A_1799 = vector.shape_cast %convert_element_type3A_1798 : vector<256x128xi32> to vector<1x256x128xi32>
    %reduce_sum3A_1800 = arith.constant dense<0> : vector<1xi32>
    %reduce_sum3A_1801 = vector.multi_reduction <add>, %reduce_sum3A_1799, %reduce_sum3A_1800 [1, 2] : vector<1x256x128xi32> to vector<1xi32>
    %reduce_sum3A_1802 = vector.shape_cast %reduce_sum3A_1801 : vector<1xi32> to vector<1x1x1xi32>
    %reduce_sum3A_1803 = vector.extract %reduce_sum3A_1802[0, 0, 0] : i32 from vector<1x1x1xi32>
    %ge3A_1804 = arith.constant 6000 : i32
    %ge3A_1805 = arith.cmpi sge, %reduce_sum3A_1803, %ge3A_1804 : i32
    %select_n3A_1806 = arith.select %ge3A_1805, %or3A_1795, %select_n3A_1793 : i32
    %or3A_1807 = arith.constant 524288 : i32
    %or3A_1808 = arith.ori %select_n3A_1806, %or3A_1807 : i32
    %ge3A_1809 = vector.broadcast %or3A_1808 : i32 to vector<256x128xi32>
    %ge3A_1810 = arith.cmpi sge, %bitcast_convert_type3A_1665, %ge3A_1809 : vector<256x128xi32>
    %convert_element_type3A_1811 = arith.extui %ge3A_1810 : vector<256x128xi1> to vector<256x128xi32>
    %reduce_sum3A_1812 = vector.shape_cast %convert_element_type3A_1811 : vector<256x128xi32> to vector<1x256x128xi32>
    %reduce_sum3A_1813 = arith.constant dense<0> : vector<1xi32>
    %reduce_sum3A_1814 = vector.multi_reduction <add>, %reduce_sum3A_1812, %reduce_sum3A_1813 [1, 2] : vector<1x256x128xi32> to vector<1xi32>
    %reduce_sum3A_1815 = vector.shape_cast %reduce_sum3A_1814 : vector<1xi32> to vector<1x1x1xi32>
    %reduce_sum3A_1816 = vector.extract %reduce_sum3A_1815[0, 0, 0] : i32 from vector<1x1x1xi32>
    %ge3A_1817 = arith.constant 6000 : i32
    %ge3A_1818 = arith.cmpi sge, %reduce_sum3A_1816, %ge3A_1817 : i32
    %select_n3A_1819 = arith.select %ge3A_1818, %or3A_1808, %select_n3A_1806 : i32
    %or3A_1820 = arith.constant 262144 : i32
    %or3A_1821 = arith.ori %select_n3A_1819, %or3A_1820 : i32
    %ge3A_1822 = vector.broadcast %or3A_1821 : i32 to vector<256x128xi32>
    %ge3A_1823 = arith.cmpi sge, %bitcast_convert_type3A_1665, %ge3A_1822 : vector<256x128xi32>
    %convert_element_type3A_1824 = arith.extui %ge3A_1823 : vector<256x128xi1> to vector<256x128xi32>
    %reduce_sum3A_1825 = vector.shape_cast %convert_element_type3A_1824 : vector<256x128xi32> to vector<1x256x128xi32>
    %reduce_sum3A_1826 = arith.constant dense<0> : vector<1xi32>
    %reduce_sum3A_1827 = vector.multi_reduction <add>, %reduce_sum3A_1825, %reduce_sum3A_1826 [1, 2] : vector<1x256x128xi32> to vector<1xi32>
    %reduce_sum3A_1828 = vector.shape_cast %reduce_sum3A_1827 : vector<1xi32> to vector<1x1x1xi32>
    %reduce_sum3A_1829 = vector.extract %reduce_sum3A_1828[0, 0, 0] : i32 from vector<1x1x1xi32>
    %ge3A_1830 = arith.constant 6000 : i32
    %ge3A_1831 = arith.cmpi sge, %reduce_sum3A_1829, %ge3A_1830 : i32
    %select_n3A_1832 = arith.select %ge3A_1831, %or3A_1821, %select_n3A_1819 : i32
    %or3A_1833 = arith.constant 131072 : i32
    %or3A_1834 = arith.ori %select_n3A_1832, %or3A_1833 : i32
    %ge3A_1835 = vector.broadcast %or3A_1834 : i32 to vector<256x128xi32>
    %ge3A_1836 = arith.cmpi sge, %bitcast_convert_type3A_1665, %ge3A_1835 : vector<256x128xi32>
    %convert_element_type3A_1837 = arith.extui %ge3A_1836 : vector<256x128xi1> to vector<256x128xi32>
    %reduce_sum3A_1838 = vector.shape_cast %convert_element_type3A_1837 : vector<256x128xi32> to vector<1x256x128xi32>
    %reduce_sum3A_1839 = arith.constant dense<0> : vector<1xi32>
    %reduce_sum3A_1840 = vector.multi_reduction <add>, %reduce_sum3A_1838, %reduce_sum3A_1839 [1, 2] : vector<1x256x128xi32> to vector<1xi32>
    %reduce_sum3A_1841 = vector.shape_cast %reduce_sum3A_1840 : vector<1xi32> to vector<1x1x1xi32>
    %reduce_sum3A_1842 = vector.extract %reduce_sum3A_1841[0, 0, 0] : i32 from vector<1x1x1xi32>
    %ge3A_1843 = arith.constant 6000 : i32
    %ge3A_1844 = arith.cmpi sge, %reduce_sum3A_1842, %ge3A_1843 : i32
    %select_n3A_1845 = arith.select %ge3A_1844, %or3A_1834, %select_n3A_1832 : i32
    %or3A_1846 = arith.constant 65536 : i32
    %or3A_1847 = arith.ori %select_n3A_1845, %or3A_1846 : i32
    %ge3A_1848 = vector.broadcast %or3A_1847 : i32 to vector<256x128xi32>
    %ge3A_1849 = arith.cmpi sge, %bitcast_convert_type3A_1665, %ge3A_1848 : vector<256x128xi32>
    %convert_element_type3A_1850 = arith.extui %ge3A_1849 : vector<256x128xi1> to vector<256x128xi32>
    %reduce_sum3A_1851 = vector.shape_cast %convert_element_type3A_1850 : vector<256x128xi32> to vector<1x256x128xi32>
    %reduce_sum3A_1852 = arith.constant dense<0> : vector<1xi32>
    %reduce_sum3A_1853 = vector.multi_reduction <add>, %reduce_sum3A_1851, %reduce_sum3A_1852 [1, 2] : vector<1x256x128xi32> to vector<1xi32>
    %reduce_sum3A_1854 = vector.shape_cast %reduce_sum3A_1853 : vector<1xi32> to vector<1x1x1xi32>
    %reduce_sum3A_1855 = vector.extract %reduce_sum3A_1854[0, 0, 0] : i32 from vector<1x1x1xi32>
    %ge3A_1856 = arith.constant 6000 : i32
    %ge3A_1857 = arith.cmpi sge, %reduce_sum3A_1855, %ge3A_1856 : i32
    %select_n3A_1858 = arith.select %ge3A_1857, %or3A_1847, %select_n3A_1845 : i32
    %or3A_1859 = arith.constant 32768 : i32
    %or3A_1860 = arith.ori %select_n3A_1858, %or3A_1859 : i32
    %ge3A_1861 = vector.broadcast %or3A_1860 : i32 to vector<256x128xi32>
    %ge3A_1862 = arith.cmpi sge, %bitcast_convert_type3A_1665, %ge3A_1861 : vector<256x128xi32>
    %convert_element_type3A_1863 = arith.extui %ge3A_1862 : vector<256x128xi1> to vector<256x128xi32>
    %reduce_sum3A_1864 = vector.shape_cast %convert_element_type3A_1863 : vector<256x128xi32> to vector<1x256x128xi32>
    %reduce_sum3A_1865 = arith.constant dense<0> : vector<1xi32>
    %reduce_sum3A_1866 = vector.multi_reduction <add>, %reduce_sum3A_1864, %reduce_sum3A_1865 [1, 2] : vector<1x256x128xi32> to vector<1xi32>
    %reduce_sum3A_1867 = vector.shape_cast %reduce_sum3A_1866 : vector<1xi32> to vector<1x1x1xi32>
    %reduce_sum3A_1868 = vector.extract %reduce_sum3A_1867[0, 0, 0] : i32 from vector<1x1x1xi32>
    %ge3A_1869 = arith.constant 6000 : i32
    %ge3A_1870 = arith.cmpi sge, %reduce_sum3A_1868, %ge3A_1869 : i32
    %select_n3A_1871 = arith.select %ge3A_1870, %or3A_1860, %select_n3A_1858 : i32
    %or3A_1872 = arith.constant 16384 : i32
    %or3A_1873 = arith.ori %select_n3A_1871, %or3A_1872 : i32
    %ge3A_1874 = vector.broadcast %or3A_1873 : i32 to vector<256x128xi32>
    %ge3A_1875 = arith.cmpi sge, %bitcast_convert_type3A_1665, %ge3A_1874 : vector<256x128xi32>
    %convert_element_type3A_1876 = arith.extui %ge3A_1875 : vector<256x128xi1> to vector<256x128xi32>
    %reduce_sum3A_1877 = vector.shape_cast %convert_element_type3A_1876 : vector<256x128xi32> to vector<1x256x128xi32>
    %reduce_sum3A_1878 = arith.constant dense<0> : vector<1xi32>
    %reduce_sum3A_1879 = vector.multi_reduction <add>, %reduce_sum3A_1877, %reduce_sum3A_1878 [1, 2] : vector<1x256x128xi32> to vector<1xi32>
    %reduce_sum3A_1880 = vector.shape_cast %reduce_sum3A_1879 : vector<1xi32> to vector<1x1x1xi32>
    %reduce_sum3A_1881 = vector.extract %reduce_sum3A_1880[0, 0, 0] : i32 from vector<1x1x1xi32>
    %ge3A_1882 = arith.constant 6000 : i32
    %ge3A_1883 = arith.cmpi sge, %reduce_sum3A_1881, %ge3A_1882 : i32
    %select_n3A_1884 = arith.select %ge3A_1883, %or3A_1873, %select_n3A_1871 : i32
    %or3A_1885 = arith.constant 8192 : i32
    %or3A_1886 = arith.ori %select_n3A_1884, %or3A_1885 : i32
    %ge3A_1887 = vector.broadcast %or3A_1886 : i32 to vector<256x128xi32>
    %ge3A_1888 = arith.cmpi sge, %bitcast_convert_type3A_1665, %ge3A_1887 : vector<256x128xi32>
    %convert_element_type3A_1889 = arith.extui %ge3A_1888 : vector<256x128xi1> to vector<256x128xi32>
    %reduce_sum3A_1890 = vector.shape_cast %convert_element_type3A_1889 : vector<256x128xi32> to vector<1x256x128xi32>
    %reduce_sum3A_1891 = arith.constant dense<0> : vector<1xi32>
    %reduce_sum3A_1892 = vector.multi_reduction <add>, %reduce_sum3A_1890, %reduce_sum3A_1891 [1, 2] : vector<1x256x128xi32> to vector<1xi32>
    %reduce_sum3A_1893 = vector.shape_cast %reduce_sum3A_1892 : vector<1xi32> to vector<1x1x1xi32>
    %reduce_sum3A_1894 = vector.extract %reduce_sum3A_1893[0, 0, 0] : i32 from vector<1x1x1xi32>
    %ge3A_1895 = arith.constant 6000 : i32
    %ge3A_1896 = arith.cmpi sge, %reduce_sum3A_1894, %ge3A_1895 : i32
    %select_n3A_1897 = arith.select %ge3A_1896, %or3A_1886, %select_n3A_1884 : i32
    %or3A_1898 = arith.constant 4096 : i32
    %or3A_1899 = arith.ori %select_n3A_1897, %or3A_1898 : i32
    %ge3A_1900 = vector.broadcast %or3A_1899 : i32 to vector<256x128xi32>
    %ge3A_1901 = arith.cmpi sge, %bitcast_convert_type3A_1665, %ge3A_1900 : vector<256x128xi32>
    %convert_element_type3A_1902 = arith.extui %ge3A_1901 : vector<256x128xi1> to vector<256x128xi32>
    %reduce_sum3A_1903 = vector.shape_cast %convert_element_type3A_1902 : vector<256x128xi32> to vector<1x256x128xi32>
    %reduce_sum3A_1904 = arith.constant dense<0> : vector<1xi32>
    %reduce_sum3A_1905 = vector.multi_reduction <add>, %reduce_sum3A_1903, %reduce_sum3A_1904 [1, 2] : vector<1x256x128xi32> to vector<1xi32>
    %reduce_sum3A_1906 = vector.shape_cast %reduce_sum3A_1905 : vector<1xi32> to vector<1x1x1xi32>
    %reduce_sum3A_1907 = vector.extract %reduce_sum3A_1906[0, 0, 0] : i32 from vector<1x1x1xi32>
    %ge3A_1908 = arith.constant 6000 : i32
    %ge3A_1909 = arith.cmpi sge, %reduce_sum3A_1907, %ge3A_1908 : i32
    %select_n3A_1910 = arith.select %ge3A_1909, %or3A_1899, %select_n3A_1897 : i32
    %or3A_1911 = arith.constant 2048 : i32
    %or3A_1912 = arith.ori %select_n3A_1910, %or3A_1911 : i32
    %ge3A_1913 = vector.broadcast %or3A_1912 : i32 to vector<256x128xi32>
    %ge3A_1914 = arith.cmpi sge, %bitcast_convert_type3A_1665, %ge3A_1913 : vector<256x128xi32>
    %convert_element_type3A_1915 = arith.extui %ge3A_1914 : vector<256x128xi1> to vector<256x128xi32>
    %reduce_sum3A_1916 = vector.shape_cast %convert_element_type3A_1915 : vector<256x128xi32> to vector<1x256x128xi32>
    %reduce_sum3A_1917 = arith.constant dense<0> : vector<1xi32>
    %reduce_sum3A_1918 = vector.multi_reduction <add>, %reduce_sum3A_1916, %reduce_sum3A_1917 [1, 2] : vector<1x256x128xi32> to vector<1xi32>
    %reduce_sum3A_1919 = vector.shape_cast %reduce_sum3A_1918 : vector<1xi32> to vector<1x1x1xi32>
    %reduce_sum3A_1920 = vector.extract %reduce_sum3A_1919[0, 0, 0] : i32 from vector<1x1x1xi32>
    %ge3A_1921 = arith.constant 6000 : i32
    %ge3A_1922 = arith.cmpi sge, %reduce_sum3A_1920, %ge3A_1921 : i32
    %select_n3A_1923 = arith.select %ge3A_1922, %or3A_1912, %select_n3A_1910 : i32
    %or3A_1924 = arith.constant 1024 : i32
    %or3A_1925 = arith.ori %select_n3A_1923, %or3A_1924 : i32
    %ge3A_1926 = vector.broadcast %or3A_1925 : i32 to vector<256x128xi32>
    %ge3A_1927 = arith.cmpi sge, %bitcast_convert_type3A_1665, %ge3A_1926 : vector<256x128xi32>
    %convert_element_type3A_1928 = arith.extui %ge3A_1927 : vector<256x128xi1> to vector<256x128xi32>
    %reduce_sum3A_1929 = vector.shape_cast %convert_element_type3A_1928 : vector<256x128xi32> to vector<1x256x128xi32>
    %reduce_sum3A_1930 = arith.constant dense<0> : vector<1xi32>
    %reduce_sum3A_1931 = vector.multi_reduction <add>, %reduce_sum3A_1929, %reduce_sum3A_1930 [1, 2] : vector<1x256x128xi32> to vector<1xi32>
    %reduce_sum3A_1932 = vector.shape_cast %reduce_sum3A_1931 : vector<1xi32> to vector<1x1x1xi32>
    %reduce_sum3A_1933 = vector.extract %reduce_sum3A_1932[0, 0, 0] : i32 from vector<1x1x1xi32>
    %ge3A_1934 = arith.constant 6000 : i32
    %ge3A_1935 = arith.cmpi sge, %reduce_sum3A_1933, %ge3A_1934 : i32
    %select_n3A_1936 = arith.select %ge3A_1935, %or3A_1925, %select_n3A_1923 : i32
    %or3A_1937 = arith.constant 512 : i32
    %or3A_1938 = arith.ori %select_n3A_1936, %or3A_1937 : i32
    %ge3A_1939 = vector.broadcast %or3A_1938 : i32 to vector<256x128xi32>
    %ge3A_1940 = arith.cmpi sge, %bitcast_convert_type3A_1665, %ge3A_1939 : vector<256x128xi32>
    %convert_element_type3A_1941 = arith.extui %ge3A_1940 : vector<256x128xi1> to vector<256x128xi32>
    %reduce_sum3A_1942 = vector.shape_cast %convert_element_type3A_1941 : vector<256x128xi32> to vector<1x256x128xi32>
    %reduce_sum3A_1943 = arith.constant dense<0> : vector<1xi32>
    %reduce_sum3A_1944 = vector.multi_reduction <add>, %reduce_sum3A_1942, %reduce_sum3A_1943 [1, 2] : vector<1x256x128xi32> to vector<1xi32>
    %reduce_sum3A_1945 = vector.shape_cast %reduce_sum3A_1944 : vector<1xi32> to vector<1x1x1xi32>
    %reduce_sum3A_1946 = vector.extract %reduce_sum3A_1945[0, 0, 0] : i32 from vector<1x1x1xi32>
    %ge3A_1947 = arith.constant 6000 : i32
    %ge3A_1948 = arith.cmpi sge, %reduce_sum3A_1946, %ge3A_1947 : i32
    %select_n3A_1949 = arith.select %ge3A_1948, %or3A_1938, %select_n3A_1936 : i32
    %or3A_1950 = arith.constant 256 : i32
    %or3A_1951 = arith.ori %select_n3A_1949, %or3A_1950 : i32
    %ge3A_1952 = vector.broadcast %or3A_1951 : i32 to vector<256x128xi32>
    %ge3A_1953 = arith.cmpi sge, %bitcast_convert_type3A_1665, %ge3A_1952 : vector<256x128xi32>
    %convert_element_type3A_1954 = arith.extui %ge3A_1953 : vector<256x128xi1> to vector<256x128xi32>
    %reduce_sum3A_1955 = vector.shape_cast %convert_element_type3A_1954 : vector<256x128xi32> to vector<1x256x128xi32>
    %reduce_sum3A_1956 = arith.constant dense<0> : vector<1xi32>
    %reduce_sum3A_1957 = vector.multi_reduction <add>, %reduce_sum3A_1955, %reduce_sum3A_1956 [1, 2] : vector<1x256x128xi32> to vector<1xi32>
    %reduce_sum3A_1958 = vector.shape_cast %reduce_sum3A_1957 : vector<1xi32> to vector<1x1x1xi32>
    %reduce_sum3A_1959 = vector.extract %reduce_sum3A_1958[0, 0, 0] : i32 from vector<1x1x1xi32>
    %ge3A_1960 = arith.constant 6000 : i32
    %ge3A_1961 = arith.cmpi sge, %reduce_sum3A_1959, %ge3A_1960 : i32
    %select_n3A_1962 = arith.select %ge3A_1961, %or3A_1951, %select_n3A_1949 : i32
    %or3A_1963 = arith.constant 128 : i32
    %or3A_1964 = arith.ori %select_n3A_1962, %or3A_1963 : i32
    %ge3A_1965 = vector.broadcast %or3A_1964 : i32 to vector<256x128xi32>
    %ge3A_1966 = arith.cmpi sge, %bitcast_convert_type3A_1665, %ge3A_1965 : vector<256x128xi32>
    %convert_element_type3A_1967 = arith.extui %ge3A_1966 : vector<256x128xi1> to vector<256x128xi32>
    %reduce_sum3A_1968 = vector.shape_cast %convert_element_type3A_1967 : vector<256x128xi32> to vector<1x256x128xi32>
    %reduce_sum3A_1969 = arith.constant dense<0> : vector<1xi32>
    %reduce_sum3A_1970 = vector.multi_reduction <add>, %reduce_sum3A_1968, %reduce_sum3A_1969 [1, 2] : vector<1x256x128xi32> to vector<1xi32>
    %reduce_sum3A_1971 = vector.shape_cast %reduce_sum3A_1970 : vector<1xi32> to vector<1x1x1xi32>
    %reduce_sum3A_1972 = vector.extract %reduce_sum3A_1971[0, 0, 0] : i32 from vector<1x1x1xi32>
    %ge3A_1973 = arith.constant 6000 : i32
    %ge3A_1974 = arith.cmpi sge, %reduce_sum3A_1972, %ge3A_1973 : i32
    %select_n3A_1975 = arith.select %ge3A_1974, %or3A_1964, %select_n3A_1962 : i32
    %or3A_1976 = arith.constant 64 : i32
    %or3A_1977 = arith.ori %select_n3A_1975, %or3A_1976 : i32
    %ge3A_1978 = vector.broadcast %or3A_1977 : i32 to vector<256x128xi32>
    %ge3A_1979 = arith.cmpi sge, %bitcast_convert_type3A_1665, %ge3A_1978 : vector<256x128xi32>
    %convert_element_type3A_1980 = arith.extui %ge3A_1979 : vector<256x128xi1> to vector<256x128xi32>
    %reduce_sum3A_1981 = vector.shape_cast %convert_element_type3A_1980 : vector<256x128xi32> to vector<1x256x128xi32>
    %reduce_sum3A_1982 = arith.constant dense<0> : vector<1xi32>
    %reduce_sum3A_1983 = vector.multi_reduction <add>, %reduce_sum3A_1981, %reduce_sum3A_1982 [1, 2] : vector<1x256x128xi32> to vector<1xi32>
    %reduce_sum3A_1984 = vector.shape_cast %reduce_sum3A_1983 : vector<1xi32> to vector<1x1x1xi32>
    %reduce_sum3A_1985 = vector.extract %reduce_sum3A_1984[0, 0, 0] : i32 from vector<1x1x1xi32>
    %ge3A_1986 = arith.constant 6000 : i32
    %ge3A_1987 = arith.cmpi sge, %reduce_sum3A_1985, %ge3A_1986 : i32
    %select_n3A_1988 = arith.select %ge3A_1987, %or3A_1977, %select_n3A_1975 : i32
    %or3A_1989 = arith.constant 32 : i32
    %or3A_1990 = arith.ori %select_n3A_1988, %or3A_1989 : i32
    %ge3A_1991 = vector.broadcast %or3A_1990 : i32 to vector<256x128xi32>
    %ge3A_1992 = arith.cmpi sge, %bitcast_convert_type3A_1665, %ge3A_1991 : vector<256x128xi32>
    %convert_element_type3A_1993 = arith.extui %ge3A_1992 : vector<256x128xi1> to vector<256x128xi32>
    %reduce_sum3A_1994 = vector.shape_cast %convert_element_type3A_1993 : vector<256x128xi32> to vector<1x256x128xi32>
    %reduce_sum3A_1995 = arith.constant dense<0> : vector<1xi32>
    %reduce_sum3A_1996 = vector.multi_reduction <add>, %reduce_sum3A_1994, %reduce_sum3A_1995 [1, 2] : vector<1x256x128xi32> to vector<1xi32>
    %reduce_sum3A_1997 = vector.shape_cast %reduce_sum3A_1996 : vector<1xi32> to vector<1x1x1xi32>
    %reduce_sum3A_1998 = vector.extract %reduce_sum3A_1997[0, 0, 0] : i32 from vector<1x1x1xi32>
    %ge3A_1999 = arith.constant 6000 : i32
    %ge3A_2000 = arith.cmpi sge, %reduce_sum3A_1998, %ge3A_1999 : i32
    %select_n3A_2001 = arith.select %ge3A_2000, %or3A_1990, %select_n3A_1988 : i32
    %or3A_2002 = arith.constant 16 : i32
    %or3A_2003 = arith.ori %select_n3A_2001, %or3A_2002 : i32
    %ge3A_2004 = vector.broadcast %or3A_2003 : i32 to vector<256x128xi32>
    %ge3A_2005 = arith.cmpi sge, %bitcast_convert_type3A_1665, %ge3A_2004 : vector<256x128xi32>
    %convert_element_type3A_2006 = arith.extui %ge3A_2005 : vector<256x128xi1> to vector<256x128xi32>
    %reduce_sum3A_2007 = vector.shape_cast %convert_element_type3A_2006 : vector<256x128xi32> to vector<1x256x128xi32>
    %reduce_sum3A_2008 = arith.constant dense<0> : vector<1xi32>
    %reduce_sum3A_2009 = vector.multi_reduction <add>, %reduce_sum3A_2007, %reduce_sum3A_2008 [1, 2] : vector<1x256x128xi32> to vector<1xi32>
    %reduce_sum3A_2010 = vector.shape_cast %reduce_sum3A_2009 : vector<1xi32> to vector<1x1x1xi32>
    %reduce_sum3A_2011 = vector.extract %reduce_sum3A_2010[0, 0, 0] : i32 from vector<1x1x1xi32>
    %ge3A_2012 = arith.constant 6000 : i32
    %ge3A_2013 = arith.cmpi sge, %reduce_sum3A_2011, %ge3A_2012 : i32
    %select_n3A_2014 = arith.select %ge3A_2013, %or3A_2003, %select_n3A_2001 : i32
    %or3A_2015 = arith.constant 8 : i32
    %or3A_2016 = arith.ori %select_n3A_2014, %or3A_2015 : i32
    %ge3A_2017 = vector.broadcast %or3A_2016 : i32 to vector<256x128xi32>
    %ge3A_2018 = arith.cmpi sge, %bitcast_convert_type3A_1665, %ge3A_2017 : vector<256x128xi32>
    %convert_element_type3A_2019 = arith.extui %ge3A_2018 : vector<256x128xi1> to vector<256x128xi32>
    %reduce_sum3A_2020 = vector.shape_cast %convert_element_type3A_2019 : vector<256x128xi32> to vector<1x256x128xi32>
    %reduce_sum3A_2021 = arith.constant dense<0> : vector<1xi32>
    %reduce_sum3A_2022 = vector.multi_reduction <add>, %reduce_sum3A_2020, %reduce_sum3A_2021 [1, 2] : vector<1x256x128xi32> to vector<1xi32>
    %reduce_sum3A_2023 = vector.shape_cast %reduce_sum3A_2022 : vector<1xi32> to vector<1x1x1xi32>
    %reduce_sum3A_2024 = vector.extract %reduce_sum3A_2023[0, 0, 0] : i32 from vector<1x1x1xi32>
    %ge3A_2025 = arith.constant 6000 : i32
    %ge3A_2026 = arith.cmpi sge, %reduce_sum3A_2024, %ge3A_2025 : i32
    %select_n3A_2027 = arith.select %ge3A_2026, %or3A_2016, %select_n3A_2014 : i32
    %or3A_2028 = arith.constant 4 : i32
    %or3A_2029 = arith.ori %select_n3A_2027, %or3A_2028 : i32
    %ge3A_2030 = vector.broadcast %or3A_2029 : i32 to vector<256x128xi32>
    %ge3A_2031 = arith.cmpi sge, %bitcast_convert_type3A_1665, %ge3A_2030 : vector<256x128xi32>
    %convert_element_type3A_2032 = arith.extui %ge3A_2031 : vector<256x128xi1> to vector<256x128xi32>
    %reduce_sum3A_2033 = vector.shape_cast %convert_element_type3A_2032 : vector<256x128xi32> to vector<1x256x128xi32>
    %reduce_sum3A_2034 = arith.constant dense<0> : vector<1xi32>
    %reduce_sum3A_2035 = vector.multi_reduction <add>, %reduce_sum3A_2033, %reduce_sum3A_2034 [1, 2] : vector<1x256x128xi32> to vector<1xi32>
    %reduce_sum3A_2036 = vector.shape_cast %reduce_sum3A_2035 : vector<1xi32> to vector<1x1x1xi32>
    %reduce_sum3A_2037 = vector.extract %reduce_sum3A_2036[0, 0, 0] : i32 from vector<1x1x1xi32>
    %ge3A_2038 = arith.constant 6000 : i32
    %ge3A_2039 = arith.cmpi sge, %reduce_sum3A_2037, %ge3A_2038 : i32
    %select_n3A_2040 = arith.select %ge3A_2039, %or3A_2029, %select_n3A_2027 : i32
    %or3A_2041 = arith.constant 2 : i32
    %or3A_2042 = arith.ori %select_n3A_2040, %or3A_2041 : i32
    %ge3A_2043 = vector.broadcast %or3A_2042 : i32 to vector<256x128xi32>
    %ge3A_2044 = arith.cmpi sge, %bitcast_convert_type3A_1665, %ge3A_2043 : vector<256x128xi32>
    %convert_element_type3A_2045 = arith.extui %ge3A_2044 : vector<256x128xi1> to vector<256x128xi32>
    %reduce_sum3A_2046 = vector.shape_cast %convert_element_type3A_2045 : vector<256x128xi32> to vector<1x256x128xi32>
    %reduce_sum3A_2047 = arith.constant dense<0> : vector<1xi32>
    %reduce_sum3A_2048 = vector.multi_reduction <add>, %reduce_sum3A_2046, %reduce_sum3A_2047 [1, 2] : vector<1x256x128xi32> to vector<1xi32>
    %reduce_sum3A_2049 = vector.shape_cast %reduce_sum3A_2048 : vector<1xi32> to vector<1x1x1xi32>
    %reduce_sum3A_2050 = vector.extract %reduce_sum3A_2049[0, 0, 0] : i32 from vector<1x1x1xi32>
    %ge3A_2051 = arith.constant 6000 : i32
    %ge3A_2052 = arith.cmpi sge, %reduce_sum3A_2050, %ge3A_2051 : i32
    %select_n3A_2053 = arith.select %ge3A_2052, %or3A_2042, %select_n3A_2040 : i32
    %or3A_2054 = arith.constant 1 : i32
    %or3A_2055 = arith.ori %select_n3A_2053, %or3A_2054 : i32
    %ge3A_2056 = vector.broadcast %or3A_2055 : i32 to vector<256x128xi32>
    %ge3A_2057 = arith.cmpi sge, %bitcast_convert_type3A_1665, %ge3A_2056 : vector<256x128xi32>
    %convert_element_type3A_2058 = arith.extui %ge3A_2057 : vector<256x128xi1> to vector<256x128xi32>
    %reduce_sum3A_2059 = vector.shape_cast %convert_element_type3A_2058 : vector<256x128xi32> to vector<1x256x128xi32>
    %reduce_sum3A_2060 = arith.constant dense<0> : vector<1xi32>
    %reduce_sum3A_2061 = vector.multi_reduction <add>, %reduce_sum3A_2059, %reduce_sum3A_2060 [1, 2] : vector<1x256x128xi32> to vector<1xi32>
    %reduce_sum3A_2062 = vector.shape_cast %reduce_sum3A_2061 : vector<1xi32> to vector<1x1x1xi32>
    %reduce_sum3A_2063 = vector.extract %reduce_sum3A_2062[0, 0, 0] : i32 from vector<1x1x1xi32>
    %ge3A_2064 = arith.constant 6000 : i32
    %ge3A_2065 = arith.cmpi sge, %reduce_sum3A_2063, %ge3A_2064 : i32
    %select_n3A_2066 = arith.select %ge3A_2065, %or3A_2055, %select_n3A_2053 : i32
    %gt3A_2067 = vector.broadcast %select_n3A_2066 : i32 to vector<256x128xi32>
    %gt3A_2068 = arith.cmpi sgt, %bitcast_convert_type3A_1665, %gt3A_2067 : vector<256x128xi32>
    %convert_element_type3A_2069 = arith.extui %gt3A_2068 : vector<256x128xi1> to vector<256x128xi32>
    %reduce_sum3A_2070 = vector.shape_cast %convert_element_type3A_2069 : vector<256x128xi32> to vector<1x256x128xi32>
    %reduce_sum3A_2071 = arith.constant dense<0> : vector<1xi32>
    %reduce_sum3A_2072 = vector.multi_reduction <add>, %reduce_sum3A_2070, %reduce_sum3A_2071 [1, 2] : vector<1x256x128xi32> to vector<1xi32>
    %reduce_sum3A_2073 = vector.shape_cast %reduce_sum3A_2072 : vector<1xi32> to vector<1x1x1xi32>
    %reduce_sum3A_2074 = vector.extract %reduce_sum3A_2073[0, 0, 0] : i32 from vector<1x1x1xi32>
    %sub3A_2075 = arith.constant 6000 : i32
    %sub3A_2076 = arith.subi %sub3A_2075, %reduce_sum3A_2074 : i32
    %eq3A_2077 = vector.broadcast %select_n3A_2066 : i32 to vector<256x128xi32>
    %eq3A_2078 = arith.cmpi eq, %bitcast_convert_type3A_1665, %eq3A_2077 : vector<256x128xi32>
    %convert_element_type3A_2079 = arith.extui %eq3A_2078 : vector<256x128xi1> to vector<256x128xi32>
    %broadcast_in_dim3A_2080 = arith.constant 0 : i32
    %broadcast_in_dim3A_2081 = vector.broadcast %broadcast_in_dim3A_2080 : i32 to vector<256x1xi32>
    %slice3A_2082 = vector.extract_strided_slice %convert_element_type3A_2079 {offsets = [0, 0], sizes = [256, 127], strides = [1, 1]} : vector<256x128xi32> to vector<256x127xi32>
    %concatenate3A_2083 = tpu.concatenate %broadcast_in_dim3A_2081, %slice3A_2082 in 1 : vector<256x1xi32>, vector<256x127xi32> -> vector<256x128xi32>
    %add3A_2084 = arith.addi %convert_element_type3A_2079, %concatenate3A_2083 : vector<256x128xi32>
    %broadcast_in_dim3A_2085 = arith.constant 0 : i32
    %broadcast_in_dim3A_2086 = vector.broadcast %broadcast_in_dim3A_2085 : i32 to vector<256x2xi32>
    %slice3A_2087 = vector.extract_strided_slice %add3A_2084 {offsets = [0, 0], sizes = [256, 126], strides = [1, 1]} : vector<256x128xi32> to vector<256x126xi32>
    %concatenate3A_2088 = tpu.concatenate %broadcast_in_dim3A_2086, %slice3A_2087 in 1 : vector<256x2xi32>, vector<256x126xi32> -> vector<256x128xi32>
    %add3A_2089 = arith.addi %add3A_2084, %concatenate3A_2088 : vector<256x128xi32>
    %broadcast_in_dim3A_2090 = arith.constant 0 : i32
    %broadcast_in_dim3A_2091 = vector.broadcast %broadcast_in_dim3A_2090 : i32 to vector<256x4xi32>
    %slice3A_2092 = vector.extract_strided_slice %add3A_2089 {offsets = [0, 0], sizes = [256, 124], strides = [1, 1]} : vector<256x128xi32> to vector<256x124xi32>
    %concatenate3A_2093 = tpu.concatenate %broadcast_in_dim3A_2091, %slice3A_2092 in 1 : vector<256x4xi32>, vector<256x124xi32> -> vector<256x128xi32>
    %add3A_2094 = arith.addi %add3A_2089, %concatenate3A_2093 : vector<256x128xi32>
    %broadcast_in_dim3A_2095 = arith.constant 0 : i32
    %broadcast_in_dim3A_2096 = vector.broadcast %broadcast_in_dim3A_2095 : i32 to vector<256x8xi32>
    %slice3A_2097 = vector.extract_strided_slice %add3A_2094 {offsets = [0, 0], sizes = [256, 120], strides = [1, 1]} : vector<256x128xi32> to vector<256x120xi32>
    %concatenate3A_2098 = tpu.concatenate %broadcast_in_dim3A_2096, %slice3A_2097 in 1 : vector<256x8xi32>, vector<256x120xi32> -> vector<256x128xi32>
    %add3A_2099 = arith.addi %add3A_2094, %concatenate3A_2098 : vector<256x128xi32>
    %broadcast_in_dim3A_2100 = arith.constant 0 : i32
    %broadcast_in_dim3A_2101 = vector.broadcast %broadcast_in_dim3A_2100 : i32 to vector<256x16xi32>
    %slice3A_2102 = vector.extract_strided_slice %add3A_2099 {offsets = [0, 0], sizes = [256, 112], strides = [1, 1]} : vector<256x128xi32> to vector<256x112xi32>
    %concatenate3A_2103 = tpu.concatenate %broadcast_in_dim3A_2101, %slice3A_2102 in 1 : vector<256x16xi32>, vector<256x112xi32> -> vector<256x128xi32>
    %add3A_2104 = arith.addi %add3A_2099, %concatenate3A_2103 : vector<256x128xi32>
    %broadcast_in_dim3A_2105 = arith.constant 0 : i32
    %broadcast_in_dim3A_2106 = vector.broadcast %broadcast_in_dim3A_2105 : i32 to vector<256x32xi32>
    %slice3A_2107 = vector.extract_strided_slice %add3A_2104 {offsets = [0, 0], sizes = [256, 96], strides = [1, 1]} : vector<256x128xi32> to vector<256x96xi32>
    %concatenate3A_2108 = tpu.concatenate %broadcast_in_dim3A_2106, %slice3A_2107 in 1 : vector<256x32xi32>, vector<256x96xi32> -> vector<256x128xi32>
    %add3A_2109 = arith.addi %add3A_2104, %concatenate3A_2108 : vector<256x128xi32>
    %broadcast_in_dim3A_2110 = arith.constant 0 : i32
    %broadcast_in_dim3A_2111 = vector.broadcast %broadcast_in_dim3A_2110 : i32 to vector<256x64xi32>
    %slice3A_2112 = vector.extract_strided_slice %add3A_2109 {offsets = [0, 0], sizes = [256, 64], strides = [1, 1]} : vector<256x128xi32> to vector<256x64xi32>
    %concatenate3A_2113 = tpu.concatenate %broadcast_in_dim3A_2111, %slice3A_2112 in 1 : vector<256x64xi32>, vector<256x64xi32> -> vector<256x128xi32>
    %add3A_2114 = arith.addi %add3A_2109, %concatenate3A_2113 : vector<256x128xi32>
    %slice3A_2115 = vector.extract_strided_slice %add3A_2114 {offsets = [0, 127], sizes = [256, 1], strides = [1, 1]} : vector<256x128xi32> to vector<256x1xi32>
    %broadcast_in_dim3A_2116 = vector.shape_cast %slice3A_2115 : vector<256x1xi32> to vector<256x1xi32>
    %broadcast_in_dim3A_2117 = vector.broadcast %broadcast_in_dim3A_2116 : vector<256x1xi32> to vector<256x128xi32>
    %broadcast_in_dim3A_2118 = arith.constant 0 : i32
    %broadcast_in_dim3A_2119 = vector.broadcast %broadcast_in_dim3A_2118 : i32 to vector<1x128xi32>
    %slice3A_2120 = vector.extract_strided_slice %broadcast_in_dim3A_2117 {offsets = [0, 0], sizes = [255, 128], strides = [1, 1]} : vector<256x128xi32> to vector<255x128xi32>
    %concatenate3A_2121 = tpu.concatenate %broadcast_in_dim3A_2119, %slice3A_2120 in 0 : vector<1x128xi32>, vector<255x128xi32> -> vector<256x128xi32>
    %add3A_2122 = arith.addi %broadcast_in_dim3A_2117, %concatenate3A_2121 : vector<256x128xi32>
    %broadcast_in_dim3A_2123 = arith.constant 0 : i32
    %broadcast_in_dim3A_2124 = vector.broadcast %broadcast_in_dim3A_2123 : i32 to vector<2x128xi32>
    %slice3A_2125 = vector.extract_strided_slice %add3A_2122 {offsets = [0, 0], sizes = [254, 128], strides = [1, 1]} : vector<256x128xi32> to vector<254x128xi32>
    %concatenate3A_2126 = tpu.concatenate %broadcast_in_dim3A_2124, %slice3A_2125 in 0 : vector<2x128xi32>, vector<254x128xi32> -> vector<256x128xi32>
    %add3A_2127 = arith.addi %add3A_2122, %concatenate3A_2126 : vector<256x128xi32>
    %broadcast_in_dim3A_2128 = arith.constant 0 : i32
    %broadcast_in_dim3A_2129 = vector.broadcast %broadcast_in_dim3A_2128 : i32 to vector<4x128xi32>
    %slice3A_2130 = vector.extract_strided_slice %add3A_2127 {offsets = [0, 0], sizes = [252, 128], strides = [1, 1]} : vector<256x128xi32> to vector<252x128xi32>
    %concatenate3A_2131 = tpu.concatenate %broadcast_in_dim3A_2129, %slice3A_2130 in 0 : vector<4x128xi32>, vector<252x128xi32> -> vector<256x128xi32>
    %add3A_2132 = arith.addi %add3A_2127, %concatenate3A_2131 : vector<256x128xi32>
    %broadcast_in_dim3A_2133 = arith.constant 0 : i32
    %broadcast_in_dim3A_2134 = vector.broadcast %broadcast_in_dim3A_2133 : i32 to vector<8x128xi32>
    %slice3A_2135 = vector.extract_strided_slice %add3A_2132 {offsets = [0, 0], sizes = [248, 128], strides = [1, 1]} : vector<256x128xi32> to vector<248x128xi32>
    %concatenate3A_2136 = tpu.concatenate %broadcast_in_dim3A_2134, %slice3A_2135 in 0 : vector<8x128xi32>, vector<248x128xi32> -> vector<256x128xi32>
    %add3A_2137 = arith.addi %add3A_2132, %concatenate3A_2136 : vector<256x128xi32>
    %broadcast_in_dim3A_2138 = arith.constant 0 : i32
    %broadcast_in_dim3A_2139 = vector.broadcast %broadcast_in_dim3A_2138 : i32 to vector<16x128xi32>
    %slice3A_2140 = vector.extract_strided_slice %add3A_2137 {offsets = [0, 0], sizes = [240, 128], strides = [1, 1]} : vector<256x128xi32> to vector<240x128xi32>
    %concatenate3A_2141 = tpu.concatenate %broadcast_in_dim3A_2139, %slice3A_2140 in 0 : vector<16x128xi32>, vector<240x128xi32> -> vector<256x128xi32>
    %add3A_2142 = arith.addi %add3A_2137, %concatenate3A_2141 : vector<256x128xi32>
    %broadcast_in_dim3A_2143 = arith.constant 0 : i32
    %broadcast_in_dim3A_2144 = vector.broadcast %broadcast_in_dim3A_2143 : i32 to vector<32x128xi32>
    %slice3A_2145 = vector.extract_strided_slice %add3A_2142 {offsets = [0, 0], sizes = [224, 128], strides = [1, 1]} : vector<256x128xi32> to vector<224x128xi32>
    %concatenate3A_2146 = tpu.concatenate %broadcast_in_dim3A_2144, %slice3A_2145 in 0 : vector<32x128xi32>, vector<224x128xi32> -> vector<256x128xi32>
    %add3A_2147 = arith.addi %add3A_2142, %concatenate3A_2146 : vector<256x128xi32>
    %broadcast_in_dim3A_2148 = arith.constant 0 : i32
    %broadcast_in_dim3A_2149 = vector.broadcast %broadcast_in_dim3A_2148 : i32 to vector<64x128xi32>
    %slice3A_2150 = vector.extract_strided_slice %add3A_2147 {offsets = [0, 0], sizes = [192, 128], strides = [1, 1]} : vector<256x128xi32> to vector<192x128xi32>
    %concatenate3A_2151 = tpu.concatenate %broadcast_in_dim3A_2149, %slice3A_2150 in 0 : vector<64x128xi32>, vector<192x128xi32> -> vector<256x128xi32>
    %add3A_2152 = arith.addi %add3A_2147, %concatenate3A_2151 : vector<256x128xi32>
    %broadcast_in_dim3A_2153 = arith.constant 0 : i32
    %broadcast_in_dim3A_2154 = vector.broadcast %broadcast_in_dim3A_2153 : i32 to vector<128x128xi32>
    %slice3A_2155 = vector.extract_strided_slice %add3A_2152 {offsets = [0, 0], sizes = [128, 128], strides = [1, 1]} : vector<256x128xi32> to vector<128x128xi32>
    %concatenate3A_2156 = tpu.concatenate %broadcast_in_dim3A_2154, %slice3A_2155 in 0 : vector<128x128xi32>, vector<128x128xi32> -> vector<256x128xi32>
    %add3A_2157 = arith.addi %add3A_2152, %concatenate3A_2156 : vector<256x128xi32>
    %sub3A_2158 = arith.subi %add3A_2157, %broadcast_in_dim3A_2117 : vector<256x128xi32>
    %add3A_2159 = arith.addi %add3A_2114, %sub3A_2158 : vector<256x128xi32>
    %convert_element_type3A_2160 = arith.extui %eq3A_2078 : vector<256x128xi1> to vector<256x128xi32>
    %sub3A_2161 = arith.subi %add3A_2159, %convert_element_type3A_2160 : vector<256x128xi32>
    %lt3A_2162 = vector.broadcast %sub3A_2076 : i32 to vector<256x128xi32>
    %lt3A_2163 = arith.cmpi slt, %sub3A_2161, %lt3A_2162 : vector<256x128xi32>
    %and3A_2164 = arith.andi %eq3A_2078, %lt3A_2163 : vector<256x128xi1>
    %le3A_2165 = arith.constant 6000 : i32
    %le3A_2166 = arith.cmpi sle, %reduce_sum3A_1674, %le3A_2165 : i32
    %gt3A_2167 = vector.broadcast %select_n3A_2066 : i32 to vector<256x128xi32>
    %gt3A_2168 = arith.cmpi sgt, %bitcast_convert_type3A_1665, %gt3A_2167 : vector<256x128xi32>
    %or3A_2169 = vector.broadcast %le3A_2166 : i1 to vector<256x128xi1>
    %or3A_2170 = arith.ori %or3A_2169, %gt3A_2168 : vector<256x128xi1>
    %or3A_2171 = arith.ori %or3A_2170, %and3A_2164 : vector<256x128xi1>
    %and3A_2172 = arith.andi %ge3A_1668, %or3A_2171 : vector<256x128xi1>
    %jit3A_2173 = arith.constant -1.000000e+00 : f32
    %broadcast_in_dim3A_2174 = vector.broadcast %jit3A_2173 : f32 to vector<256x128xf32>
    %select_n3A_2175 = arith.select %and3A_2172, %select_n3A_1664, %broadcast_in_dim3A_2174 : vector<256x128xi1>, vector<256x128xf32>
    %swap3A_2176 = arith.constant 512 : index
    %swap3A_2177 = arith.constant 0 : index
    %swap3A_2178 = vector.load %arg16[%swap3A_2176, %swap3A_2177] : memref<1024x128xf32, #tpu.memory_space<vmem>>, vector<256x128xf32>
    tpu.vector_store %arg16[%swap3A_2176, %swap3A_2177], %select_n3A_2175 {strides = array<i32>} : memref<1024x128xf32, #tpu.memory_space<vmem>>, vector<256x128xf32>,
    %add3A_2179 = arith.constant 1.000000e+00 : f32
    %add3A_2180 = arith.addf %add3A_2179, %get3A_1 : f32
    %mul3A_2181 = vector.broadcast %add3A_2180 : f32 to vector<256x128xf32>
    %mul3A_2182 = arith.mulf %mul3A_2181, %min3A_1595 : vector<256x128xf32>
    %swap3A_2183 = arith.constant 512 : index
    %swap3A_2184 = arith.constant 0 : index
    %swap3A_2185 = vector.load %arg19[%swap3A_2183, %swap3A_2184] : memref<1024x128xf32, #tpu.memory_space<vmem>>, vector<256x128xf32>
    tpu.vector_store %arg19[%swap3A_2183, %swap3A_2184], %mul3A_2182 {strides = array<i32>} : memref<1024x128xf32, #tpu.memory_space<vmem>>, vector<256x128xf32>,
    %add3A_2186 = arith.constant 1.000000e+00 : f32
    %add3A_2187 = vector.broadcast %add3A_2186 : f32 to vector<256x128xf32>
    %add3A_2188 = arith.addf %min3A_1613, %add3A_2187 : vector<256x128xf32>
    %mul3A_2189 = vector.broadcast %add3A_2180 : f32 to vector<256x128xf32>
    %mul3A_2190 = arith.mulf %mul3A_2189, %add3A_2188 : vector<256x128xf32>
    %swap3A_2191 = arith.constant 512 : index
    %swap3A_2192 = arith.constant 0 : index
    %swap3A_2193 = vector.load %arg20[%swap3A_2191, %swap3A_2192] : memref<1024x128xf32, #tpu.memory_space<vmem>>, vector<256x128xf32>
    tpu.vector_store %arg20[%swap3A_2191, %swap3A_2192], %mul3A_2190 {strides = array<i32>} : memref<1024x128xf32, #tpu.memory_space<vmem>>, vector<256x128xf32>,
    %add3A_2194 = arith.constant 1.000000e+00 : f32
    %add3A_2195 = vector.broadcast %add3A_2194 : f32 to vector<256x128xf32>
    %add3A_2196 = arith.addf %min3A_1622, %add3A_2195 : vector<256x128xf32>
    %swap3A_2197 = arith.constant 512 : index
    %swap3A_2198 = arith.constant 0 : index
    %swap3A_2199 = vector.load %arg21[%swap3A_2197, %swap3A_2198] : memref<1024x128xf32, #tpu.memory_space<vmem>>, vector<256x128xf32>
    tpu.vector_store %arg21[%swap3A_2197, %swap3A_2198], %add3A_2196 {strides = array<i32>} : memref<1024x128xf32, #tpu.memory_space<vmem>>, vector<256x128xf32>,
    %sub3A_2200 = arith.subf %min3A_1613, %min3A_1595 : vector<256x128xf32>
    %add3A_2201 = arith.constant 1.000000e+00 : f32
    %add3A_2202 = vector.broadcast %add3A_2201 : f32 to vector<256x128xf32>
    %add3A_2203 = arith.addf %sub3A_2200, %add3A_2202 : vector<256x128xf32>
    %sub3A_2204 = arith.subf %min3A_1622, %min3A_1604 : vector<256x128xf32>
    %add3A_2205 = arith.constant 1.000000e+00 : f32
    %add3A_2206 = vector.broadcast %add3A_2205 : f32 to vector<256x128xf32>
    %add3A_2207 = arith.addf %sub3A_2204, %add3A_2206 : vector<256x128xf32>
    %mul3A_2208 = arith.mulf %add3A_2203, %add3A_2207 : vector<256x128xf32>
    %mul3A_2209 = vector.broadcast %get3A_1 : f32 to vector<256x128xf32>
    %mul3A_2210 = arith.mulf %mul3A_2209, %mul3A_2208 : vector<256x128xf32>
    %swap3A_2211 = arith.constant 512 : index
    %swap3A_2212 = arith.constant 0 : index
    %swap3A_2213 = vector.load %arg22[%swap3A_2211, %swap3A_2212] : memref<1024x128xf32, #tpu.memory_space<vmem>>, vector<256x128xf32>
    tpu.vector_store %arg22[%swap3A_2211, %swap3A_2212], %mul3A_2210 {strides = array<i32>} : memref<1024x128xf32, #tpu.memory_space<vmem>>, vector<256x128xf32>,
    %convert_element_type3A_2214 = arith.extui %and3A_2172 : vector<256x128xi1> to vector<256x128xi32>
    %broadcast_in_dim3A_2215 = arith.constant 0 : i32
    %broadcast_in_dim3A_2216 = vector.broadcast %broadcast_in_dim3A_2215 : i32 to vector<256x1xi32>
    %slice3A_2217 = vector.extract_strided_slice %convert_element_type3A_2214 {offsets = [0, 0], sizes = [256, 127], strides = [1, 1]} : vector<256x128xi32> to vector<256x127xi32>
    %concatenate3A_2218 = tpu.concatenate %broadcast_in_dim3A_2216, %slice3A_2217 in 1 : vector<256x1xi32>, vector<256x127xi32> -> vector<256x128xi32>
    %add3A_2219 = arith.addi %convert_element_type3A_2214, %concatenate3A_2218 : vector<256x128xi32>
    %broadcast_in_dim3A_2220 = arith.constant 0 : i32
    %broadcast_in_dim3A_2221 = vector.broadcast %broadcast_in_dim3A_2220 : i32 to vector<256x2xi32>
    %slice3A_2222 = vector.extract_strided_slice %add3A_2219 {offsets = [0, 0], sizes = [256, 126], strides = [1, 1]} : vector<256x128xi32> to vector<256x126xi32>
    %concatenate3A_2223 = tpu.concatenate %broadcast_in_dim3A_2221, %slice3A_2222 in 1 : vector<256x2xi32>, vector<256x126xi32> -> vector<256x128xi32>
    %add3A_2224 = arith.addi %add3A_2219, %concatenate3A_2223 : vector<256x128xi32>
    %broadcast_in_dim3A_2225 = arith.constant 0 : i32
    %broadcast_in_dim3A_2226 = vector.broadcast %broadcast_in_dim3A_2225 : i32 to vector<256x4xi32>
    %slice3A_2227 = vector.extract_strided_slice %add3A_2224 {offsets = [0, 0], sizes = [256, 124], strides = [1, 1]} : vector<256x128xi32> to vector<256x124xi32>
    %concatenate3A_2228 = tpu.concatenate %broadcast_in_dim3A_2226, %slice3A_2227 in 1 : vector<256x4xi32>, vector<256x124xi32> -> vector<256x128xi32>
    %add3A_2229 = arith.addi %add3A_2224, %concatenate3A_2228 : vector<256x128xi32>
    %broadcast_in_dim3A_2230 = arith.constant 0 : i32
    %broadcast_in_dim3A_2231 = vector.broadcast %broadcast_in_dim3A_2230 : i32 to vector<256x8xi32>
    %slice3A_2232 = vector.extract_strided_slice %add3A_2229 {offsets = [0, 0], sizes = [256, 120], strides = [1, 1]} : vector<256x128xi32> to vector<256x120xi32>
    %concatenate3A_2233 = tpu.concatenate %broadcast_in_dim3A_2231, %slice3A_2232 in 1 : vector<256x8xi32>, vector<256x120xi32> -> vector<256x128xi32>
    %add3A_2234 = arith.addi %add3A_2229, %concatenate3A_2233 : vector<256x128xi32>
    %broadcast_in_dim3A_2235 = arith.constant 0 : i32
    %broadcast_in_dim3A_2236 = vector.broadcast %broadcast_in_dim3A_2235 : i32 to vector<256x16xi32>
    %slice3A_2237 = vector.extract_strided_slice %add3A_2234 {offsets = [0, 0], sizes = [256, 112], strides = [1, 1]} : vector<256x128xi32> to vector<256x112xi32>
    %concatenate3A_2238 = tpu.concatenate %broadcast_in_dim3A_2236, %slice3A_2237 in 1 : vector<256x16xi32>, vector<256x112xi32> -> vector<256x128xi32>
    %add3A_2239 = arith.addi %add3A_2234, %concatenate3A_2238 : vector<256x128xi32>
    %broadcast_in_dim3A_2240 = arith.constant 0 : i32
    %broadcast_in_dim3A_2241 = vector.broadcast %broadcast_in_dim3A_2240 : i32 to vector<256x32xi32>
    %slice3A_2242 = vector.extract_strided_slice %add3A_2239 {offsets = [0, 0], sizes = [256, 96], strides = [1, 1]} : vector<256x128xi32> to vector<256x96xi32>
    %concatenate3A_2243 = tpu.concatenate %broadcast_in_dim3A_2241, %slice3A_2242 in 1 : vector<256x32xi32>, vector<256x96xi32> -> vector<256x128xi32>
    %add3A_2244 = arith.addi %add3A_2239, %concatenate3A_2243 : vector<256x128xi32>
    %broadcast_in_dim3A_2245 = arith.constant 0 : i32
    %broadcast_in_dim3A_2246 = vector.broadcast %broadcast_in_dim3A_2245 : i32 to vector<256x64xi32>
    %slice3A_2247 = vector.extract_strided_slice %add3A_2244 {offsets = [0, 0], sizes = [256, 64], strides = [1, 1]} : vector<256x128xi32> to vector<256x64xi32>
    %concatenate3A_2248 = tpu.concatenate %broadcast_in_dim3A_2246, %slice3A_2247 in 1 : vector<256x64xi32>, vector<256x64xi32> -> vector<256x128xi32>
    %add3A_2249 = arith.addi %add3A_2244, %concatenate3A_2248 : vector<256x128xi32>
    %slice3A_2250 = vector.extract_strided_slice %add3A_2249 {offsets = [0, 127], sizes = [256, 1], strides = [1, 1]} : vector<256x128xi32> to vector<256x1xi32>
    %broadcast_in_dim3A_2251 = vector.shape_cast %slice3A_2250 : vector<256x1xi32> to vector<256x1xi32>
    %broadcast_in_dim3A_2252 = vector.broadcast %broadcast_in_dim3A_2251 : vector<256x1xi32> to vector<256x128xi32>
    %broadcast_in_dim3A_2253 = arith.constant 0 : i32
    %broadcast_in_dim3A_2254 = vector.broadcast %broadcast_in_dim3A_2253 : i32 to vector<1x128xi32>
    %slice3A_2255 = vector.extract_strided_slice %broadcast_in_dim3A_2252 {offsets = [0, 0], sizes = [255, 128], strides = [1, 1]} : vector<256x128xi32> to vector<255x128xi32>
    %concatenate3A_2256 = tpu.concatenate %broadcast_in_dim3A_2254, %slice3A_2255 in 0 : vector<1x128xi32>, vector<255x128xi32> -> vector<256x128xi32>
    %add3A_2257 = arith.addi %broadcast_in_dim3A_2252, %concatenate3A_2256 : vector<256x128xi32>
    %broadcast_in_dim3A_2258 = arith.constant 0 : i32
    %broadcast_in_dim3A_2259 = vector.broadcast %broadcast_in_dim3A_2258 : i32 to vector<2x128xi32>
    %slice3A_2260 = vector.extract_strided_slice %add3A_2257 {offsets = [0, 0], sizes = [254, 128], strides = [1, 1]} : vector<256x128xi32> to vector<254x128xi32>
    %concatenate3A_2261 = tpu.concatenate %broadcast_in_dim3A_2259, %slice3A_2260 in 0 : vector<2x128xi32>, vector<254x128xi32> -> vector<256x128xi32>
    %add3A_2262 = arith.addi %add3A_2257, %concatenate3A_2261 : vector<256x128xi32>
    %broadcast_in_dim3A_2263 = arith.constant 0 : i32
    %broadcast_in_dim3A_2264 = vector.broadcast %broadcast_in_dim3A_2263 : i32 to vector<4x128xi32>
    %slice3A_2265 = vector.extract_strided_slice %add3A_2262 {offsets = [0, 0], sizes = [252, 128], strides = [1, 1]} : vector<256x128xi32> to vector<252x128xi32>
    %concatenate3A_2266 = tpu.concatenate %broadcast_in_dim3A_2264, %slice3A_2265 in 0 : vector<4x128xi32>, vector<252x128xi32> -> vector<256x128xi32>
    %add3A_2267 = arith.addi %add3A_2262, %concatenate3A_2266 : vector<256x128xi32>
    %broadcast_in_dim3A_2268 = arith.constant 0 : i32
    %broadcast_in_dim3A_2269 = vector.broadcast %broadcast_in_dim3A_2268 : i32 to vector<8x128xi32>
    %slice3A_2270 = vector.extract_strided_slice %add3A_2267 {offsets = [0, 0], sizes = [248, 128], strides = [1, 1]} : vector<256x128xi32> to vector<248x128xi32>
    %concatenate3A_2271 = tpu.concatenate %broadcast_in_dim3A_2269, %slice3A_2270 in 0 : vector<8x128xi32>, vector<248x128xi32> -> vector<256x128xi32>
    %add3A_2272 = arith.addi %add3A_2267, %concatenate3A_2271 : vector<256x128xi32>
    %broadcast_in_dim3A_2273 = arith.constant 0 : i32
    %broadcast_in_dim3A_2274 = vector.broadcast %broadcast_in_dim3A_2273 : i32 to vector<16x128xi32>
    %slice3A_2275 = vector.extract_strided_slice %add3A_2272 {offsets = [0, 0], sizes = [240, 128], strides = [1, 1]} : vector<256x128xi32> to vector<240x128xi32>
    %concatenate3A_2276 = tpu.concatenate %broadcast_in_dim3A_2274, %slice3A_2275 in 0 : vector<16x128xi32>, vector<240x128xi32> -> vector<256x128xi32>
    %add3A_2277 = arith.addi %add3A_2272, %concatenate3A_2276 : vector<256x128xi32>
    %broadcast_in_dim3A_2278 = arith.constant 0 : i32
    %broadcast_in_dim3A_2279 = vector.broadcast %broadcast_in_dim3A_2278 : i32 to vector<32x128xi32>
    %slice3A_2280 = vector.extract_strided_slice %add3A_2277 {offsets = [0, 0], sizes = [224, 128], strides = [1, 1]} : vector<256x128xi32> to vector<224x128xi32>
    %concatenate3A_2281 = tpu.concatenate %broadcast_in_dim3A_2279, %slice3A_2280 in 0 : vector<32x128xi32>, vector<224x128xi32> -> vector<256x128xi32>
    %add3A_2282 = arith.addi %add3A_2277, %concatenate3A_2281 : vector<256x128xi32>
    %broadcast_in_dim3A_2283 = arith.constant 0 : i32
    %broadcast_in_dim3A_2284 = vector.broadcast %broadcast_in_dim3A_2283 : i32 to vector<64x128xi32>
    %slice3A_2285 = vector.extract_strided_slice %add3A_2282 {offsets = [0, 0], sizes = [192, 128], strides = [1, 1]} : vector<256x128xi32> to vector<192x128xi32>
    %concatenate3A_2286 = tpu.concatenate %broadcast_in_dim3A_2284, %slice3A_2285 in 0 : vector<64x128xi32>, vector<192x128xi32> -> vector<256x128xi32>
    %add3A_2287 = arith.addi %add3A_2282, %concatenate3A_2286 : vector<256x128xi32>
    %broadcast_in_dim3A_2288 = arith.constant 0 : i32
    %broadcast_in_dim3A_2289 = vector.broadcast %broadcast_in_dim3A_2288 : i32 to vector<128x128xi32>
    %slice3A_2290 = vector.extract_strided_slice %add3A_2287 {offsets = [0, 0], sizes = [128, 128], strides = [1, 1]} : vector<256x128xi32> to vector<128x128xi32>
    %concatenate3A_2291 = tpu.concatenate %broadcast_in_dim3A_2289, %slice3A_2290 in 0 : vector<128x128xi32>, vector<128x128xi32> -> vector<256x128xi32>
    %add3A_2292 = arith.addi %add3A_2287, %concatenate3A_2291 : vector<256x128xi32>
    %sub3A_2293 = arith.subi %add3A_2292, %broadcast_in_dim3A_2252 : vector<256x128xi32>
    %add3A_2294 = arith.addi %add3A_2249, %sub3A_2293 : vector<256x128xi32>
    %sub3A_2295 = arith.subi %add3A_2294, %convert_element_type3A_2214 : vector<256x128xi32>
    %add3A_2296 = arith.constant 12288 : i32
    %add3A_2297 = vector.broadcast %add3A_2296 : i32 to vector<256x128xi32>
    %add3A_2298 = arith.addi %sub3A_2295, %add3A_2297 : vector<256x128xi32>
    %jit3A_2299 = arith.constant 18431 : i32
    %broadcast_in_dim3A_2300 = vector.broadcast %jit3A_2299 : i32 to vector<256x128xi32>
    %select_n3A_2301 = arith.select %and3A_2172, %add3A_2298, %broadcast_in_dim3A_2300 : vector<256x128xi1>, vector<256x128xi32>
    %swap3A_2302 = arith.constant 512 : index
    %swap3A_2303 = arith.constant 0 : index
    %swap3A_2304 = vector.load %arg17[%swap3A_2302, %swap3A_2303] : memref<1024x128xi32, #tpu.memory_space<vmem>>, vector<256x128xi32>
    tpu.vector_store %arg17[%swap3A_2302, %swap3A_2303], %select_n3A_2301 {strides = array<i32>} : memref<1024x128xi32, #tpu.memory_space<vmem>>, vector<256x128xi32>,
    %reduce_sum3A_2305 = vector.shape_cast %convert_element_type3A_2214 : vector<256x128xi32> to vector<1x256x128xi32>
    %reduce_sum3A_2306 = arith.constant dense<0> : vector<1xi32>
    %reduce_sum3A_2307 = vector.multi_reduction <add>, %reduce_sum3A_2305, %reduce_sum3A_2306 [1, 2] : vector<1x256x128xi32> to vector<1xi32>
    %reduce_sum3A_2308 = vector.shape_cast %reduce_sum3A_2307 : vector<1xi32> to vector<1x1x1xi32>
    %reduce_sum3A_2309 = vector.extract %reduce_sum3A_2308[0, 0, 0] : i32 from vector<1x1x1xi32>
    %get3A_2310 = arith.constant 3 : index
    %get3A_2311 = arith.constant 0 : index
    %get3A_2312 = memref.load %arg0[%get3A_2310, %get3A_2311] : memref<4x4xf32, #tpu.memory_space<smem>>
    %sub3A_2313 = arith.constant 1.000000e+00 : f32
    %sub3A_2314 = arith.subf %get3A_2312, %sub3A_2313 : f32
    %get3A_2315 = arith.constant 3 : index
    %get3A_2316 = arith.constant 1 : index
    %get3A_2317 = memref.load %arg0[%get3A_2315, %get3A_2316] : memref<4x4xf32, #tpu.memory_space<smem>>
    %sub3A_2318 = arith.constant 1.000000e+00 : f32
    %sub3A_2319 = arith.subf %get3A_2317, %sub3A_2318 : f32
    %get3A_2320 = arith.constant 3 : index
    %get3A_2321 = arith.constant 2 : index
    %get3A_2322 = memref.load %arg0[%get3A_2320, %get3A_2321] : memref<4x4xf32, #tpu.memory_space<smem>>
    %mul3A_2323 = arith.constant 1.600000e+01 : f32
    %mul3A_2324 = arith.mulf %mul3A_2323, %get3A_2322 : f32
    %get3A_2325 = arith.constant 3 : index
    %get3A_2326 = arith.constant 3 : index
    %get3A_2327 = memref.load %arg0[%get3A_2325, %get3A_2326] : memref<4x4xf32, #tpu.memory_space<smem>>
    %mul3A_2328 = arith.constant 1.600000e+01 : f32
    %mul3A_2329 = arith.mulf %mul3A_2328, %get3A_2327 : f32
    %get3A_2330 = arith.constant 768 : index
    %get3A_2331 = arith.constant 0 : index
    %get3A_2332 = vector.load %arg4[%get3A_2330, %get3A_2331] : memref<1024x128xf32, #tpu.memory_space<vmem>>, vector<256x128xf32>
    %mul3A_2333 = arith.mulf %get3A_2332, %add3A_9 : vector<256x128xf32>
    %add3A_2334 = arith.addf %mul3A_2333, %add3A_25 : vector<256x128xf32>
    %get3A_2335 = arith.constant 768 : index
    %get3A_2336 = arith.constant 0 : index
    %get3A_2337 = vector.load %arg5[%get3A_2335, %get3A_2336] : memref<1024x128xf32, #tpu.memory_space<vmem>>, vector<256x128xf32>
    %mul3A_2338 = arith.mulf %get3A_2337, %add3A_19 : vector<256x128xf32>
    %add3A_2339 = arith.addf %mul3A_2338, %add3A_32 : vector<256x128xf32>
    %get3A_2340 = arith.constant 768 : index
    %get3A_2341 = arith.constant 0 : index
    %get3A_2342 = vector.load %arg6[%get3A_2340, %get3A_2341] : memref<1024x128xf32, #tpu.memory_space<vmem>>, vector<256x128xf32>
    %exp3A_2343 = math.exp %get3A_2342 : vector<256x128xf32>
    %mul3A_2344 = arith.mulf %exp3A_2343, %add3A_9 : vector<256x128xf32>
    %get3A_2345 = arith.constant 768 : index
    %get3A_2346 = arith.constant 0 : index
    %get3A_2347 = vector.load %arg7[%get3A_2345, %get3A_2346] : memref<1024x128xf32, #tpu.memory_space<vmem>>, vector<256x128xf32>
    %exp3A_2348 = math.exp %get3A_2347 : vector<256x128xf32>
    %mul3A_2349 = arith.mulf %exp3A_2348, %add3A_19 : vector<256x128xf32>
    %mul3A_2350 = arith.constant 5.000000e-01 : f32
    %mul3A_2351 = vector.broadcast %mul3A_2350 : f32 to vector<256x128xf32>
    %mul3A_2352 = arith.mulf %mul3A_2351, %mul3A_2344 : vector<256x128xf32>
    %sub3A_2353 = arith.subf %add3A_2334, %mul3A_2352 : vector<256x128xf32>
    %jit3A_2354 = arith.constant 0.000000e+00 : f32
    %max3A_2355 = vector.broadcast %jit3A_2354 : f32 to vector<256x128xf32>
    %max3A_2356 = arith.maximumf %max3A_2355, %sub3A_2353 : vector<256x128xf32>
    %min3A_2357 = vector.broadcast %sub3A_2319 : f32 to vector<256x128xf32>
    %min3A_2358 = arith.minimumf %min3A_2357, %max3A_2356 : vector<256x128xf32>
    %mul3A_2359 = arith.constant 5.000000e-01 : f32
    %mul3A_2360 = vector.broadcast %mul3A_2359 : f32 to vector<256x128xf32>
    %mul3A_2361 = arith.mulf %mul3A_2360, %mul3A_2349 : vector<256x128xf32>
    %sub3A_2362 = arith.subf %add3A_2339, %mul3A_2361 : vector<256x128xf32>
    %jit3A_2363 = arith.constant 0.000000e+00 : f32
    %max3A_2364 = vector.broadcast %jit3A_2363 : f32 to vector<256x128xf32>
    %max3A_2365 = arith.maximumf %max3A_2364, %sub3A_2362 : vector<256x128xf32>
    %min3A_2366 = vector.broadcast %sub3A_2314 : f32 to vector<256x128xf32>
    %min3A_2367 = arith.minimumf %min3A_2366, %max3A_2365 : vector<256x128xf32>
    %mul3A_2368 = arith.constant 5.000000e-01 : f32
    %mul3A_2369 = vector.broadcast %mul3A_2368 : f32 to vector<256x128xf32>
    %mul3A_2370 = arith.mulf %mul3A_2369, %mul3A_2344 : vector<256x128xf32>
    %add3A_2371 = arith.addf %add3A_2334, %mul3A_2370 : vector<256x128xf32>
    %jit3A_2372 = arith.constant 0.000000e+00 : f32
    %max3A_2373 = vector.broadcast %jit3A_2372 : f32 to vector<256x128xf32>
    %max3A_2374 = arith.maximumf %max3A_2373, %add3A_2371 : vector<256x128xf32>
    %min3A_2375 = vector.broadcast %sub3A_2319 : f32 to vector<256x128xf32>
    %min3A_2376 = arith.minimumf %min3A_2375, %max3A_2374 : vector<256x128xf32>
    %mul3A_2377 = arith.constant 5.000000e-01 : f32
    %mul3A_2378 = vector.broadcast %mul3A_2377 : f32 to vector<256x128xf32>
    %mul3A_2379 = arith.mulf %mul3A_2378, %mul3A_2349 : vector<256x128xf32>
    %add3A_2380 = arith.addf %add3A_2339, %mul3A_2379 : vector<256x128xf32>
    %jit3A_2381 = arith.constant 0.000000e+00 : f32
    %max3A_2382 = vector.broadcast %jit3A_2381 : f32 to vector<256x128xf32>
    %max3A_2383 = arith.maximumf %max3A_2382, %add3A_2380 : vector<256x128xf32>
    %min3A_2384 = vector.broadcast %sub3A_2314 : f32 to vector<256x128xf32>
    %min3A_2385 = arith.minimumf %min3A_2384, %max3A_2383 : vector<256x128xf32>
    %swap3A_2386 = arith.constant 768 : index
    %swap3A_2387 = arith.constant 0 : index
    %swap3A_2388 = vector.load %arg12[%swap3A_2386, %swap3A_2387] : memref<1024x128xf32, #tpu.memory_space<vmem>>, vector<256x128xf32>
    tpu.vector_store %arg12[%swap3A_2386, %swap3A_2387], %min3A_2358 {strides = array<i32>} : memref<1024x128xf32, #tpu.memory_space<vmem>>, vector<256x128xf32>,
    %swap3A_2389 = arith.constant 768 : index
    %swap3A_2390 = arith.constant 0 : index
    %swap3A_2391 = vector.load %arg13[%swap3A_2389, %swap3A_2390] : memref<1024x128xf32, #tpu.memory_space<vmem>>, vector<256x128xf32>
    tpu.vector_store %arg13[%swap3A_2389, %swap3A_2390], %min3A_2367 {strides = array<i32>} : memref<1024x128xf32, #tpu.memory_space<vmem>>, vector<256x128xf32>,
    %swap3A_2392 = arith.constant 768 : index
    %swap3A_2393 = arith.constant 0 : index
    %swap3A_2394 = vector.load %arg14[%swap3A_2392, %swap3A_2393] : memref<1024x128xf32, #tpu.memory_space<vmem>>, vector<256x128xf32>
    tpu.vector_store %arg14[%swap3A_2392, %swap3A_2393], %min3A_2376 {strides = array<i32>} : memref<1024x128xf32, #tpu.memory_space<vmem>>, vector<256x128xf32>,
    %swap3A_2395 = arith.constant 768 : index
    %swap3A_2396 = arith.constant 0 : index
    %swap3A_2397 = vector.load %arg15[%swap3A_2395, %swap3A_2396] : memref<1024x128xf32, #tpu.memory_space<vmem>>, vector<256x128xf32>
    tpu.vector_store %arg15[%swap3A_2395, %swap3A_2396], %min3A_2385 {strides = array<i32>} : memref<1024x128xf32, #tpu.memory_space<vmem>>, vector<256x128xf32>,
    %get3A_2398 = arith.constant 768 : index
    %get3A_2399 = arith.constant 0 : index
    %get3A_2400 = vector.load %arg2[%get3A_2398, %get3A_2399] : memref<1024x128xf32, #tpu.memory_space<vmem>>, vector<256x128xf32>
    %get3A_2401 = arith.constant 768 : index
    %get3A_2402 = arith.constant 0 : index
    %get3A_2403 = vector.load %arg3[%get3A_2401, %get3A_2402] : memref<1024x128xf32, #tpu.memory_space<vmem>>, vector<256x128xf32>
    %max3A_2404 = arith.maximumf %get3A_2400, %get3A_2403 : vector<256x128xf32>
    %sub3A_2405 = arith.subf %get3A_2400, %max3A_2404 : vector<256x128xf32>
    %exp3A_2406 = math.exp %sub3A_2405 : vector<256x128xf32>
    %sub3A_2407 = arith.subf %get3A_2403, %max3A_2404 : vector<256x128xf32>
    %exp3A_2408 = math.exp %sub3A_2407 : vector<256x128xf32>
    %add3A_2409 = arith.addf %exp3A_2406, %exp3A_2408 : vector<256x128xf32>
    %div3A_2410 = arith.divf %exp3A_2406, %add3A_2409 : vector<256x128xf32>
    %sub3A_2411 = arith.subf %min3A_2376, %min3A_2358 : vector<256x128xf32>
    %add3A_2412 = arith.constant 1.000000e+00 : f32
    %add3A_2413 = vector.broadcast %add3A_2412 : f32 to vector<256x128xf32>
    %add3A_2414 = arith.addf %sub3A_2411, %add3A_2413 : vector<256x128xf32>
    %ge3A_2415 = vector.broadcast %mul3A_2329 : f32 to vector<256x128xf32>
    %ge3A_2416 = arith.cmpf oge, %add3A_2414, %ge3A_2415 : vector<256x128xf32>
    %sub3A_2417 = arith.subf %min3A_2385, %min3A_2367 : vector<256x128xf32>
    %add3A_2418 = arith.constant 1.000000e+00 : f32
    %add3A_2419 = vector.broadcast %add3A_2418 : f32 to vector<256x128xf32>
    %add3A_2420 = arith.addf %sub3A_2417, %add3A_2419 : vector<256x128xf32>
    %ge3A_2421 = vector.broadcast %mul3A_2324 : f32 to vector<256x128xf32>
    %ge3A_2422 = arith.cmpf oge, %add3A_2420, %ge3A_2421 : vector<256x128xf32>
    %and3A_2423 = arith.andi %ge3A_2416, %ge3A_2422 : vector<256x128xi1>
    %and3A_2424 = arith.andi %and3A_2423, %lt3A_39 : vector<256x128xi1>
    %jit3A_2425 = arith.constant -1.000000e+00 : f32
    %broadcast_in_dim3A_2426 = vector.broadcast %jit3A_2425 : f32 to vector<256x128xf32>
    %select_n3A_2427 = arith.select %and3A_2424, %div3A_2410, %broadcast_in_dim3A_2426 : vector<256x128xi1>, vector<256x128xf32>
    %bitcast_convert_type3A_2428 = tpu.bitcast %select_n3A_2427 : vector<256x128xf32> -> vector<256x128xi32>
    %ge3A_2429 = arith.constant 0 : i32
    %ge3A_2430 = vector.broadcast %ge3A_2429 : i32 to vector<256x128xi32>
    %ge3A_2431 = arith.cmpi sge, %bitcast_convert_type3A_2428, %ge3A_2430 : vector<256x128xi32>
    %convert_element_type3A_2432 = arith.extui %ge3A_2431 : vector<256x128xi1> to vector<256x128xi32>
    %reduce_sum3A_2433 = vector.shape_cast %convert_element_type3A_2432 : vector<256x128xi32> to vector<1x256x128xi32>
    %reduce_sum3A_2434 = arith.constant dense<0> : vector<1xi32>
    %reduce_sum3A_2435 = vector.multi_reduction <add>, %reduce_sum3A_2433, %reduce_sum3A_2434 [1, 2] : vector<1x256x128xi32> to vector<1xi32>
    %reduce_sum3A_2436 = vector.shape_cast %reduce_sum3A_2435 : vector<1xi32> to vector<1x1x1xi32>
    %reduce_sum3A_2437 = vector.extract %reduce_sum3A_2436[0, 0, 0] : i32 from vector<1x1x1xi32>
    %or3A_2438 = arith.constant 0 : i32
    %or3A_2439 = arith.constant 536870912 : i32
    %or3A_2440 = arith.ori %or3A_2438, %or3A_2439 : i32
    %ge3A_2441 = vector.broadcast %or3A_2440 : i32 to vector<256x128xi32>
    %ge3A_2442 = arith.cmpi sge, %bitcast_convert_type3A_2428, %ge3A_2441 : vector<256x128xi32>
    %convert_element_type3A_2443 = arith.extui %ge3A_2442 : vector<256x128xi1> to vector<256x128xi32>
    %reduce_sum3A_2444 = vector.shape_cast %convert_element_type3A_2443 : vector<256x128xi32> to vector<1x256x128xi32>
    %reduce_sum3A_2445 = arith.constant dense<0> : vector<1xi32>
    %reduce_sum3A_2446 = vector.multi_reduction <add>, %reduce_sum3A_2444, %reduce_sum3A_2445 [1, 2] : vector<1x256x128xi32> to vector<1xi32>
    %reduce_sum3A_2447 = vector.shape_cast %reduce_sum3A_2446 : vector<1xi32> to vector<1x1x1xi32>
    %reduce_sum3A_2448 = vector.extract %reduce_sum3A_2447[0, 0, 0] : i32 from vector<1x1x1xi32>
    %ge3A_2449 = arith.constant 6000 : i32
    %ge3A_2450 = arith.cmpi sge, %reduce_sum3A_2448, %ge3A_2449 : i32
    %jit3A_2451 = arith.constant 0 : i32
    %select_n3A_2452 = arith.select %ge3A_2450, %or3A_2440, %jit3A_2451 : i32
    %or3A_2453 = arith.constant 268435456 : i32
    %or3A_2454 = arith.ori %select_n3A_2452, %or3A_2453 : i32
    %ge3A_2455 = vector.broadcast %or3A_2454 : i32 to vector<256x128xi32>
    %ge3A_2456 = arith.cmpi sge, %bitcast_convert_type3A_2428, %ge3A_2455 : vector<256x128xi32>
    %convert_element_type3A_2457 = arith.extui %ge3A_2456 : vector<256x128xi1> to vector<256x128xi32>
    %reduce_sum3A_2458 = vector.shape_cast %convert_element_type3A_2457 : vector<256x128xi32> to vector<1x256x128xi32>
    %reduce_sum3A_2459 = arith.constant dense<0> : vector<1xi32>
    %reduce_sum3A_2460 = vector.multi_reduction <add>, %reduce_sum3A_2458, %reduce_sum3A_2459 [1, 2] : vector<1x256x128xi32> to vector<1xi32>
    %reduce_sum3A_2461 = vector.shape_cast %reduce_sum3A_2460 : vector<1xi32> to vector<1x1x1xi32>
    %reduce_sum3A_2462 = vector.extract %reduce_sum3A_2461[0, 0, 0] : i32 from vector<1x1x1xi32>
    %ge3A_2463 = arith.constant 6000 : i32
    %ge3A_2464 = arith.cmpi sge, %reduce_sum3A_2462, %ge3A_2463 : i32
    %select_n3A_2465 = arith.select %ge3A_2464, %or3A_2454, %select_n3A_2452 : i32
    %or3A_2466 = arith.constant 134217728 : i32
    %or3A_2467 = arith.ori %select_n3A_2465, %or3A_2466 : i32
    %ge3A_2468 = vector.broadcast %or3A_2467 : i32 to vector<256x128xi32>
    %ge3A_2469 = arith.cmpi sge, %bitcast_convert_type3A_2428, %ge3A_2468 : vector<256x128xi32>
    %convert_element_type3A_2470 = arith.extui %ge3A_2469 : vector<256x128xi1> to vector<256x128xi32>
    %reduce_sum3A_2471 = vector.shape_cast %convert_element_type3A_2470 : vector<256x128xi32> to vector<1x256x128xi32>
    %reduce_sum3A_2472 = arith.constant dense<0> : vector<1xi32>
    %reduce_sum3A_2473 = vector.multi_reduction <add>, %reduce_sum3A_2471, %reduce_sum3A_2472 [1, 2] : vector<1x256x128xi32> to vector<1xi32>
    %reduce_sum3A_2474 = vector.shape_cast %reduce_sum3A_2473 : vector<1xi32> to vector<1x1x1xi32>
    %reduce_sum3A_2475 = vector.extract %reduce_sum3A_2474[0, 0, 0] : i32 from vector<1x1x1xi32>
    %ge3A_2476 = arith.constant 6000 : i32
    %ge3A_2477 = arith.cmpi sge, %reduce_sum3A_2475, %ge3A_2476 : i32
    %select_n3A_2478 = arith.select %ge3A_2477, %or3A_2467, %select_n3A_2465 : i32
    %or3A_2479 = arith.constant 67108864 : i32
    %or3A_2480 = arith.ori %select_n3A_2478, %or3A_2479 : i32
    %ge3A_2481 = vector.broadcast %or3A_2480 : i32 to vector<256x128xi32>
    %ge3A_2482 = arith.cmpi sge, %bitcast_convert_type3A_2428, %ge3A_2481 : vector<256x128xi32>
    %convert_element_type3A_2483 = arith.extui %ge3A_2482 : vector<256x128xi1> to vector<256x128xi32>
    %reduce_sum3A_2484 = vector.shape_cast %convert_element_type3A_2483 : vector<256x128xi32> to vector<1x256x128xi32>
    %reduce_sum3A_2485 = arith.constant dense<0> : vector<1xi32>
    %reduce_sum3A_2486 = vector.multi_reduction <add>, %reduce_sum3A_2484, %reduce_sum3A_2485 [1, 2] : vector<1x256x128xi32> to vector<1xi32>
    %reduce_sum3A_2487 = vector.shape_cast %reduce_sum3A_2486 : vector<1xi32> to vector<1x1x1xi32>
    %reduce_sum3A_2488 = vector.extract %reduce_sum3A_2487[0, 0, 0] : i32 from vector<1x1x1xi32>
    %ge3A_2489 = arith.constant 6000 : i32
    %ge3A_2490 = arith.cmpi sge, %reduce_sum3A_2488, %ge3A_2489 : i32
    %select_n3A_2491 = arith.select %ge3A_2490, %or3A_2480, %select_n3A_2478 : i32
    %or3A_2492 = arith.constant 33554432 : i32
    %or3A_2493 = arith.ori %select_n3A_2491, %or3A_2492 : i32
    %ge3A_2494 = vector.broadcast %or3A_2493 : i32 to vector<256x128xi32>
    %ge3A_2495 = arith.cmpi sge, %bitcast_convert_type3A_2428, %ge3A_2494 : vector<256x128xi32>
    %convert_element_type3A_2496 = arith.extui %ge3A_2495 : vector<256x128xi1> to vector<256x128xi32>
    %reduce_sum3A_2497 = vector.shape_cast %convert_element_type3A_2496 : vector<256x128xi32> to vector<1x256x128xi32>
    %reduce_sum3A_2498 = arith.constant dense<0> : vector<1xi32>
    %reduce_sum3A_2499 = vector.multi_reduction <add>, %reduce_sum3A_2497, %reduce_sum3A_2498 [1, 2] : vector<1x256x128xi32> to vector<1xi32>
    %reduce_sum3A_2500 = vector.shape_cast %reduce_sum3A_2499 : vector<1xi32> to vector<1x1x1xi32>
    %reduce_sum3A_2501 = vector.extract %reduce_sum3A_2500[0, 0, 0] : i32 from vector<1x1x1xi32>
    %ge3A_2502 = arith.constant 6000 : i32
    %ge3A_2503 = arith.cmpi sge, %reduce_sum3A_2501, %ge3A_2502 : i32
    %select_n3A_2504 = arith.select %ge3A_2503, %or3A_2493, %select_n3A_2491 : i32
    %or3A_2505 = arith.constant 16777216 : i32
    %or3A_2506 = arith.ori %select_n3A_2504, %or3A_2505 : i32
    %ge3A_2507 = vector.broadcast %or3A_2506 : i32 to vector<256x128xi32>
    %ge3A_2508 = arith.cmpi sge, %bitcast_convert_type3A_2428, %ge3A_2507 : vector<256x128xi32>
    %convert_element_type3A_2509 = arith.extui %ge3A_2508 : vector<256x128xi1> to vector<256x128xi32>
    %reduce_sum3A_2510 = vector.shape_cast %convert_element_type3A_2509 : vector<256x128xi32> to vector<1x256x128xi32>
    %reduce_sum3A_2511 = arith.constant dense<0> : vector<1xi32>
    %reduce_sum3A_2512 = vector.multi_reduction <add>, %reduce_sum3A_2510, %reduce_sum3A_2511 [1, 2] : vector<1x256x128xi32> to vector<1xi32>
    %reduce_sum3A_2513 = vector.shape_cast %reduce_sum3A_2512 : vector<1xi32> to vector<1x1x1xi32>
    %reduce_sum3A_2514 = vector.extract %reduce_sum3A_2513[0, 0, 0] : i32 from vector<1x1x1xi32>
    %ge3A_2515 = arith.constant 6000 : i32
    %ge3A_2516 = arith.cmpi sge, %reduce_sum3A_2514, %ge3A_2515 : i32
    %select_n3A_2517 = arith.select %ge3A_2516, %or3A_2506, %select_n3A_2504 : i32
    %or3A_2518 = arith.constant 8388608 : i32
    %or3A_2519 = arith.ori %select_n3A_2517, %or3A_2518 : i32
    %ge3A_2520 = vector.broadcast %or3A_2519 : i32 to vector<256x128xi32>
    %ge3A_2521 = arith.cmpi sge, %bitcast_convert_type3A_2428, %ge3A_2520 : vector<256x128xi32>
    %convert_element_type3A_2522 = arith.extui %ge3A_2521 : vector<256x128xi1> to vector<256x128xi32>
    %reduce_sum3A_2523 = vector.shape_cast %convert_element_type3A_2522 : vector<256x128xi32> to vector<1x256x128xi32>
    %reduce_sum3A_2524 = arith.constant dense<0> : vector<1xi32>
    %reduce_sum3A_2525 = vector.multi_reduction <add>, %reduce_sum3A_2523, %reduce_sum3A_2524 [1, 2] : vector<1x256x128xi32> to vector<1xi32>
    %reduce_sum3A_2526 = vector.shape_cast %reduce_sum3A_2525 : vector<1xi32> to vector<1x1x1xi32>
    %reduce_sum3A_2527 = vector.extract %reduce_sum3A_2526[0, 0, 0] : i32 from vector<1x1x1xi32>
    %ge3A_2528 = arith.constant 6000 : i32
    %ge3A_2529 = arith.cmpi sge, %reduce_sum3A_2527, %ge3A_2528 : i32
    %select_n3A_2530 = arith.select %ge3A_2529, %or3A_2519, %select_n3A_2517 : i32
    %or3A_2531 = arith.constant 4194304 : i32
    %or3A_2532 = arith.ori %select_n3A_2530, %or3A_2531 : i32
    %ge3A_2533 = vector.broadcast %or3A_2532 : i32 to vector<256x128xi32>
    %ge3A_2534 = arith.cmpi sge, %bitcast_convert_type3A_2428, %ge3A_2533 : vector<256x128xi32>
    %convert_element_type3A_2535 = arith.extui %ge3A_2534 : vector<256x128xi1> to vector<256x128xi32>
    %reduce_sum3A_2536 = vector.shape_cast %convert_element_type3A_2535 : vector<256x128xi32> to vector<1x256x128xi32>
    %reduce_sum3A_2537 = arith.constant dense<0> : vector<1xi32>
    %reduce_sum3A_2538 = vector.multi_reduction <add>, %reduce_sum3A_2536, %reduce_sum3A_2537 [1, 2] : vector<1x256x128xi32> to vector<1xi32>
    %reduce_sum3A_2539 = vector.shape_cast %reduce_sum3A_2538 : vector<1xi32> to vector<1x1x1xi32>
    %reduce_sum3A_2540 = vector.extract %reduce_sum3A_2539[0, 0, 0] : i32 from vector<1x1x1xi32>
    %ge3A_2541 = arith.constant 6000 : i32
    %ge3A_2542 = arith.cmpi sge, %reduce_sum3A_2540, %ge3A_2541 : i32
    %select_n3A_2543 = arith.select %ge3A_2542, %or3A_2532, %select_n3A_2530 : i32
    %or3A_2544 = arith.constant 2097152 : i32
    %or3A_2545 = arith.ori %select_n3A_2543, %or3A_2544 : i32
    %ge3A_2546 = vector.broadcast %or3A_2545 : i32 to vector<256x128xi32>
    %ge3A_2547 = arith.cmpi sge, %bitcast_convert_type3A_2428, %ge3A_2546 : vector<256x128xi32>
    %convert_element_type3A_2548 = arith.extui %ge3A_2547 : vector<256x128xi1> to vector<256x128xi32>
    %reduce_sum3A_2549 = vector.shape_cast %convert_element_type3A_2548 : vector<256x128xi32> to vector<1x256x128xi32>
    %reduce_sum3A_2550 = arith.constant dense<0> : vector<1xi32>
    %reduce_sum3A_2551 = vector.multi_reduction <add>, %reduce_sum3A_2549, %reduce_sum3A_2550 [1, 2] : vector<1x256x128xi32> to vector<1xi32>
    %reduce_sum3A_2552 = vector.shape_cast %reduce_sum3A_2551 : vector<1xi32> to vector<1x1x1xi32>
    %reduce_sum3A_2553 = vector.extract %reduce_sum3A_2552[0, 0, 0] : i32 from vector<1x1x1xi32>
    %ge3A_2554 = arith.constant 6000 : i32
    %ge3A_2555 = arith.cmpi sge, %reduce_sum3A_2553, %ge3A_2554 : i32
    %select_n3A_2556 = arith.select %ge3A_2555, %or3A_2545, %select_n3A_2543 : i32
    %or3A_2557 = arith.constant 1048576 : i32
    %or3A_2558 = arith.ori %select_n3A_2556, %or3A_2557 : i32
    %ge3A_2559 = vector.broadcast %or3A_2558 : i32 to vector<256x128xi32>
    %ge3A_2560 = arith.cmpi sge, %bitcast_convert_type3A_2428, %ge3A_2559 : vector<256x128xi32>
    %convert_element_type3A_2561 = arith.extui %ge3A_2560 : vector<256x128xi1> to vector<256x128xi32>
    %reduce_sum3A_2562 = vector.shape_cast %convert_element_type3A_2561 : vector<256x128xi32> to vector<1x256x128xi32>
    %reduce_sum3A_2563 = arith.constant dense<0> : vector<1xi32>
    %reduce_sum3A_2564 = vector.multi_reduction <add>, %reduce_sum3A_2562, %reduce_sum3A_2563 [1, 2] : vector<1x256x128xi32> to vector<1xi32>
    %reduce_sum3A_2565 = vector.shape_cast %reduce_sum3A_2564 : vector<1xi32> to vector<1x1x1xi32>
    %reduce_sum3A_2566 = vector.extract %reduce_sum3A_2565[0, 0, 0] : i32 from vector<1x1x1xi32>
    %ge3A_2567 = arith.constant 6000 : i32
    %ge3A_2568 = arith.cmpi sge, %reduce_sum3A_2566, %ge3A_2567 : i32
    %select_n3A_2569 = arith.select %ge3A_2568, %or3A_2558, %select_n3A_2556 : i32
    %or3A_2570 = arith.constant 524288 : i32
    %or3A_2571 = arith.ori %select_n3A_2569, %or3A_2570 : i32
    %ge3A_2572 = vector.broadcast %or3A_2571 : i32 to vector<256x128xi32>
    %ge3A_2573 = arith.cmpi sge, %bitcast_convert_type3A_2428, %ge3A_2572 : vector<256x128xi32>
    %convert_element_type3A_2574 = arith.extui %ge3A_2573 : vector<256x128xi1> to vector<256x128xi32>
    %reduce_sum3A_2575 = vector.shape_cast %convert_element_type3A_2574 : vector<256x128xi32> to vector<1x256x128xi32>
    %reduce_sum3A_2576 = arith.constant dense<0> : vector<1xi32>
    %reduce_sum3A_2577 = vector.multi_reduction <add>, %reduce_sum3A_2575, %reduce_sum3A_2576 [1, 2] : vector<1x256x128xi32> to vector<1xi32>
    %reduce_sum3A_2578 = vector.shape_cast %reduce_sum3A_2577 : vector<1xi32> to vector<1x1x1xi32>
    %reduce_sum3A_2579 = vector.extract %reduce_sum3A_2578[0, 0, 0] : i32 from vector<1x1x1xi32>
    %ge3A_2580 = arith.constant 6000 : i32
    %ge3A_2581 = arith.cmpi sge, %reduce_sum3A_2579, %ge3A_2580 : i32
    %select_n3A_2582 = arith.select %ge3A_2581, %or3A_2571, %select_n3A_2569 : i32
    %or3A_2583 = arith.constant 262144 : i32
    %or3A_2584 = arith.ori %select_n3A_2582, %or3A_2583 : i32
    %ge3A_2585 = vector.broadcast %or3A_2584 : i32 to vector<256x128xi32>
    %ge3A_2586 = arith.cmpi sge, %bitcast_convert_type3A_2428, %ge3A_2585 : vector<256x128xi32>
    %convert_element_type3A_2587 = arith.extui %ge3A_2586 : vector<256x128xi1> to vector<256x128xi32>
    %reduce_sum3A_2588 = vector.shape_cast %convert_element_type3A_2587 : vector<256x128xi32> to vector<1x256x128xi32>
    %reduce_sum3A_2589 = arith.constant dense<0> : vector<1xi32>
    %reduce_sum3A_2590 = vector.multi_reduction <add>, %reduce_sum3A_2588, %reduce_sum3A_2589 [1, 2] : vector<1x256x128xi32> to vector<1xi32>
    %reduce_sum3A_2591 = vector.shape_cast %reduce_sum3A_2590 : vector<1xi32> to vector<1x1x1xi32>
    %reduce_sum3A_2592 = vector.extract %reduce_sum3A_2591[0, 0, 0] : i32 from vector<1x1x1xi32>
    %ge3A_2593 = arith.constant 6000 : i32
    %ge3A_2594 = arith.cmpi sge, %reduce_sum3A_2592, %ge3A_2593 : i32
    %select_n3A_2595 = arith.select %ge3A_2594, %or3A_2584, %select_n3A_2582 : i32
    %or3A_2596 = arith.constant 131072 : i32
    %or3A_2597 = arith.ori %select_n3A_2595, %or3A_2596 : i32
    %ge3A_2598 = vector.broadcast %or3A_2597 : i32 to vector<256x128xi32>
    %ge3A_2599 = arith.cmpi sge, %bitcast_convert_type3A_2428, %ge3A_2598 : vector<256x128xi32>
    %convert_element_type3A_2600 = arith.extui %ge3A_2599 : vector<256x128xi1> to vector<256x128xi32>
    %reduce_sum3A_2601 = vector.shape_cast %convert_element_type3A_2600 : vector<256x128xi32> to vector<1x256x128xi32>
    %reduce_sum3A_2602 = arith.constant dense<0> : vector<1xi32>
    %reduce_sum3A_2603 = vector.multi_reduction <add>, %reduce_sum3A_2601, %reduce_sum3A_2602 [1, 2] : vector<1x256x128xi32> to vector<1xi32>
    %reduce_sum3A_2604 = vector.shape_cast %reduce_sum3A_2603 : vector<1xi32> to vector<1x1x1xi32>
    %reduce_sum3A_2605 = vector.extract %reduce_sum3A_2604[0, 0, 0] : i32 from vector<1x1x1xi32>
    %ge3A_2606 = arith.constant 6000 : i32
    %ge3A_2607 = arith.cmpi sge, %reduce_sum3A_2605, %ge3A_2606 : i32
    %select_n3A_2608 = arith.select %ge3A_2607, %or3A_2597, %select_n3A_2595 : i32
    %or3A_2609 = arith.constant 65536 : i32
    %or3A_2610 = arith.ori %select_n3A_2608, %or3A_2609 : i32
    %ge3A_2611 = vector.broadcast %or3A_2610 : i32 to vector<256x128xi32>
    %ge3A_2612 = arith.cmpi sge, %bitcast_convert_type3A_2428, %ge3A_2611 : vector<256x128xi32>
    %convert_element_type3A_2613 = arith.extui %ge3A_2612 : vector<256x128xi1> to vector<256x128xi32>
    %reduce_sum3A_2614 = vector.shape_cast %convert_element_type3A_2613 : vector<256x128xi32> to vector<1x256x128xi32>
    %reduce_sum3A_2615 = arith.constant dense<0> : vector<1xi32>
    %reduce_sum3A_2616 = vector.multi_reduction <add>, %reduce_sum3A_2614, %reduce_sum3A_2615 [1, 2] : vector<1x256x128xi32> to vector<1xi32>
    %reduce_sum3A_2617 = vector.shape_cast %reduce_sum3A_2616 : vector<1xi32> to vector<1x1x1xi32>
    %reduce_sum3A_2618 = vector.extract %reduce_sum3A_2617[0, 0, 0] : i32 from vector<1x1x1xi32>
    %ge3A_2619 = arith.constant 6000 : i32
    %ge3A_2620 = arith.cmpi sge, %reduce_sum3A_2618, %ge3A_2619 : i32
    %select_n3A_2621 = arith.select %ge3A_2620, %or3A_2610, %select_n3A_2608 : i32
    %or3A_2622 = arith.constant 32768 : i32
    %or3A_2623 = arith.ori %select_n3A_2621, %or3A_2622 : i32
    %ge3A_2624 = vector.broadcast %or3A_2623 : i32 to vector<256x128xi32>
    %ge3A_2625 = arith.cmpi sge, %bitcast_convert_type3A_2428, %ge3A_2624 : vector<256x128xi32>
    %convert_element_type3A_2626 = arith.extui %ge3A_2625 : vector<256x128xi1> to vector<256x128xi32>
    %reduce_sum3A_2627 = vector.shape_cast %convert_element_type3A_2626 : vector<256x128xi32> to vector<1x256x128xi32>
    %reduce_sum3A_2628 = arith.constant dense<0> : vector<1xi32>
    %reduce_sum3A_2629 = vector.multi_reduction <add>, %reduce_sum3A_2627, %reduce_sum3A_2628 [1, 2] : vector<1x256x128xi32> to vector<1xi32>
    %reduce_sum3A_2630 = vector.shape_cast %reduce_sum3A_2629 : vector<1xi32> to vector<1x1x1xi32>
    %reduce_sum3A_2631 = vector.extract %reduce_sum3A_2630[0, 0, 0] : i32 from vector<1x1x1xi32>
    %ge3A_2632 = arith.constant 6000 : i32
    %ge3A_2633 = arith.cmpi sge, %reduce_sum3A_2631, %ge3A_2632 : i32
    %select_n3A_2634 = arith.select %ge3A_2633, %or3A_2623, %select_n3A_2621 : i32
    %or3A_2635 = arith.constant 16384 : i32
    %or3A_2636 = arith.ori %select_n3A_2634, %or3A_2635 : i32
    %ge3A_2637 = vector.broadcast %or3A_2636 : i32 to vector<256x128xi32>
    %ge3A_2638 = arith.cmpi sge, %bitcast_convert_type3A_2428, %ge3A_2637 : vector<256x128xi32>
    %convert_element_type3A_2639 = arith.extui %ge3A_2638 : vector<256x128xi1> to vector<256x128xi32>
    %reduce_sum3A_2640 = vector.shape_cast %convert_element_type3A_2639 : vector<256x128xi32> to vector<1x256x128xi32>
    %reduce_sum3A_2641 = arith.constant dense<0> : vector<1xi32>
    %reduce_sum3A_2642 = vector.multi_reduction <add>, %reduce_sum3A_2640, %reduce_sum3A_2641 [1, 2] : vector<1x256x128xi32> to vector<1xi32>
    %reduce_sum3A_2643 = vector.shape_cast %reduce_sum3A_2642 : vector<1xi32> to vector<1x1x1xi32>
    %reduce_sum3A_2644 = vector.extract %reduce_sum3A_2643[0, 0, 0] : i32 from vector<1x1x1xi32>
    %ge3A_2645 = arith.constant 6000 : i32
    %ge3A_2646 = arith.cmpi sge, %reduce_sum3A_2644, %ge3A_2645 : i32
    %select_n3A_2647 = arith.select %ge3A_2646, %or3A_2636, %select_n3A_2634 : i32
    %or3A_2648 = arith.constant 8192 : i32
    %or3A_2649 = arith.ori %select_n3A_2647, %or3A_2648 : i32
    %ge3A_2650 = vector.broadcast %or3A_2649 : i32 to vector<256x128xi32>
    %ge3A_2651 = arith.cmpi sge, %bitcast_convert_type3A_2428, %ge3A_2650 : vector<256x128xi32>
    %convert_element_type3A_2652 = arith.extui %ge3A_2651 : vector<256x128xi1> to vector<256x128xi32>
    %reduce_sum3A_2653 = vector.shape_cast %convert_element_type3A_2652 : vector<256x128xi32> to vector<1x256x128xi32>
    %reduce_sum3A_2654 = arith.constant dense<0> : vector<1xi32>
    %reduce_sum3A_2655 = vector.multi_reduction <add>, %reduce_sum3A_2653, %reduce_sum3A_2654 [1, 2] : vector<1x256x128xi32> to vector<1xi32>
    %reduce_sum3A_2656 = vector.shape_cast %reduce_sum3A_2655 : vector<1xi32> to vector<1x1x1xi32>
    %reduce_sum3A_2657 = vector.extract %reduce_sum3A_2656[0, 0, 0] : i32 from vector<1x1x1xi32>
    %ge3A_2658 = arith.constant 6000 : i32
    %ge3A_2659 = arith.cmpi sge, %reduce_sum3A_2657, %ge3A_2658 : i32
    %select_n3A_2660 = arith.select %ge3A_2659, %or3A_2649, %select_n3A_2647 : i32
    %or3A_2661 = arith.constant 4096 : i32
    %or3A_2662 = arith.ori %select_n3A_2660, %or3A_2661 : i32
    %ge3A_2663 = vector.broadcast %or3A_2662 : i32 to vector<256x128xi32>
    %ge3A_2664 = arith.cmpi sge, %bitcast_convert_type3A_2428, %ge3A_2663 : vector<256x128xi32>
    %convert_element_type3A_2665 = arith.extui %ge3A_2664 : vector<256x128xi1> to vector<256x128xi32>
    %reduce_sum3A_2666 = vector.shape_cast %convert_element_type3A_2665 : vector<256x128xi32> to vector<1x256x128xi32>
    %reduce_sum3A_2667 = arith.constant dense<0> : vector<1xi32>
    %reduce_sum3A_2668 = vector.multi_reduction <add>, %reduce_sum3A_2666, %reduce_sum3A_2667 [1, 2] : vector<1x256x128xi32> to vector<1xi32>
    %reduce_sum3A_2669 = vector.shape_cast %reduce_sum3A_2668 : vector<1xi32> to vector<1x1x1xi32>
    %reduce_sum3A_2670 = vector.extract %reduce_sum3A_2669[0, 0, 0] : i32 from vector<1x1x1xi32>
    %ge3A_2671 = arith.constant 6000 : i32
    %ge3A_2672 = arith.cmpi sge, %reduce_sum3A_2670, %ge3A_2671 : i32
    %select_n3A_2673 = arith.select %ge3A_2672, %or3A_2662, %select_n3A_2660 : i32
    %or3A_2674 = arith.constant 2048 : i32
    %or3A_2675 = arith.ori %select_n3A_2673, %or3A_2674 : i32
    %ge3A_2676 = vector.broadcast %or3A_2675 : i32 to vector<256x128xi32>
    %ge3A_2677 = arith.cmpi sge, %bitcast_convert_type3A_2428, %ge3A_2676 : vector<256x128xi32>
    %convert_element_type3A_2678 = arith.extui %ge3A_2677 : vector<256x128xi1> to vector<256x128xi32>
    %reduce_sum3A_2679 = vector.shape_cast %convert_element_type3A_2678 : vector<256x128xi32> to vector<1x256x128xi32>
    %reduce_sum3A_2680 = arith.constant dense<0> : vector<1xi32>
    %reduce_sum3A_2681 = vector.multi_reduction <add>, %reduce_sum3A_2679, %reduce_sum3A_2680 [1, 2] : vector<1x256x128xi32> to vector<1xi32>
    %reduce_sum3A_2682 = vector.shape_cast %reduce_sum3A_2681 : vector<1xi32> to vector<1x1x1xi32>
    %reduce_sum3A_2683 = vector.extract %reduce_sum3A_2682[0, 0, 0] : i32 from vector<1x1x1xi32>
    %ge3A_2684 = arith.constant 6000 : i32
    %ge3A_2685 = arith.cmpi sge, %reduce_sum3A_2683, %ge3A_2684 : i32
    %select_n3A_2686 = arith.select %ge3A_2685, %or3A_2675, %select_n3A_2673 : i32
    %or3A_2687 = arith.constant 1024 : i32
    %or3A_2688 = arith.ori %select_n3A_2686, %or3A_2687 : i32
    %ge3A_2689 = vector.broadcast %or3A_2688 : i32 to vector<256x128xi32>
    %ge3A_2690 = arith.cmpi sge, %bitcast_convert_type3A_2428, %ge3A_2689 : vector<256x128xi32>
    %convert_element_type3A_2691 = arith.extui %ge3A_2690 : vector<256x128xi1> to vector<256x128xi32>
    %reduce_sum3A_2692 = vector.shape_cast %convert_element_type3A_2691 : vector<256x128xi32> to vector<1x256x128xi32>
    %reduce_sum3A_2693 = arith.constant dense<0> : vector<1xi32>
    %reduce_sum3A_2694 = vector.multi_reduction <add>, %reduce_sum3A_2692, %reduce_sum3A_2693 [1, 2] : vector<1x256x128xi32> to vector<1xi32>
    %reduce_sum3A_2695 = vector.shape_cast %reduce_sum3A_2694 : vector<1xi32> to vector<1x1x1xi32>
    %reduce_sum3A_2696 = vector.extract %reduce_sum3A_2695[0, 0, 0] : i32 from vector<1x1x1xi32>
    %ge3A_2697 = arith.constant 6000 : i32
    %ge3A_2698 = arith.cmpi sge, %reduce_sum3A_2696, %ge3A_2697 : i32
    %select_n3A_2699 = arith.select %ge3A_2698, %or3A_2688, %select_n3A_2686 : i32
    %or3A_2700 = arith.constant 512 : i32
    %or3A_2701 = arith.ori %select_n3A_2699, %or3A_2700 : i32
    %ge3A_2702 = vector.broadcast %or3A_2701 : i32 to vector<256x128xi32>
    %ge3A_2703 = arith.cmpi sge, %bitcast_convert_type3A_2428, %ge3A_2702 : vector<256x128xi32>
    %convert_element_type3A_2704 = arith.extui %ge3A_2703 : vector<256x128xi1> to vector<256x128xi32>
    %reduce_sum3A_2705 = vector.shape_cast %convert_element_type3A_2704 : vector<256x128xi32> to vector<1x256x128xi32>
    %reduce_sum3A_2706 = arith.constant dense<0> : vector<1xi32>
    %reduce_sum3A_2707 = vector.multi_reduction <add>, %reduce_sum3A_2705, %reduce_sum3A_2706 [1, 2] : vector<1x256x128xi32> to vector<1xi32>
    %reduce_sum3A_2708 = vector.shape_cast %reduce_sum3A_2707 : vector<1xi32> to vector<1x1x1xi32>
    %reduce_sum3A_2709 = vector.extract %reduce_sum3A_2708[0, 0, 0] : i32 from vector<1x1x1xi32>
    %ge3A_2710 = arith.constant 6000 : i32
    %ge3A_2711 = arith.cmpi sge, %reduce_sum3A_2709, %ge3A_2710 : i32
    %select_n3A_2712 = arith.select %ge3A_2711, %or3A_2701, %select_n3A_2699 : i32
    %or3A_2713 = arith.constant 256 : i32
    %or3A_2714 = arith.ori %select_n3A_2712, %or3A_2713 : i32
    %ge3A_2715 = vector.broadcast %or3A_2714 : i32 to vector<256x128xi32>
    %ge3A_2716 = arith.cmpi sge, %bitcast_convert_type3A_2428, %ge3A_2715 : vector<256x128xi32>
    %convert_element_type3A_2717 = arith.extui %ge3A_2716 : vector<256x128xi1> to vector<256x128xi32>
    %reduce_sum3A_2718 = vector.shape_cast %convert_element_type3A_2717 : vector<256x128xi32> to vector<1x256x128xi32>
    %reduce_sum3A_2719 = arith.constant dense<0> : vector<1xi32>
    %reduce_sum3A_2720 = vector.multi_reduction <add>, %reduce_sum3A_2718, %reduce_sum3A_2719 [1, 2] : vector<1x256x128xi32> to vector<1xi32>
    %reduce_sum3A_2721 = vector.shape_cast %reduce_sum3A_2720 : vector<1xi32> to vector<1x1x1xi32>
    %reduce_sum3A_2722 = vector.extract %reduce_sum3A_2721[0, 0, 0] : i32 from vector<1x1x1xi32>
    %ge3A_2723 = arith.constant 6000 : i32
    %ge3A_2724 = arith.cmpi sge, %reduce_sum3A_2722, %ge3A_2723 : i32
    %select_n3A_2725 = arith.select %ge3A_2724, %or3A_2714, %select_n3A_2712 : i32
    %or3A_2726 = arith.constant 128 : i32
    %or3A_2727 = arith.ori %select_n3A_2725, %or3A_2726 : i32
    %ge3A_2728 = vector.broadcast %or3A_2727 : i32 to vector<256x128xi32>
    %ge3A_2729 = arith.cmpi sge, %bitcast_convert_type3A_2428, %ge3A_2728 : vector<256x128xi32>
    %convert_element_type3A_2730 = arith.extui %ge3A_2729 : vector<256x128xi1> to vector<256x128xi32>
    %reduce_sum3A_2731 = vector.shape_cast %convert_element_type3A_2730 : vector<256x128xi32> to vector<1x256x128xi32>
    %reduce_sum3A_2732 = arith.constant dense<0> : vector<1xi32>
    %reduce_sum3A_2733 = vector.multi_reduction <add>, %reduce_sum3A_2731, %reduce_sum3A_2732 [1, 2] : vector<1x256x128xi32> to vector<1xi32>
    %reduce_sum3A_2734 = vector.shape_cast %reduce_sum3A_2733 : vector<1xi32> to vector<1x1x1xi32>
    %reduce_sum3A_2735 = vector.extract %reduce_sum3A_2734[0, 0, 0] : i32 from vector<1x1x1xi32>
    %ge3A_2736 = arith.constant 6000 : i32
    %ge3A_2737 = arith.cmpi sge, %reduce_sum3A_2735, %ge3A_2736 : i32
    %select_n3A_2738 = arith.select %ge3A_2737, %or3A_2727, %select_n3A_2725 : i32
    %or3A_2739 = arith.constant 64 : i32
    %or3A_2740 = arith.ori %select_n3A_2738, %or3A_2739 : i32
    %ge3A_2741 = vector.broadcast %or3A_2740 : i32 to vector<256x128xi32>
    %ge3A_2742 = arith.cmpi sge, %bitcast_convert_type3A_2428, %ge3A_2741 : vector<256x128xi32>
    %convert_element_type3A_2743 = arith.extui %ge3A_2742 : vector<256x128xi1> to vector<256x128xi32>
    %reduce_sum3A_2744 = vector.shape_cast %convert_element_type3A_2743 : vector<256x128xi32> to vector<1x256x128xi32>
    %reduce_sum3A_2745 = arith.constant dense<0> : vector<1xi32>
    %reduce_sum3A_2746 = vector.multi_reduction <add>, %reduce_sum3A_2744, %reduce_sum3A_2745 [1, 2] : vector<1x256x128xi32> to vector<1xi32>
    %reduce_sum3A_2747 = vector.shape_cast %reduce_sum3A_2746 : vector<1xi32> to vector<1x1x1xi32>
    %reduce_sum3A_2748 = vector.extract %reduce_sum3A_2747[0, 0, 0] : i32 from vector<1x1x1xi32>
    %ge3A_2749 = arith.constant 6000 : i32
    %ge3A_2750 = arith.cmpi sge, %reduce_sum3A_2748, %ge3A_2749 : i32
    %select_n3A_2751 = arith.select %ge3A_2750, %or3A_2740, %select_n3A_2738 : i32
    %or3A_2752 = arith.constant 32 : i32
    %or3A_2753 = arith.ori %select_n3A_2751, %or3A_2752 : i32
    %ge3A_2754 = vector.broadcast %or3A_2753 : i32 to vector<256x128xi32>
    %ge3A_2755 = arith.cmpi sge, %bitcast_convert_type3A_2428, %ge3A_2754 : vector<256x128xi32>
    %convert_element_type3A_2756 = arith.extui %ge3A_2755 : vector<256x128xi1> to vector<256x128xi32>
    %reduce_sum3A_2757 = vector.shape_cast %convert_element_type3A_2756 : vector<256x128xi32> to vector<1x256x128xi32>
    %reduce_sum3A_2758 = arith.constant dense<0> : vector<1xi32>
    %reduce_sum3A_2759 = vector.multi_reduction <add>, %reduce_sum3A_2757, %reduce_sum3A_2758 [1, 2] : vector<1x256x128xi32> to vector<1xi32>
    %reduce_sum3A_2760 = vector.shape_cast %reduce_sum3A_2759 : vector<1xi32> to vector<1x1x1xi32>
    %reduce_sum3A_2761 = vector.extract %reduce_sum3A_2760[0, 0, 0] : i32 from vector<1x1x1xi32>
    %ge3A_2762 = arith.constant 6000 : i32
    %ge3A_2763 = arith.cmpi sge, %reduce_sum3A_2761, %ge3A_2762 : i32
    %select_n3A_2764 = arith.select %ge3A_2763, %or3A_2753, %select_n3A_2751 : i32
    %or3A_2765 = arith.constant 16 : i32
    %or3A_2766 = arith.ori %select_n3A_2764, %or3A_2765 : i32
    %ge3A_2767 = vector.broadcast %or3A_2766 : i32 to vector<256x128xi32>
    %ge3A_2768 = arith.cmpi sge, %bitcast_convert_type3A_2428, %ge3A_2767 : vector<256x128xi32>
    %convert_element_type3A_2769 = arith.extui %ge3A_2768 : vector<256x128xi1> to vector<256x128xi32>
    %reduce_sum3A_2770 = vector.shape_cast %convert_element_type3A_2769 : vector<256x128xi32> to vector<1x256x128xi32>
    %reduce_sum3A_2771 = arith.constant dense<0> : vector<1xi32>
    %reduce_sum3A_2772 = vector.multi_reduction <add>, %reduce_sum3A_2770, %reduce_sum3A_2771 [1, 2] : vector<1x256x128xi32> to vector<1xi32>
    %reduce_sum3A_2773 = vector.shape_cast %reduce_sum3A_2772 : vector<1xi32> to vector<1x1x1xi32>
    %reduce_sum3A_2774 = vector.extract %reduce_sum3A_2773[0, 0, 0] : i32 from vector<1x1x1xi32>
    %ge3A_2775 = arith.constant 6000 : i32
    %ge3A_2776 = arith.cmpi sge, %reduce_sum3A_2774, %ge3A_2775 : i32
    %select_n3A_2777 = arith.select %ge3A_2776, %or3A_2766, %select_n3A_2764 : i32
    %or3A_2778 = arith.constant 8 : i32
    %or3A_2779 = arith.ori %select_n3A_2777, %or3A_2778 : i32
    %ge3A_2780 = vector.broadcast %or3A_2779 : i32 to vector<256x128xi32>
    %ge3A_2781 = arith.cmpi sge, %bitcast_convert_type3A_2428, %ge3A_2780 : vector<256x128xi32>
    %convert_element_type3A_2782 = arith.extui %ge3A_2781 : vector<256x128xi1> to vector<256x128xi32>
    %reduce_sum3A_2783 = vector.shape_cast %convert_element_type3A_2782 : vector<256x128xi32> to vector<1x256x128xi32>
    %reduce_sum3A_2784 = arith.constant dense<0> : vector<1xi32>
    %reduce_sum3A_2785 = vector.multi_reduction <add>, %reduce_sum3A_2783, %reduce_sum3A_2784 [1, 2] : vector<1x256x128xi32> to vector<1xi32>
    %reduce_sum3A_2786 = vector.shape_cast %reduce_sum3A_2785 : vector<1xi32> to vector<1x1x1xi32>
    %reduce_sum3A_2787 = vector.extract %reduce_sum3A_2786[0, 0, 0] : i32 from vector<1x1x1xi32>
    %ge3A_2788 = arith.constant 6000 : i32
    %ge3A_2789 = arith.cmpi sge, %reduce_sum3A_2787, %ge3A_2788 : i32
    %select_n3A_2790 = arith.select %ge3A_2789, %or3A_2779, %select_n3A_2777 : i32
    %or3A_2791 = arith.constant 4 : i32
    %or3A_2792 = arith.ori %select_n3A_2790, %or3A_2791 : i32
    %ge3A_2793 = vector.broadcast %or3A_2792 : i32 to vector<256x128xi32>
    %ge3A_2794 = arith.cmpi sge, %bitcast_convert_type3A_2428, %ge3A_2793 : vector<256x128xi32>
    %convert_element_type3A_2795 = arith.extui %ge3A_2794 : vector<256x128xi1> to vector<256x128xi32>
    %reduce_sum3A_2796 = vector.shape_cast %convert_element_type3A_2795 : vector<256x128xi32> to vector<1x256x128xi32>
    %reduce_sum3A_2797 = arith.constant dense<0> : vector<1xi32>
    %reduce_sum3A_2798 = vector.multi_reduction <add>, %reduce_sum3A_2796, %reduce_sum3A_2797 [1, 2] : vector<1x256x128xi32> to vector<1xi32>
    %reduce_sum3A_2799 = vector.shape_cast %reduce_sum3A_2798 : vector<1xi32> to vector<1x1x1xi32>
    %reduce_sum3A_2800 = vector.extract %reduce_sum3A_2799[0, 0, 0] : i32 from vector<1x1x1xi32>
    %ge3A_2801 = arith.constant 6000 : i32
    %ge3A_2802 = arith.cmpi sge, %reduce_sum3A_2800, %ge3A_2801 : i32
    %select_n3A_2803 = arith.select %ge3A_2802, %or3A_2792, %select_n3A_2790 : i32
    %or3A_2804 = arith.constant 2 : i32
    %or3A_2805 = arith.ori %select_n3A_2803, %or3A_2804 : i32
    %ge3A_2806 = vector.broadcast %or3A_2805 : i32 to vector<256x128xi32>
    %ge3A_2807 = arith.cmpi sge, %bitcast_convert_type3A_2428, %ge3A_2806 : vector<256x128xi32>
    %convert_element_type3A_2808 = arith.extui %ge3A_2807 : vector<256x128xi1> to vector<256x128xi32>
    %reduce_sum3A_2809 = vector.shape_cast %convert_element_type3A_2808 : vector<256x128xi32> to vector<1x256x128xi32>
    %reduce_sum3A_2810 = arith.constant dense<0> : vector<1xi32>
    %reduce_sum3A_2811 = vector.multi_reduction <add>, %reduce_sum3A_2809, %reduce_sum3A_2810 [1, 2] : vector<1x256x128xi32> to vector<1xi32>
    %reduce_sum3A_2812 = vector.shape_cast %reduce_sum3A_2811 : vector<1xi32> to vector<1x1x1xi32>
    %reduce_sum3A_2813 = vector.extract %reduce_sum3A_2812[0, 0, 0] : i32 from vector<1x1x1xi32>
    %ge3A_2814 = arith.constant 6000 : i32
    %ge3A_2815 = arith.cmpi sge, %reduce_sum3A_2813, %ge3A_2814 : i32
    %select_n3A_2816 = arith.select %ge3A_2815, %or3A_2805, %select_n3A_2803 : i32
    %or3A_2817 = arith.constant 1 : i32
    %or3A_2818 = arith.ori %select_n3A_2816, %or3A_2817 : i32
    %ge3A_2819 = vector.broadcast %or3A_2818 : i32 to vector<256x128xi32>
    %ge3A_2820 = arith.cmpi sge, %bitcast_convert_type3A_2428, %ge3A_2819 : vector<256x128xi32>
    %convert_element_type3A_2821 = arith.extui %ge3A_2820 : vector<256x128xi1> to vector<256x128xi32>
    %reduce_sum3A_2822 = vector.shape_cast %convert_element_type3A_2821 : vector<256x128xi32> to vector<1x256x128xi32>
    %reduce_sum3A_2823 = arith.constant dense<0> : vector<1xi32>
    %reduce_sum3A_2824 = vector.multi_reduction <add>, %reduce_sum3A_2822, %reduce_sum3A_2823 [1, 2] : vector<1x256x128xi32> to vector<1xi32>
    %reduce_sum3A_2825 = vector.shape_cast %reduce_sum3A_2824 : vector<1xi32> to vector<1x1x1xi32>
    %reduce_sum3A_2826 = vector.extract %reduce_sum3A_2825[0, 0, 0] : i32 from vector<1x1x1xi32>
    %ge3A_2827 = arith.constant 6000 : i32
    %ge3A_2828 = arith.cmpi sge, %reduce_sum3A_2826, %ge3A_2827 : i32
    %select_n3A_2829 = arith.select %ge3A_2828, %or3A_2818, %select_n3A_2816 : i32
    %gt3A_2830 = vector.broadcast %select_n3A_2829 : i32 to vector<256x128xi32>
    %gt3A_2831 = arith.cmpi sgt, %bitcast_convert_type3A_2428, %gt3A_2830 : vector<256x128xi32>
    %convert_element_type3A_2832 = arith.extui %gt3A_2831 : vector<256x128xi1> to vector<256x128xi32>
    %reduce_sum3A_2833 = vector.shape_cast %convert_element_type3A_2832 : vector<256x128xi32> to vector<1x256x128xi32>
    %reduce_sum3A_2834 = arith.constant dense<0> : vector<1xi32>
    %reduce_sum3A_2835 = vector.multi_reduction <add>, %reduce_sum3A_2833, %reduce_sum3A_2834 [1, 2] : vector<1x256x128xi32> to vector<1xi32>
    %reduce_sum3A_2836 = vector.shape_cast %reduce_sum3A_2835 : vector<1xi32> to vector<1x1x1xi32>
    %reduce_sum3A_2837 = vector.extract %reduce_sum3A_2836[0, 0, 0] : i32 from vector<1x1x1xi32>
    %sub3A_2838 = arith.constant 6000 : i32
    %sub3A_2839 = arith.subi %sub3A_2838, %reduce_sum3A_2837 : i32
    %eq3A_2840 = vector.broadcast %select_n3A_2829 : i32 to vector<256x128xi32>
    %eq3A_2841 = arith.cmpi eq, %bitcast_convert_type3A_2428, %eq3A_2840 : vector<256x128xi32>
    %convert_element_type3A_2842 = arith.extui %eq3A_2841 : vector<256x128xi1> to vector<256x128xi32>
    %broadcast_in_dim3A_2843 = arith.constant 0 : i32
    %broadcast_in_dim3A_2844 = vector.broadcast %broadcast_in_dim3A_2843 : i32 to vector<256x1xi32>
    %slice3A_2845 = vector.extract_strided_slice %convert_element_type3A_2842 {offsets = [0, 0], sizes = [256, 127], strides = [1, 1]} : vector<256x128xi32> to vector<256x127xi32>
    %concatenate3A_2846 = tpu.concatenate %broadcast_in_dim3A_2844, %slice3A_2845 in 1 : vector<256x1xi32>, vector<256x127xi32> -> vector<256x128xi32>
    %add3A_2847 = arith.addi %convert_element_type3A_2842, %concatenate3A_2846 : vector<256x128xi32>
    %broadcast_in_dim3A_2848 = arith.constant 0 : i32
    %broadcast_in_dim3A_2849 = vector.broadcast %broadcast_in_dim3A_2848 : i32 to vector<256x2xi32>
    %slice3A_2850 = vector.extract_strided_slice %add3A_2847 {offsets = [0, 0], sizes = [256, 126], strides = [1, 1]} : vector<256x128xi32> to vector<256x126xi32>
    %concatenate3A_2851 = tpu.concatenate %broadcast_in_dim3A_2849, %slice3A_2850 in 1 : vector<256x2xi32>, vector<256x126xi32> -> vector<256x128xi32>
    %add3A_2852 = arith.addi %add3A_2847, %concatenate3A_2851 : vector<256x128xi32>
    %broadcast_in_dim3A_2853 = arith.constant 0 : i32
    %broadcast_in_dim3A_2854 = vector.broadcast %broadcast_in_dim3A_2853 : i32 to vector<256x4xi32>
    %slice3A_2855 = vector.extract_strided_slice %add3A_2852 {offsets = [0, 0], sizes = [256, 124], strides = [1, 1]} : vector<256x128xi32> to vector<256x124xi32>
    %concatenate3A_2856 = tpu.concatenate %broadcast_in_dim3A_2854, %slice3A_2855 in 1 : vector<256x4xi32>, vector<256x124xi32> -> vector<256x128xi32>
    %add3A_2857 = arith.addi %add3A_2852, %concatenate3A_2856 : vector<256x128xi32>
    %broadcast_in_dim3A_2858 = arith.constant 0 : i32
    %broadcast_in_dim3A_2859 = vector.broadcast %broadcast_in_dim3A_2858 : i32 to vector<256x8xi32>
    %slice3A_2860 = vector.extract_strided_slice %add3A_2857 {offsets = [0, 0], sizes = [256, 120], strides = [1, 1]} : vector<256x128xi32> to vector<256x120xi32>
    %concatenate3A_2861 = tpu.concatenate %broadcast_in_dim3A_2859, %slice3A_2860 in 1 : vector<256x8xi32>, vector<256x120xi32> -> vector<256x128xi32>
    %add3A_2862 = arith.addi %add3A_2857, %concatenate3A_2861 : vector<256x128xi32>
    %broadcast_in_dim3A_2863 = arith.constant 0 : i32
    %broadcast_in_dim3A_2864 = vector.broadcast %broadcast_in_dim3A_2863 : i32 to vector<256x16xi32>
    %slice3A_2865 = vector.extract_strided_slice %add3A_2862 {offsets = [0, 0], sizes = [256, 112], strides = [1, 1]} : vector<256x128xi32> to vector<256x112xi32>
    %concatenate3A_2866 = tpu.concatenate %broadcast_in_dim3A_2864, %slice3A_2865 in 1 : vector<256x16xi32>, vector<256x112xi32> -> vector<256x128xi32>
    %add3A_2867 = arith.addi %add3A_2862, %concatenate3A_2866 : vector<256x128xi32>
    %broadcast_in_dim3A_2868 = arith.constant 0 : i32
    %broadcast_in_dim3A_2869 = vector.broadcast %broadcast_in_dim3A_2868 : i32 to vector<256x32xi32>
    %slice3A_2870 = vector.extract_strided_slice %add3A_2867 {offsets = [0, 0], sizes = [256, 96], strides = [1, 1]} : vector<256x128xi32> to vector<256x96xi32>
    %concatenate3A_2871 = tpu.concatenate %broadcast_in_dim3A_2869, %slice3A_2870 in 1 : vector<256x32xi32>, vector<256x96xi32> -> vector<256x128xi32>
    %add3A_2872 = arith.addi %add3A_2867, %concatenate3A_2871 : vector<256x128xi32>
    %broadcast_in_dim3A_2873 = arith.constant 0 : i32
    %broadcast_in_dim3A_2874 = vector.broadcast %broadcast_in_dim3A_2873 : i32 to vector<256x64xi32>
    %slice3A_2875 = vector.extract_strided_slice %add3A_2872 {offsets = [0, 0], sizes = [256, 64], strides = [1, 1]} : vector<256x128xi32> to vector<256x64xi32>
    %concatenate3A_2876 = tpu.concatenate %broadcast_in_dim3A_2874, %slice3A_2875 in 1 : vector<256x64xi32>, vector<256x64xi32> -> vector<256x128xi32>
    %add3A_2877 = arith.addi %add3A_2872, %concatenate3A_2876 : vector<256x128xi32>
    %slice3A_2878 = vector.extract_strided_slice %add3A_2877 {offsets = [0, 127], sizes = [256, 1], strides = [1, 1]} : vector<256x128xi32> to vector<256x1xi32>
    %broadcast_in_dim3A_2879 = vector.shape_cast %slice3A_2878 : vector<256x1xi32> to vector<256x1xi32>
    %broadcast_in_dim3A_2880 = vector.broadcast %broadcast_in_dim3A_2879 : vector<256x1xi32> to vector<256x128xi32>
    %broadcast_in_dim3A_2881 = arith.constant 0 : i32
    %broadcast_in_dim3A_2882 = vector.broadcast %broadcast_in_dim3A_2881 : i32 to vector<1x128xi32>
    %slice3A_2883 = vector.extract_strided_slice %broadcast_in_dim3A_2880 {offsets = [0, 0], sizes = [255, 128], strides = [1, 1]} : vector<256x128xi32> to vector<255x128xi32>
    %concatenate3A_2884 = tpu.concatenate %broadcast_in_dim3A_2882, %slice3A_2883 in 0 : vector<1x128xi32>, vector<255x128xi32> -> vector<256x128xi32>
    %add3A_2885 = arith.addi %broadcast_in_dim3A_2880, %concatenate3A_2884 : vector<256x128xi32>
    %broadcast_in_dim3A_2886 = arith.constant 0 : i32
    %broadcast_in_dim3A_2887 = vector.broadcast %broadcast_in_dim3A_2886 : i32 to vector<2x128xi32>
    %slice3A_2888 = vector.extract_strided_slice %add3A_2885 {offsets = [0, 0], sizes = [254, 128], strides = [1, 1]} : vector<256x128xi32> to vector<254x128xi32>
    %concatenate3A_2889 = tpu.concatenate %broadcast_in_dim3A_2887, %slice3A_2888 in 0 : vector<2x128xi32>, vector<254x128xi32> -> vector<256x128xi32>
    %add3A_2890 = arith.addi %add3A_2885, %concatenate3A_2889 : vector<256x128xi32>
    %broadcast_in_dim3A_2891 = arith.constant 0 : i32
    %broadcast_in_dim3A_2892 = vector.broadcast %broadcast_in_dim3A_2891 : i32 to vector<4x128xi32>
    %slice3A_2893 = vector.extract_strided_slice %add3A_2890 {offsets = [0, 0], sizes = [252, 128], strides = [1, 1]} : vector<256x128xi32> to vector<252x128xi32>
    %concatenate3A_2894 = tpu.concatenate %broadcast_in_dim3A_2892, %slice3A_2893 in 0 : vector<4x128xi32>, vector<252x128xi32> -> vector<256x128xi32>
    %add3A_2895 = arith.addi %add3A_2890, %concatenate3A_2894 : vector<256x128xi32>
    %broadcast_in_dim3A_2896 = arith.constant 0 : i32
    %broadcast_in_dim3A_2897 = vector.broadcast %broadcast_in_dim3A_2896 : i32 to vector<8x128xi32>
    %slice3A_2898 = vector.extract_strided_slice %add3A_2895 {offsets = [0, 0], sizes = [248, 128], strides = [1, 1]} : vector<256x128xi32> to vector<248x128xi32>
    %concatenate3A_2899 = tpu.concatenate %broadcast_in_dim3A_2897, %slice3A_2898 in 0 : vector<8x128xi32>, vector<248x128xi32> -> vector<256x128xi32>
    %add3A_2900 = arith.addi %add3A_2895, %concatenate3A_2899 : vector<256x128xi32>
    %broadcast_in_dim3A_2901 = arith.constant 0 : i32
    %broadcast_in_dim3A_2902 = vector.broadcast %broadcast_in_dim3A_2901 : i32 to vector<16x128xi32>
    %slice3A_2903 = vector.extract_strided_slice %add3A_2900 {offsets = [0, 0], sizes = [240, 128], strides = [1, 1]} : vector<256x128xi32> to vector<240x128xi32>
    %concatenate3A_2904 = tpu.concatenate %broadcast_in_dim3A_2902, %slice3A_2903 in 0 : vector<16x128xi32>, vector<240x128xi32> -> vector<256x128xi32>
    %add3A_2905 = arith.addi %add3A_2900, %concatenate3A_2904 : vector<256x128xi32>
    %broadcast_in_dim3A_2906 = arith.constant 0 : i32
    %broadcast_in_dim3A_2907 = vector.broadcast %broadcast_in_dim3A_2906 : i32 to vector<32x128xi32>
    %slice3A_2908 = vector.extract_strided_slice %add3A_2905 {offsets = [0, 0], sizes = [224, 128], strides = [1, 1]} : vector<256x128xi32> to vector<224x128xi32>
    %concatenate3A_2909 = tpu.concatenate %broadcast_in_dim3A_2907, %slice3A_2908 in 0 : vector<32x128xi32>, vector<224x128xi32> -> vector<256x128xi32>
    %add3A_2910 = arith.addi %add3A_2905, %concatenate3A_2909 : vector<256x128xi32>
    %broadcast_in_dim3A_2911 = arith.constant 0 : i32
    %broadcast_in_dim3A_2912 = vector.broadcast %broadcast_in_dim3A_2911 : i32 to vector<64x128xi32>
    %slice3A_2913 = vector.extract_strided_slice %add3A_2910 {offsets = [0, 0], sizes = [192, 128], strides = [1, 1]} : vector<256x128xi32> to vector<192x128xi32>
    %concatenate3A_2914 = tpu.concatenate %broadcast_in_dim3A_2912, %slice3A_2913 in 0 : vector<64x128xi32>, vector<192x128xi32> -> vector<256x128xi32>
    %add3A_2915 = arith.addi %add3A_2910, %concatenate3A_2914 : vector<256x128xi32>
    %broadcast_in_dim3A_2916 = arith.constant 0 : i32
    %broadcast_in_dim3A_2917 = vector.broadcast %broadcast_in_dim3A_2916 : i32 to vector<128x128xi32>
    %slice3A_2918 = vector.extract_strided_slice %add3A_2915 {offsets = [0, 0], sizes = [128, 128], strides = [1, 1]} : vector<256x128xi32> to vector<128x128xi32>
    %concatenate3A_2919 = tpu.concatenate %broadcast_in_dim3A_2917, %slice3A_2918 in 0 : vector<128x128xi32>, vector<128x128xi32> -> vector<256x128xi32>
    %add3A_2920 = arith.addi %add3A_2915, %concatenate3A_2919 : vector<256x128xi32>
    %sub3A_2921 = arith.subi %add3A_2920, %broadcast_in_dim3A_2880 : vector<256x128xi32>
    %add3A_2922 = arith.addi %add3A_2877, %sub3A_2921 : vector<256x128xi32>
    %convert_element_type3A_2923 = arith.extui %eq3A_2841 : vector<256x128xi1> to vector<256x128xi32>
    %sub3A_2924 = arith.subi %add3A_2922, %convert_element_type3A_2923 : vector<256x128xi32>
    %lt3A_2925 = vector.broadcast %sub3A_2839 : i32 to vector<256x128xi32>
    %lt3A_2926 = arith.cmpi slt, %sub3A_2924, %lt3A_2925 : vector<256x128xi32>
    %and3A_2927 = arith.andi %eq3A_2841, %lt3A_2926 : vector<256x128xi1>
    %le3A_2928 = arith.constant 6000 : i32
    %le3A_2929 = arith.cmpi sle, %reduce_sum3A_2437, %le3A_2928 : i32
    %gt3A_2930 = vector.broadcast %select_n3A_2829 : i32 to vector<256x128xi32>
    %gt3A_2931 = arith.cmpi sgt, %bitcast_convert_type3A_2428, %gt3A_2930 : vector<256x128xi32>
    %or3A_2932 = vector.broadcast %le3A_2929 : i1 to vector<256x128xi1>
    %or3A_2933 = arith.ori %or3A_2932, %gt3A_2931 : vector<256x128xi1>
    %or3A_2934 = arith.ori %or3A_2933, %and3A_2927 : vector<256x128xi1>
    %and3A_2935 = arith.andi %ge3A_2431, %or3A_2934 : vector<256x128xi1>
    %jit3A_2936 = arith.constant -1.000000e+00 : f32
    %broadcast_in_dim3A_2937 = vector.broadcast %jit3A_2936 : f32 to vector<256x128xf32>
    %select_n3A_2938 = arith.select %and3A_2935, %select_n3A_2427, %broadcast_in_dim3A_2937 : vector<256x128xi1>, vector<256x128xf32>
    %swap3A_2939 = arith.constant 768 : index
    %swap3A_2940 = arith.constant 0 : index
    %swap3A_2941 = vector.load %arg16[%swap3A_2939, %swap3A_2940] : memref<1024x128xf32, #tpu.memory_space<vmem>>, vector<256x128xf32>
    tpu.vector_store %arg16[%swap3A_2939, %swap3A_2940], %select_n3A_2938 {strides = array<i32>} : memref<1024x128xf32, #tpu.memory_space<vmem>>, vector<256x128xf32>,
    %add3A_2942 = arith.constant 1.000000e+00 : f32
    %add3A_2943 = arith.addf %add3A_2942, %get3A_1 : f32
    %mul3A_2944 = vector.broadcast %add3A_2943 : f32 to vector<256x128xf32>
    %mul3A_2945 = arith.mulf %mul3A_2944, %min3A_2358 : vector<256x128xf32>
    %swap3A_2946 = arith.constant 768 : index
    %swap3A_2947 = arith.constant 0 : index
    %swap3A_2948 = vector.load %arg19[%swap3A_2946, %swap3A_2947] : memref<1024x128xf32, #tpu.memory_space<vmem>>, vector<256x128xf32>
    tpu.vector_store %arg19[%swap3A_2946, %swap3A_2947], %mul3A_2945 {strides = array<i32>} : memref<1024x128xf32, #tpu.memory_space<vmem>>, vector<256x128xf32>,
    %add3A_2949 = arith.constant 1.000000e+00 : f32
    %add3A_2950 = vector.broadcast %add3A_2949 : f32 to vector<256x128xf32>
    %add3A_2951 = arith.addf %min3A_2376, %add3A_2950 : vector<256x128xf32>
    %mul3A_2952 = vector.broadcast %add3A_2943 : f32 to vector<256x128xf32>
    %mul3A_2953 = arith.mulf %mul3A_2952, %add3A_2951 : vector<256x128xf32>
    %swap3A_2954 = arith.constant 768 : index
    %swap3A_2955 = arith.constant 0 : index
    %swap3A_2956 = vector.load %arg20[%swap3A_2954, %swap3A_2955] : memref<1024x128xf32, #tpu.memory_space<vmem>>, vector<256x128xf32>
    tpu.vector_store %arg20[%swap3A_2954, %swap3A_2955], %mul3A_2953 {strides = array<i32>} : memref<1024x128xf32, #tpu.memory_space<vmem>>, vector<256x128xf32>,
    %add3A_2957 = arith.constant 1.000000e+00 : f32
    %add3A_2958 = vector.broadcast %add3A_2957 : f32 to vector<256x128xf32>
    %add3A_2959 = arith.addf %min3A_2385, %add3A_2958 : vector<256x128xf32>
    %swap3A_2960 = arith.constant 768 : index
    %swap3A_2961 = arith.constant 0 : index
    %swap3A_2962 = vector.load %arg21[%swap3A_2960, %swap3A_2961] : memref<1024x128xf32, #tpu.memory_space<vmem>>, vector<256x128xf32>
    tpu.vector_store %arg21[%swap3A_2960, %swap3A_2961], %add3A_2959 {strides = array<i32>} : memref<1024x128xf32, #tpu.memory_space<vmem>>, vector<256x128xf32>,
    %sub3A_2963 = arith.subf %min3A_2376, %min3A_2358 : vector<256x128xf32>
    %add3A_2964 = arith.constant 1.000000e+00 : f32
    %add3A_2965 = vector.broadcast %add3A_2964 : f32 to vector<256x128xf32>
    %add3A_2966 = arith.addf %sub3A_2963, %add3A_2965 : vector<256x128xf32>
    %sub3A_2967 = arith.subf %min3A_2385, %min3A_2367 : vector<256x128xf32>
    %add3A_2968 = arith.constant 1.000000e+00 : f32
    %add3A_2969 = vector.broadcast %add3A_2968 : f32 to vector<256x128xf32>
    %add3A_2970 = arith.addf %sub3A_2967, %add3A_2969 : vector<256x128xf32>
    %mul3A_2971 = arith.mulf %add3A_2966, %add3A_2970 : vector<256x128xf32>
    %mul3A_2972 = vector.broadcast %get3A_1 : f32 to vector<256x128xf32>
    %mul3A_2973 = arith.mulf %mul3A_2972, %mul3A_2971 : vector<256x128xf32>
    %swap3A_2974 = arith.constant 768 : index
    %swap3A_2975 = arith.constant 0 : index
    %swap3A_2976 = vector.load %arg22[%swap3A_2974, %swap3A_2975] : memref<1024x128xf32, #tpu.memory_space<vmem>>, vector<256x128xf32>
    tpu.vector_store %arg22[%swap3A_2974, %swap3A_2975], %mul3A_2973 {strides = array<i32>} : memref<1024x128xf32, #tpu.memory_space<vmem>>, vector<256x128xf32>,
    %convert_element_type3A_2977 = arith.extui %and3A_2935 : vector<256x128xi1> to vector<256x128xi32>
    %broadcast_in_dim3A_2978 = arith.constant 0 : i32
    %broadcast_in_dim3A_2979 = vector.broadcast %broadcast_in_dim3A_2978 : i32 to vector<256x1xi32>
    %slice3A_2980 = vector.extract_strided_slice %convert_element_type3A_2977 {offsets = [0, 0], sizes = [256, 127], strides = [1, 1]} : vector<256x128xi32> to vector<256x127xi32>
    %concatenate3A_2981 = tpu.concatenate %broadcast_in_dim3A_2979, %slice3A_2980 in 1 : vector<256x1xi32>, vector<256x127xi32> -> vector<256x128xi32>
    %add3A_2982 = arith.addi %convert_element_type3A_2977, %concatenate3A_2981 : vector<256x128xi32>
    %broadcast_in_dim3A_2983 = arith.constant 0 : i32
    %broadcast_in_dim3A_2984 = vector.broadcast %broadcast_in_dim3A_2983 : i32 to vector<256x2xi32>
    %slice3A_2985 = vector.extract_strided_slice %add3A_2982 {offsets = [0, 0], sizes = [256, 126], strides = [1, 1]} : vector<256x128xi32> to vector<256x126xi32>
    %concatenate3A_2986 = tpu.concatenate %broadcast_in_dim3A_2984, %slice3A_2985 in 1 : vector<256x2xi32>, vector<256x126xi32> -> vector<256x128xi32>
    %add3A_2987 = arith.addi %add3A_2982, %concatenate3A_2986 : vector<256x128xi32>
    %broadcast_in_dim3A_2988 = arith.constant 0 : i32
    %broadcast_in_dim3A_2989 = vector.broadcast %broadcast_in_dim3A_2988 : i32 to vector<256x4xi32>
    %slice3A_2990 = vector.extract_strided_slice %add3A_2987 {offsets = [0, 0], sizes = [256, 124], strides = [1, 1]} : vector<256x128xi32> to vector<256x124xi32>
    %concatenate3A_2991 = tpu.concatenate %broadcast_in_dim3A_2989, %slice3A_2990 in 1 : vector<256x4xi32>, vector<256x124xi32> -> vector<256x128xi32>
    %add3A_2992 = arith.addi %add3A_2987, %concatenate3A_2991 : vector<256x128xi32>
    %broadcast_in_dim3A_2993 = arith.constant 0 : i32
    %broadcast_in_dim3A_2994 = vector.broadcast %broadcast_in_dim3A_2993 : i32 to vector<256x8xi32>
    %slice3A_2995 = vector.extract_strided_slice %add3A_2992 {offsets = [0, 0], sizes = [256, 120], strides = [1, 1]} : vector<256x128xi32> to vector<256x120xi32>
    %concatenate3A_2996 = tpu.concatenate %broadcast_in_dim3A_2994, %slice3A_2995 in 1 : vector<256x8xi32>, vector<256x120xi32> -> vector<256x128xi32>
    %add3A_2997 = arith.addi %add3A_2992, %concatenate3A_2996 : vector<256x128xi32>
    %broadcast_in_dim3A_2998 = arith.constant 0 : i32
    %broadcast_in_dim3A_2999 = vector.broadcast %broadcast_in_dim3A_2998 : i32 to vector<256x16xi32>
    %slice3A_3000 = vector.extract_strided_slice %add3A_2997 {offsets = [0, 0], sizes = [256, 112], strides = [1, 1]} : vector<256x128xi32> to vector<256x112xi32>
    %concatenate3A_3001 = tpu.concatenate %broadcast_in_dim3A_2999, %slice3A_3000 in 1 : vector<256x16xi32>, vector<256x112xi32> -> vector<256x128xi32>
    %add3A_3002 = arith.addi %add3A_2997, %concatenate3A_3001 : vector<256x128xi32>
    %broadcast_in_dim3A_3003 = arith.constant 0 : i32
    %broadcast_in_dim3A_3004 = vector.broadcast %broadcast_in_dim3A_3003 : i32 to vector<256x32xi32>
    %slice3A_3005 = vector.extract_strided_slice %add3A_3002 {offsets = [0, 0], sizes = [256, 96], strides = [1, 1]} : vector<256x128xi32> to vector<256x96xi32>
    %concatenate3A_3006 = tpu.concatenate %broadcast_in_dim3A_3004, %slice3A_3005 in 1 : vector<256x32xi32>, vector<256x96xi32> -> vector<256x128xi32>
    %add3A_3007 = arith.addi %add3A_3002, %concatenate3A_3006 : vector<256x128xi32>
    %broadcast_in_dim3A_3008 = arith.constant 0 : i32
    %broadcast_in_dim3A_3009 = vector.broadcast %broadcast_in_dim3A_3008 : i32 to vector<256x64xi32>
    %slice3A_3010 = vector.extract_strided_slice %add3A_3007 {offsets = [0, 0], sizes = [256, 64], strides = [1, 1]} : vector<256x128xi32> to vector<256x64xi32>
    %concatenate3A_3011 = tpu.concatenate %broadcast_in_dim3A_3009, %slice3A_3010 in 1 : vector<256x64xi32>, vector<256x64xi32> -> vector<256x128xi32>
    %add3A_3012 = arith.addi %add3A_3007, %concatenate3A_3011 : vector<256x128xi32>
    %slice3A_3013 = vector.extract_strided_slice %add3A_3012 {offsets = [0, 127], sizes = [256, 1], strides = [1, 1]} : vector<256x128xi32> to vector<256x1xi32>
    %broadcast_in_dim3A_3014 = vector.shape_cast %slice3A_3013 : vector<256x1xi32> to vector<256x1xi32>
    %broadcast_in_dim3A_3015 = vector.broadcast %broadcast_in_dim3A_3014 : vector<256x1xi32> to vector<256x128xi32>
    %broadcast_in_dim3A_3016 = arith.constant 0 : i32
    %broadcast_in_dim3A_3017 = vector.broadcast %broadcast_in_dim3A_3016 : i32 to vector<1x128xi32>
    %slice3A_3018 = vector.extract_strided_slice %broadcast_in_dim3A_3015 {offsets = [0, 0], sizes = [255, 128], strides = [1, 1]} : vector<256x128xi32> to vector<255x128xi32>
    %concatenate3A_3019 = tpu.concatenate %broadcast_in_dim3A_3017, %slice3A_3018 in 0 : vector<1x128xi32>, vector<255x128xi32> -> vector<256x128xi32>
    %add3A_3020 = arith.addi %broadcast_in_dim3A_3015, %concatenate3A_3019 : vector<256x128xi32>
    %broadcast_in_dim3A_3021 = arith.constant 0 : i32
    %broadcast_in_dim3A_3022 = vector.broadcast %broadcast_in_dim3A_3021 : i32 to vector<2x128xi32>
    %slice3A_3023 = vector.extract_strided_slice %add3A_3020 {offsets = [0, 0], sizes = [254, 128], strides = [1, 1]} : vector<256x128xi32> to vector<254x128xi32>
    %concatenate3A_3024 = tpu.concatenate %broadcast_in_dim3A_3022, %slice3A_3023 in 0 : vector<2x128xi32>, vector<254x128xi32> -> vector<256x128xi32>
    %add3A_3025 = arith.addi %add3A_3020, %concatenate3A_3024 : vector<256x128xi32>
    %broadcast_in_dim3A_3026 = arith.constant 0 : i32
    %broadcast_in_dim3A_3027 = vector.broadcast %broadcast_in_dim3A_3026 : i32 to vector<4x128xi32>
    %slice3A_3028 = vector.extract_strided_slice %add3A_3025 {offsets = [0, 0], sizes = [252, 128], strides = [1, 1]} : vector<256x128xi32> to vector<252x128xi32>
    %concatenate3A_3029 = tpu.concatenate %broadcast_in_dim3A_3027, %slice3A_3028 in 0 : vector<4x128xi32>, vector<252x128xi32> -> vector<256x128xi32>
    %add3A_3030 = arith.addi %add3A_3025, %concatenate3A_3029 : vector<256x128xi32>
    %broadcast_in_dim3A_3031 = arith.constant 0 : i32
    %broadcast_in_dim3A_3032 = vector.broadcast %broadcast_in_dim3A_3031 : i32 to vector<8x128xi32>
    %slice3A_3033 = vector.extract_strided_slice %add3A_3030 {offsets = [0, 0], sizes = [248, 128], strides = [1, 1]} : vector<256x128xi32> to vector<248x128xi32>
    %concatenate3A_3034 = tpu.concatenate %broadcast_in_dim3A_3032, %slice3A_3033 in 0 : vector<8x128xi32>, vector<248x128xi32> -> vector<256x128xi32>
    %add3A_3035 = arith.addi %add3A_3030, %concatenate3A_3034 : vector<256x128xi32>
    %broadcast_in_dim3A_3036 = arith.constant 0 : i32
    %broadcast_in_dim3A_3037 = vector.broadcast %broadcast_in_dim3A_3036 : i32 to vector<16x128xi32>
    %slice3A_3038 = vector.extract_strided_slice %add3A_3035 {offsets = [0, 0], sizes = [240, 128], strides = [1, 1]} : vector<256x128xi32> to vector<240x128xi32>
    %concatenate3A_3039 = tpu.concatenate %broadcast_in_dim3A_3037, %slice3A_3038 in 0 : vector<16x128xi32>, vector<240x128xi32> -> vector<256x128xi32>
    %add3A_3040 = arith.addi %add3A_3035, %concatenate3A_3039 : vector<256x128xi32>
    %broadcast_in_dim3A_3041 = arith.constant 0 : i32
    %broadcast_in_dim3A_3042 = vector.broadcast %broadcast_in_dim3A_3041 : i32 to vector<32x128xi32>
    %slice3A_3043 = vector.extract_strided_slice %add3A_3040 {offsets = [0, 0], sizes = [224, 128], strides = [1, 1]} : vector<256x128xi32> to vector<224x128xi32>
    %concatenate3A_3044 = tpu.concatenate %broadcast_in_dim3A_3042, %slice3A_3043 in 0 : vector<32x128xi32>, vector<224x128xi32> -> vector<256x128xi32>
    %add3A_3045 = arith.addi %add3A_3040, %concatenate3A_3044 : vector<256x128xi32>
    %broadcast_in_dim3A_3046 = arith.constant 0 : i32
    %broadcast_in_dim3A_3047 = vector.broadcast %broadcast_in_dim3A_3046 : i32 to vector<64x128xi32>
    %slice3A_3048 = vector.extract_strided_slice %add3A_3045 {offsets = [0, 0], sizes = [192, 128], strides = [1, 1]} : vector<256x128xi32> to vector<192x128xi32>
    %concatenate3A_3049 = tpu.concatenate %broadcast_in_dim3A_3047, %slice3A_3048 in 0 : vector<64x128xi32>, vector<192x128xi32> -> vector<256x128xi32>
    %add3A_3050 = arith.addi %add3A_3045, %concatenate3A_3049 : vector<256x128xi32>
    %broadcast_in_dim3A_3051 = arith.constant 0 : i32
    %broadcast_in_dim3A_3052 = vector.broadcast %broadcast_in_dim3A_3051 : i32 to vector<128x128xi32>
    %slice3A_3053 = vector.extract_strided_slice %add3A_3050 {offsets = [0, 0], sizes = [128, 128], strides = [1, 1]} : vector<256x128xi32> to vector<128x128xi32>
    %concatenate3A_3054 = tpu.concatenate %broadcast_in_dim3A_3052, %slice3A_3053 in 0 : vector<128x128xi32>, vector<128x128xi32> -> vector<256x128xi32>
    %add3A_3055 = arith.addi %add3A_3050, %concatenate3A_3054 : vector<256x128xi32>
    %sub3A_3056 = arith.subi %add3A_3055, %broadcast_in_dim3A_3015 : vector<256x128xi32>
    %add3A_3057 = arith.addi %add3A_3012, %sub3A_3056 : vector<256x128xi32>
    %sub3A_3058 = arith.subi %add3A_3057, %convert_element_type3A_2977 : vector<256x128xi32>
    %add3A_3059 = arith.constant 18432 : i32
    %add3A_3060 = vector.broadcast %add3A_3059 : i32 to vector<256x128xi32>
    %add3A_3061 = arith.addi %sub3A_3058, %add3A_3060 : vector<256x128xi32>
    %jit3A_3062 = arith.constant 24575 : i32
    %broadcast_in_dim3A_3063 = vector.broadcast %jit3A_3062 : i32 to vector<256x128xi32>
    %select_n3A_3064 = arith.select %and3A_2935, %add3A_3061, %broadcast_in_dim3A_3063 : vector<256x128xi1>, vector<256x128xi32>
    %swap3A_3065 = arith.constant 768 : index
    %swap3A_3066 = arith.constant 0 : index
    %swap3A_3067 = vector.load %arg17[%swap3A_3065, %swap3A_3066] : memref<1024x128xi32, #tpu.memory_space<vmem>>, vector<256x128xi32>
    tpu.vector_store %arg17[%swap3A_3065, %swap3A_3066], %select_n3A_3064 {strides = array<i32>} : memref<1024x128xi32, #tpu.memory_space<vmem>>, vector<256x128xi32>,
    %reduce_sum3A_3068 = vector.shape_cast %convert_element_type3A_2977 : vector<256x128xi32> to vector<1x256x128xi32>
    %reduce_sum3A_3069 = arith.constant dense<0> : vector<1xi32>
    %reduce_sum3A_3070 = vector.multi_reduction <add>, %reduce_sum3A_3068, %reduce_sum3A_3069 [1, 2] : vector<1x256x128xi32> to vector<1xi32>
    %reduce_sum3A_3071 = vector.shape_cast %reduce_sum3A_3070 : vector<1xi32> to vector<1x1x1xi32>
    %reduce_sum3A_3072 = vector.extract %reduce_sum3A_3071[0, 0, 0] : i32 from vector<1x1x1xi32>
    %iota3A_3073 = tpu.iota {dimensions = array<i32: 0>} : vector<8x128xi32>
    %broadcast_in_dim3A_3074 = arith.constant 0 : i32
    %broadcast_in_dim3A_3075 = vector.broadcast %broadcast_in_dim3A_3074 : i32 to vector<8x128xi32>
    %eq3A_3076 = arith.constant 0 : i32
    %eq3A_3077 = vector.broadcast %eq3A_3076 : i32 to vector<8x128xi32>
    %eq3A_3078 = arith.cmpi eq, %iota3A_3073, %eq3A_3077 : vector<8x128xi32>
    %broadcast_in_dim3A_3079 = vector.broadcast %reduce_sum3A_783 : i32 to vector<8x128xi32>
    %select_n3A_3080 = arith.select %eq3A_3078, %broadcast_in_dim3A_3079, %broadcast_in_dim3A_3075 : vector<8x128xi1>, vector<8x128xi32>
    %eq3A_3081 = arith.constant 1 : i32
    %eq3A_3082 = vector.broadcast %eq3A_3081 : i32 to vector<8x128xi32>
    %eq3A_3083 = arith.cmpi eq, %iota3A_3073, %eq3A_3082 : vector<8x128xi32>
    %broadcast_in_dim3A_3084 = vector.broadcast %reduce_sum3A_1546 : i32 to vector<8x128xi32>
    %select_n3A_3085 = arith.select %eq3A_3083, %broadcast_in_dim3A_3084, %select_n3A_3080 : vector<8x128xi1>, vector<8x128xi32>
    %eq3A_3086 = arith.constant 2 : i32
    %eq3A_3087 = vector.broadcast %eq3A_3086 : i32 to vector<8x128xi32>
    %eq3A_3088 = arith.cmpi eq, %iota3A_3073, %eq3A_3087 : vector<8x128xi32>
    %broadcast_in_dim3A_3089 = vector.broadcast %reduce_sum3A_2309 : i32 to vector<8x128xi32>
    %select_n3A_3090 = arith.select %eq3A_3088, %broadcast_in_dim3A_3089, %select_n3A_3085 : vector<8x128xi1>, vector<8x128xi32>
    %eq3A_3091 = arith.constant 3 : i32
    %eq3A_3092 = vector.broadcast %eq3A_3091 : i32 to vector<8x128xi32>
    %eq3A_3093 = arith.cmpi eq, %iota3A_3073, %eq3A_3092 : vector<8x128xi32>
    %broadcast_in_dim3A_3094 = vector.broadcast %reduce_sum3A_3072 : i32 to vector<8x128xi32>
    %select_n3A_3095 = arith.select %eq3A_3093, %broadcast_in_dim3A_3094, %select_n3A_3090 : vector<8x128xi1>, vector<8x128xi32>
    %swap3A_3096 = arith.constant 0 : index
    %swap3A_3097 = arith.constant 0 : index
    %swap3A_3098 = vector.load %arg18[%swap3A_3096, %swap3A_3097] : memref<8x128xi32, #tpu.memory_space<vmem>>, vector<8x128xi32>
    tpu.vector_store %arg18[%swap3A_3096, %swap3A_3097], %select_n3A_3095 {strides = array<i32>} : memref<8x128xi32, #tpu.memory_space<vmem>>, vector<8x128xi32>,
    return
  }
}

module attributes {stable_mosaic.version = 14 : i64} {
  func.func @_nms_body(%arg0: memref<1x1xf32, #tpu.memory_space<smem>>, %arg1: memref<192x128xf32, #tpu.memory_space<vmem>>, %arg2: memref<192x128xf32, #tpu.memory_space<vmem>>, %arg3: memref<192x128xf32, #tpu.memory_space<vmem>>, %arg4: memref<192x128xf32, #tpu.memory_space<vmem>>, %arg5: memref<192x128xf32, #tpu.memory_space<vmem>>, %arg6: memref<192x128xf32, #tpu.memory_space<vmem>>, %arg7: memref<8x128xi32, #tpu.memory_space<vmem>>, %arg8: memref<4x1000x5xf32, #tpu.memory_space<vmem>>) attributes {dimension_semantics = [], scalar_prefetch = 0 : i64, scratch_operands = 0 : i64, tpu.core_type = #tpu.core_type<tc>} {
    %get3A = arith.constant 0 : index
    %get3A_0 = arith.constant 0 : index
    %get3A_1 = memref.load %arg0[%get3A, %get3A_0] : memref<1x1xf32, #tpu.memory_space<smem>>
    %add3A = arith.constant 1.000000e+00 : f32
    %add3A_2 = arith.addf %add3A, %get3A_1 : f32
    %div3A = arith.constant 1.000000e+00 : f32
    %div3A_3 = arith.divf %div3A, %add3A_2 : f32
    %iota3A = tpu.iota {dimensions = array<i32: 1>} : vector<48x128xi32>
    %iota3A_4 = tpu.iota {dimensions = array<i32: 0>} : vector<48x128xi32>
    %mul3A = arith.constant 128 : i32
    %mul3A_5 = vector.broadcast %mul3A : i32 to vector<48x128xi32>
    %mul3A_6 = arith.muli %iota3A_4, %mul3A_5 : vector<48x128xi32>
    %add3A_7 = arith.addi %mul3A_6, %iota3A : vector<48x128xi32>
    %iota3A_8 = tpu.iota {dimensions = array<i32: 1>} : vector<1x128xi32>
    %iota3A_9 = tpu.iota {dimensions = array<i32: 1>} : vector<1x5xi32>
    %get3A_10 = arith.constant 0 : index
    %get3A_11 = arith.constant 0 : index
    %get3A_12 = vector.load %arg1[%get3A_10, %get3A_11] : memref<192x128xf32, #tpu.memory_space<vmem>>, vector<48x128xf32>
    %get3A_13 = arith.constant 0 : index
    %get3A_14 = arith.constant 0 : index
    %get3A_15 = vector.load %arg2[%get3A_13, %get3A_14] : memref<192x128xf32, #tpu.memory_space<vmem>>, vector<48x128xf32>
    %get3A_16 = arith.constant 0 : index
    %get3A_17 = arith.constant 0 : index
    %get3A_18 = vector.load %arg3[%get3A_16, %get3A_17] : memref<192x128xf32, #tpu.memory_space<vmem>>, vector<48x128xf32>
    %get3A_19 = arith.constant 0 : index
    %get3A_20 = arith.constant 0 : index
    %get3A_21 = vector.load %arg4[%get3A_19, %get3A_20] : memref<192x128xf32, #tpu.memory_space<vmem>>, vector<48x128xf32>
    %get3A_22 = arith.constant 0 : index
    %get3A_23 = arith.constant 0 : index
    %get3A_24 = vector.load %arg5[%get3A_22, %get3A_23] : memref<192x128xf32, #tpu.memory_space<vmem>>, vector<48x128xf32>
    %get3A_25 = arith.constant 48 : index
    %get3A_26 = arith.constant 0 : index
    %get3A_27 = vector.load %arg1[%get3A_25, %get3A_26] : memref<192x128xf32, #tpu.memory_space<vmem>>, vector<48x128xf32>
    %get3A_28 = arith.constant 48 : index
    %get3A_29 = arith.constant 0 : index
    %get3A_30 = vector.load %arg2[%get3A_28, %get3A_29] : memref<192x128xf32, #tpu.memory_space<vmem>>, vector<48x128xf32>
    %get3A_31 = arith.constant 48 : index
    %get3A_32 = arith.constant 0 : index
    %get3A_33 = vector.load %arg3[%get3A_31, %get3A_32] : memref<192x128xf32, #tpu.memory_space<vmem>>, vector<48x128xf32>
    %get3A_34 = arith.constant 48 : index
    %get3A_35 = arith.constant 0 : index
    %get3A_36 = vector.load %arg4[%get3A_34, %get3A_35] : memref<192x128xf32, #tpu.memory_space<vmem>>, vector<48x128xf32>
    %get3A_37 = arith.constant 48 : index
    %get3A_38 = arith.constant 0 : index
    %get3A_39 = vector.load %arg5[%get3A_37, %get3A_38] : memref<192x128xf32, #tpu.memory_space<vmem>>, vector<48x128xf32>
    %get3A_40 = arith.constant 96 : index
    %get3A_41 = arith.constant 0 : index
    %get3A_42 = vector.load %arg1[%get3A_40, %get3A_41] : memref<192x128xf32, #tpu.memory_space<vmem>>, vector<48x128xf32>
    %get3A_43 = arith.constant 96 : index
    %get3A_44 = arith.constant 0 : index
    %get3A_45 = vector.load %arg2[%get3A_43, %get3A_44] : memref<192x128xf32, #tpu.memory_space<vmem>>, vector<48x128xf32>
    %get3A_46 = arith.constant 96 : index
    %get3A_47 = arith.constant 0 : index
    %get3A_48 = vector.load %arg3[%get3A_46, %get3A_47] : memref<192x128xf32, #tpu.memory_space<vmem>>, vector<48x128xf32>
    %get3A_49 = arith.constant 96 : index
    %get3A_50 = arith.constant 0 : index
    %get3A_51 = vector.load %arg4[%get3A_49, %get3A_50] : memref<192x128xf32, #tpu.memory_space<vmem>>, vector<48x128xf32>
    %get3A_52 = arith.constant 96 : index
    %get3A_53 = arith.constant 0 : index
    %get3A_54 = vector.load %arg5[%get3A_52, %get3A_53] : memref<192x128xf32, #tpu.memory_space<vmem>>, vector<48x128xf32>
    %get3A_55 = arith.constant 144 : index
    %get3A_56 = arith.constant 0 : index
    %get3A_57 = vector.load %arg1[%get3A_55, %get3A_56] : memref<192x128xf32, #tpu.memory_space<vmem>>, vector<48x128xf32>
    %get3A_58 = arith.constant 144 : index
    %get3A_59 = arith.constant 0 : index
    %get3A_60 = vector.load %arg2[%get3A_58, %get3A_59] : memref<192x128xf32, #tpu.memory_space<vmem>>, vector<48x128xf32>
    %get3A_61 = arith.constant 144 : index
    %get3A_62 = arith.constant 0 : index
    %get3A_63 = vector.load %arg3[%get3A_61, %get3A_62] : memref<192x128xf32, #tpu.memory_space<vmem>>, vector<48x128xf32>
    %get3A_64 = arith.constant 144 : index
    %get3A_65 = arith.constant 0 : index
    %get3A_66 = vector.load %arg4[%get3A_64, %get3A_65] : memref<192x128xf32, #tpu.memory_space<vmem>>, vector<48x128xf32>
    %get3A_67 = arith.constant 144 : index
    %get3A_68 = arith.constant 0 : index
    %get3A_69 = vector.load %arg5[%get3A_67, %get3A_68] : memref<192x128xf32, #tpu.memory_space<vmem>>, vector<48x128xf32>
    %get3A_70 = arith.constant 0 : index
    %get3A_71 = arith.constant 0 : index
    %get3A_72 = vector.load %arg6[%get3A_70, %get3A_71] : memref<192x128xf32, #tpu.memory_space<vmem>>, vector<48x128xf32>
    %get3A_73 = arith.constant 0 : index
    %get3A_74 = arith.constant 0 : index
    %get3A_75 = vector.load %arg7[%get3A_73, %get3A_74] : memref<8x128xi32, #tpu.memory_space<vmem>>, vector<1x128xi32>
    %broadcast_in_dim3A = vector.shape_cast %get3A_75 : vector<1x128xi32> to vector<1x128xi32>
    %broadcast_in_dim3A_76 = vector.broadcast %broadcast_in_dim3A : vector<1x128xi32> to vector<48x128xi32>
    %lt3A = arith.cmpi slt, %add3A_7, %broadcast_in_dim3A_76 : vector<48x128xi32>
    %jit3A = arith.constant -1.000000e+00 : f32
    %broadcast_in_dim3A_77 = vector.broadcast %jit3A : f32 to vector<48x128xf32>
    %select_n3A = arith.select %lt3A, %get3A_72, %broadcast_in_dim3A_77 : vector<48x128xi1>, vector<48x128xf32>
    %get3A_78 = arith.constant 48 : index
    %get3A_79 = arith.constant 0 : index
    %get3A_80 = vector.load %arg6[%get3A_78, %get3A_79] : memref<192x128xf32, #tpu.memory_space<vmem>>, vector<48x128xf32>
    %get3A_81 = arith.constant 1 : index
    %get3A_82 = arith.constant 0 : index
    %get3A_83 = vector.load %arg7[%get3A_81, %get3A_82] : memref<8x128xi32, #tpu.memory_space<vmem>>, vector<1x128xi32>
    %broadcast_in_dim3A_84 = vector.shape_cast %get3A_83 : vector<1x128xi32> to vector<1x128xi32>
    %broadcast_in_dim3A_85 = vector.broadcast %broadcast_in_dim3A_84 : vector<1x128xi32> to vector<48x128xi32>
    %lt3A_86 = arith.cmpi slt, %add3A_7, %broadcast_in_dim3A_85 : vector<48x128xi32>
    %jit3A_87 = arith.constant -1.000000e+00 : f32
    %broadcast_in_dim3A_88 = vector.broadcast %jit3A_87 : f32 to vector<48x128xf32>
    %select_n3A_89 = arith.select %lt3A_86, %get3A_80, %broadcast_in_dim3A_88 : vector<48x128xi1>, vector<48x128xf32>
    %get3A_90 = arith.constant 96 : index
    %get3A_91 = arith.constant 0 : index
    %get3A_92 = vector.load %arg6[%get3A_90, %get3A_91] : memref<192x128xf32, #tpu.memory_space<vmem>>, vector<48x128xf32>
    %get3A_93 = arith.constant 2 : index
    %get3A_94 = arith.constant 0 : index
    %get3A_95 = vector.load %arg7[%get3A_93, %get3A_94] : memref<8x128xi32, #tpu.memory_space<vmem>>, vector<1x128xi32>
    %broadcast_in_dim3A_96 = vector.shape_cast %get3A_95 : vector<1x128xi32> to vector<1x128xi32>
    %broadcast_in_dim3A_97 = vector.broadcast %broadcast_in_dim3A_96 : vector<1x128xi32> to vector<48x128xi32>
    %lt3A_98 = arith.cmpi slt, %add3A_7, %broadcast_in_dim3A_97 : vector<48x128xi32>
    %jit3A_99 = arith.constant -1.000000e+00 : f32
    %broadcast_in_dim3A_100 = vector.broadcast %jit3A_99 : f32 to vector<48x128xf32>
    %select_n3A_101 = arith.select %lt3A_98, %get3A_92, %broadcast_in_dim3A_100 : vector<48x128xi1>, vector<48x128xf32>
    %get3A_102 = arith.constant 144 : index
    %get3A_103 = arith.constant 0 : index
    %get3A_104 = vector.load %arg6[%get3A_102, %get3A_103] : memref<192x128xf32, #tpu.memory_space<vmem>>, vector<48x128xf32>
    %get3A_105 = arith.constant 3 : index
    %get3A_106 = arith.constant 0 : index
    %get3A_107 = vector.load %arg7[%get3A_105, %get3A_106] : memref<8x128xi32, #tpu.memory_space<vmem>>, vector<1x128xi32>
    %broadcast_in_dim3A_108 = vector.shape_cast %get3A_107 : vector<1x128xi32> to vector<1x128xi32>
    %broadcast_in_dim3A_109 = vector.broadcast %broadcast_in_dim3A_108 : vector<1x128xi32> to vector<48x128xi32>
    %lt3A_110 = arith.cmpi slt, %add3A_7, %broadcast_in_dim3A_109 : vector<48x128xi32>
    %jit3A_111 = arith.constant -1.000000e+00 : f32
    %broadcast_in_dim3A_112 = vector.broadcast %jit3A_111 : f32 to vector<48x128xf32>
    %select_n3A_113 = arith.select %lt3A_110, %get3A_104, %broadcast_in_dim3A_112 : vector<48x128xi1>, vector<48x128xf32>
    %scan3A = arith.constant 6144 : i32
    %scan3A_114 = arith.constant 3.000000e+38 : f32
    %scan3A_115 = arith.constant 0 : i32
    %scan3A_116 = arith.constant 1000 : i32
    %scan3A_117 = arith.addi %scan3A_115, %scan3A_116 : i32
    %scan3A_118 = arith.constant 1 : i32
    %scan3A_119:4 = scf.for %scan3A_121 = %scan3A_115 to %scan3A_117 step %scan3A_118 iter_args(%scan3A_122 = %select_n3A, %scan3A_123 = %select_n3A_89, %scan3A_124 = %select_n3A_101, %scan3A_125 = %select_n3A_113) -> (vector<48x128xf32>, vector<48x128xf32>, vector<48x128xf32>, vector<48x128xf32>)  : i32 {
      %reduce_max3A = vector.shape_cast %scan3A_122 : vector<48x128xf32> to vector<1x48x128xf32>
      %reduce_max3A_126 = arith.constant dense<0xFF800000> : vector<1xf32>
      %reduce_max3A_127 = vector.multi_reduction <maximumf>, %reduce_max3A, %reduce_max3A_126 [1, 2] : vector<1x48x128xf32> to vector<1xf32>
      %reduce_max3A_128 = vector.shape_cast %reduce_max3A_127 : vector<1xf32> to vector<1x1x1xf32>
      %reduce_max3A_129 = vector.extract %reduce_max3A_128[0, 0, 0] : f32 from vector<1x1x1xf32>
      %reduce_max3A_130 = vector.shape_cast %scan3A_123 : vector<48x128xf32> to vector<1x48x128xf32>
      %reduce_max3A_131 = arith.constant dense<0xFF800000> : vector<1xf32>
      %reduce_max3A_132 = vector.multi_reduction <maximumf>, %reduce_max3A_130, %reduce_max3A_131 [1, 2] : vector<1x48x128xf32> to vector<1xf32>
      %reduce_max3A_133 = vector.shape_cast %reduce_max3A_132 : vector<1xf32> to vector<1x1x1xf32>
      %reduce_max3A_134 = vector.extract %reduce_max3A_133[0, 0, 0] : f32 from vector<1x1x1xf32>
      %reduce_max3A_135 = vector.shape_cast %scan3A_124 : vector<48x128xf32> to vector<1x48x128xf32>
      %reduce_max3A_136 = arith.constant dense<0xFF800000> : vector<1xf32>
      %reduce_max3A_137 = vector.multi_reduction <maximumf>, %reduce_max3A_135, %reduce_max3A_136 [1, 2] : vector<1x48x128xf32> to vector<1xf32>
      %reduce_max3A_138 = vector.shape_cast %reduce_max3A_137 : vector<1xf32> to vector<1x1x1xf32>
      %reduce_max3A_139 = vector.extract %reduce_max3A_138[0, 0, 0] : f32 from vector<1x1x1xf32>
      %reduce_max3A_140 = vector.shape_cast %scan3A_125 : vector<48x128xf32> to vector<1x48x128xf32>
      %reduce_max3A_141 = arith.constant dense<0xFF800000> : vector<1xf32>
      %reduce_max3A_142 = vector.multi_reduction <maximumf>, %reduce_max3A_140, %reduce_max3A_141 [1, 2] : vector<1x48x128xf32> to vector<1xf32>
      %reduce_max3A_143 = vector.shape_cast %reduce_max3A_142 : vector<1xf32> to vector<1x1x1xf32>
      %reduce_max3A_144 = vector.extract %reduce_max3A_143[0, 0, 0] : f32 from vector<1x1x1xf32>
      %gt3A = arith.constant -5.000000e-01 : f32
      %gt3A_145 = arith.cmpf ogt, %reduce_max3A_129, %gt3A : f32
      %gt3A_146 = arith.constant -5.000000e-01 : f32
      %gt3A_147 = arith.cmpf ogt, %reduce_max3A_134, %gt3A_146 : f32
      %gt3A_148 = arith.constant -5.000000e-01 : f32
      %gt3A_149 = arith.cmpf ogt, %reduce_max3A_139, %gt3A_148 : f32
      %gt3A_150 = arith.constant -5.000000e-01 : f32
      %gt3A_151 = arith.cmpf ogt, %reduce_max3A_144, %gt3A_150 : f32
      %eq3A = vector.broadcast %reduce_max3A_129 : f32 to vector<48x128xf32>
      %eq3A_152 = arith.cmpf oeq, %scan3A_122, %eq3A : vector<48x128xf32>
      %broadcast_in_dim3A_153 = vector.broadcast %scan3A : i32 to vector<48x128xi32>
      %select_n3A_154 = arith.select %eq3A_152, %add3A_7, %broadcast_in_dim3A_153 : vector<48x128xi1>, vector<48x128xi32>
      %reduce_min3A = vector.shape_cast %select_n3A_154 : vector<48x128xi32> to vector<1x48x128xi32>
      %reduce_min3A_155 = arith.constant dense<2147483647> : vector<1xi32>
      %reduce_min3A_156 = vector.multi_reduction <minsi>, %reduce_min3A, %reduce_min3A_155 [1, 2] : vector<1x48x128xi32> to vector<1xi32>
      %reduce_min3A_157 = vector.shape_cast %reduce_min3A_156 : vector<1xi32> to vector<1x1x1xi32>
      %reduce_min3A_158 = vector.extract %reduce_min3A_157[0, 0, 0] : i32 from vector<1x1x1xi32>
      %eq3A_159 = vector.broadcast %reduce_max3A_134 : f32 to vector<48x128xf32>
      %eq3A_160 = arith.cmpf oeq, %scan3A_123, %eq3A_159 : vector<48x128xf32>
      %broadcast_in_dim3A_161 = vector.broadcast %scan3A : i32 to vector<48x128xi32>
      %select_n3A_162 = arith.select %eq3A_160, %add3A_7, %broadcast_in_dim3A_161 : vector<48x128xi1>, vector<48x128xi32>
      %reduce_min3A_163 = vector.shape_cast %select_n3A_162 : vector<48x128xi32> to vector<1x48x128xi32>
      %reduce_min3A_164 = arith.constant dense<2147483647> : vector<1xi32>
      %reduce_min3A_165 = vector.multi_reduction <minsi>, %reduce_min3A_163, %reduce_min3A_164 [1, 2] : vector<1x48x128xi32> to vector<1xi32>
      %reduce_min3A_166 = vector.shape_cast %reduce_min3A_165 : vector<1xi32> to vector<1x1x1xi32>
      %reduce_min3A_167 = vector.extract %reduce_min3A_166[0, 0, 0] : i32 from vector<1x1x1xi32>
      %eq3A_168 = vector.broadcast %reduce_max3A_139 : f32 to vector<48x128xf32>
      %eq3A_169 = arith.cmpf oeq, %scan3A_124, %eq3A_168 : vector<48x128xf32>
      %broadcast_in_dim3A_170 = vector.broadcast %scan3A : i32 to vector<48x128xi32>
      %select_n3A_171 = arith.select %eq3A_169, %add3A_7, %broadcast_in_dim3A_170 : vector<48x128xi1>, vector<48x128xi32>
      %reduce_min3A_172 = vector.shape_cast %select_n3A_171 : vector<48x128xi32> to vector<1x48x128xi32>
      %reduce_min3A_173 = arith.constant dense<2147483647> : vector<1xi32>
      %reduce_min3A_174 = vector.multi_reduction <minsi>, %reduce_min3A_172, %reduce_min3A_173 [1, 2] : vector<1x48x128xi32> to vector<1xi32>
      %reduce_min3A_175 = vector.shape_cast %reduce_min3A_174 : vector<1xi32> to vector<1x1x1xi32>
      %reduce_min3A_176 = vector.extract %reduce_min3A_175[0, 0, 0] : i32 from vector<1x1x1xi32>
      %eq3A_177 = vector.broadcast %reduce_max3A_144 : f32 to vector<48x128xf32>
      %eq3A_178 = arith.cmpf oeq, %scan3A_125, %eq3A_177 : vector<48x128xf32>
      %broadcast_in_dim3A_179 = vector.broadcast %scan3A : i32 to vector<48x128xi32>
      %select_n3A_180 = arith.select %eq3A_178, %add3A_7, %broadcast_in_dim3A_179 : vector<48x128xi1>, vector<48x128xi32>
      %reduce_min3A_181 = vector.shape_cast %select_n3A_180 : vector<48x128xi32> to vector<1x48x128xi32>
      %reduce_min3A_182 = arith.constant dense<2147483647> : vector<1xi32>
      %reduce_min3A_183 = vector.multi_reduction <minsi>, %reduce_min3A_181, %reduce_min3A_182 [1, 2] : vector<1x48x128xi32> to vector<1xi32>
      %reduce_min3A_184 = vector.shape_cast %reduce_min3A_183 : vector<1xi32> to vector<1x1x1xi32>
      %reduce_min3A_185 = vector.extract %reduce_min3A_184[0, 0, 0] : i32 from vector<1x1x1xi32>
      %jit3A_186 = arith.constant 128 : i32
      %div3A_187 = arith.divsi %reduce_min3A_158, %jit3A_186 : i32
      %sign3A = arith.constant 0 : i32
      %sign3A_188 = arith.cmpi sgt, %reduce_min3A_158, %sign3A : i32
      %sign3A_189 = arith.extui %sign3A_188 : i1 to i32
      %sign3A_190 = arith.constant 0 : i32
      %sign3A_191 = arith.cmpi slt, %reduce_min3A_158, %sign3A_190 : i32
      %sign3A_192 = arith.extui %sign3A_191 : i1 to i32
      %sign3A_193 = arith.subi %sign3A_189, %sign3A_192 : i32
      %sign3A_194 = arith.constant 0 : i32
      %sign3A_195 = arith.cmpi sgt, %jit3A_186, %sign3A_194 : i32
      %sign3A_196 = arith.extui %sign3A_195 : i1 to i32
      %sign3A_197 = arith.constant 0 : i32
      %sign3A_198 = arith.cmpi slt, %jit3A_186, %sign3A_197 : i32
      %sign3A_199 = arith.extui %sign3A_198 : i1 to i32
      %sign3A_200 = arith.subi %sign3A_196, %sign3A_199 : i32
      %ne3A = arith.cmpi ne, %sign3A_193, %sign3A_200 : i32
      %rem3A = arith.remsi %reduce_min3A_158, %jit3A_186 : i32
      %ne3A_201 = arith.constant 0 : i32
      %ne3A_202 = arith.cmpi ne, %rem3A, %ne3A_201 : i32
      %and3A = arith.andi %ne3A, %ne3A_202 : i1
      %sub3A = arith.constant 1 : i32
      %sub3A_203 = arith.subi %div3A_187, %sub3A : i32
      %select_n3A_204 = arith.select %and3A, %sub3A_203, %div3A_187 : i32
      %add3A_205 = arith.constant 0 : i32
      %add3A_206 = arith.addi %add3A_205, %select_n3A_204 : i32
      %jit3A_207 = arith.constant 128 : i32
      %div3A_208 = arith.divsi %reduce_min3A_167, %jit3A_207 : i32
      %sign3A_209 = arith.constant 0 : i32
      %sign3A_210 = arith.cmpi sgt, %reduce_min3A_167, %sign3A_209 : i32
      %sign3A_211 = arith.extui %sign3A_210 : i1 to i32
      %sign3A_212 = arith.constant 0 : i32
      %sign3A_213 = arith.cmpi slt, %reduce_min3A_167, %sign3A_212 : i32
      %sign3A_214 = arith.extui %sign3A_213 : i1 to i32
      %sign3A_215 = arith.subi %sign3A_211, %sign3A_214 : i32
      %sign3A_216 = arith.constant 0 : i32
      %sign3A_217 = arith.cmpi sgt, %jit3A_207, %sign3A_216 : i32
      %sign3A_218 = arith.extui %sign3A_217 : i1 to i32
      %sign3A_219 = arith.constant 0 : i32
      %sign3A_220 = arith.cmpi slt, %jit3A_207, %sign3A_219 : i32
      %sign3A_221 = arith.extui %sign3A_220 : i1 to i32
      %sign3A_222 = arith.subi %sign3A_218, %sign3A_221 : i32
      %ne3A_223 = arith.cmpi ne, %sign3A_215, %sign3A_222 : i32
      %rem3A_224 = arith.remsi %reduce_min3A_167, %jit3A_207 : i32
      %ne3A_225 = arith.constant 0 : i32
      %ne3A_226 = arith.cmpi ne, %rem3A_224, %ne3A_225 : i32
      %and3A_227 = arith.andi %ne3A_223, %ne3A_226 : i1
      %sub3A_228 = arith.constant 1 : i32
      %sub3A_229 = arith.subi %div3A_208, %sub3A_228 : i32
      %select_n3A_230 = arith.select %and3A_227, %sub3A_229, %div3A_208 : i32
      %add3A_231 = arith.constant 48 : i32
      %add3A_232 = arith.addi %add3A_231, %select_n3A_230 : i32
      %jit3A_233 = arith.constant 128 : i32
      %div3A_234 = arith.divsi %reduce_min3A_176, %jit3A_233 : i32
      %sign3A_235 = arith.constant 0 : i32
      %sign3A_236 = arith.cmpi sgt, %reduce_min3A_176, %sign3A_235 : i32
      %sign3A_237 = arith.extui %sign3A_236 : i1 to i32
      %sign3A_238 = arith.constant 0 : i32
      %sign3A_239 = arith.cmpi slt, %reduce_min3A_176, %sign3A_238 : i32
      %sign3A_240 = arith.extui %sign3A_239 : i1 to i32
      %sign3A_241 = arith.subi %sign3A_237, %sign3A_240 : i32
      %sign3A_242 = arith.constant 0 : i32
      %sign3A_243 = arith.cmpi sgt, %jit3A_233, %sign3A_242 : i32
      %sign3A_244 = arith.extui %sign3A_243 : i1 to i32
      %sign3A_245 = arith.constant 0 : i32
      %sign3A_246 = arith.cmpi slt, %jit3A_233, %sign3A_245 : i32
      %sign3A_247 = arith.extui %sign3A_246 : i1 to i32
      %sign3A_248 = arith.subi %sign3A_244, %sign3A_247 : i32
      %ne3A_249 = arith.cmpi ne, %sign3A_241, %sign3A_248 : i32
      %rem3A_250 = arith.remsi %reduce_min3A_176, %jit3A_233 : i32
      %ne3A_251 = arith.constant 0 : i32
      %ne3A_252 = arith.cmpi ne, %rem3A_250, %ne3A_251 : i32
      %and3A_253 = arith.andi %ne3A_249, %ne3A_252 : i1
      %sub3A_254 = arith.constant 1 : i32
      %sub3A_255 = arith.subi %div3A_234, %sub3A_254 : i32
      %select_n3A_256 = arith.select %and3A_253, %sub3A_255, %div3A_234 : i32
      %add3A_257 = arith.constant 96 : i32
      %add3A_258 = arith.addi %add3A_257, %select_n3A_256 : i32
      %jit3A_259 = arith.constant 128 : i32
      %div3A_260 = arith.divsi %reduce_min3A_185, %jit3A_259 : i32
      %sign3A_261 = arith.constant 0 : i32
      %sign3A_262 = arith.cmpi sgt, %reduce_min3A_185, %sign3A_261 : i32
      %sign3A_263 = arith.extui %sign3A_262 : i1 to i32
      %sign3A_264 = arith.constant 0 : i32
      %sign3A_265 = arith.cmpi slt, %reduce_min3A_185, %sign3A_264 : i32
      %sign3A_266 = arith.extui %sign3A_265 : i1 to i32
      %sign3A_267 = arith.subi %sign3A_263, %sign3A_266 : i32
      %sign3A_268 = arith.constant 0 : i32
      %sign3A_269 = arith.cmpi sgt, %jit3A_259, %sign3A_268 : i32
      %sign3A_270 = arith.extui %sign3A_269 : i1 to i32
      %sign3A_271 = arith.constant 0 : i32
      %sign3A_272 = arith.cmpi slt, %jit3A_259, %sign3A_271 : i32
      %sign3A_273 = arith.extui %sign3A_272 : i1 to i32
      %sign3A_274 = arith.subi %sign3A_270, %sign3A_273 : i32
      %ne3A_275 = arith.cmpi ne, %sign3A_267, %sign3A_274 : i32
      %rem3A_276 = arith.remsi %reduce_min3A_185, %jit3A_259 : i32
      %ne3A_277 = arith.constant 0 : i32
      %ne3A_278 = arith.cmpi ne, %rem3A_276, %ne3A_277 : i32
      %and3A_279 = arith.andi %ne3A_275, %ne3A_278 : i1
      %sub3A_280 = arith.constant 1 : i32
      %sub3A_281 = arith.subi %div3A_260, %sub3A_280 : i32
      %select_n3A_282 = arith.select %and3A_279, %sub3A_281, %div3A_260 : i32
      %add3A_283 = arith.constant 144 : i32
      %add3A_284 = arith.addi %add3A_283, %select_n3A_282 : i32
      %jit3A_285 = arith.constant 128 : i32
      %eq3A_286 = arith.constant 0 : i32
      %eq3A_287 = arith.cmpi eq, %jit3A_285, %eq3A_286 : i32
      %jit3A_288 = arith.constant 1 : i32
      %select_n3A_289 = arith.select %eq3A_287, %jit3A_288, %jit3A_285 : i32
      %rem3A_290 = arith.remsi %reduce_min3A_158, %select_n3A_289 : i32
      %ne3A_291 = arith.constant 0 : i32
      %ne3A_292 = arith.cmpi ne, %rem3A_290, %ne3A_291 : i32
      %lt3A_293 = arith.constant 0 : i32
      %lt3A_294 = arith.cmpi slt, %rem3A_290, %lt3A_293 : i32
      %lt3A_295 = arith.constant 0 : i32
      %lt3A_296 = arith.cmpi slt, %select_n3A_289, %lt3A_295 : i32
      %ne3A_297 = arith.xori %lt3A_294, %lt3A_296 : i1
      %and3A_298 = arith.andi %ne3A_297, %ne3A_292 : i1
      %add3A_299 = arith.addi %rem3A_290, %select_n3A_289 : i32
      %select_n3A_300 = arith.select %and3A_298, %add3A_299, %rem3A_290 : i32
      %eq3A_301 = vector.broadcast %select_n3A_300 : i32 to vector<1x128xi32>
      %eq3A_302 = arith.cmpi eq, %iota3A_8, %eq3A_301 : vector<1x128xi32>
      %jit3A_303 = arith.constant 128 : i32
      %eq3A_304 = arith.constant 0 : i32
      %eq3A_305 = arith.cmpi eq, %jit3A_303, %eq3A_304 : i32
      %jit3A_306 = arith.constant 1 : i32
      %select_n3A_307 = arith.select %eq3A_305, %jit3A_306, %jit3A_303 : i32
      %rem3A_308 = arith.remsi %reduce_min3A_167, %select_n3A_307 : i32
      %ne3A_309 = arith.constant 0 : i32
      %ne3A_310 = arith.cmpi ne, %rem3A_308, %ne3A_309 : i32
      %lt3A_311 = arith.constant 0 : i32
      %lt3A_312 = arith.cmpi slt, %rem3A_308, %lt3A_311 : i32
      %lt3A_313 = arith.constant 0 : i32
      %lt3A_314 = arith.cmpi slt, %select_n3A_307, %lt3A_313 : i32
      %ne3A_315 = arith.xori %lt3A_312, %lt3A_314 : i1
      %and3A_316 = arith.andi %ne3A_315, %ne3A_310 : i1
      %add3A_317 = arith.addi %rem3A_308, %select_n3A_307 : i32
      %select_n3A_318 = arith.select %and3A_316, %add3A_317, %rem3A_308 : i32
      %eq3A_319 = vector.broadcast %select_n3A_318 : i32 to vector<1x128xi32>
      %eq3A_320 = arith.cmpi eq, %iota3A_8, %eq3A_319 : vector<1x128xi32>
      %jit3A_321 = arith.constant 128 : i32
      %eq3A_322 = arith.constant 0 : i32
      %eq3A_323 = arith.cmpi eq, %jit3A_321, %eq3A_322 : i32
      %jit3A_324 = arith.constant 1 : i32
      %select_n3A_325 = arith.select %eq3A_323, %jit3A_324, %jit3A_321 : i32
      %rem3A_326 = arith.remsi %reduce_min3A_176, %select_n3A_325 : i32
      %ne3A_327 = arith.constant 0 : i32
      %ne3A_328 = arith.cmpi ne, %rem3A_326, %ne3A_327 : i32
      %lt3A_329 = arith.constant 0 : i32
      %lt3A_330 = arith.cmpi slt, %rem3A_326, %lt3A_329 : i32
      %lt3A_331 = arith.constant 0 : i32
      %lt3A_332 = arith.cmpi slt, %select_n3A_325, %lt3A_331 : i32
      %ne3A_333 = arith.xori %lt3A_330, %lt3A_332 : i1
      %and3A_334 = arith.andi %ne3A_333, %ne3A_328 : i1
      %add3A_335 = arith.addi %rem3A_326, %select_n3A_325 : i32
      %select_n3A_336 = arith.select %and3A_334, %add3A_335, %rem3A_326 : i32
      %eq3A_337 = vector.broadcast %select_n3A_336 : i32 to vector<1x128xi32>
      %eq3A_338 = arith.cmpi eq, %iota3A_8, %eq3A_337 : vector<1x128xi32>
      %jit3A_339 = arith.constant 128 : i32
      %eq3A_340 = arith.constant 0 : i32
      %eq3A_341 = arith.cmpi eq, %jit3A_339, %eq3A_340 : i32
      %jit3A_342 = arith.constant 1 : i32
      %select_n3A_343 = arith.select %eq3A_341, %jit3A_342, %jit3A_339 : i32
      %rem3A_344 = arith.remsi %reduce_min3A_185, %select_n3A_343 : i32
      %ne3A_345 = arith.constant 0 : i32
      %ne3A_346 = arith.cmpi ne, %rem3A_344, %ne3A_345 : i32
      %lt3A_347 = arith.constant 0 : i32
      %lt3A_348 = arith.cmpi slt, %rem3A_344, %lt3A_347 : i32
      %lt3A_349 = arith.constant 0 : i32
      %lt3A_350 = arith.cmpi slt, %select_n3A_343, %lt3A_349 : i32
      %ne3A_351 = arith.xori %lt3A_348, %lt3A_350 : i1
      %and3A_352 = arith.andi %ne3A_351, %ne3A_346 : i1
      %add3A_353 = arith.addi %rem3A_344, %select_n3A_343 : i32
      %select_n3A_354 = arith.select %and3A_352, %add3A_353, %rem3A_344 : i32
      %eq3A_355 = vector.broadcast %select_n3A_354 : i32 to vector<1x128xi32>
      %eq3A_356 = arith.cmpi eq, %iota3A_8, %eq3A_355 : vector<1x128xi32>
      %get3A_357 = arith.index_cast %add3A_206 : i32 to index
      %get3A_358 = arith.constant 0 : index
      %get3A_359 = vector.load %arg1[%get3A_357, %get3A_358] : memref<192x128xf32, #tpu.memory_space<vmem>>, vector<1x128xf32>
      %get3A_360 = arith.index_cast %add3A_206 : i32 to index
      %get3A_361 = arith.constant 0 : index
      %get3A_362 = vector.load %arg2[%get3A_360, %get3A_361] : memref<192x128xf32, #tpu.memory_space<vmem>>, vector<1x128xf32>
      %get3A_363 = arith.index_cast %add3A_206 : i32 to index
      %get3A_364 = arith.constant 0 : index
      %get3A_365 = vector.load %arg3[%get3A_363, %get3A_364] : memref<192x128xf32, #tpu.memory_space<vmem>>, vector<1x128xf32>
      %get3A_366 = arith.index_cast %add3A_206 : i32 to index
      %get3A_367 = arith.constant 0 : index
      %get3A_368 = vector.load %arg4[%get3A_366, %get3A_367] : memref<192x128xf32, #tpu.memory_space<vmem>>, vector<1x128xf32>
      %get3A_369 = arith.index_cast %add3A_206 : i32 to index
      %get3A_370 = arith.constant 0 : index
      %get3A_371 = vector.load %arg5[%get3A_369, %get3A_370] : memref<192x128xf32, #tpu.memory_space<vmem>>, vector<1x128xf32>
      %get3A_372 = arith.index_cast %add3A_232 : i32 to index
      %get3A_373 = arith.constant 0 : index
      %get3A_374 = vector.load %arg1[%get3A_372, %get3A_373] : memref<192x128xf32, #tpu.memory_space<vmem>>, vector<1x128xf32>
      %get3A_375 = arith.index_cast %add3A_232 : i32 to index
      %get3A_376 = arith.constant 0 : index
      %get3A_377 = vector.load %arg2[%get3A_375, %get3A_376] : memref<192x128xf32, #tpu.memory_space<vmem>>, vector<1x128xf32>
      %get3A_378 = arith.index_cast %add3A_232 : i32 to index
      %get3A_379 = arith.constant 0 : index
      %get3A_380 = vector.load %arg3[%get3A_378, %get3A_379] : memref<192x128xf32, #tpu.memory_space<vmem>>, vector<1x128xf32>
      %get3A_381 = arith.index_cast %add3A_232 : i32 to index
      %get3A_382 = arith.constant 0 : index
      %get3A_383 = vector.load %arg4[%get3A_381, %get3A_382] : memref<192x128xf32, #tpu.memory_space<vmem>>, vector<1x128xf32>
      %get3A_384 = arith.index_cast %add3A_232 : i32 to index
      %get3A_385 = arith.constant 0 : index
      %get3A_386 = vector.load %arg5[%get3A_384, %get3A_385] : memref<192x128xf32, #tpu.memory_space<vmem>>, vector<1x128xf32>
      %get3A_387 = arith.index_cast %add3A_258 : i32 to index
      %get3A_388 = arith.constant 0 : index
      %get3A_389 = vector.load %arg1[%get3A_387, %get3A_388] : memref<192x128xf32, #tpu.memory_space<vmem>>, vector<1x128xf32>
      %get3A_390 = arith.index_cast %add3A_258 : i32 to index
      %get3A_391 = arith.constant 0 : index
      %get3A_392 = vector.load %arg2[%get3A_390, %get3A_391] : memref<192x128xf32, #tpu.memory_space<vmem>>, vector<1x128xf32>
      %get3A_393 = arith.index_cast %add3A_258 : i32 to index
      %get3A_394 = arith.constant 0 : index
      %get3A_395 = vector.load %arg3[%get3A_393, %get3A_394] : memref<192x128xf32, #tpu.memory_space<vmem>>, vector<1x128xf32>
      %get3A_396 = arith.index_cast %add3A_258 : i32 to index
      %get3A_397 = arith.constant 0 : index
      %get3A_398 = vector.load %arg4[%get3A_396, %get3A_397] : memref<192x128xf32, #tpu.memory_space<vmem>>, vector<1x128xf32>
      %get3A_399 = arith.index_cast %add3A_258 : i32 to index
      %get3A_400 = arith.constant 0 : index
      %get3A_401 = vector.load %arg5[%get3A_399, %get3A_400] : memref<192x128xf32, #tpu.memory_space<vmem>>, vector<1x128xf32>
      %get3A_402 = arith.index_cast %add3A_284 : i32 to index
      %get3A_403 = arith.constant 0 : index
      %get3A_404 = vector.load %arg1[%get3A_402, %get3A_403] : memref<192x128xf32, #tpu.memory_space<vmem>>, vector<1x128xf32>
      %get3A_405 = arith.index_cast %add3A_284 : i32 to index
      %get3A_406 = arith.constant 0 : index
      %get3A_407 = vector.load %arg2[%get3A_405, %get3A_406] : memref<192x128xf32, #tpu.memory_space<vmem>>, vector<1x128xf32>
      %get3A_408 = arith.index_cast %add3A_284 : i32 to index
      %get3A_409 = arith.constant 0 : index
      %get3A_410 = vector.load %arg3[%get3A_408, %get3A_409] : memref<192x128xf32, #tpu.memory_space<vmem>>, vector<1x128xf32>
      %get3A_411 = arith.index_cast %add3A_284 : i32 to index
      %get3A_412 = arith.constant 0 : index
      %get3A_413 = vector.load %arg4[%get3A_411, %get3A_412] : memref<192x128xf32, #tpu.memory_space<vmem>>, vector<1x128xf32>
      %get3A_414 = arith.index_cast %add3A_284 : i32 to index
      %get3A_415 = arith.constant 0 : index
      %get3A_416 = vector.load %arg5[%get3A_414, %get3A_415] : memref<192x128xf32, #tpu.memory_space<vmem>>, vector<1x128xf32>
      %jit3A_417 = arith.constant 0.000000e+00 : f32
      %broadcast_in_dim3A_418 = vector.broadcast %jit3A_417 : f32 to vector<1x128xf32>
      %select_n3A_419 = arith.select %eq3A_302, %get3A_359, %broadcast_in_dim3A_418 : vector<1x128xi1>, vector<1x128xf32>
      %reduce_sum3A = vector.shape_cast %select_n3A_419 : vector<1x128xf32> to vector<1x1x128xf32>
      %reduce_sum3A_420 = arith.constant dense<0.000000e+00> : vector<1xf32>
      %reduce_sum3A_421 = vector.multi_reduction <add>, %reduce_sum3A, %reduce_sum3A_420 [1, 2] : vector<1x1x128xf32> to vector<1xf32>
      %reduce_sum3A_422 = vector.shape_cast %reduce_sum3A_421 : vector<1xf32> to vector<1x1x1xf32>
      %reduce_sum3A_423 = vector.extract %reduce_sum3A_422[0, 0, 0] : f32 from vector<1x1x1xf32>
      %jit3A_424 = arith.constant 0.000000e+00 : f32
      %broadcast_in_dim3A_425 = vector.broadcast %jit3A_424 : f32 to vector<1x128xf32>
      %select_n3A_426 = arith.select %eq3A_302, %get3A_362, %broadcast_in_dim3A_425 : vector<1x128xi1>, vector<1x128xf32>
      %reduce_sum3A_427 = vector.shape_cast %select_n3A_426 : vector<1x128xf32> to vector<1x1x128xf32>
      %reduce_sum3A_428 = arith.constant dense<0.000000e+00> : vector<1xf32>
      %reduce_sum3A_429 = vector.multi_reduction <add>, %reduce_sum3A_427, %reduce_sum3A_428 [1, 2] : vector<1x1x128xf32> to vector<1xf32>
      %reduce_sum3A_430 = vector.shape_cast %reduce_sum3A_429 : vector<1xf32> to vector<1x1x1xf32>
      %reduce_sum3A_431 = vector.extract %reduce_sum3A_430[0, 0, 0] : f32 from vector<1x1x1xf32>
      %jit3A_432 = arith.constant 0.000000e+00 : f32
      %broadcast_in_dim3A_433 = vector.broadcast %jit3A_432 : f32 to vector<1x128xf32>
      %select_n3A_434 = arith.select %eq3A_302, %get3A_365, %broadcast_in_dim3A_433 : vector<1x128xi1>, vector<1x128xf32>
      %reduce_sum3A_435 = vector.shape_cast %select_n3A_434 : vector<1x128xf32> to vector<1x1x128xf32>
      %reduce_sum3A_436 = arith.constant dense<0.000000e+00> : vector<1xf32>
      %reduce_sum3A_437 = vector.multi_reduction <add>, %reduce_sum3A_435, %reduce_sum3A_436 [1, 2] : vector<1x1x128xf32> to vector<1xf32>
      %reduce_sum3A_438 = vector.shape_cast %reduce_sum3A_437 : vector<1xf32> to vector<1x1x1xf32>
      %reduce_sum3A_439 = vector.extract %reduce_sum3A_438[0, 0, 0] : f32 from vector<1x1x1xf32>
      %jit3A_440 = arith.constant 0.000000e+00 : f32
      %broadcast_in_dim3A_441 = vector.broadcast %jit3A_440 : f32 to vector<1x128xf32>
      %select_n3A_442 = arith.select %eq3A_302, %get3A_368, %broadcast_in_dim3A_441 : vector<1x128xi1>, vector<1x128xf32>
      %reduce_sum3A_443 = vector.shape_cast %select_n3A_442 : vector<1x128xf32> to vector<1x1x128xf32>
      %reduce_sum3A_444 = arith.constant dense<0.000000e+00> : vector<1xf32>
      %reduce_sum3A_445 = vector.multi_reduction <add>, %reduce_sum3A_443, %reduce_sum3A_444 [1, 2] : vector<1x1x128xf32> to vector<1xf32>
      %reduce_sum3A_446 = vector.shape_cast %reduce_sum3A_445 : vector<1xf32> to vector<1x1x1xf32>
      %reduce_sum3A_447 = vector.extract %reduce_sum3A_446[0, 0, 0] : f32 from vector<1x1x1xf32>
      %jit3A_448 = arith.constant 0.000000e+00 : f32
      %broadcast_in_dim3A_449 = vector.broadcast %jit3A_448 : f32 to vector<1x128xf32>
      %select_n3A_450 = arith.select %eq3A_302, %get3A_371, %broadcast_in_dim3A_449 : vector<1x128xi1>, vector<1x128xf32>
      %reduce_sum3A_451 = vector.shape_cast %select_n3A_450 : vector<1x128xf32> to vector<1x1x128xf32>
      %reduce_sum3A_452 = arith.constant dense<0.000000e+00> : vector<1xf32>
      %reduce_sum3A_453 = vector.multi_reduction <add>, %reduce_sum3A_451, %reduce_sum3A_452 [1, 2] : vector<1x1x128xf32> to vector<1xf32>
      %reduce_sum3A_454 = vector.shape_cast %reduce_sum3A_453 : vector<1xf32> to vector<1x1x1xf32>
      %reduce_sum3A_455 = vector.extract %reduce_sum3A_454[0, 0, 0] : f32 from vector<1x1x1xf32>
      %jit3A_456 = arith.constant 0.000000e+00 : f32
      %broadcast_in_dim3A_457 = vector.broadcast %jit3A_456 : f32 to vector<1x128xf32>
      %select_n3A_458 = arith.select %eq3A_320, %get3A_374, %broadcast_in_dim3A_457 : vector<1x128xi1>, vector<1x128xf32>
      %reduce_sum3A_459 = vector.shape_cast %select_n3A_458 : vector<1x128xf32> to vector<1x1x128xf32>
      %reduce_sum3A_460 = arith.constant dense<0.000000e+00> : vector<1xf32>
      %reduce_sum3A_461 = vector.multi_reduction <add>, %reduce_sum3A_459, %reduce_sum3A_460 [1, 2] : vector<1x1x128xf32> to vector<1xf32>
      %reduce_sum3A_462 = vector.shape_cast %reduce_sum3A_461 : vector<1xf32> to vector<1x1x1xf32>
      %reduce_sum3A_463 = vector.extract %reduce_sum3A_462[0, 0, 0] : f32 from vector<1x1x1xf32>
      %jit3A_464 = arith.constant 0.000000e+00 : f32
      %broadcast_in_dim3A_465 = vector.broadcast %jit3A_464 : f32 to vector<1x128xf32>
      %select_n3A_466 = arith.select %eq3A_320, %get3A_377, %broadcast_in_dim3A_465 : vector<1x128xi1>, vector<1x128xf32>
      %reduce_sum3A_467 = vector.shape_cast %select_n3A_466 : vector<1x128xf32> to vector<1x1x128xf32>
      %reduce_sum3A_468 = arith.constant dense<0.000000e+00> : vector<1xf32>
      %reduce_sum3A_469 = vector.multi_reduction <add>, %reduce_sum3A_467, %reduce_sum3A_468 [1, 2] : vector<1x1x128xf32> to vector<1xf32>
      %reduce_sum3A_470 = vector.shape_cast %reduce_sum3A_469 : vector<1xf32> to vector<1x1x1xf32>
      %reduce_sum3A_471 = vector.extract %reduce_sum3A_470[0, 0, 0] : f32 from vector<1x1x1xf32>
      %jit3A_472 = arith.constant 0.000000e+00 : f32
      %broadcast_in_dim3A_473 = vector.broadcast %jit3A_472 : f32 to vector<1x128xf32>
      %select_n3A_474 = arith.select %eq3A_320, %get3A_380, %broadcast_in_dim3A_473 : vector<1x128xi1>, vector<1x128xf32>
      %reduce_sum3A_475 = vector.shape_cast %select_n3A_474 : vector<1x128xf32> to vector<1x1x128xf32>
      %reduce_sum3A_476 = arith.constant dense<0.000000e+00> : vector<1xf32>
      %reduce_sum3A_477 = vector.multi_reduction <add>, %reduce_sum3A_475, %reduce_sum3A_476 [1, 2] : vector<1x1x128xf32> to vector<1xf32>
      %reduce_sum3A_478 = vector.shape_cast %reduce_sum3A_477 : vector<1xf32> to vector<1x1x1xf32>
      %reduce_sum3A_479 = vector.extract %reduce_sum3A_478[0, 0, 0] : f32 from vector<1x1x1xf32>
      %jit3A_480 = arith.constant 0.000000e+00 : f32
      %broadcast_in_dim3A_481 = vector.broadcast %jit3A_480 : f32 to vector<1x128xf32>
      %select_n3A_482 = arith.select %eq3A_320, %get3A_383, %broadcast_in_dim3A_481 : vector<1x128xi1>, vector<1x128xf32>
      %reduce_sum3A_483 = vector.shape_cast %select_n3A_482 : vector<1x128xf32> to vector<1x1x128xf32>
      %reduce_sum3A_484 = arith.constant dense<0.000000e+00> : vector<1xf32>
      %reduce_sum3A_485 = vector.multi_reduction <add>, %reduce_sum3A_483, %reduce_sum3A_484 [1, 2] : vector<1x1x128xf32> to vector<1xf32>
      %reduce_sum3A_486 = vector.shape_cast %reduce_sum3A_485 : vector<1xf32> to vector<1x1x1xf32>
      %reduce_sum3A_487 = vector.extract %reduce_sum3A_486[0, 0, 0] : f32 from vector<1x1x1xf32>
      %jit3A_488 = arith.constant 0.000000e+00 : f32
      %broadcast_in_dim3A_489 = vector.broadcast %jit3A_488 : f32 to vector<1x128xf32>
      %select_n3A_490 = arith.select %eq3A_320, %get3A_386, %broadcast_in_dim3A_489 : vector<1x128xi1>, vector<1x128xf32>
      %reduce_sum3A_491 = vector.shape_cast %select_n3A_490 : vector<1x128xf32> to vector<1x1x128xf32>
      %reduce_sum3A_492 = arith.constant dense<0.000000e+00> : vector<1xf32>
      %reduce_sum3A_493 = vector.multi_reduction <add>, %reduce_sum3A_491, %reduce_sum3A_492 [1, 2] : vector<1x1x128xf32> to vector<1xf32>
      %reduce_sum3A_494 = vector.shape_cast %reduce_sum3A_493 : vector<1xf32> to vector<1x1x1xf32>
      %reduce_sum3A_495 = vector.extract %reduce_sum3A_494[0, 0, 0] : f32 from vector<1x1x1xf32>
      %jit3A_496 = arith.constant 0.000000e+00 : f32
      %broadcast_in_dim3A_497 = vector.broadcast %jit3A_496 : f32 to vector<1x128xf32>
      %select_n3A_498 = arith.select %eq3A_338, %get3A_389, %broadcast_in_dim3A_497 : vector<1x128xi1>, vector<1x128xf32>
      %reduce_sum3A_499 = vector.shape_cast %select_n3A_498 : vector<1x128xf32> to vector<1x1x128xf32>
      %reduce_sum3A_500 = arith.constant dense<0.000000e+00> : vector<1xf32>
      %reduce_sum3A_501 = vector.multi_reduction <add>, %reduce_sum3A_499, %reduce_sum3A_500 [1, 2] : vector<1x1x128xf32> to vector<1xf32>
      %reduce_sum3A_502 = vector.shape_cast %reduce_sum3A_501 : vector<1xf32> to vector<1x1x1xf32>
      %reduce_sum3A_503 = vector.extract %reduce_sum3A_502[0, 0, 0] : f32 from vector<1x1x1xf32>
      %jit3A_504 = arith.constant 0.000000e+00 : f32
      %broadcast_in_dim3A_505 = vector.broadcast %jit3A_504 : f32 to vector<1x128xf32>
      %select_n3A_506 = arith.select %eq3A_338, %get3A_392, %broadcast_in_dim3A_505 : vector<1x128xi1>, vector<1x128xf32>
      %reduce_sum3A_507 = vector.shape_cast %select_n3A_506 : vector<1x128xf32> to vector<1x1x128xf32>
      %reduce_sum3A_508 = arith.constant dense<0.000000e+00> : vector<1xf32>
      %reduce_sum3A_509 = vector.multi_reduction <add>, %reduce_sum3A_507, %reduce_sum3A_508 [1, 2] : vector<1x1x128xf32> to vector<1xf32>
      %reduce_sum3A_510 = vector.shape_cast %reduce_sum3A_509 : vector<1xf32> to vector<1x1x1xf32>
      %reduce_sum3A_511 = vector.extract %reduce_sum3A_510[0, 0, 0] : f32 from vector<1x1x1xf32>
      %jit3A_512 = arith.constant 0.000000e+00 : f32
      %broadcast_in_dim3A_513 = vector.broadcast %jit3A_512 : f32 to vector<1x128xf32>
      %select_n3A_514 = arith.select %eq3A_338, %get3A_395, %broadcast_in_dim3A_513 : vector<1x128xi1>, vector<1x128xf32>
      %reduce_sum3A_515 = vector.shape_cast %select_n3A_514 : vector<1x128xf32> to vector<1x1x128xf32>
      %reduce_sum3A_516 = arith.constant dense<0.000000e+00> : vector<1xf32>
      %reduce_sum3A_517 = vector.multi_reduction <add>, %reduce_sum3A_515, %reduce_sum3A_516 [1, 2] : vector<1x1x128xf32> to vector<1xf32>
      %reduce_sum3A_518 = vector.shape_cast %reduce_sum3A_517 : vector<1xf32> to vector<1x1x1xf32>
      %reduce_sum3A_519 = vector.extract %reduce_sum3A_518[0, 0, 0] : f32 from vector<1x1x1xf32>
      %jit3A_520 = arith.constant 0.000000e+00 : f32
      %broadcast_in_dim3A_521 = vector.broadcast %jit3A_520 : f32 to vector<1x128xf32>
      %select_n3A_522 = arith.select %eq3A_338, %get3A_398, %broadcast_in_dim3A_521 : vector<1x128xi1>, vector<1x128xf32>
      %reduce_sum3A_523 = vector.shape_cast %select_n3A_522 : vector<1x128xf32> to vector<1x1x128xf32>
      %reduce_sum3A_524 = arith.constant dense<0.000000e+00> : vector<1xf32>
      %reduce_sum3A_525 = vector.multi_reduction <add>, %reduce_sum3A_523, %reduce_sum3A_524 [1, 2] : vector<1x1x128xf32> to vector<1xf32>
      %reduce_sum3A_526 = vector.shape_cast %reduce_sum3A_525 : vector<1xf32> to vector<1x1x1xf32>
      %reduce_sum3A_527 = vector.extract %reduce_sum3A_526[0, 0, 0] : f32 from vector<1x1x1xf32>
      %jit3A_528 = arith.constant 0.000000e+00 : f32
      %broadcast_in_dim3A_529 = vector.broadcast %jit3A_528 : f32 to vector<1x128xf32>
      %select_n3A_530 = arith.select %eq3A_338, %get3A_401, %broadcast_in_dim3A_529 : vector<1x128xi1>, vector<1x128xf32>
      %reduce_sum3A_531 = vector.shape_cast %select_n3A_530 : vector<1x128xf32> to vector<1x1x128xf32>
      %reduce_sum3A_532 = arith.constant dense<0.000000e+00> : vector<1xf32>
      %reduce_sum3A_533 = vector.multi_reduction <add>, %reduce_sum3A_531, %reduce_sum3A_532 [1, 2] : vector<1x1x128xf32> to vector<1xf32>
      %reduce_sum3A_534 = vector.shape_cast %reduce_sum3A_533 : vector<1xf32> to vector<1x1x1xf32>
      %reduce_sum3A_535 = vector.extract %reduce_sum3A_534[0, 0, 0] : f32 from vector<1x1x1xf32>
      %jit3A_536 = arith.constant 0.000000e+00 : f32
      %broadcast_in_dim3A_537 = vector.broadcast %jit3A_536 : f32 to vector<1x128xf32>
      %select_n3A_538 = arith.select %eq3A_356, %get3A_404, %broadcast_in_dim3A_537 : vector<1x128xi1>, vector<1x128xf32>
      %reduce_sum3A_539 = vector.shape_cast %select_n3A_538 : vector<1x128xf32> to vector<1x1x128xf32>
      %reduce_sum3A_540 = arith.constant dense<0.000000e+00> : vector<1xf32>
      %reduce_sum3A_541 = vector.multi_reduction <add>, %reduce_sum3A_539, %reduce_sum3A_540 [1, 2] : vector<1x1x128xf32> to vector<1xf32>
      %reduce_sum3A_542 = vector.shape_cast %reduce_sum3A_541 : vector<1xf32> to vector<1x1x1xf32>
      %reduce_sum3A_543 = vector.extract %reduce_sum3A_542[0, 0, 0] : f32 from vector<1x1x1xf32>
      %jit3A_544 = arith.constant 0.000000e+00 : f32
      %broadcast_in_dim3A_545 = vector.broadcast %jit3A_544 : f32 to vector<1x128xf32>
      %select_n3A_546 = arith.select %eq3A_356, %get3A_407, %broadcast_in_dim3A_545 : vector<1x128xi1>, vector<1x128xf32>
      %reduce_sum3A_547 = vector.shape_cast %select_n3A_546 : vector<1x128xf32> to vector<1x1x128xf32>
      %reduce_sum3A_548 = arith.constant dense<0.000000e+00> : vector<1xf32>
      %reduce_sum3A_549 = vector.multi_reduction <add>, %reduce_sum3A_547, %reduce_sum3A_548 [1, 2] : vector<1x1x128xf32> to vector<1xf32>
      %reduce_sum3A_550 = vector.shape_cast %reduce_sum3A_549 : vector<1xf32> to vector<1x1x1xf32>
      %reduce_sum3A_551 = vector.extract %reduce_sum3A_550[0, 0, 0] : f32 from vector<1x1x1xf32>
      %jit3A_552 = arith.constant 0.000000e+00 : f32
      %broadcast_in_dim3A_553 = vector.broadcast %jit3A_552 : f32 to vector<1x128xf32>
      %select_n3A_554 = arith.select %eq3A_356, %get3A_410, %broadcast_in_dim3A_553 : vector<1x128xi1>, vector<1x128xf32>
      %reduce_sum3A_555 = vector.shape_cast %select_n3A_554 : vector<1x128xf32> to vector<1x1x128xf32>
      %reduce_sum3A_556 = arith.constant dense<0.000000e+00> : vector<1xf32>
      %reduce_sum3A_557 = vector.multi_reduction <add>, %reduce_sum3A_555, %reduce_sum3A_556 [1, 2] : vector<1x1x128xf32> to vector<1xf32>
      %reduce_sum3A_558 = vector.shape_cast %reduce_sum3A_557 : vector<1xf32> to vector<1x1x1xf32>
      %reduce_sum3A_559 = vector.extract %reduce_sum3A_558[0, 0, 0] : f32 from vector<1x1x1xf32>
      %jit3A_560 = arith.constant 0.000000e+00 : f32
      %broadcast_in_dim3A_561 = vector.broadcast %jit3A_560 : f32 to vector<1x128xf32>
      %select_n3A_562 = arith.select %eq3A_356, %get3A_413, %broadcast_in_dim3A_561 : vector<1x128xi1>, vector<1x128xf32>
      %reduce_sum3A_563 = vector.shape_cast %select_n3A_562 : vector<1x128xf32> to vector<1x1x128xf32>
      %reduce_sum3A_564 = arith.constant dense<0.000000e+00> : vector<1xf32>
      %reduce_sum3A_565 = vector.multi_reduction <add>, %reduce_sum3A_563, %reduce_sum3A_564 [1, 2] : vector<1x1x128xf32> to vector<1xf32>
      %reduce_sum3A_566 = vector.shape_cast %reduce_sum3A_565 : vector<1xf32> to vector<1x1x1xf32>
      %reduce_sum3A_567 = vector.extract %reduce_sum3A_566[0, 0, 0] : f32 from vector<1x1x1xf32>
      %jit3A_568 = arith.constant 0.000000e+00 : f32
      %broadcast_in_dim3A_569 = vector.broadcast %jit3A_568 : f32 to vector<1x128xf32>
      %select_n3A_570 = arith.select %eq3A_356, %get3A_416, %broadcast_in_dim3A_569 : vector<1x128xi1>, vector<1x128xf32>
      %reduce_sum3A_571 = vector.shape_cast %select_n3A_570 : vector<1x128xf32> to vector<1x1x128xf32>
      %reduce_sum3A_572 = arith.constant dense<0.000000e+00> : vector<1xf32>
      %reduce_sum3A_573 = vector.multi_reduction <add>, %reduce_sum3A_571, %reduce_sum3A_572 [1, 2] : vector<1x1x128xf32> to vector<1xf32>
      %reduce_sum3A_574 = vector.shape_cast %reduce_sum3A_573 : vector<1xf32> to vector<1x1x1xf32>
      %reduce_sum3A_575 = vector.extract %reduce_sum3A_574[0, 0, 0] : f32 from vector<1x1x1xf32>
      %select_n3A_576 = arith.select %gt3A_145, %reduce_sum3A_455, %scan3A_114 : f32
      %min3A = vector.broadcast %reduce_sum3A_431 : f32 to vector<48x128xf32>
      %min3A_577 = arith.minimumf %get3A_15, %min3A : vector<48x128xf32>
      %max3A = vector.broadcast %reduce_sum3A_423 : f32 to vector<48x128xf32>
      %max3A_578 = arith.maximumf %get3A_12, %max3A : vector<48x128xf32>
      %sub3A_579 = arith.subf %min3A_577, %max3A_578 : vector<48x128xf32>
      %max3A_580 = arith.constant 0.000000e+00 : f32
      %max3A_581 = vector.broadcast %max3A_580 : f32 to vector<48x128xf32>
      %max3A_582 = arith.maximumf %max3A_581, %sub3A_579 : vector<48x128xf32>
      %min3A_583 = vector.broadcast %reduce_sum3A_447 : f32 to vector<48x128xf32>
      %min3A_584 = arith.minimumf %get3A_21, %min3A_583 : vector<48x128xf32>
      %max3A_585 = vector.broadcast %reduce_sum3A_439 : f32 to vector<48x128xf32>
      %max3A_586 = arith.maximumf %get3A_18, %max3A_585 : vector<48x128xf32>
      %sub3A_587 = arith.subf %min3A_584, %max3A_586 : vector<48x128xf32>
      %max3A_588 = arith.constant 0.000000e+00 : f32
      %max3A_589 = vector.broadcast %max3A_588 : f32 to vector<48x128xf32>
      %max3A_590 = arith.maximumf %max3A_589, %sub3A_587 : vector<48x128xf32>
      %mul3A_591 = arith.mulf %max3A_582, %max3A_590 : vector<48x128xf32>
      %add3A_592 = vector.broadcast %select_n3A_576 : f32 to vector<48x128xf32>
      %add3A_593 = arith.addf %get3A_24, %add3A_592 : vector<48x128xf32>
      %ge3A = arith.cmpf oge, %mul3A_591, %add3A_593 : vector<48x128xf32>
      %eq3A_594 = vector.broadcast %reduce_min3A_158 : i32 to vector<48x128xi32>
      %eq3A_595 = arith.cmpi eq, %add3A_7, %eq3A_594 : vector<48x128xi32>
      %or3A = arith.ori %ge3A, %eq3A_595 : vector<48x128xi1>
      %and3A_596 = vector.broadcast %gt3A_145 : i1 to vector<48x128xi1>
      %and3A_597 = arith.andi %and3A_596, %or3A : vector<48x128xi1>
      %jit3A_598 = arith.constant -1.000000e+00 : f32
      %broadcast_in_dim3A_599 = vector.broadcast %jit3A_598 : f32 to vector<48x128xf32>
      %select_n3A_600 = arith.select %and3A_597, %broadcast_in_dim3A_599, %scan3A_122 : vector<48x128xi1>, vector<48x128xf32>
      %mul3A_601 = arith.mulf %reduce_sum3A_423, %div3A_3 : f32
      %jit3A_602 = arith.constant 0.000000e+00 : f32
      %select_n3A_603 = arith.select %gt3A_145, %mul3A_601, %jit3A_602 : f32
      %jit3A_604 = arith.constant 0.000000e+00 : f32
      %select_n3A_605 = arith.select %gt3A_145, %reduce_sum3A_439, %jit3A_604 : f32
      %mul3A_606 = arith.mulf %reduce_sum3A_431, %div3A_3 : f32
      %sub3A_607 = arith.constant 1.000000e+00 : f32
      %sub3A_608 = arith.subf %mul3A_606, %sub3A_607 : f32
      %jit3A_609 = arith.constant 0.000000e+00 : f32
      %select_n3A_610 = arith.select %gt3A_145, %sub3A_608, %jit3A_609 : f32
      %sub3A_611 = arith.constant 1.000000e+00 : f32
      %sub3A_612 = arith.subf %reduce_sum3A_447, %sub3A_611 : f32
      %jit3A_613 = arith.constant 0.000000e+00 : f32
      %select_n3A_614 = arith.select %gt3A_145, %sub3A_612, %jit3A_613 : f32
      %eq3A_615 = arith.constant 0 : i32
      %eq3A_616 = vector.broadcast %eq3A_615 : i32 to vector<1x5xi32>
      %eq3A_617 = arith.cmpi eq, %iota3A_9, %eq3A_616 : vector<1x5xi32>
      %eq3A_618 = arith.constant 1 : i32
      %eq3A_619 = vector.broadcast %eq3A_618 : i32 to vector<1x5xi32>
      %eq3A_620 = arith.cmpi eq, %iota3A_9, %eq3A_619 : vector<1x5xi32>
      %eq3A_621 = arith.constant 2 : i32
      %eq3A_622 = vector.broadcast %eq3A_621 : i32 to vector<1x5xi32>
      %eq3A_623 = arith.cmpi eq, %iota3A_9, %eq3A_622 : vector<1x5xi32>
      %eq3A_624 = arith.constant 3 : i32
      %eq3A_625 = vector.broadcast %eq3A_624 : i32 to vector<1x5xi32>
      %eq3A_626 = arith.cmpi eq, %iota3A_9, %eq3A_625 : vector<1x5xi32>
      %broadcast_in_dim3A_627 = vector.broadcast %select_n3A_610 : f32 to vector<1x5xf32>
      %broadcast_in_dim3A_628 = vector.broadcast %select_n3A_614 : f32 to vector<1x5xf32>
      %select_n3A_629 = arith.select %eq3A_626, %broadcast_in_dim3A_627, %broadcast_in_dim3A_628 : vector<1x5xi1>, vector<1x5xf32>
      %broadcast_in_dim3A_630 = vector.broadcast %select_n3A_605 : f32 to vector<1x5xf32>
      %select_n3A_631 = arith.select %eq3A_623, %broadcast_in_dim3A_630, %select_n3A_629 : vector<1x5xi1>, vector<1x5xf32>
      %broadcast_in_dim3A_632 = vector.broadcast %select_n3A_603 : f32 to vector<1x5xf32>
      %select_n3A_633 = arith.select %eq3A_620, %broadcast_in_dim3A_632, %select_n3A_631 : vector<1x5xi1>, vector<1x5xf32>
      %jit3A_634 = arith.constant 0.000000e+00 : f32
      %broadcast_in_dim3A_635 = vector.broadcast %jit3A_634 : f32 to vector<1x5xf32>
      %select_n3A_636 = arith.select %eq3A_617, %broadcast_in_dim3A_635, %select_n3A_633 : vector<1x5xi1>, vector<1x5xf32>
      %select_n3A_637 = arith.select %gt3A_147, %reduce_sum3A_495, %scan3A_114 : f32
      %min3A_638 = vector.broadcast %reduce_sum3A_471 : f32 to vector<48x128xf32>
      %min3A_639 = arith.minimumf %get3A_30, %min3A_638 : vector<48x128xf32>
      %max3A_640 = vector.broadcast %reduce_sum3A_463 : f32 to vector<48x128xf32>
      %max3A_641 = arith.maximumf %get3A_27, %max3A_640 : vector<48x128xf32>
      %sub3A_642 = arith.subf %min3A_639, %max3A_641 : vector<48x128xf32>
      %max3A_643 = arith.constant 0.000000e+00 : f32
      %max3A_644 = vector.broadcast %max3A_643 : f32 to vector<48x128xf32>
      %max3A_645 = arith.maximumf %max3A_644, %sub3A_642 : vector<48x128xf32>
      %min3A_646 = vector.broadcast %reduce_sum3A_487 : f32 to vector<48x128xf32>
      %min3A_647 = arith.minimumf %get3A_36, %min3A_646 : vector<48x128xf32>
      %max3A_648 = vector.broadcast %reduce_sum3A_479 : f32 to vector<48x128xf32>
      %max3A_649 = arith.maximumf %get3A_33, %max3A_648 : vector<48x128xf32>
      %sub3A_650 = arith.subf %min3A_647, %max3A_649 : vector<48x128xf32>
      %max3A_651 = arith.constant 0.000000e+00 : f32
      %max3A_652 = vector.broadcast %max3A_651 : f32 to vector<48x128xf32>
      %max3A_653 = arith.maximumf %max3A_652, %sub3A_650 : vector<48x128xf32>
      %mul3A_654 = arith.mulf %max3A_645, %max3A_653 : vector<48x128xf32>
      %add3A_655 = vector.broadcast %select_n3A_637 : f32 to vector<48x128xf32>
      %add3A_656 = arith.addf %get3A_39, %add3A_655 : vector<48x128xf32>
      %ge3A_657 = arith.cmpf oge, %mul3A_654, %add3A_656 : vector<48x128xf32>
      %eq3A_658 = vector.broadcast %reduce_min3A_167 : i32 to vector<48x128xi32>
      %eq3A_659 = arith.cmpi eq, %add3A_7, %eq3A_658 : vector<48x128xi32>
      %or3A_660 = arith.ori %ge3A_657, %eq3A_659 : vector<48x128xi1>
      %and3A_661 = vector.broadcast %gt3A_147 : i1 to vector<48x128xi1>
      %and3A_662 = arith.andi %and3A_661, %or3A_660 : vector<48x128xi1>
      %jit3A_663 = arith.constant -1.000000e+00 : f32
      %broadcast_in_dim3A_664 = vector.broadcast %jit3A_663 : f32 to vector<48x128xf32>
      %select_n3A_665 = arith.select %and3A_662, %broadcast_in_dim3A_664, %scan3A_123 : vector<48x128xi1>, vector<48x128xf32>
      %mul3A_666 = arith.mulf %reduce_sum3A_463, %div3A_3 : f32
      %jit3A_667 = arith.constant 0.000000e+00 : f32
      %select_n3A_668 = arith.select %gt3A_147, %mul3A_666, %jit3A_667 : f32
      %jit3A_669 = arith.constant 0.000000e+00 : f32
      %select_n3A_670 = arith.select %gt3A_147, %reduce_sum3A_479, %jit3A_669 : f32
      %mul3A_671 = arith.mulf %reduce_sum3A_471, %div3A_3 : f32
      %sub3A_672 = arith.constant 1.000000e+00 : f32
      %sub3A_673 = arith.subf %mul3A_671, %sub3A_672 : f32
      %jit3A_674 = arith.constant 0.000000e+00 : f32
      %select_n3A_675 = arith.select %gt3A_147, %sub3A_673, %jit3A_674 : f32
      %sub3A_676 = arith.constant 1.000000e+00 : f32
      %sub3A_677 = arith.subf %reduce_sum3A_487, %sub3A_676 : f32
      %jit3A_678 = arith.constant 0.000000e+00 : f32
      %select_n3A_679 = arith.select %gt3A_147, %sub3A_677, %jit3A_678 : f32
      %eq3A_680 = arith.constant 0 : i32
      %eq3A_681 = vector.broadcast %eq3A_680 : i32 to vector<1x5xi32>
      %eq3A_682 = arith.cmpi eq, %iota3A_9, %eq3A_681 : vector<1x5xi32>
      %eq3A_683 = arith.constant 1 : i32
      %eq3A_684 = vector.broadcast %eq3A_683 : i32 to vector<1x5xi32>
      %eq3A_685 = arith.cmpi eq, %iota3A_9, %eq3A_684 : vector<1x5xi32>
      %eq3A_686 = arith.constant 2 : i32
      %eq3A_687 = vector.broadcast %eq3A_686 : i32 to vector<1x5xi32>
      %eq3A_688 = arith.cmpi eq, %iota3A_9, %eq3A_687 : vector<1x5xi32>
      %eq3A_689 = arith.constant 3 : i32
      %eq3A_690 = vector.broadcast %eq3A_689 : i32 to vector<1x5xi32>
      %eq3A_691 = arith.cmpi eq, %iota3A_9, %eq3A_690 : vector<1x5xi32>
      %broadcast_in_dim3A_692 = vector.broadcast %select_n3A_675 : f32 to vector<1x5xf32>
      %broadcast_in_dim3A_693 = vector.broadcast %select_n3A_679 : f32 to vector<1x5xf32>
      %select_n3A_694 = arith.select %eq3A_691, %broadcast_in_dim3A_692, %broadcast_in_dim3A_693 : vector<1x5xi1>, vector<1x5xf32>
      %broadcast_in_dim3A_695 = vector.broadcast %select_n3A_670 : f32 to vector<1x5xf32>
      %select_n3A_696 = arith.select %eq3A_688, %broadcast_in_dim3A_695, %select_n3A_694 : vector<1x5xi1>, vector<1x5xf32>
      %broadcast_in_dim3A_697 = vector.broadcast %select_n3A_668 : f32 to vector<1x5xf32>
      %select_n3A_698 = arith.select %eq3A_685, %broadcast_in_dim3A_697, %select_n3A_696 : vector<1x5xi1>, vector<1x5xf32>
      %jit3A_699 = arith.constant 1.000000e+00 : f32
      %broadcast_in_dim3A_700 = vector.broadcast %jit3A_699 : f32 to vector<1x5xf32>
      %select_n3A_701 = arith.select %eq3A_682, %broadcast_in_dim3A_700, %select_n3A_698 : vector<1x5xi1>, vector<1x5xf32>
      %select_n3A_702 = arith.select %gt3A_149, %reduce_sum3A_535, %scan3A_114 : f32
      %min3A_703 = vector.broadcast %reduce_sum3A_511 : f32 to vector<48x128xf32>
      %min3A_704 = arith.minimumf %get3A_45, %min3A_703 : vector<48x128xf32>
      %max3A_705 = vector.broadcast %reduce_sum3A_503 : f32 to vector<48x128xf32>
      %max3A_706 = arith.maximumf %get3A_42, %max3A_705 : vector<48x128xf32>
      %sub3A_707 = arith.subf %min3A_704, %max3A_706 : vector<48x128xf32>
      %max3A_708 = arith.constant 0.000000e+00 : f32
      %max3A_709 = vector.broadcast %max3A_708 : f32 to vector<48x128xf32>
      %max3A_710 = arith.maximumf %max3A_709, %sub3A_707 : vector<48x128xf32>
      %min3A_711 = vector.broadcast %reduce_sum3A_527 : f32 to vector<48x128xf32>
      %min3A_712 = arith.minimumf %get3A_51, %min3A_711 : vector<48x128xf32>
      %max3A_713 = vector.broadcast %reduce_sum3A_519 : f32 to vector<48x128xf32>
      %max3A_714 = arith.maximumf %get3A_48, %max3A_713 : vector<48x128xf32>
      %sub3A_715 = arith.subf %min3A_712, %max3A_714 : vector<48x128xf32>
      %max3A_716 = arith.constant 0.000000e+00 : f32
      %max3A_717 = vector.broadcast %max3A_716 : f32 to vector<48x128xf32>
      %max3A_718 = arith.maximumf %max3A_717, %sub3A_715 : vector<48x128xf32>
      %mul3A_719 = arith.mulf %max3A_710, %max3A_718 : vector<48x128xf32>
      %add3A_720 = vector.broadcast %select_n3A_702 : f32 to vector<48x128xf32>
      %add3A_721 = arith.addf %get3A_54, %add3A_720 : vector<48x128xf32>
      %ge3A_722 = arith.cmpf oge, %mul3A_719, %add3A_721 : vector<48x128xf32>
      %eq3A_723 = vector.broadcast %reduce_min3A_176 : i32 to vector<48x128xi32>
      %eq3A_724 = arith.cmpi eq, %add3A_7, %eq3A_723 : vector<48x128xi32>
      %or3A_725 = arith.ori %ge3A_722, %eq3A_724 : vector<48x128xi1>
      %and3A_726 = vector.broadcast %gt3A_149 : i1 to vector<48x128xi1>
      %and3A_727 = arith.andi %and3A_726, %or3A_725 : vector<48x128xi1>
      %jit3A_728 = arith.constant -1.000000e+00 : f32
      %broadcast_in_dim3A_729 = vector.broadcast %jit3A_728 : f32 to vector<48x128xf32>
      %select_n3A_730 = arith.select %and3A_727, %broadcast_in_dim3A_729, %scan3A_124 : vector<48x128xi1>, vector<48x128xf32>
      %mul3A_731 = arith.mulf %reduce_sum3A_503, %div3A_3 : f32
      %jit3A_732 = arith.constant 0.000000e+00 : f32
      %select_n3A_733 = arith.select %gt3A_149, %mul3A_731, %jit3A_732 : f32
      %jit3A_734 = arith.constant 0.000000e+00 : f32
      %select_n3A_735 = arith.select %gt3A_149, %reduce_sum3A_519, %jit3A_734 : f32
      %mul3A_736 = arith.mulf %reduce_sum3A_511, %div3A_3 : f32
      %sub3A_737 = arith.constant 1.000000e+00 : f32
      %sub3A_738 = arith.subf %mul3A_736, %sub3A_737 : f32
      %jit3A_739 = arith.constant 0.000000e+00 : f32
      %select_n3A_740 = arith.select %gt3A_149, %sub3A_738, %jit3A_739 : f32
      %sub3A_741 = arith.constant 1.000000e+00 : f32
      %sub3A_742 = arith.subf %reduce_sum3A_527, %sub3A_741 : f32
      %jit3A_743 = arith.constant 0.000000e+00 : f32
      %select_n3A_744 = arith.select %gt3A_149, %sub3A_742, %jit3A_743 : f32
      %eq3A_745 = arith.constant 0 : i32
      %eq3A_746 = vector.broadcast %eq3A_745 : i32 to vector<1x5xi32>
      %eq3A_747 = arith.cmpi eq, %iota3A_9, %eq3A_746 : vector<1x5xi32>
      %eq3A_748 = arith.constant 1 : i32
      %eq3A_749 = vector.broadcast %eq3A_748 : i32 to vector<1x5xi32>
      %eq3A_750 = arith.cmpi eq, %iota3A_9, %eq3A_749 : vector<1x5xi32>
      %eq3A_751 = arith.constant 2 : i32
      %eq3A_752 = vector.broadcast %eq3A_751 : i32 to vector<1x5xi32>
      %eq3A_753 = arith.cmpi eq, %iota3A_9, %eq3A_752 : vector<1x5xi32>
      %eq3A_754 = arith.constant 3 : i32
      %eq3A_755 = vector.broadcast %eq3A_754 : i32 to vector<1x5xi32>
      %eq3A_756 = arith.cmpi eq, %iota3A_9, %eq3A_755 : vector<1x5xi32>
      %broadcast_in_dim3A_757 = vector.broadcast %select_n3A_740 : f32 to vector<1x5xf32>
      %broadcast_in_dim3A_758 = vector.broadcast %select_n3A_744 : f32 to vector<1x5xf32>
      %select_n3A_759 = arith.select %eq3A_756, %broadcast_in_dim3A_757, %broadcast_in_dim3A_758 : vector<1x5xi1>, vector<1x5xf32>
      %broadcast_in_dim3A_760 = vector.broadcast %select_n3A_735 : f32 to vector<1x5xf32>
      %select_n3A_761 = arith.select %eq3A_753, %broadcast_in_dim3A_760, %select_n3A_759 : vector<1x5xi1>, vector<1x5xf32>
      %broadcast_in_dim3A_762 = vector.broadcast %select_n3A_733 : f32 to vector<1x5xf32>
      %select_n3A_763 = arith.select %eq3A_750, %broadcast_in_dim3A_762, %select_n3A_761 : vector<1x5xi1>, vector<1x5xf32>
      %jit3A_764 = arith.constant 2.000000e+00 : f32
      %broadcast_in_dim3A_765 = vector.broadcast %jit3A_764 : f32 to vector<1x5xf32>
      %select_n3A_766 = arith.select %eq3A_747, %broadcast_in_dim3A_765, %select_n3A_763 : vector<1x5xi1>, vector<1x5xf32>
      %select_n3A_767 = arith.select %gt3A_151, %reduce_sum3A_575, %scan3A_114 : f32
      %min3A_768 = vector.broadcast %reduce_sum3A_551 : f32 to vector<48x128xf32>
      %min3A_769 = arith.minimumf %get3A_60, %min3A_768 : vector<48x128xf32>
      %max3A_770 = vector.broadcast %reduce_sum3A_543 : f32 to vector<48x128xf32>
      %max3A_771 = arith.maximumf %get3A_57, %max3A_770 : vector<48x128xf32>
      %sub3A_772 = arith.subf %min3A_769, %max3A_771 : vector<48x128xf32>
      %max3A_773 = arith.constant 0.000000e+00 : f32
      %max3A_774 = vector.broadcast %max3A_773 : f32 to vector<48x128xf32>
      %max3A_775 = arith.maximumf %max3A_774, %sub3A_772 : vector<48x128xf32>
      %min3A_776 = vector.broadcast %reduce_sum3A_567 : f32 to vector<48x128xf32>
      %min3A_777 = arith.minimumf %get3A_66, %min3A_776 : vector<48x128xf32>
      %max3A_778 = vector.broadcast %reduce_sum3A_559 : f32 to vector<48x128xf32>
      %max3A_779 = arith.maximumf %get3A_63, %max3A_778 : vector<48x128xf32>
      %sub3A_780 = arith.subf %min3A_777, %max3A_779 : vector<48x128xf32>
      %max3A_781 = arith.constant 0.000000e+00 : f32
      %max3A_782 = vector.broadcast %max3A_781 : f32 to vector<48x128xf32>
      %max3A_783 = arith.maximumf %max3A_782, %sub3A_780 : vector<48x128xf32>
      %mul3A_784 = arith.mulf %max3A_775, %max3A_783 : vector<48x128xf32>
      %add3A_785 = vector.broadcast %select_n3A_767 : f32 to vector<48x128xf32>
      %add3A_786 = arith.addf %get3A_69, %add3A_785 : vector<48x128xf32>
      %ge3A_787 = arith.cmpf oge, %mul3A_784, %add3A_786 : vector<48x128xf32>
      %eq3A_788 = vector.broadcast %reduce_min3A_185 : i32 to vector<48x128xi32>
      %eq3A_789 = arith.cmpi eq, %add3A_7, %eq3A_788 : vector<48x128xi32>
      %or3A_790 = arith.ori %ge3A_787, %eq3A_789 : vector<48x128xi1>
      %and3A_791 = vector.broadcast %gt3A_151 : i1 to vector<48x128xi1>
      %and3A_792 = arith.andi %and3A_791, %or3A_790 : vector<48x128xi1>
      %jit3A_793 = arith.constant -1.000000e+00 : f32
      %broadcast_in_dim3A_794 = vector.broadcast %jit3A_793 : f32 to vector<48x128xf32>
      %select_n3A_795 = arith.select %and3A_792, %broadcast_in_dim3A_794, %scan3A_125 : vector<48x128xi1>, vector<48x128xf32>
      %mul3A_796 = arith.mulf %reduce_sum3A_543, %div3A_3 : f32
      %jit3A_797 = arith.constant 0.000000e+00 : f32
      %select_n3A_798 = arith.select %gt3A_151, %mul3A_796, %jit3A_797 : f32
      %jit3A_799 = arith.constant 0.000000e+00 : f32
      %select_n3A_800 = arith.select %gt3A_151, %reduce_sum3A_559, %jit3A_799 : f32
      %mul3A_801 = arith.mulf %reduce_sum3A_551, %div3A_3 : f32
      %sub3A_802 = arith.constant 1.000000e+00 : f32
      %sub3A_803 = arith.subf %mul3A_801, %sub3A_802 : f32
      %jit3A_804 = arith.constant 0.000000e+00 : f32
      %select_n3A_805 = arith.select %gt3A_151, %sub3A_803, %jit3A_804 : f32
      %sub3A_806 = arith.constant 1.000000e+00 : f32
      %sub3A_807 = arith.subf %reduce_sum3A_567, %sub3A_806 : f32
      %jit3A_808 = arith.constant 0.000000e+00 : f32
      %select_n3A_809 = arith.select %gt3A_151, %sub3A_807, %jit3A_808 : f32
      %eq3A_810 = arith.constant 0 : i32
      %eq3A_811 = vector.broadcast %eq3A_810 : i32 to vector<1x5xi32>
      %eq3A_812 = arith.cmpi eq, %iota3A_9, %eq3A_811 : vector<1x5xi32>
      %eq3A_813 = arith.constant 1 : i32
      %eq3A_814 = vector.broadcast %eq3A_813 : i32 to vector<1x5xi32>
      %eq3A_815 = arith.cmpi eq, %iota3A_9, %eq3A_814 : vector<1x5xi32>
      %eq3A_816 = arith.constant 2 : i32
      %eq3A_817 = vector.broadcast %eq3A_816 : i32 to vector<1x5xi32>
      %eq3A_818 = arith.cmpi eq, %iota3A_9, %eq3A_817 : vector<1x5xi32>
      %eq3A_819 = arith.constant 3 : i32
      %eq3A_820 = vector.broadcast %eq3A_819 : i32 to vector<1x5xi32>
      %eq3A_821 = arith.cmpi eq, %iota3A_9, %eq3A_820 : vector<1x5xi32>
      %broadcast_in_dim3A_822 = vector.broadcast %select_n3A_805 : f32 to vector<1x5xf32>
      %broadcast_in_dim3A_823 = vector.broadcast %select_n3A_809 : f32 to vector<1x5xf32>
      %select_n3A_824 = arith.select %eq3A_821, %broadcast_in_dim3A_822, %broadcast_in_dim3A_823 : vector<1x5xi1>, vector<1x5xf32>
      %broadcast_in_dim3A_825 = vector.broadcast %select_n3A_800 : f32 to vector<1x5xf32>
      %select_n3A_826 = arith.select %eq3A_818, %broadcast_in_dim3A_825, %select_n3A_824 : vector<1x5xi1>, vector<1x5xf32>
      %broadcast_in_dim3A_827 = vector.broadcast %select_n3A_798 : f32 to vector<1x5xf32>
      %select_n3A_828 = arith.select %eq3A_815, %broadcast_in_dim3A_827, %select_n3A_826 : vector<1x5xi1>, vector<1x5xf32>
      %jit3A_829 = arith.constant 3.000000e+00 : f32
      %broadcast_in_dim3A_830 = vector.broadcast %jit3A_829 : f32 to vector<1x5xf32>
      %select_n3A_831 = arith.select %eq3A_812, %broadcast_in_dim3A_830, %select_n3A_828 : vector<1x5xi1>, vector<1x5xf32>
      %swap3A = arith.constant 0 : index
      %swap3A_832 = arith.index_cast %scan3A_121 : i32 to index
      %swap3A_833 = arith.constant 0 : index
      %swap3A_834 = vector.load %arg8[%swap3A, %swap3A_832, %swap3A_833] : memref<4x1000x5xf32, #tpu.memory_space<vmem>>, vector<1x1x5xf32>
      %swap3A_835 = vector.shape_cast %swap3A_834 : vector<1x1x5xf32> to vector<1x5xf32>
      %swap3A_836 = vector.shape_cast %select_n3A_636 : vector<1x5xf32> to vector<1x1x5xf32>
      tpu.vector_store %arg8[%swap3A, %swap3A_832, %swap3A_833], %swap3A_836 {strides = array<i32>} : memref<4x1000x5xf32, #tpu.memory_space<vmem>>, vector<1x1x5xf32>,
      %swap3A_837 = arith.constant 1 : index
      %swap3A_838 = arith.index_cast %scan3A_121 : i32 to index
      %swap3A_839 = arith.constant 0 : index
      %swap3A_840 = vector.load %arg8[%swap3A_837, %swap3A_838, %swap3A_839] : memref<4x1000x5xf32, #tpu.memory_space<vmem>>, vector<1x1x5xf32>
      %swap3A_841 = vector.shape_cast %swap3A_840 : vector<1x1x5xf32> to vector<1x5xf32>
      %swap3A_842 = vector.shape_cast %select_n3A_701 : vector<1x5xf32> to vector<1x1x5xf32>
      tpu.vector_store %arg8[%swap3A_837, %swap3A_838, %swap3A_839], %swap3A_842 {strides = array<i32>} : memref<4x1000x5xf32, #tpu.memory_space<vmem>>, vector<1x1x5xf32>,
      %swap3A_843 = arith.constant 2 : index
      %swap3A_844 = arith.index_cast %scan3A_121 : i32 to index
      %swap3A_845 = arith.constant 0 : index
      %swap3A_846 = vector.load %arg8[%swap3A_843, %swap3A_844, %swap3A_845] : memref<4x1000x5xf32, #tpu.memory_space<vmem>>, vector<1x1x5xf32>
      %swap3A_847 = vector.shape_cast %swap3A_846 : vector<1x1x5xf32> to vector<1x5xf32>
      %swap3A_848 = vector.shape_cast %select_n3A_766 : vector<1x5xf32> to vector<1x1x5xf32>
      tpu.vector_store %arg8[%swap3A_843, %swap3A_844, %swap3A_845], %swap3A_848 {strides = array<i32>} : memref<4x1000x5xf32, #tpu.memory_space<vmem>>, vector<1x1x5xf32>,
      %swap3A_849 = arith.constant 3 : index
      %swap3A_850 = arith.index_cast %scan3A_121 : i32 to index
      %swap3A_851 = arith.constant 0 : index
      %swap3A_852 = vector.load %arg8[%swap3A_849, %swap3A_850, %swap3A_851] : memref<4x1000x5xf32, #tpu.memory_space<vmem>>, vector<1x1x5xf32>
      %swap3A_853 = vector.shape_cast %swap3A_852 : vector<1x1x5xf32> to vector<1x5xf32>
      %swap3A_854 = vector.shape_cast %select_n3A_831 : vector<1x5xf32> to vector<1x1x5xf32>
      tpu.vector_store %arg8[%swap3A_849, %swap3A_850, %swap3A_851], %swap3A_854 {strides = array<i32>} : memref<4x1000x5xf32, #tpu.memory_space<vmem>>, vector<1x1x5xf32>,
      scf.yield %select_n3A_600, %select_n3A_665, %select_n3A_730, %select_n3A_795 : vector<48x128xf32>, vector<48x128xf32>, vector<48x128xf32>, vector<48x128xf32>
    }
    %scan3A_120 = arith.constant 1000 : i32
    return
  }
}

</mosaic_0001>

<sc_bundles>
// kernel: kernel.5.cloned.1.call-start
scs
__scs_entry_jumppad:
0x0: {  	(pc) =	sbr.rel $0x88, $3  }
0x1: {  	(tag) =	ssettag $0x0;
	lr =	simm.s32 $0x1  }
0x2: {  	[smem:$0x3F9C] =	sst lr;
	_ =	strace $0xD0000000  }
0x3: {  	_ = 	snop  }
0x4: {  	_ = 	snop  }
0x5: {  	_ = 	snop  }
0x6: {  	_ = 	snop  }
0x7: {  	_ = 	snop  }
__scs_overlays_trampoline_lowered:
0x8: {  	[smem:$0x3FAB] =	sst s0  }
0x9: {  	[smem:$0x3FAC] =	sst s1  }
0xa: {  	[smem:$0x3FAD] =	sst s2  }
0xb: {  	[smem:$0x3FAE] =	sst s3  }
0xc: {  	[smem:$0x3FAF] =	sst s4  }
0xd: {  	[smem:$0x3FB0] =	sst s5  }
0xe: {  	[smem:$0x3FB1] =	sst s6  }
0xf: {  	[smem:$0x3FB2] =	sst s7  }
0x10: {  	[smem:$0x3FB3] =	sst s8  }
0x11: {  	[smem:$0x3FB4] =	sst s9;
	s0 =	simm.s32 @!p0 $0x0  }
0x12: {  	s1 =	sld [smem:$0x3F9A];
	s0 =	simm.s32 @p0 $0x1  }
0x13: {  	[smem:$0x3FB5] =	sst s0;
	s0 =	simm.s32 @!p1 $0x0  }
0x14: {  	s2 =	sld [smem:$0x3F99];
	s0 =	simm.s32 @p1 $0x1  }
0x15: {  	[smem:$0x3FB6] =	sst s0;
	s0 =	simm.s32 @!p2 $0x0  }
0x16: {  	s3 =	sld [smem:$0x3FDB];
	s0 =	simm.s32 @p2 $0x1  }
0x17: {  	s4 =	simm.s32 $0x1BF5;
	[smem:$0x3FB8] =	sst s0  }
0x18: {  	s0 =	sld [smem:$0x3F9B];
	_ =	swait.ge [sflag:s4], $0x0  }
0x19: {  	s7 =	sld [smem:$0x3F9C]  }
0x1a: {  	s8 =	sadd.s32 $0xFFFFE003, lr  }
0x1b: {  	s9 =	sadd.s32 $0xFFFFFEF7, lr;
	s5 =	simm.s32 $0xFFFFFFFF;
	p2 =	slt.u32 s8, $0xFFFFF086  }
0x1c: {  	p1 =	slt.u32 s9, $0xF7A;
	s5 =	simm.s32 @!p2 $0x0  }
0x1d: {  	s5 =	simm.s32 @p1 $0x1;
	p0 =	seq.s32 s7, s2  }
0x1e: {  	s7 =	smul.u32 @!p0 $0xF7A, s2;
	p2 =	seq.s32 @!p0 s5, $0x0  }
0x1f: {  	s9 =	smul.u32 $0xF7A, s1;
	s8 =	simm.s32 @!p0 $0x1BF5;
	p2 =	por !p2, p0  }
0x20: {  	[sflag:s8] =	ssyncset.s32 @!p0 $0xFFFFF086;
	s6 =	sadd.s32 @!p0 s3, s7;
	s7 =	simm.s32 @!p0 $0x108  }
0x21: {  	s3 =	sadd.s32 s3, s9;
	s6 =	sadd.s32 @!p0 $0x88, s6;
	s7 =	simm.s32 @p2 $0x1082  }
0x22: {  	[simem:s7], [sflag:s8] =	dma.local @!p0 [hbm:s6], $0xF7A  }
0x23: {  	s9 =	sor.u32 $0xD0000000, s2;
	s6 =	simm.s32 $0x108;
	_ =	swait.ge @!p0 [sflag:s8], $0x0  }
0x24: {  	s3 =	sadd.s32 $0x88, s3;
	s6 =	simm.s32 @!p1 $0x1082;
	[sflag:s4] =	ssyncset.s32 $0xFFFFF086  }
0x25: {  	[simem:s6], [sflag:s4] =	dma.local [hbm:s3], $0xF7A  }
0x26: {  	[smem:$0x3F9C] =	sst s1;
	(tag) =	ssettag s2;
	_ =	strace s9  }
0x27: {  	s1 =	sld [smem:$0x3FAC]  }
0x28: {  	s2 =	sld [smem:$0x3FAD]  }
0x29: {  	s4 =	sld [smem:$0x3FAF]  }
0x2a: {  	p0 =	seq.s32 s5, $0x0;
	s5 =	sld [smem:$0x3FB0]  }
0x2b: {  	s6 =	sld [smem:$0x3FB1]  }
0x2c: {  	s7 =	sld [smem:$0x3FB2]  }
0x2d: {  	s3 =	simm.s32 $0x108;
	s8 =	sld [smem:$0x3FB3]  }
0x2e: {  	s3 =	simm.s32 @!p0 $0x1082;
	s9 =	sld [smem:$0x3FB4]  }
0x2f: {  	lr =	sadd.s32 s0, s3;
	s0 =	sld [smem:$0x3FAB]  }
0x30: {  	s3 =	sld [smem:$0x3FAE]  }
0x31: {  	[smem:$0x3FB7] =	sst s10  }
0x32: {  	s10 =	sld [smem:$0x3FB5];
	_ =	sdelay $0x3  }
0x33: {  	p0 =	seq.s32 s10, $0x1;
	s10 =	sld [smem:$0x3FB7];
	_ =	sdelay $0x3  }
0x34: {  	[smem:$0x3FB7] =	sst s10  }
0x35: {  	s10 =	sld [smem:$0x3FB6];
	_ =	sdelay $0x3  }
0x36: {  	p1 =	seq.s32 s10, $0x1;
	s10 =	sld [smem:$0x3FB7];
	_ =	sdelay $0x3  }
0x37: {  	[smem:$0x3FB7] =	sst s10  }
0x38: {  	s10 =	sld [smem:$0x3FB8]  }
0x39: {  	_ = 	snop;
	(pc) =	sbr.ind lr, $3  }
0x3a: {  	_ = 	snop  }
0x3b: {  	_ = 	snop  }
0x3c: {  	p2 =	seq.s32 s10, $0x1;
	s10 =	sld [smem:$0x3FB7]  }
0x3d: {  	_ =	shalt  }
0x3e: {  	_ =	shalt  }
0x3f: {  	_ =	shalt  }
0x40: {  	_ =	shalt  }
0x41: {  	_ =	shalt  }
0x42: {  	_ =	shalt  }
0x43: {  	_ =	shalt  }
0x44: {  	_ =	shalt  }
0x45: {  	_ =	shalt  }
0x46: {  	_ =	shalt  }
0x47: {  	_ =	shalt  }
0x48: {  	_ =	shalt  }
0x49: {  	_ =	shalt  }
0x4a: {  	_ =	shalt  }
0x4b: {  	_ =	shalt  }
0x4c: {  	_ =	shalt  }
0x4d: {  	_ =	shalt  }
0x4e: {  	_ =	shalt  }
0x4f: {  	_ =	shalt  }
0x50: {  	_ =	shalt  }
0x51: {  	_ =	shalt  }
0x52: {  	_ =	shalt  }
0x53: {  	_ =	shalt  }
0x54: {  	_ =	shalt  }
0x55: {  	_ =	shalt  }
0x56: {  	_ =	shalt  }
0x57: {  	_ =	shalt  }
0x58: {  	_ =	shalt  }
0x59: {  	_ =	shalt  }
0x5a: {  	_ =	shalt  }
0x5b: {  	_ =	shalt  }
0x5c: {  	_ =	shalt  }
0x5d: {  	_ =	shalt  }
0x5e: {  	_ =	shalt  }
0x5f: {  	_ =	shalt  }
0x60: {  	_ =	shalt  }
0x61: {  	_ =	shalt  }
0x62: {  	_ =	shalt  }
0x63: {  	_ =	shalt  }
0x64: {  	_ =	shalt  }
0x65: {  	_ =	shalt  }
0x66: {  	_ =	shalt  }
0x67: {  	_ =	shalt  }
0x68: {  	_ =	shalt  }
0x69: {  	_ =	shalt  }
0x6a: {  	_ =	shalt  }
0x6b: {  	_ =	shalt  }
0x6c: {  	_ =	shalt  }
0x6d: {  	_ =	shalt  }
0x6e: {  	_ =	shalt  }
0x6f: {  	_ =	shalt  }
0x70: {  	_ =	shalt  }
0x71: {  	_ =	shalt  }
0x72: {  	_ =	shalt  }
0x73: {  	_ =	shalt  }
0x74: {  	_ =	shalt  }
0x75: {  	_ =	shalt  }
0x76: {  	_ =	shalt  }
0x77: {  	_ =	shalt  }
0x78: {  	_ =	shalt  }
0x79: {  	_ =	shalt  }
0x7a: {  	_ =	shalt  }
0x7b: {  	_ =	shalt  }
0x7c: {  	_ =	shalt  }
0x7d: {  	_ =	shalt  }
0x7e: {  	_ =	shalt  }
0x7f: {  	_ =	shalt  }
0x80: {  	_ =	shalt  }
0x81: {  	_ =	shalt  }
0x82: {  	_ =	shalt  }
0x83: {  	_ =	shalt  }
0x84: {  	_ =	shalt  }
0x85: {  	_ =	shalt  }
0x86: {  	_ =	shalt  }
0x87: {  	_ =	shalt  }
.Lfunc_end0:
.L_simem_size_0:
called_computation_lowered:
.L_overlay_start_0:
0x88: {  	s2 =	sld [smem:$0x3FD9]  }
0x89: {  	s3 =	sld [smem:$0x3FFE];
	_ =	sdelay $0x1  }
0x8a: {  	s1 =	srdreg.scid  }
0x8b: {  	s0 =	sand.u32 $0x1, s1  }
0x8c: {  	s16 =	sshll.u32 s0, $0xA;
	s2 =	sadd.s32 s3, s2  }
0x8d: {  	s2 =	sadd.s32 s2, s16  }
0x8e: {  	[smem:$0x3FC3] =	sst s2  }
0x8f: {  	_ = 	snop  }
0x90: {  	(tm) =	ssettm $0x1  }
0x91: {  	s17 =	sld [smem:$0x3FFB];
	_ =	sdelay $0x3  }
0x92: {  	_ =	strace s17  }
0x93: {  	s2 =	sld [smem:$0x3FFC];
	_ =	sdelay $0x3  }
0x94: {  	_ =	strace s2  }
0x95: {  	s2 =	sld [smem:$0x3FFD];
	_ =	sdelay $0x3  }
0x96: {  	_ =	strace s2  }
0x97: {  	_ =	strace $0x8FFFFFFF  }
0x98: {  	s18 =	sld [smem:$0x3FDB];
	_ =	sdelay $0x1  }
0x99: {  	s19 =	simm.s32 $_scs_section_size  }
0x9a: {  	s4 =	simm.s32 $_size__tile_overlayer_lowered;
	s5 =	simm.s32 $_tile_overlayer_lowered  }
0x9b: {  	s22 =	simm.s32 $0x1BFF;
	s21 =	sshll.u32 s5, $0x1;
	s2 =	sadd.s32 s19, s18  }
0x9c: {  	s6 =	simm.s32 $0x0;
	s20 =	sshll.u32 s4, $0x1;
	s4 =	sadd.s32 s21, s2  }
0x9d: {  	[timem:s6], [sflag:s22] =	dma.local [hbm:s4], s20  }
0x9e: {  	_ =	swait.ge [sflag:s22], s20  }
0x9f: {  	s3 =	ssub.s32 $0x0, s20;
	[sflag:s22] =	ssyncset.done $0x0  }
0xa0: {  	[sflag:s22] =	ssyncadd.s32 s3;
	_ =	sdelay $0x1  }
0xa1: {  	s23 =	simm.s32 $0x1B8B  }
0xa2: {  	_ =	swait.ge [sflag:s23], $0x1  }
0xa3: {  	[sflag:s23] =	ssyncset.done $0x0  }
0xa4: {  	s25 =	simm.s32 $0x1B8E;
	s24 =	sld [smem:$0x3FFE];
	[sflag:s23] =	ssyncadd.s32 $0xFFFFFFFF  }
0xa5: {  	s26 =	simm.s32 $execute0_lowered;
	[smem:$0x3FD2] =	sst s25  }
0xa6: {  	s4 =	sshll.u32 s26, $0x1;
	_ =	strace $0x80000046;
	[dreg:$0x1] =	wrdreg $0xFFFFFFFF  }
0xa7: {  	s28 =	simm.s32 $_size_execute0_lowered;
	s2 =	sadd.s32 s2, s4;
	[dreg:$0x0] =	wrdreg $0x0  }
0xa8: {  	s4 =	sshll.u32 s28, $0x1;
	[dreg:$0x2] =	wrdreg s2  }
0xa9: {  	[dreg:$0x3] =	wrdreg s4  }
0xaa: {  	[dreg:$0x4] =	wrdreg $0xC0  }
0xab: {  	_ =	task [dreg:s6], $0x5FFFF  }
0xac: {  	[dreg:$0x1] =	wrdreg $0xFFFFFFFF  }
0xad: {  	[dreg:$0x0] =	wrdreg $0x60  }
0xae: {  	[dreg:$0x2] =	wrdreg s24  }
0xaf: {  	[dreg:$0x3] =	wrdreg $0x9  }
0xb0: {  	_ =	task.clear_ibuf [dreg:s6], $0x4FFFF;
	_ =	strace $0x90000046  }
0xb1: {  	s29 =	simm.s32 $0x9;
	_ =	strace $0x80000048  }
0xb2: {  	_ =	swait.ge [sflag:s29], $0x1  }
0xb3: {  	[sflag:s29] =	ssyncadd.s32 $0xFFFFFFFF  }
0xb4: {  	_ =	strace $0x90000048  }
0xb5: {  	_ =	sfence  }
0xb6: {  	s30 =	sld [smem:$0x0];
	_ =	sdelay $0x2  }
0xb7: {  	s31 =	sshll.u32 s1, $0xD;
	s1 =	sshrl.u32 s1, $0x2  }
0xb8: {  	s3 =	sand.u32 $0x4000, s31;
	s1 =	sadd.s32 s1, s30  }
0xb9: {  	s0 =	sor.u32 s3, s0;
	s1 =	sshll.u32 s1, $0x11  }
0xba: {  	s0 =	sor.u32 s1, s0  }
0xbb: {  	s0 =	sadd.s32 $0x8F2B, s0  }
0xbc: {  	[sflag:s0] =	ssyncadd.remote.s32 $0x1  }
0xbd: {  	_ =	sfence.sel $0xFFFF  }
0xbe: {  	[dreg:$0x0] =	wrdreg $0xFFFFFFFF;
	(pc) =	sbr.abs _section_cstart, $3  }
0xbf: {  	[dreg:$0x1] =	wrdreg $0xFFFFFFFF  }
0xc0: {  	_ =	task.clear_ibuf [dreg:s6], $0x2FFFF;
	_ =	strace $0x9FFFFFFF  }
0xc1: {  	(tm) =	ssettm $0x7FFFFFFF  }
tec
execute0_lowered:
.L_overlay_start_1:
0x0: {  	(tag) =	ssettag $0x1  }
0x1: {  	s0 =	stileid.u32  }
0x2: {  	p0 =	sgt.u32 s0, $0x1  }
.Ltmp0:
0x3: {  	_ = 	snop;
	(pc) =	sbr.rel @p0 .LBB2_19-.Ltmp0, $4  }
0x4: {  	_ = 	snop  }
0x5: {  	s2 =	simm.s32 $0x0  }
0x6: {  	[smem:$0x7FF] =	sst s2  }
0x7: {  	s4 =	rddreg [dreg:$0x0];
	_ =	strace $0x80000047  }
0x8: {  	s0 =	srdreg.scid;
	s14 =	stileid.u32  }
0x9: {  	s10 =	sand.u32 $0x1, s0;
	s0 =	sshll.u32 s14, $0x1  }
0xa: {  	s0 =	sor.u32 s10, s0  }
0xb: {  	s17 =	smul.u32 $0x1800, s0;
	s0 =	sshll.u32 s0, $0xC  }
0xc: {  	s1 =	sadd.s32 $0xDE00, s4;
	s12 =	sor.u32 $0x200, s0  }
0xd: {  	s9 =	sadd.s32 $0x5E00, s4;
	s15 =	sadd.s32 s1, s12  }
0xe: {  	s7 =	sadd.s32 $0x11E00, s4;
	s16 =	sadd.s32 s9, s12;
	[dreg:$0x2] =	wrdreg s15  }
0xf: {  	s8 =	sadd.s32 $0x1E00, s4;
	s18 =	sadd.s32 s7, s12;
	[dreg:$0x3] =	wrdreg s16  }
0x10: {  	s5 =	sadd.s32 $0x15E00, s4;
	s19 =	sadd.s32 s8, s12;
	[dreg:$0x4] =	wrdreg s18  }
0x11: {  	s6 =	sadd.s32 $0x19E00, s4;
	s20 =	sadd.s32 s5, s12;
	[dreg:$0x5] =	wrdreg s19  }
0x12: {  	s3 =	sadd.s32 $0x9E00, s4;
	s21 =	sadd.s32 s6, s12;
	[dreg:$0x6] =	wrdreg s20  }
0x13: {  	s23 =	sor.u32 $0x400, s0;
	s22 =	sadd.s32 s3, s12;
	[dreg:$0x7] =	wrdreg s21  }
0x14: {  	s24 =	sadd.s32 s1, s23;
	[dreg:$0x8] =	wrdreg s22  }
0x15: {  	s25 =	sadd.s32 s9, s23;
	[dreg:$0x9] =	wrdreg s24  }
0x16: {  	s26 =	sadd.s32 s7, s23;
	[dreg:$0xa] =	wrdreg s25  }
0x17: {  	s13 =	sadd.s32 s8, s23;
	[dreg:$0xb] =	wrdreg s26  }
0x18: {  	s11 =	sshrl.u32 s17, $0x3;
	[dreg:$0xc] =	wrdreg s13;
	s13 =	sadd.s32 s5, s23  }
0x19: {  	s4 =	sadd.s32 s11, s4;
	s16 =	sadd.s32 s6, s23;
	[dreg:$0xd] =	wrdreg s13  }
0x1a: {  	s15 =	sor.u32 $0x600, s0;
	s11 =	sadd.s32 s3, s23;
	[dreg:$0xe] =	wrdreg s16  }
0x1b: {  	[dreg:$0xf] =	wrdreg s11;
	s18 =	sadd.s32 s1, s15  }
0x1c: {  	s19 =	sadd.s32 s9, s15;
	[dreg:$0x10] =	wrdreg s18  }
0x1d: {  	s20 =	sadd.s32 s7, s15;
	[dreg:$0x11] =	wrdreg s19  }
0x1e: {  	s21 =	sadd.s32 s8, s15;
	[dreg:$0x12] =	wrdreg s20  }
0x1f: {  	s22 =	sadd.s32 s5, s15;
	[dreg:$0x13] =	wrdreg s21  }
0x20: {  	s23 =	sadd.s32 s6, s15;
	[dreg:$0x14] =	wrdreg s22  }
0x21: {  	s24 =	sor.u32 $0x800, s0;
	s25 =	sadd.s32 s3, s15;
	[dreg:$0x15] =	wrdreg s23  }
0x22: {  	s10 =	ssub.s32 $0x2, s10;
	s26 =	sadd.s32 s1, s24;
	[dreg:$0x16] =	wrdreg s25  }
0x23: {  	s14 =	sshrl.u32 s10, $0x1;
	s13 =	sadd.s32 s9, s24;
	[dreg:$0x17] =	wrdreg s26  }
0x24: {  	s10 =	ssub.s32 s10, s14;
	s14 =	sadd.s32 s7, s24;
	[dreg:$0x18] =	wrdreg s13  }
0x25: {  	s15 =	sadd.s32 s8, s24;
	[dreg:$0x19] =	wrdreg s14  }
0x26: {  	s16 =	sadd.s32 s5, s24;
	[dreg:$0x1a] =	wrdreg s15  }
0x27: {  	s11 =	sadd.s32 s3, s24;
	[dreg:$0x1b] =	wrdreg s16  }
0x28: {  	s18 =	sadd.s32 s6, s24;
	[dreg:$0x1d] =	wrdreg s11;
	s19 =	sor.u32 $0xA00, s0  }
0x29: {  	[dreg:$0x1c] =	wrdreg s18;
	s20 =	sadd.s32 s1, s19  }
0x2a: {  	s21 =	sadd.s32 s9, s19;
	[dreg:$0x1e] =	wrdreg s20  }
0x2b: {  	s22 =	sadd.s32 s7, s19;
	[dreg:$0x1f] =	wrdreg s21  }
0x2c: {  	s23 =	sadd.s32 s8, s19;
	[smem:$0x7EB] =	sst s22  }
0x2d: {  	s24 =	sadd.s32 s5, s19;
	[smem:$0x7EC] =	sst s23  }
0x2e: {  	s29 =	sadd.s32 s1, s0;
	s26 =	sadd.s32 s6, s19;
	[smem:$0x7ED] =	sst s24  }
0x2f: {  	s25 =	sor.u32 $0xC00, s0;
	s11 =	sadd.s32 s3, s19;
	[smem:$0x7EE] =	sst s26  }
0x30: {  	v0 =	vmov s17;
	s17 =	simm.s32 $0xD000;
	s14 =	sadd.s32 s1, s25;
	[smem:$0x7EF] =	sst s11  }
0x31: {  	s30 =	sadd.s32 $0x1DE00, s4;
	s15 =	sadd.s32 s9, s25;
	[smem:$0x7F0] =	sst s14  }
0x32: {  	s31 =	sadd.s32 $0x1EA00, s4;
	s16 =	sadd.s32 s7, s25;
	[smem:$0x7F1] =	sst s15  }
0x33: {  	s13 =	simm.s32 $0x7000;
	s18 =	sadd.s32 s8, s25;
	[smem:$0x7F2] =	sst s16  }
0x34: {  	s19 =	sadd.s32 s5, s25;
	s12 =	sadd.s32 s3, s25;
	[smem:$0x7F3] =	sst s18  }
0x35: {  	[smem:$0x7F4] =	sst s19;
	s20 =	sadd.s32 s6, s25;
	s21 =	sor.u32 $0xE00, s0  }
0x36: {  	[smem:$0x7F6] =	sst s12;
	s22 =	sadd.s32 s9, s0;
	s23 =	sadd.s32 s7, s0  }
0x37: {  	s24 =	sadd.s32 s8, s0;
	s26 =	sadd.s32 s5, s0;
	s11 =	simm.s32 $0x5000  }
0x38: {  	s12 =	simm.s32 $0x6000;
	s14 =	simm.s32 $0x8800;
	[smem:$0x7F5] =	sst s20  }
0x39: {  	s15 =	simm.s32 $0xA000;
	s16 =	simm.s32 $0xB800;
	[smem:$0x7F7] =	sst s22  }
0x3a: {  	s18 =	simm.s32 $0xE800;
	s19 =	simm.s32 $0x0;
	[smem:$0x7F9] =	sst s23  }
0x3b: {  	s9 =	sadd.s32 s9, s21;
	s7 =	sadd.s32 s7, s21;
	[smem:$0x7FB] =	sst s24  }
0x3c: {  	s25 =	sadd.s32 s8, s21;
	[smem:$0x7FD] =	sst s26;
	s22 =	sadd.s32 s5, s21  }
0x3d: {  	s23 =	sadd.s32 s6, s0;
	s24 =	sadd.s32 s6, s21;
	s26 =	sadd.s32 s3, s21  }
0x3e: {  	s28 =	sadd.s32 s1, s21;
	s1 =	sadd.s32 $0x20200, s4;
	[smem:$0x7F8] =	sst s9  }
0x3f: {  	s5 =	smax.u32 s10, $0x1;
	s6 =	simm.s32 $0x1;
	[smem:$0x7FA] =	sst s7  }
0x40: {  	s8 =	simm.s32 $0x2000;
	s10 =	simm.s32 $0x4000;
	[smem:$0x7FC] =	sst s25  }
0x41: {  	s25 =	sadd.s32 s3, s0;
	s0 =	sadd.s32 $0x1F600, s4;
	s3 =	sadd.s32 $0x20E00, s4  }
0x42: {  	s4 =	sadd.s32 $0x21A00, s4;
	s7 =	simm.s32 $0x1000;
	s9 =	simm.s32 $0x3000  }
.LBB2_2:
0x43: {  	s20 =	simm.s32 $0x0  }
0x44: {  	[tilespmem:s20], [sflag:$0x1] =	stream.linear.gather [hbm4b:s29+s20], $0x1000, $0x38;
	[tilespmem:$0x10000] =	vst v63  }
0x45: {  	_ =	swait.ge [sflag:s6], $0x1000  }
0x46: {  	s21 =	sld [smem:$0x7F7]  }
0x47: {  	[sflag:s6] =	ssyncset.done $0x0  }
0x48: {  	[sflag:s6] =	ssyncadd.s32 $0xFFFFF000  }
0x49: {  	[tilespmem:s7], [sflag:$0x1] =	stream.linear.gather [hbm4b:s21+s20], $0x1000, $0x38;
	[tilespmem:$0x10000] =	vst v63  }
0x4a: {  	_ =	swait.ge [sflag:s6], $0x1000  }
0x4b: {  	s21 =	sld [smem:$0x7F9]  }
0x4c: {  	[sflag:s6] =	ssyncset.done $0x0  }
0x4d: {  	[sflag:s6] =	ssyncadd.s32 $0xFFFFF000  }
0x4e: {  	[tilespmem:s8], [sflag:$0x1] =	stream.linear.gather [hbm4b:s21+s20], $0x1000, $0x38;
	[tilespmem:$0x10000] =	vst v63  }
0x4f: {  	_ =	swait.ge [sflag:s6], $0x1000  }
0x50: {  	s21 =	sld [smem:$0x7FB]  }
0x51: {  	[sflag:s6] =	ssyncset.done $0x0  }
0x52: {  	[sflag:s6] =	ssyncadd.s32 $0xFFFFF000  }
0x53: {  	[tilespmem:s9], [sflag:$0x1] =	stream.linear.gather [hbm4b:s21+s20], $0x1000, $0x38;
	[tilespmem:$0x10000] =	vst v63  }
0x54: {  	_ =	swait.ge [sflag:s6], $0x1000  }
0x55: {  	s21 =	sld [smem:$0x7FD]  }
0x56: {  	[sflag:s6] =	ssyncset.done $0x0  }
0x57: {  	[sflag:s6] =	ssyncadd.s32 $0xFFFFF000  }
0x58: {  	[tilespmem:s10], [sflag:$0x1] =	stream.linear.gather [hbm4b:s21+s20], $0x1000, $0x38;
	[tilespmem:$0x10000] =	vst v63  }
0x59: {  	_ =	swait.ge [sflag:s6], $0x1000  }
0x5a: {  	[sflag:s6] =	ssyncset.done $0x0  }
0x5b: {  	[sflag:s6] =	ssyncadd.s32 $0xFFFFF000  }
0x5c: {  	[tilespmem:s11], [sflag:$0x1] =	stream.linear.gather [hbm4b:s23+s20], $0x1000, $0x38;
	[tilespmem:$0x10000] =	vst v63  }
0x5d: {  	_ =	swait.ge [sflag:s6], $0x1000  }
0x5e: {  	[sflag:s6] =	ssyncset.done $0x0  }
0x5f: {  	[sflag:s6] =	ssyncadd.s32 $0xFFFFF000  }
0x60: {  	[tilespmem:s12], [sflag:$0x1] =	stream.linear.gather [hbm4b:s25+s20], $0x1000, $0x38;
	[tilespmem:$0x10000] =	vst v63  }
0x61: {  	_ =	swait.ge [sflag:s6], $0x1000  }
0x62: {  	[sflag:s6] =	ssyncset.done $0x0  }
0x63: {  	s21 =	simm.s32 $0x40;
	s20 =	simm.s32 $0x0;
	[sflag:s6] =	ssyncadd.s32 $0xFFFFF000  }
.LBB2_3:
0x64: {  	p0 =	sne.s32 s21, $0x3FC0;
	v1 =	vld [tilespmem:s20+$0x0]  }
0x65: {  	v2 =	vld [tilespmem:s20+$0x1000];
	_ =	sdelay $0x3  }
0x66: {  	v3 =	vsub.s32 v1, v0  }
0x67: {  	v1 =	vand.u32 $0x7F, v1;
	v3 =	vand.u32 $0xFFFFFF80, v3  }
0x68: {  	v1 =	vor.u32 v1, v3;
	_ =	sdelay $0x4  }
0x69: {  	[tilespmem:v1+s13+$0x0] =	vst.idx.msk $0xffff, v2  }
0x6a: {  	v2 =	vld [tilespmem:s20+$0x2000];
	_ =	sdelay $0x4  }
0x6b: {  	[tilespmem:v1+s14+$0x0] =	vst.idx.msk $0xffff, v2  }
0x6c: {  	v2 =	vld [tilespmem:s20+$0x3000];
	_ =	sdelay $0x4  }
0x6d: {  	[tilespmem:v1+s15+$0x0] =	vst.idx.msk $0xffff, v2  }
0x6e: {  	v2 =	vld [tilespmem:s20+$0x4000];
	_ =	sdelay $0x4  }
0x6f: {  	[tilespmem:v1+s16+$0x0] =	vst.idx.msk $0xffff, v2  }
0x70: {  	v2 =	vld [tilespmem:s20+$0x5000];
	_ =	sdelay $0x4  }
0x71: {  	[tilespmem:v1+s17+$0x0] =	vst.idx.msk $0xffff, v2  }
0x72: {  	v2 =	vld [tilespmem:s20+$0x6000]  }
.Ltmp1:
0x73: {  	(pc) =	sbr.rel @p0 .LBB2_3-.Ltmp1, $2  }
0x74: {  	_ =	sdelay $0x2  }
0x75: {  	s20 =	sshra.s32 s21, $0x2;
	s21 =	sadd.s32 $0x40, s21;
	[tilespmem:v1+s18+$0x0] =	vst.idx.msk $0xffff, v2  }
0x76: {  	v1 =	vld [tilespmem:s20+$0x0];
	_ =	sdelay $0x4  }
0x77: {  	v2 =	vsub.s32 v1, v0  }
0x78: {  	v1 =	vand.u32 $0x7F, v1;
	v2 =	vand.u32 $0xFFFFFF80, v2  }
0x79: {  	v3 =	vld [tilespmem:s20+$0x1000];
	v1 =	vor.u32 v1, v2;
	_ =	sdelay $0x4  }
0x7a: {  	[tilespmem:v1+s13+$0x0] =	vst.idx.msk $0xffff, v3  }
0x7b: {  	v2 =	vld [tilespmem:s20+$0x2000];
	_ =	sdelay $0x4  }
0x7c: {  	[tilespmem:v1+s14+$0x0] =	vst.idx.msk $0xffff, v2  }
0x7d: {  	v2 =	vld [tilespmem:s20+$0x3000];
	_ =	sdelay $0x4  }
0x7e: {  	[tilespmem:v1+s15+$0x0] =	vst.idx.msk $0xffff, v2  }
0x7f: {  	v2 =	vld [tilespmem:s20+$0x4000];
	_ =	sdelay $0x4  }
0x80: {  	[tilespmem:v1+s16+$0x0] =	vst.idx.msk $0xffff, v2  }
0x81: {  	v2 =	vld [tilespmem:s20+$0x5000];
	_ =	sdelay $0x4  }
0x82: {  	[tilespmem:v1+s17+$0x0] =	vst.idx.msk $0xffff, v2  }
0x83: {  	v2 =	vld [tilespmem:s20+$0x6000];
	_ =	sdelay $0x4  }
0x84: {  	s21 =	rddreg [dreg:$0x2];
	s20 =	simm.s32 $0x0;
	[tilespmem:v1+s18+$0x0] =	vst.idx.msk $0xffff, v2  }
0x85: {  	[tilespmem:s20], [sflag:$0x1] =	stream.linear.gather [hbm4b:s21+s20], $0x1000, $0x38;
	[tilespmem:$0x10000] =	vst v63  }
0x86: {  	_ =	swait.ge [sflag:s6], $0x1000  }
0x87: {  	[sflag:s6] =	ssyncset.done $0x0  }
0x88: {  	s21 =	rddreg [dreg:$0x3];
	[sflag:s6] =	ssyncadd.s32 $0xFFFFF000  }
0x89: {  	[tilespmem:s7], [sflag:$0x1] =	stream.linear.gather [hbm4b:s21+s20], $0x1000, $0x38;
	[tilespmem:$0x10000] =	vst v63  }
0x8a: {  	_ =	swait.ge [sflag:s6], $0x1000  }
0x8b: {  	[sflag:s6] =	ssyncset.done $0x0  }
0x8c: {  	s21 =	rddreg [dreg:$0x4];
	[sflag:s6] =	ssyncadd.s32 $0xFFFFF000  }
0x8d: {  	[tilespmem:s8], [sflag:$0x1] =	stream.linear.gather [hbm4b:s21+s20], $0x1000, $0x38;
	[tilespmem:$0x10000] =	vst v63  }
0x8e: {  	_ =	swait.ge [sflag:s6], $0x1000  }
0x8f: {  	[sflag:s6] =	ssyncset.done $0x0  }
0x90: {  	s21 =	rddreg [dreg:$0x5];
	[sflag:s6] =	ssyncadd.s32 $0xFFFFF000  }
0x91: {  	[tilespmem:s9], [sflag:$0x1] =	stream.linear.gather [hbm4b:s21+s20], $0x1000, $0x38;
	[tilespmem:$0x10000] =	vst v63  }
0x92: {  	_ =	swait.ge [sflag:s6], $0x1000  }
0x93: {  	[sflag:s6] =	ssyncset.done $0x0  }
0x94: {  	s21 =	rddreg [dreg:$0x6];
	[sflag:s6] =	ssyncadd.s32 $0xFFFFF000  }
0x95: {  	[tilespmem:s10], [sflag:$0x1] =	stream.linear.gather [hbm4b:s21+s20], $0x1000, $0x38;
	[tilespmem:$0x10000] =	vst v63  }
0x96: {  	_ =	swait.ge [sflag:s6], $0x1000  }
0x97: {  	[sflag:s6] =	ssyncset.done $0x0  }
0x98: {  	s21 =	rddreg [dreg:$0x7];
	[sflag:s6] =	ssyncadd.s32 $0xFFFFF000  }
0x99: {  	[tilespmem:s11], [sflag:$0x1] =	stream.linear.gather [hbm4b:s21+s20], $0x1000, $0x38;
	[tilespmem:$0x10000] =	vst v63  }
0x9a: {  	_ =	swait.ge [sflag:s6], $0x1000  }
0x9b: {  	[sflag:s6] =	ssyncset.done $0x0  }
0x9c: {  	s21 =	rddreg [dreg:$0x8];
	[sflag:s6] =	ssyncadd.s32 $0xFFFFF000  }
0x9d: {  	[tilespmem:s12], [sflag:$0x1] =	stream.linear.gather [hbm4b:s21+s20], $0x1000, $0x38;
	[tilespmem:$0x10000] =	vst v63  }
0x9e: {  	_ =	swait.ge [sflag:s6], $0x1000  }
0x9f: {  	[sflag:s6] =	ssyncset.done $0x0  }
0xa0: {  	s20 =	simm.s32 $0x0;
	s21 =	simm.s32 $0x40;
	[sflag:s6] =	ssyncadd.s32 $0xFFFFF000  }
.LBB2_5:
0xa1: {  	p0 =	sne.s32 s21, $0x3FC0;
	v1 =	vld [tilespmem:s20+$0x0]  }
0xa2: {  	v2 =	vld [tilespmem:s20+$0x1000];
	_ =	sdelay $0x3  }
0xa3: {  	v3 =	vsub.s32 v1, v0  }
0xa4: {  	v1 =	vand.u32 $0x7F, v1;
	v3 =	vand.u32 $0xFFFFFF80, v3  }
0xa5: {  	v1 =	vor.u32 v1, v3;
	_ =	sdelay $0x4  }
0xa6: {  	[tilespmem:v1+s13+$0x0] =	vst.idx.msk $0xffff, v2  }
0xa7: {  	v2 =	vld [tilespmem:s20+$0x2000];
	_ =	sdelay $0x4  }
0xa8: {  	[tilespmem:v1+s14+$0x0] =	vst.idx.msk $0xffff, v2  }
0xa9: {  	v2 =	vld [tilespmem:s20+$0x3000];
	_ =	sdelay $0x4  }
0xaa: {  	[tilespmem:v1+s15+$0x0] =	vst.idx.msk $0xffff, v2  }
0xab: {  	v2 =	vld [tilespmem:s20+$0x4000];
	_ =	sdelay $0x4  }
0xac: {  	[tilespmem:v1+s16+$0x0] =	vst.idx.msk $0xffff, v2  }
0xad: {  	v2 =	vld [tilespmem:s20+$0x5000];
	_ =	sdelay $0x4  }
0xae: {  	[tilespmem:v1+s17+$0x0] =	vst.idx.msk $0xffff, v2  }
0xaf: {  	v2 =	vld [tilespmem:s20+$0x6000]  }
.Ltmp2:
0xb0: {  	(pc) =	sbr.rel @p0 .LBB2_5-.Ltmp2, $2  }
0xb1: {  	_ =	sdelay $0x2  }
0xb2: {  	s20 =	sshra.s32 s21, $0x2;
	s21 =	sadd.s32 $0x40, s21;
	[tilespmem:v1+s18+$0x0] =	vst.idx.msk $0xffff, v2  }
0xb3: {  	v1 =	vld [tilespmem:s20+$0x0];
	_ =	sdelay $0x4  }
0xb4: {  	v2 =	vsub.s32 v1, v0  }
0xb5: {  	v1 =	vand.u32 $0x7F, v1;
	v2 =	vand.u32 $0xFFFFFF80, v2  }
0xb6: {  	v3 =	vld [tilespmem:s20+$0x1000];
	v1 =	vor.u32 v1, v2;
	_ =	sdelay $0x4  }
0xb7: {  	[tilespmem:v1+s13+$0x0] =	vst.idx.msk $0xffff, v3  }
0xb8: {  	v2 =	vld [tilespmem:s20+$0x2000];
	_ =	sdelay $0x4  }
0xb9: {  	[tilespmem:v1+s14+$0x0] =	vst.idx.msk $0xffff, v2  }
0xba: {  	v2 =	vld [tilespmem:s20+$0x3000];
	_ =	sdelay $0x4  }
0xbb: {  	[tilespmem:v1+s15+$0x0] =	vst.idx.msk $0xffff, v2  }
0xbc: {  	v2 =	vld [tilespmem:s20+$0x4000];
	_ =	sdelay $0x4  }
0xbd: {  	[tilespmem:v1+s16+$0x0] =	vst.idx.msk $0xffff, v2  }
0xbe: {  	v2 =	vld [tilespmem:s20+$0x5000];
	_ =	sdelay $0x4  }
0xbf: {  	[tilespmem:v1+s17+$0x0] =	vst.idx.msk $0xffff, v2  }
0xc0: {  	v2 =	vld [tilespmem:s20+$0x6000];
	_ =	sdelay $0x4  }
0xc1: {  	s21 =	rddreg [dreg:$0x9];
	s20 =	simm.s32 $0x0;
	[tilespmem:v1+s18+$0x0] =	vst.idx.msk $0xffff, v2  }
0xc2: {  	[tilespmem:s20], [sflag:$0x1] =	stream.linear.gather [hbm4b:s21+s20], $0x1000, $0x38;
	[tilespmem:$0x10000] =	vst v63  }
0xc3: {  	_ =	swait.ge [sflag:s6], $0x1000  }
0xc4: {  	[sflag:s6] =	ssyncset.done $0x0  }
0xc5: {  	s21 =	rddreg [dreg:$0xa];
	[sflag:s6] =	ssyncadd.s32 $0xFFFFF000  }
0xc6: {  	[tilespmem:s7], [sflag:$0x1] =	stream.linear.gather [hbm4b:s21+s20], $0x1000, $0x38;
	[tilespmem:$0x10000] =	vst v63  }
0xc7: {  	_ =	swait.ge [sflag:s6], $0x1000  }
0xc8: {  	[sflag:s6] =	ssyncset.done $0x0  }
0xc9: {  	s21 =	rddreg [dreg:$0xb];
	[sflag:s6] =	ssyncadd.s32 $0xFFFFF000  }
0xca: {  	[tilespmem:s8], [sflag:$0x1] =	stream.linear.gather [hbm4b:s21+s20], $0x1000, $0x38;
	[tilespmem:$0x10000] =	vst v63  }
0xcb: {  	_ =	swait.ge [sflag:s6], $0x1000  }
0xcc: {  	[sflag:s6] =	ssyncset.done $0x0  }
0xcd: {  	s21 =	rddreg [dreg:$0xc];
	[sflag:s6] =	ssyncadd.s32 $0xFFFFF000  }
0xce: {  	[tilespmem:s9], [sflag:$0x1] =	stream.linear.gather [hbm4b:s21+s20], $0x1000, $0x38;
	[tilespmem:$0x10000] =	vst v63  }
0xcf: {  	_ =	swait.ge [sflag:s6], $0x1000  }
0xd0: {  	[sflag:s6] =	ssyncset.done $0x0  }
0xd1: {  	s21 =	rddreg [dreg:$0xd];
	[sflag:s6] =	ssyncadd.s32 $0xFFFFF000  }
0xd2: {  	[tilespmem:s10], [sflag:$0x1] =	stream.linear.gather [hbm4b:s21+s20], $0x1000, $0x38;
	[tilespmem:$0x10000] =	vst v63  }
0xd3: {  	_ =	swait.ge [sflag:s6], $0x1000  }
0xd4: {  	[sflag:s6] =	ssyncset.done $0x0  }
0xd5: {  	s21 =	rddreg [dreg:$0xe];
	[sflag:s6] =	ssyncadd.s32 $0xFFFFF000  }
0xd6: {  	[tilespmem:s11], [sflag:$0x1] =	stream.linear.gather [hbm4b:s21+s20], $0x1000, $0x38;
	[tilespmem:$0x10000] =	vst v63  }
0xd7: {  	_ =	swait.ge [sflag:s6], $0x1000  }
0xd8: {  	[sflag:s6] =	ssyncset.done $0x0  }
0xd9: {  	s21 =	rddreg [dreg:$0xf];
	[sflag:s6] =	ssyncadd.s32 $0xFFFFF000  }
0xda: {  	[tilespmem:s12], [sflag:$0x1] =	stream.linear.gather [hbm4b:s21+s20], $0x1000, $0x38;
	[tilespmem:$0x10000] =	vst v63  }
0xdb: {  	_ =	swait.ge [sflag:s6], $0x1000  }
0xdc: {  	[sflag:s6] =	ssyncset.done $0x0  }
0xdd: {  	s20 =	simm.s32 $0x0;
	s21 =	simm.s32 $0x40;
	[sflag:s6] =	ssyncadd.s32 $0xFFFFF000  }
.LBB2_7:
0xde: {  	p0 =	sne.s32 s21, $0x3FC0;
	v1 =	vld [tilespmem:s20+$0x0]  }
0xdf: {  	v2 =	vld [tilespmem:s20+$0x1000];
	_ =	sdelay $0x3  }
0xe0: {  	v3 =	vsub.s32 v1, v0  }
0xe1: {  	v1 =	vand.u32 $0x7F, v1;
	v3 =	vand.u32 $0xFFFFFF80, v3  }
0xe2: {  	v1 =	vor.u32 v1, v3;
	_ =	sdelay $0x4  }
0xe3: {  	[tilespmem:v1+s13+$0x0] =	vst.idx.msk $0xffff, v2  }
0xe4: {  	v2 =	vld [tilespmem:s20+$0x2000];
	_ =	sdelay $0x4  }
0xe5: {  	[tilespmem:v1+s14+$0x0] =	vst.idx.msk $0xffff, v2  }
0xe6: {  	v2 =	vld [tilespmem:s20+$0x3000];
	_ =	sdelay $0x4  }
0xe7: {  	[tilespmem:v1+s15+$0x0] =	vst.idx.msk $0xffff, v2  }
0xe8: {  	v2 =	vld [tilespmem:s20+$0x4000];
	_ =	sdelay $0x4  }
0xe9: {  	[tilespmem:v1+s16+$0x0] =	vst.idx.msk $0xffff, v2  }
0xea: {  	v2 =	vld [tilespmem:s20+$0x5000];
	_ =	sdelay $0x4  }
0xeb: {  	[tilespmem:v1+s17+$0x0] =	vst.idx.msk $0xffff, v2  }
0xec: {  	v2 =	vld [tilespmem:s20+$0x6000]  }
.Ltmp3:
0xed: {  	(pc) =	sbr.rel @p0 .LBB2_7-.Ltmp3, $2  }
0xee: {  	_ =	sdelay $0x2  }
0xef: {  	s20 =	sshra.s32 s21, $0x2;
	s21 =	sadd.s32 $0x40, s21;
	[tilespmem:v1+s18+$0x0] =	vst.idx.msk $0xffff, v2  }
0xf0: {  	v1 =	vld [tilespmem:s20+$0x0];
	_ =	sdelay $0x4  }
0xf1: {  	v2 =	vsub.s32 v1, v0  }
0xf2: {  	v1 =	vand.u32 $0x7F, v1;
	v2 =	vand.u32 $0xFFFFFF80, v2  }
0xf3: {  	v3 =	vld [tilespmem:s20+$0x1000];
	v1 =	vor.u32 v1, v2;
	_ =	sdelay $0x4  }
0xf4: {  	[tilespmem:v1+s13+$0x0] =	vst.idx.msk $0xffff, v3  }
0xf5: {  	v2 =	vld [tilespmem:s20+$0x2000];
	_ =	sdelay $0x4  }
0xf6: {  	[tilespmem:v1+s14+$0x0] =	vst.idx.msk $0xffff, v2  }
0xf7: {  	v2 =	vld [tilespmem:s20+$0x3000];
	_ =	sdelay $0x4  }
0xf8: {  	[tilespmem:v1+s15+$0x0] =	vst.idx.msk $0xffff, v2  }
0xf9: {  	v2 =	vld [tilespmem:s20+$0x4000];
	_ =	sdelay $0x4  }
0xfa: {  	[tilespmem:v1+s16+$0x0] =	vst.idx.msk $0xffff, v2  }
0xfb: {  	v2 =	vld [tilespmem:s20+$0x5000];
	_ =	sdelay $0x4  }
0xfc: {  	[tilespmem:v1+s17+$0x0] =	vst.idx.msk $0xffff, v2  }
0xfd: {  	v2 =	vld [tilespmem:s20+$0x6000];
	_ =	sdelay $0x4  }
0xfe: {  	s21 =	rddreg [dreg:$0x10];
	s20 =	simm.s32 $0x0;
	[tilespmem:v1+s18+$0x0] =	vst.idx.msk $0xffff, v2  }
0xff: {  	[tilespmem:s20], [sflag:$0x1] =	stream.linear.gather [hbm4b:s21+s20], $0x1000, $0x38;
	[tilespmem:$0x10000] =	vst v63  }
0x100: {  	_ =	swait.ge [sflag:s6], $0x1000  }
0x101: {  	[sflag:s6] =	ssyncset.done $0x0  }
0x102: {  	s21 =	rddreg [dreg:$0x11];
	[sflag:s6] =	ssyncadd.s32 $0xFFFFF000  }
0x103: {  	[tilespmem:s7], [sflag:$0x1] =	stream.linear.gather [hbm4b:s21+s20], $0x1000, $0x38;
	[tilespmem:$0x10000] =	vst v63  }
0x104: {  	_ =	swait.ge [sflag:s6], $0x1000  }
0x105: {  	[sflag:s6] =	ssyncset.done $0x0  }
0x106: {  	s21 =	rddreg [dreg:$0x12];
	[sflag:s6] =	ssyncadd.s32 $0xFFFFF000  }
0x107: {  	[tilespmem:s8], [sflag:$0x1] =	stream.linear.gather [hbm4b:s21+s20], $0x1000, $0x38;
	[tilespmem:$0x10000] =	vst v63  }
0x108: {  	_ =	swait.ge [sflag:s6], $0x1000  }
0x109: {  	[sflag:s6] =	ssyncset.done $0x0  }
0x10a: {  	s21 =	rddreg [dreg:$0x13];
	[sflag:s6] =	ssyncadd.s32 $0xFFFFF000  }
0x10b: {  	[tilespmem:s9], [sflag:$0x1] =	stream.linear.gather [hbm4b:s21+s20], $0x1000, $0x38;
	[tilespmem:$0x10000] =	vst v63  }
0x10c: {  	_ =	swait.ge [sflag:s6], $0x1000  }
0x10d: {  	[sflag:s6] =	ssyncset.done $0x0  }
0x10e: {  	s21 =	rddreg [dreg:$0x14];
	[sflag:s6] =	ssyncadd.s32 $0xFFFFF000  }
0x10f: {  	[tilespmem:s10], [sflag:$0x1] =	stream.linear.gather [hbm4b:s21+s20], $0x1000, $0x38;
	[tilespmem:$0x10000] =	vst v63  }
0x110: {  	_ =	swait.ge [sflag:s6], $0x1000  }
0x111: {  	[sflag:s6] =	ssyncset.done $0x0  }
0x112: {  	s21 =	rddreg [dreg:$0x15];
	[sflag:s6] =	ssyncadd.s32 $0xFFFFF000  }
0x113: {  	[tilespmem:s11], [sflag:$0x1] =	stream.linear.gather [hbm4b:s21+s20], $0x1000, $0x38;
	[tilespmem:$0x10000] =	vst v63  }
0x114: {  	_ =	swait.ge [sflag:s6], $0x1000  }
0x115: {  	[sflag:s6] =	ssyncset.done $0x0  }
0x116: {  	s21 =	rddreg [dreg:$0x16];
	[sflag:s6] =	ssyncadd.s32 $0xFFFFF000  }
0x117: {  	[tilespmem:s12], [sflag:$0x1] =	stream.linear.gather [hbm4b:s21+s20], $0x1000, $0x38;
	[tilespmem:$0x10000] =	vst v63  }
0x118: {  	_ =	swait.ge [sflag:s6], $0x1000  }
0x119: {  	[sflag:s6] =	ssyncset.done $0x0  }
0x11a: {  	s20 =	simm.s32 $0x0;
	s21 =	simm.s32 $0x40;
	[sflag:s6] =	ssyncadd.s32 $0xFFFFF000  }
.LBB2_9:
0x11b: {  	p0 =	sne.s32 s21, $0x3FC0;
	v1 =	vld [tilespmem:s20+$0x0]  }
0x11c: {  	v2 =	vld [tilespmem:s20+$0x1000];
	_ =	sdelay $0x3  }
0x11d: {  	v3 =	vsub.s32 v1, v0  }
0x11e: {  	v1 =	vand.u32 $0x7F, v1;
	v3 =	vand.u32 $0xFFFFFF80, v3  }
0x11f: {  	v1 =	vor.u32 v1, v3;
	_ =	sdelay $0x4  }
0x120: {  	[tilespmem:v1+s13+$0x0] =	vst.idx.msk $0xffff, v2  }
0x121: {  	v2 =	vld [tilespmem:s20+$0x2000];
	_ =	sdelay $0x4  }
0x122: {  	[tilespmem:v1+s14+$0x0] =	vst.idx.msk $0xffff, v2  }
0x123: {  	v2 =	vld [tilespmem:s20+$0x3000];
	_ =	sdelay $0x4  }
0x124: {  	[tilespmem:v1+s15+$0x0] =	vst.idx.msk $0xffff, v2  }
0x125: {  	v2 =	vld [tilespmem:s20+$0x4000];
	_ =	sdelay $0x4  }
0x126: {  	[tilespmem:v1+s16+$0x0] =	vst.idx.msk $0xffff, v2  }
0x127: {  	v2 =	vld [tilespmem:s20+$0x5000];
	_ =	sdelay $0x4  }
0x128: {  	[tilespmem:v1+s17+$0x0] =	vst.idx.msk $0xffff, v2  }
0x129: {  	v2 =	vld [tilespmem:s20+$0x6000]  }
.Ltmp4:
0x12a: {  	(pc) =	sbr.rel @p0 .LBB2_9-.Ltmp4, $2  }
0x12b: {  	_ =	sdelay $0x2  }
0x12c: {  	s20 =	sshra.s32 s21, $0x2;
	s21 =	sadd.s32 $0x40, s21;
	[tilespmem:v1+s18+$0x0] =	vst.idx.msk $0xffff, v2  }
0x12d: {  	v1 =	vld [tilespmem:s20+$0x0];
	_ =	sdelay $0x4  }
0x12e: {  	v2 =	vsub.s32 v1, v0  }
0x12f: {  	v1 =	vand.u32 $0x7F, v1;
	v2 =	vand.u32 $0xFFFFFF80, v2  }
0x130: {  	v3 =	vld [tilespmem:s20+$0x1000];
	v1 =	vor.u32 v1, v2;
	_ =	sdelay $0x4  }
0x131: {  	[tilespmem:v1+s13+$0x0] =	vst.idx.msk $0xffff, v3  }
0x132: {  	v2 =	vld [tilespmem:s20+$0x2000];
	_ =	sdelay $0x4  }
0x133: {  	[tilespmem:v1+s14+$0x0] =	vst.idx.msk $0xffff, v2  }
0x134: {  	v2 =	vld [tilespmem:s20+$0x3000];
	_ =	sdelay $0x4  }
0x135: {  	[tilespmem:v1+s15+$0x0] =	vst.idx.msk $0xffff, v2  }
0x136: {  	v2 =	vld [tilespmem:s20+$0x4000];
	_ =	sdelay $0x4  }
0x137: {  	[tilespmem:v1+s16+$0x0] =	vst.idx.msk $0xffff, v2  }
0x138: {  	v2 =	vld [tilespmem:s20+$0x5000];
	_ =	sdelay $0x4  }
0x139: {  	[tilespmem:v1+s17+$0x0] =	vst.idx.msk $0xffff, v2  }
0x13a: {  	v2 =	vld [tilespmem:s20+$0x6000];
	_ =	sdelay $0x4  }
0x13b: {  	s21 =	rddreg [dreg:$0x17];
	s20 =	simm.s32 $0x0;
	[tilespmem:v1+s18+$0x0] =	vst.idx.msk $0xffff, v2  }
0x13c: {  	[tilespmem:s20], [sflag:$0x1] =	stream.linear.gather [hbm4b:s21+s20], $0x1000, $0x38;
	[tilespmem:$0x10000] =	vst v63  }
0x13d: {  	_ =	swait.ge [sflag:s6], $0x1000  }
0x13e: {  	[sflag:s6] =	ssyncset.done $0x0  }
0x13f: {  	s21 =	rddreg [dreg:$0x18];
	[sflag:s6] =	ssyncadd.s32 $0xFFFFF000  }
0x140: {  	[tilespmem:s7], [sflag:$0x1] =	stream.linear.gather [hbm4b:s21+s20], $0x1000, $0x38;
	[tilespmem:$0x10000] =	vst v63  }
0x141: {  	_ =	swait.ge [sflag:s6], $0x1000  }
0x142: {  	[sflag:s6] =	ssyncset.done $0x0  }
0x143: {  	s21 =	rddreg [dreg:$0x19];
	[sflag:s6] =	ssyncadd.s32 $0xFFFFF000  }
0x144: {  	[tilespmem:s8], [sflag:$0x1] =	stream.linear.gather [hbm4b:s21+s20], $0x1000, $0x38;
	[tilespmem:$0x10000] =	vst v63  }
0x145: {  	_ =	swait.ge [sflag:s6], $0x1000  }
0x146: {  	[sflag:s6] =	ssyncset.done $0x0  }
0x147: {  	s21 =	rddreg [dreg:$0x1a];
	[sflag:s6] =	ssyncadd.s32 $0xFFFFF000  }
0x148: {  	[tilespmem:s9], [sflag:$0x1] =	stream.linear.gather [hbm4b:s21+s20], $0x1000, $0x38;
	[tilespmem:$0x10000] =	vst v63  }
0x149: {  	_ =	swait.ge [sflag:s6], $0x1000  }
0x14a: {  	[sflag:s6] =	ssyncset.done $0x0  }
0x14b: {  	s21 =	rddreg [dreg:$0x1b];
	[sflag:s6] =	ssyncadd.s32 $0xFFFFF000  }
0x14c: {  	[tilespmem:s10], [sflag:$0x1] =	stream.linear.gather [hbm4b:s21+s20], $0x1000, $0x38;
	[tilespmem:$0x10000] =	vst v63  }
0x14d: {  	_ =	swait.ge [sflag:s6], $0x1000  }
0x14e: {  	[sflag:s6] =	ssyncset.done $0x0  }
0x14f: {  	s21 =	rddreg [dreg:$0x1c];
	[sflag:s6] =	ssyncadd.s32 $0xFFFFF000  }
0x150: {  	[tilespmem:s11], [sflag:$0x1] =	stream.linear.gather [hbm4b:s21+s20], $0x1000, $0x38;
	[tilespmem:$0x10000] =	vst v63  }
0x151: {  	_ =	swait.ge [sflag:s6], $0x1000  }
0x152: {  	[sflag:s6] =	ssyncset.done $0x0  }
0x153: {  	s21 =	rddreg [dreg:$0x1d];
	[sflag:s6] =	ssyncadd.s32 $0xFFFFF000  }
0x154: {  	[tilespmem:s12], [sflag:$0x1] =	stream.linear.gather [hbm4b:s21+s20], $0x1000, $0x38;
	[tilespmem:$0x10000] =	vst v63  }
0x155: {  	_ =	swait.ge [sflag:s6], $0x1000  }
0x156: {  	[sflag:s6] =	ssyncset.done $0x0  }
0x157: {  	s20 =	simm.s32 $0x0;
	s21 =	simm.s32 $0x40;
	[sflag:s6] =	ssyncadd.s32 $0xFFFFF000  }
.LBB2_11:
0x158: {  	p0 =	sne.s32 s21, $0x3FC0;
	v1 =	vld [tilespmem:s20+$0x0]  }
0x159: {  	v2 =	vld [tilespmem:s20+$0x1000];
	_ =	sdelay $0x3  }
0x15a: {  	v3 =	vsub.s32 v1, v0  }
0x15b: {  	v1 =	vand.u32 $0x7F, v1;
	v3 =	vand.u32 $0xFFFFFF80, v3  }
0x15c: {  	v1 =	vor.u32 v1, v3;
	_ =	sdelay $0x4  }
0x15d: {  	[tilespmem:v1+s13+$0x0] =	vst.idx.msk $0xffff, v2  }
0x15e: {  	v2 =	vld [tilespmem:s20+$0x2000];
	_ =	sdelay $0x4  }
0x15f: {  	[tilespmem:v1+s14+$0x0] =	vst.idx.msk $0xffff, v2  }
0x160: {  	v2 =	vld [tilespmem:s20+$0x3000];
	_ =	sdelay $0x4  }
0x161: {  	[tilespmem:v1+s15+$0x0] =	vst.idx.msk $0xffff, v2  }
0x162: {  	v2 =	vld [tilespmem:s20+$0x4000];
	_ =	sdelay $0x4  }
0x163: {  	[tilespmem:v1+s16+$0x0] =	vst.idx.msk $0xffff, v2  }
0x164: {  	v2 =	vld [tilespmem:s20+$0x5000];
	_ =	sdelay $0x4  }
0x165: {  	[tilespmem:v1+s17+$0x0] =	vst.idx.msk $0xffff, v2  }
0x166: {  	v2 =	vld [tilespmem:s20+$0x6000]  }
.Ltmp5:
0x167: {  	(pc) =	sbr.rel @p0 .LBB2_11-.Ltmp5, $2  }
0x168: {  	_ =	sdelay $0x2  }
0x169: {  	s20 =	sshra.s32 s21, $0x2;
	s21 =	sadd.s32 $0x40, s21;
	[tilespmem:v1+s18+$0x0] =	vst.idx.msk $0xffff, v2  }
0x16a: {  	v1 =	vld [tilespmem:s20+$0x0];
	_ =	sdelay $0x4  }
0x16b: {  	v2 =	vsub.s32 v1, v0  }
0x16c: {  	v1 =	vand.u32 $0x7F, v1;
	v2 =	vand.u32 $0xFFFFFF80, v2  }
0x16d: {  	v3 =	vld [tilespmem:s20+$0x1000];
	v1 =	vor.u32 v1, v2;
	_ =	sdelay $0x4  }
0x16e: {  	[tilespmem:v1+s13+$0x0] =	vst.idx.msk $0xffff, v3  }
0x16f: {  	v2 =	vld [tilespmem:s20+$0x2000];
	_ =	sdelay $0x4  }
0x170: {  	[tilespmem:v1+s14+$0x0] =	vst.idx.msk $0xffff, v2  }
0x171: {  	v2 =	vld [tilespmem:s20+$0x3000];
	_ =	sdelay $0x4  }
0x172: {  	[tilespmem:v1+s15+$0x0] =	vst.idx.msk $0xffff, v2  }
0x173: {  	v2 =	vld [tilespmem:s20+$0x4000];
	_ =	sdelay $0x4  }
0x174: {  	[tilespmem:v1+s16+$0x0] =	vst.idx.msk $0xffff, v2  }
0x175: {  	v2 =	vld [tilespmem:s20+$0x5000];
	_ =	sdelay $0x4  }
0x176: {  	[tilespmem:v1+s17+$0x0] =	vst.idx.msk $0xffff, v2  }
0x177: {  	v2 =	vld [tilespmem:s20+$0x6000];
	_ =	sdelay $0x4  }
0x178: {  	s21 =	rddreg [dreg:$0x1e];
	s20 =	simm.s32 $0x0;
	[tilespmem:v1+s18+$0x0] =	vst.idx.msk $0xffff, v2  }
0x179: {  	[tilespmem:s20], [sflag:$0x1] =	stream.linear.gather [hbm4b:s21+s20], $0x1000, $0x38;
	[tilespmem:$0x10000] =	vst v63  }
0x17a: {  	_ =	swait.ge [sflag:s6], $0x1000  }
0x17b: {  	[sflag:s6] =	ssyncset.done $0x0  }
0x17c: {  	s21 =	rddreg [dreg:$0x1f];
	[sflag:s6] =	ssyncadd.s32 $0xFFFFF000  }
0x17d: {  	[tilespmem:s7], [sflag:$0x1] =	stream.linear.gather [hbm4b:s21+s20], $0x1000, $0x38;
	[tilespmem:$0x10000] =	vst v63  }
0x17e: {  	_ =	swait.ge [sflag:s6], $0x1000  }
0x17f: {  	s21 =	sld [smem:$0x7EB]  }
0x180: {  	[sflag:s6] =	ssyncset.done $0x0  }
0x181: {  	[sflag:s6] =	ssyncadd.s32 $0xFFFFF000  }
0x182: {  	[tilespmem:s8], [sflag:$0x1] =	stream.linear.gather [hbm4b:s21+s20], $0x1000, $0x38;
	[tilespmem:$0x10000] =	vst v63  }
0x183: {  	_ =	swait.ge [sflag:s6], $0x1000  }
0x184: {  	s21 =	sld [smem:$0x7EC]  }
0x185: {  	[sflag:s6] =	ssyncset.done $0x0  }
0x186: {  	[sflag:s6] =	ssyncadd.s32 $0xFFFFF000  }
0x187: {  	[tilespmem:s9], [sflag:$0x1] =	stream.linear.gather [hbm4b:s21+s20], $0x1000, $0x38;
	[tilespmem:$0x10000] =	vst v63  }
0x188: {  	_ =	swait.ge [sflag:s6], $0x1000  }
0x189: {  	s21 =	sld [smem:$0x7ED]  }
0x18a: {  	[sflag:s6] =	ssyncset.done $0x0  }
0x18b: {  	[sflag:s6] =	ssyncadd.s32 $0xFFFFF000  }
0x18c: {  	[tilespmem:s10], [sflag:$0x1] =	stream.linear.gather [hbm4b:s21+s20], $0x1000, $0x38;
	[tilespmem:$0x10000] =	vst v63  }
0x18d: {  	_ =	swait.ge [sflag:s6], $0x1000  }
0x18e: {  	s21 =	sld [smem:$0x7EE]  }
0x18f: {  	[sflag:s6] =	ssyncset.done $0x0  }
0x190: {  	[sflag:s6] =	ssyncadd.s32 $0xFFFFF000  }
0x191: {  	[tilespmem:s11], [sflag:$0x1] =	stream.linear.gather [hbm4b:s21+s20], $0x1000, $0x38;
	[tilespmem:$0x10000] =	vst v63  }
0x192: {  	_ =	swait.ge [sflag:s6], $0x1000  }
0x193: {  	s21 =	sld [smem:$0x7EF]  }
0x194: {  	[sflag:s6] =	ssyncset.done $0x0  }
0x195: {  	[sflag:s6] =	ssyncadd.s32 $0xFFFFF000  }
0x196: {  	[tilespmem:s12], [sflag:$0x1] =	stream.linear.gather [hbm4b:s21+s20], $0x1000, $0x38;
	[tilespmem:$0x10000] =	vst v63  }
0x197: {  	_ =	swait.ge [sflag:s6], $0x1000  }
0x198: {  	[sflag:s6] =	ssyncset.done $0x0  }
0x199: {  	s20 =	simm.s32 $0x0;
	s21 =	simm.s32 $0x40;
	[sflag:s6] =	ssyncadd.s32 $0xFFFFF000  }
.LBB2_13:
0x19a: {  	p0 =	sne.s32 s21, $0x3FC0;
	v1 =	vld [tilespmem:s20+$0x0]  }
0x19b: {  	v2 =	vld [tilespmem:s20+$0x1000];
	_ =	sdelay $0x3  }
0x19c: {  	v3 =	vsub.s32 v1, v0  }
0x19d: {  	v1 =	vand.u32 $0x7F, v1;
	v3 =	vand.u32 $0xFFFFFF80, v3  }
0x19e: {  	v1 =	vor.u32 v1, v3;
	_ =	sdelay $0x4  }
0x19f: {  	[tilespmem:v1+s13+$0x0] =	vst.idx.msk $0xffff, v2  }
0x1a0: {  	v2 =	vld [tilespmem:s20+$0x2000];
	_ =	sdelay $0x4  }
0x1a1: {  	[tilespmem:v1+s14+$0x0] =	vst.idx.msk $0xffff, v2  }
0x1a2: {  	v2 =	vld [tilespmem:s20+$0x3000];
	_ =	sdelay $0x4  }
0x1a3: {  	[tilespmem:v1+s15+$0x0] =	vst.idx.msk $0xffff, v2  }
0x1a4: {  	v2 =	vld [tilespmem:s20+$0x4000];
	_ =	sdelay $0x4  }
0x1a5: {  	[tilespmem:v1+s16+$0x0] =	vst.idx.msk $0xffff, v2  }
0x1a6: {  	v2 =	vld [tilespmem:s20+$0x5000];
	_ =	sdelay $0x4  }
0x1a7: {  	[tilespmem:v1+s17+$0x0] =	vst.idx.msk $0xffff, v2  }
0x1a8: {  	v2 =	vld [tilespmem:s20+$0x6000]  }
.Ltmp6:
0x1a9: {  	(pc) =	sbr.rel @p0 .LBB2_13-.Ltmp6, $2  }
0x1aa: {  	_ =	sdelay $0x2  }
0x1ab: {  	s20 =	sshra.s32 s21, $0x2;
	s21 =	sadd.s32 $0x40, s21;
	[tilespmem:v1+s18+$0x0] =	vst.idx.msk $0xffff, v2  }
0x1ac: {  	v1 =	vld [tilespmem:s20+$0x0];
	_ =	sdelay $0x4  }
0x1ad: {  	v2 =	vsub.s32 v1, v0  }
0x1ae: {  	v1 =	vand.u32 $0x7F, v1;
	v2 =	vand.u32 $0xFFFFFF80, v2  }
0x1af: {  	v3 =	vld [tilespmem:s20+$0x1000];
	v1 =	vor.u32 v1, v2;
	_ =	sdelay $0x4  }
0x1b0: {  	[tilespmem:v1+s13+$0x0] =	vst.idx.msk $0xffff, v3  }
0x1b1: {  	v2 =	vld [tilespmem:s20+$0x2000];
	_ =	sdelay $0x4  }
0x1b2: {  	[tilespmem:v1+s14+$0x0] =	vst.idx.msk $0xffff, v2  }
0x1b3: {  	v2 =	vld [tilespmem:s20+$0x3000];
	_ =	sdelay $0x4  }
0x1b4: {  	[tilespmem:v1+s15+$0x0] =	vst.idx.msk $0xffff, v2  }
0x1b5: {  	v2 =	vld [tilespmem:s20+$0x4000];
	_ =	sdelay $0x4  }
0x1b6: {  	[tilespmem:v1+s16+$0x0] =	vst.idx.msk $0xffff, v2  }
0x1b7: {  	v2 =	vld [tilespmem:s20+$0x5000];
	_ =	sdelay $0x4  }
0x1b8: {  	[tilespmem:v1+s17+$0x0] =	vst.idx.msk $0xffff, v2  }
0x1b9: {  	v2 =	vld [tilespmem:s20+$0x6000];
	_ =	sdelay $0x2  }
0x1ba: {  	s21 =	sld [smem:$0x7F0];
	_ =	sdelay $0x1  }
0x1bb: {  	s20 =	simm.s32 $0x0;
	[tilespmem:v1+s18+$0x0] =	vst.idx.msk $0xffff, v2  }
0x1bc: {  	[tilespmem:s20], [sflag:$0x1] =	stream.linear.gather [hbm4b:s21+s20], $0x1000, $0x38;
	[tilespmem:$0x10000] =	vst v63  }
0x1bd: {  	_ =	swait.ge [sflag:s6], $0x1000  }
0x1be: {  	s21 =	sld [smem:$0x7F1]  }
0x1bf: {  	[sflag:s6] =	ssyncset.done $0x0  }
0x1c0: {  	[sflag:s6] =	ssyncadd.s32 $0xFFFFF000  }
0x1c1: {  	[tilespmem:s7], [sflag:$0x1] =	stream.linear.gather [hbm4b:s21+s20], $0x1000, $0x38;
	[tilespmem:$0x10000] =	vst v63  }
0x1c2: {  	_ =	swait.ge [sflag:s6], $0x1000  }
0x1c3: {  	s21 =	sld [smem:$0x7F2]  }
0x1c4: {  	[sflag:s6] =	ssyncset.done $0x0  }
0x1c5: {  	[sflag:s6] =	ssyncadd.s32 $0xFFFFF000  }
0x1c6: {  	[tilespmem:s8], [sflag:$0x1] =	stream.linear.gather [hbm4b:s21+s20], $0x1000, $0x38;
	[tilespmem:$0x10000] =	vst v63  }
0x1c7: {  	_ =	swait.ge [sflag:s6], $0x1000  }
0x1c8: {  	s21 =	sld [smem:$0x7F3]  }
0x1c9: {  	[sflag:s6] =	ssyncset.done $0x0  }
0x1ca: {  	[sflag:s6] =	ssyncadd.s32 $0xFFFFF000  }
0x1cb: {  	[tilespmem:s9], [sflag:$0x1] =	stream.linear.gather [hbm4b:s21+s20], $0x1000, $0x38;
	[tilespmem:$0x10000] =	vst v63  }
0x1cc: {  	_ =	swait.ge [sflag:s6], $0x1000  }
0x1cd: {  	s21 =	sld [smem:$0x7F4]  }
0x1ce: {  	[sflag:s6] =	ssyncset.done $0x0  }
0x1cf: {  	[sflag:s6] =	ssyncadd.s32 $0xFFFFF000  }
0x1d0: {  	[tilespmem:s10], [sflag:$0x1] =	stream.linear.gather [hbm4b:s21+s20], $0x1000, $0x38;
	[tilespmem:$0x10000] =	vst v63  }
0x1d1: {  	_ =	swait.ge [sflag:s6], $0x1000  }
0x1d2: {  	s21 =	sld [smem:$0x7F5]  }
0x1d3: {  	[sflag:s6] =	ssyncset.done $0x0  }
0x1d4: {  	[sflag:s6] =	ssyncadd.s32 $0xFFFFF000  }
0x1d5: {  	[tilespmem:s11], [sflag:$0x1] =	stream.linear.gather [hbm4b:s21+s20], $0x1000, $0x38;
	[tilespmem:$0x10000] =	vst v63  }
0x1d6: {  	_ =	swait.ge [sflag:s6], $0x1000  }
0x1d7: {  	s21 =	sld [smem:$0x7F6]  }
0x1d8: {  	[sflag:s6] =	ssyncset.done $0x0  }
0x1d9: {  	[sflag:s6] =	ssyncadd.s32 $0xFFFFF000  }
0x1da: {  	[tilespmem:s12], [sflag:$0x1] =	stream.linear.gather [hbm4b:s21+s20], $0x1000, $0x38;
	[tilespmem:$0x10000] =	vst v63  }
0x1db: {  	_ =	swait.ge [sflag:s6], $0x1000  }
0x1dc: {  	[sflag:s6] =	ssyncset.done $0x0  }
0x1dd: {  	s20 =	simm.s32 $0x0;
	s21 =	simm.s32 $0x40;
	[sflag:s6] =	ssyncadd.s32 $0xFFFFF000  }
.LBB2_15:
0x1de: {  	p0 =	sne.s32 s21, $0x3FC0;
	v1 =	vld [tilespmem:s20+$0x0]  }
0x1df: {  	v2 =	vld [tilespmem:s20+$0x1000];
	_ =	sdelay $0x3  }
0x1e0: {  	v3 =	vsub.s32 v1, v0  }
0x1e1: {  	v1 =	vand.u32 $0x7F, v1;
	v3 =	vand.u32 $0xFFFFFF80, v3  }
0x1e2: {  	v1 =	vor.u32 v1, v3;
	_ =	sdelay $0x4  }
0x1e3: {  	[tilespmem:v1+s13+$0x0] =	vst.idx.msk $0xffff, v2  }
0x1e4: {  	v2 =	vld [tilespmem:s20+$0x2000];
	_ =	sdelay $0x4  }
0x1e5: {  	[tilespmem:v1+s14+$0x0] =	vst.idx.msk $0xffff, v2  }
0x1e6: {  	v2 =	vld [tilespmem:s20+$0x3000];
	_ =	sdelay $0x4  }
0x1e7: {  	[tilespmem:v1+s15+$0x0] =	vst.idx.msk $0xffff, v2  }
0x1e8: {  	v2 =	vld [tilespmem:s20+$0x4000];
	_ =	sdelay $0x4  }
0x1e9: {  	[tilespmem:v1+s16+$0x0] =	vst.idx.msk $0xffff, v2  }
0x1ea: {  	v2 =	vld [tilespmem:s20+$0x5000];
	_ =	sdelay $0x4  }
0x1eb: {  	[tilespmem:v1+s17+$0x0] =	vst.idx.msk $0xffff, v2  }
0x1ec: {  	v2 =	vld [tilespmem:s20+$0x6000]  }
.Ltmp7:
0x1ed: {  	(pc) =	sbr.rel @p0 .LBB2_15-.Ltmp7, $2  }
0x1ee: {  	_ =	sdelay $0x2  }
0x1ef: {  	s20 =	sshra.s32 s21, $0x2;
	s21 =	sadd.s32 $0x40, s21;
	[tilespmem:v1+s18+$0x0] =	vst.idx.msk $0xffff, v2  }
0x1f0: {  	v1 =	vld [tilespmem:s20+$0x0];
	_ =	sdelay $0x4  }
0x1f1: {  	v2 =	vsub.s32 v1, v0  }
0x1f2: {  	v1 =	vand.u32 $0x7F, v1;
	v2 =	vand.u32 $0xFFFFFF80, v2  }
0x1f3: {  	v3 =	vld [tilespmem:s20+$0x1000];
	v1 =	vor.u32 v1, v2;
	_ =	sdelay $0x4  }
0x1f4: {  	[tilespmem:v1+s13+$0x0] =	vst.idx.msk $0xffff, v3  }
0x1f5: {  	v2 =	vld [tilespmem:s20+$0x2000];
	_ =	sdelay $0x4  }
0x1f6: {  	[tilespmem:v1+s14+$0x0] =	vst.idx.msk $0xffff, v2  }
0x1f7: {  	v2 =	vld [tilespmem:s20+$0x3000];
	_ =	sdelay $0x4  }
0x1f8: {  	[tilespmem:v1+s15+$0x0] =	vst.idx.msk $0xffff, v2  }
0x1f9: {  	v2 =	vld [tilespmem:s20+$0x4000];
	_ =	sdelay $0x4  }
0x1fa: {  	[tilespmem:v1+s16+$0x0] =	vst.idx.msk $0xffff, v2  }
0x1fb: {  	v2 =	vld [tilespmem:s20+$0x5000];
	_ =	sdelay $0x4  }
0x1fc: {  	[tilespmem:v1+s17+$0x0] =	vst.idx.msk $0xffff, v2  }
0x1fd: {  	v2 =	vld [tilespmem:s20+$0x6000];
	_ =	sdelay $0x4  }
0x1fe: {  	s20 =	simm.s32 $0x0;
	[tilespmem:v1+s18+$0x0] =	vst.idx.msk $0xffff, v2  }
0x1ff: {  	[tilespmem:s20], [sflag:$0x1] =	stream.linear.gather [hbm4b:s28+s20], $0x1000, $0x38;
	[tilespmem:$0x10000] =	vst v63  }
0x200: {  	_ =	swait.ge [sflag:s6], $0x1000  }
0x201: {  	s21 =	sld [smem:$0x7F8]  }
0x202: {  	[sflag:s6] =	ssyncset.done $0x0  }
0x203: {  	[sflag:s6] =	ssyncadd.s32 $0xFFFFF000  }
0x204: {  	[tilespmem:s7], [sflag:$0x1] =	stream.linear.gather [hbm4b:s21+s20], $0x1000, $0x38;
	[tilespmem:$0x10000] =	vst v63  }
0x205: {  	_ =	swait.ge [sflag:s6], $0x1000  }
0x206: {  	s21 =	sld [smem:$0x7FA]  }
0x207: {  	[sflag:s6] =	ssyncset.done $0x0  }
0x208: {  	[sflag:s6] =	ssyncadd.s32 $0xFFFFF000  }
0x209: {  	[tilespmem:s8], [sflag:$0x1] =	stream.linear.gather [hbm4b:s21+s20], $0x1000, $0x38;
	[tilespmem:$0x10000] =	vst v63  }
0x20a: {  	_ =	swait.ge [sflag:s6], $0x1000  }
0x20b: {  	s21 =	sld [smem:$0x7FC]  }
0x20c: {  	[sflag:s6] =	ssyncset.done $0x0  }
0x20d: {  	[sflag:s6] =	ssyncadd.s32 $0xFFFFF000  }
0x20e: {  	[tilespmem:s9], [sflag:$0x1] =	stream.linear.gather [hbm4b:s21+s20], $0x1000, $0x38;
	[tilespmem:$0x10000] =	vst v63  }
0x20f: {  	_ =	swait.ge [sflag:s6], $0x1000  }
0x210: {  	[sflag:s6] =	ssyncset.done $0x0  }
0x211: {  	[sflag:s6] =	ssyncadd.s32 $0xFFFFF000  }
0x212: {  	[tilespmem:s10], [sflag:$0x1] =	stream.linear.gather [hbm4b:s22+s20], $0x1000, $0x38;
	[tilespmem:$0x10000] =	vst v63  }
0x213: {  	_ =	swait.ge [sflag:s6], $0x1000  }
0x214: {  	[sflag:s6] =	ssyncset.done $0x0  }
0x215: {  	[sflag:s6] =	ssyncadd.s32 $0xFFFFF000  }
0x216: {  	[tilespmem:s11], [sflag:$0x1] =	stream.linear.gather [hbm4b:s24+s20], $0x1000, $0x38;
	[tilespmem:$0x10000] =	vst v63  }
0x217: {  	_ =	swait.ge [sflag:s6], $0x1000  }
0x218: {  	[sflag:s6] =	ssyncset.done $0x0  }
0x219: {  	[sflag:s6] =	ssyncadd.s32 $0xFFFFF000  }
0x21a: {  	[tilespmem:s12], [sflag:$0x1] =	stream.linear.gather [hbm4b:s26+s20], $0x1000, $0x38;
	[tilespmem:$0x10000] =	vst v63  }
0x21b: {  	_ =	swait.ge [sflag:s6], $0x1000  }
0x21c: {  	[sflag:s6] =	ssyncset.done $0x0  }
0x21d: {  	s21 =	simm.s32 $0x40;
	s20 =	simm.s32 $0x0;
	[sflag:s6] =	ssyncadd.s32 $0xFFFFF000  }
.LBB2_17:
0x21e: {  	p0 =	sne.s32 s21, $0x3FC0;
	v1 =	vld [tilespmem:s20+$0x0]  }
0x21f: {  	v2 =	vld [tilespmem:s20+$0x1000];
	_ =	sdelay $0x3  }
0x220: {  	v3 =	vsub.s32 v1, v0  }
0x221: {  	v1 =	vand.u32 $0x7F, v1;
	v3 =	vand.u32 $0xFFFFFF80, v3  }
0x222: {  	v1 =	vor.u32 v1, v3;
	_ =	sdelay $0x4  }
0x223: {  	[tilespmem:v1+s13+$0x0] =	vst.idx.msk $0xffff, v2  }
0x224: {  	v2 =	vld [tilespmem:s20+$0x2000];
	_ =	sdelay $0x4  }
0x225: {  	[tilespmem:v1+s14+$0x0] =	vst.idx.msk $0xffff, v2  }
0x226: {  	v2 =	vld [tilespmem:s20+$0x3000];
	_ =	sdelay $0x4  }
0x227: {  	[tilespmem:v1+s15+$0x0] =	vst.idx.msk $0xffff, v2  }
0x228: {  	v2 =	vld [tilespmem:s20+$0x4000];
	_ =	sdelay $0x4  }
0x229: {  	[tilespmem:v1+s16+$0x0] =	vst.idx.msk $0xffff, v2  }
0x22a: {  	v2 =	vld [tilespmem:s20+$0x5000];
	_ =	sdelay $0x4  }
0x22b: {  	[tilespmem:v1+s17+$0x0] =	vst.idx.msk $0xffff, v2  }
0x22c: {  	v2 =	vld [tilespmem:s20+$0x6000]  }
.Ltmp8:
0x22d: {  	(pc) =	sbr.rel @p0 .LBB2_17-.Ltmp8, $2  }
0x22e: {  	_ =	sdelay $0x2  }
0x22f: {  	s20 =	sshra.s32 s21, $0x2;
	s21 =	sadd.s32 $0x40, s21;
	[tilespmem:v1+s18+$0x0] =	vst.idx.msk $0xffff, v2  }
0x230: {  	v1 =	vld [tilespmem:s20+$0x0];
	_ =	sdelay $0x4  }
0x231: {  	v2 =	vsub.s32 v1, v0  }
0x232: {  	v1 =	vand.u32 $0x7F, v1;
	v2 =	vand.u32 $0xFFFFFF80, v2  }
0x233: {  	v3 =	vld [tilespmem:s20+$0x1000];
	v1 =	vor.u32 v1, v2;
	_ =	sdelay $0x4  }
0x234: {  	[tilespmem:v1+s13+$0x0] =	vst.idx.msk $0xffff, v3  }
0x235: {  	v2 =	vld [tilespmem:s20+$0x2000];
	_ =	sdelay $0x4  }
0x236: {  	[tilespmem:v1+s14+$0x0] =	vst.idx.msk $0xffff, v2  }
0x237: {  	v2 =	vld [tilespmem:s20+$0x3000];
	_ =	sdelay $0x4  }
0x238: {  	[tilespmem:v1+s15+$0x0] =	vst.idx.msk $0xffff, v2  }
0x239: {  	v2 =	vld [tilespmem:s20+$0x4000];
	_ =	sdelay $0x4  }
0x23a: {  	[tilespmem:v1+s16+$0x0] =	vst.idx.msk $0xffff, v2  }
0x23b: {  	v2 =	vld [tilespmem:s20+$0x5000];
	_ =	sdelay $0x4  }
0x23c: {  	[tilespmem:v1+s17+$0x0] =	vst.idx.msk $0xffff, v2  }
0x23d: {  	v2 =	vld [tilespmem:s20+$0x6000];
	_ =	sdelay $0x4  }
0x23e: {  	[tilespmem:v1+s18+$0x0] =	vst.idx.msk $0xffff, v2  }
0x23f: {  	[hbm4b:s30+s2] =	stream.linear.scatter [tilespmem:s13], [sflag:$0x1], $0x1800, $0x38;
	[tilespmem:$0x10000] =	vst v63  }
0x240: {  	_ =	swait.ge [sflag:s6], $0x1800  }
0x241: {  	[sflag:s6] =	ssyncset.done $0x0  }
0x242: {  	[sflag:s6] =	ssyncadd.s32 $0xFFFFE800  }
0x243: {  	[hbm4b:s31+s2] =	stream.linear.scatter [tilespmem:s14], [sflag:$0x1], $0x1800, $0x38;
	[tilespmem:$0x10000] =	vst v63  }
0x244: {  	_ =	swait.ge [sflag:s6], $0x1800  }
0x245: {  	[sflag:s6] =	ssyncset.done $0x0  }
0x246: {  	[sflag:s6] =	ssyncadd.s32 $0xFFFFE800  }
0x247: {  	[hbm4b:s0+s2] =	stream.linear.scatter [tilespmem:s15], [sflag:$0x1], $0x1800, $0x38;
	[tilespmem:$0x10000] =	vst v63  }
0x248: {  	_ =	swait.ge [sflag:s6], $0x1800  }
0x249: {  	[sflag:s6] =	ssyncset.done $0x0  }
0x24a: {  	[sflag:s6] =	ssyncadd.s32 $0xFFFFE800  }
0x24b: {  	[hbm4b:s1+s2] =	stream.linear.scatter [tilespmem:s16], [sflag:$0x1], $0x1800, $0x38;
	[tilespmem:$0x10000] =	vst v63  }
0x24c: {  	_ =	swait.ge [sflag:s6], $0x1800  }
0x24d: {  	[sflag:s6] =	ssyncset.done $0x0  }
0x24e: {  	[sflag:s6] =	ssyncadd.s32 $0xFFFFE800  }
0x24f: {  	[hbm4b:s3+s2] =	stream.linear.scatter [tilespmem:s17], [sflag:$0x1], $0x1800, $0x38;
	[tilespmem:$0x10000] =	vst v63  }
0x250: {  	s19 =	sadd.s32 $0x1, s19;
	_ =	swait.ge [sflag:s6], $0x1800  }
0x251: {  	p0 =	sne.s32 s19, s5;
	[sflag:s6] =	ssyncset.done $0x0  }
.Ltmp9:
0x252: {  	[sflag:s6] =	ssyncadd.s32 $0xFFFFE800;
	(pc) =	sbr.rel @p0 .LBB2_2-.Ltmp9, $4  }
0x253: {  	[hbm4b:s4+s2] =	stream.linear.scatter [tilespmem:s18], [sflag:$0x1], $0x1800, $0x38;
	[tilespmem:$0x10000] =	vst v63  }
0x254: {  	_ =	swait.ge [sflag:s6], $0x1800  }
0x255: {  	[sflag:s6] =	ssyncset.done $0x0  }
0x256: {  	[sflag:s6] =	ssyncadd.s32 $0xFFFFE800  }
.LBB2_19:
0x257: {  	_ =	sfence.sel $0x180000  }
0x258: {  	[bflag:$0x0] =	sbarrier.arrive $0xFFFF  }
0x259: {  	_ =	strace $0x90000047  }
0x25a: {  	s0 =	stileid.u32;
	[bflag:$0x2] =	sbarrier.arrive $0xFFFF  }
0x25b: {  	p0 =	sne.s32 s0, $0x0;
	s0 =	rddreg [dreg:$0x1]  }
0x25c: {  	s0 =	sadd.s32 @!p0 $0x100000, s0  }
0x25d: {  	[sflag:s0] =	ssyncadd.tile.s32 @!p0 $0x1;
	_ =	shalt  }
.Lfunc_end2:
_tile_overlayer_lowered:
.L_overlay_start_2:
0x25e: {  	(tag) =	ssettag $0x2  }
0x25f: {  	s0 =	rddreg [dreg:$0x0];
	s2 =	stileid.u32  }
0x260: {  	s1 =	rddreg [dreg:$0x1];
	p0 =	sne.s32 s2, $0x0  }
0x261: {  	s3 =	rddreg [dreg:$0x2];
	[bflag:$0x3] =	sbarrier.arrive $0xFFFF;
	s2 =	simm.s32 @!p0 $0x1C01  }
0x262: {  	[timem:s3], [sflag:s2] =	dma.local @!p0 [hbm:s0], s1  }
0x263: {  	s0 =	simm.s32 @!p0 $0x1  }
0x264: {  	_ =	swait.ge @!p0 [sflag:s0], s1  }
0x265: {  	s1 =	ssub.s32 @!p0 $0x0, s1;
	[sflag:s0] =	ssyncset.done @!p0 $0x0  }
0x266: {  	[sflag:s0] =	ssyncadd.s32 @!p0 s1  }
0x267: {  	[bflag:$0x3] =	sbarrier.arrive $0xFFFF  }
0x268: {  	_ =	shalt  }

</sc_bundles>
